<compile_context>
chip_gen: v7x
topology: tpu7x:2x2x1
jax: 0.10.2.dev20260603
libtpu: 0.0.44.dev20260713+nightly
codegen_flags: <defaults>
</compile_context>

<pallas_src>
import functools
import numpy as np
import jax
import jax.numpy as jnp
from jax import lax
from jax.experimental import pallas as pl
from jax.experimental.pallas import tpu as pltpu, tpu_sc as plsc

_VS = np.array([0.16, 0.16, 4.0], dtype=np.float32)
_LO = np.array([0.0, -39.68, -3.0], dtype=np.float32)
_HI = np.array([69.12, 39.68, 1.0], dtype=np.float32)
_GMIN = np.floor(_LO / _VS).astype(np.int32)
_GMAX = np.floor(_HI / _VS).astype(np.int32)
_DIMS = (_GMAX - _GMIN + 1).astype(np.int64)
BIG = int(_DIMS[0] * _DIMS[1] * _DIMS[2] + 1)
D0 = int(_DIMS[0])
D1 = int(_DIMS[1])
G0, G1, G2 = int(_GMIN[0]), int(_GMIN[1]), int(_GMIN[2])
MAXP = 32
MAXV = 16000
N = 150000

W = 32
CH = 4688
NP_ = W * CH
NV_A = CH // 16
OWNB = (BIG + 1 + W - 1) // W
CTRN = 13568
NCH_C = CTRN // 128
WINC = 2048
PAL_MAX = NP_ + W * 16
PDUMP_KB = PAL_MAX
PSZ = PAL_MAX + W * 64 + WINC
PILN = MAXV * MAXP
PIL_SZ = PILN + W * 64
VOUT = 16384
NPT_SZ = VOUT + 2048

mesh = plsc.VectorSubcoreMesh(core_axis_name="c", subcore_axis_name="s")
CP = pltpu.CompilerParams(needs_layout_passes=False,
                          use_tc_tiling_on_sc=False)
_f32 = jnp.float32
_i32 = jnp.int32


def _wid():
    return lax.axis_index("s") * 2 + lax.axis_index("c")


def _keys_of(x, y, z):
    in_r = (x >= 0.0) & (x <= 69.12) & (y >= -39.68) & (y <= 39.68) \
        & (z >= -3.0) & (z <= 1.0)

    def fdiv(v, d):
        q = v / _f32(d)
        t = q.astype(_i32)
        return t - (t.astype(_f32) > q).astype(_i32)

    cx = fdiv(x, 0.16)
    cy = fdiv(y, 0.16)
    cz = fdiv(z, 4.0)
    key = ((cz - G2) * D1 + (cy - G1)) * D0 + (cx - G0)
    return jnp.where(in_r, key, BIG)


def _owner_of(key):
    q = key.astype(_f32) / _f32(OWNB)
    return q.astype(_i32)


def _iota():
    return lax.iota(_i32, 16)


def _owner_bases(histb, w):
    zeros = jnp.zeros((16,), _i32)

    def body(wp, c):
        t0, t1, p0, p1 = c
        h0 = histb[pl.ds(wp * 32, 16)]
        h1 = histb[pl.ds(wp * 32 + 16, 16)]
        lt = (wp < w).astype(_i32)
        return (t0 + h0, t1 + h1, p0 + h0 * lt, p1 + h1 * lt)

    tot0, tot1, pf0, pf1 = lax.fori_loop(
        0, W, body, (zeros, zeros, zeros, zeros))
    at0 = (tot0 + 15) & -16
    at1 = (tot1 + 15) & -16
    e0 = plsc.cumsum(at0) - at0
    s0 = jnp.sum(at0)
    e1 = plsc.cumsum(at1) - at1 + s0
    return tot0, tot1, e0, e1, e0 + pf0, e1 + pf1


def _lane_of(v0, v1, w, scratch32):
    scratch32[pl.ds(0, 16)] = v0
    scratch32[pl.ds(16, 16)] = v1
    g = plsc.load_gather(scratch32, [jnp.full((16,), w, _i32)])
    return jnp.max(g)


@functools.partial(
    pl.kernel, mesh=mesh, compiler_params=CP, out_type=[],
    scratch_types=[pltpu.VMEM((CH, 4), _f32), pltpu.VMEM((CH,), _i32),
                   pltpu.VMEM((32,), _i32)])
def _ka(pc_hbm, keys_ref, hist_ref, ptb, keyb, h32):
    w = _wid()
    pltpu.sync_copy(pc_hbm.at[pl.ds(w * CH, CH)], ptb)
    h32[pl.ds(0, 16)] = jnp.zeros((16,), _i32)
    h32[pl.ds(16, 16)] = jnp.zeros((16,), _i32)

    def body(i, _):
        rows = i * 16 + _iota()
        x = plsc.load_gather(ptb, [rows, jnp.full((16,), 0, _i32)])
        y = plsc.load_gather(ptb, [rows, jnp.full((16,), 1, _i32)])
        z = plsc.load_gather(ptb, [rows, jnp.full((16,), 2, _i32)])
        key = _keys_of(x, y, z)
        keyb[pl.ds(i * 16, 16)] = key
        own = _owner_of(key)
        cnt, last = plsc.scan_count(own)
        prev = plsc.load_gather(h32, [own], mask=last)
        plsc.store_scatter(h32, [own], prev + cnt, mask=last)
        return 0

    lax.fori_loop(0, NV_A, body, 0)
    pltpu.sync_copy(keyb, keys_ref.at[pl.ds(w * CH, CH)])
    pltpu.sync_copy(h32, hist_ref.at[pl.ds(w * 32, 32)])


@functools.partial(
    pl.kernel, mesh=mesh, compiler_params=CP, out_type=[],
    scratch_types=[pltpu.VMEM((W * W,), _i32), pltpu.VMEM((CH,), _i32),
                   pltpu.VMEM((CH + 48,), _i32), pltpu.VMEM((37, 128), _i32),
                   pltpu.VMEM((32,), _i32), pltpu.SemaphoreType.DMA])
def _kb(keys_ref, hist_ref, pkey_ref, histb, keyb, valb, destb, offb, sem):
    w = _wid()
    pltpu.sync_copy(hist_ref, histb)
    pltpu.sync_copy(keys_ref.at[pl.ds(w * CH, CH)], keyb)
    _, _, _, _, db0, db1 = _owner_bases(histb, w)
    offb[pl.ds(0, 16)] = db0
    offb[pl.ds(16, 16)] = db1

    def body(i, _):
        k = keyb[pl.ds(i * 16, 16)]
        own = _owner_of(k)
        cnt, last = plsc.scan_count(own)
        prev = plsc.load_gather(offb, [own])
        dest = prev + cnt - 1
        plsc.store_scatter(offb, [own], prev + cnt, mask=last)
        r = i >> 3
        cc = (i & 7) * 16
        destb[r, pl.ds(cc, 16)] = dest
        loc = k - own * OWNB
        valb[pl.ds(i * 16, 16)] = (loc << 18) | (w * CH + i * 16 + _iota())
        return 0

    lax.fori_loop(0, NV_A, body, 0)
    for j in range(3):
        valb[pl.ds(CH + j * 16, 16)] = jnp.zeros((16,), _i32)
        destb[36, pl.ds(80 + j * 16, 16)] = \
            PDUMP_KB + w * 64 + j * 16 + _iota()
    descs = []
    for c in range(37):
        descs.append(pltpu.async_copy(
            valb.at[pl.ds(c * 128, 128)], pkey_ref.at[destb.at[c]], sem))
    for d in descs:
        d.wait()


@functools.partial(
    pl.kernel, mesh=mesh, compiler_params=CP, out_type=[],
    scratch_types=[pltpu.VMEM((W * W,), _i32), pltpu.VMEM((CTRN,), _i32),
                   pltpu.VMEM((WINC,), _i32), pltpu.VMEM((32,), _i32),
                   pltpu.VMEM((16,), _i32)])
def _kc(hist_ref, pkey_ref, counts_ref, occ_ref, histb, ctrb, kwin, s32, s16):
    w = _wid()
    pltpu.sync_copy(hist_ref, histb)
    tot0, tot1, e0, e1, _, _ = _owner_bases(histb, w)
    n_w = _lane_of(tot0, tot1, w, s32)
    pb_w = pl.multiple_of(_lane_of(e0, e1, w, s32), 16)

    def zbody(i, _):
        ctrb[pl.ds(i * 16, 16)] = jnp.zeros((16,), _i32)
        return 0

    lax.fori_loop(0, CTRN // 16, zbody, 0)
    nwin = (n_w + (WINC - 1)) >> 11

    def wloop(t, _):
        pltpu.sync_copy(pkey_ref.at[pl.ds(pb_w + t * WINC, WINC)], kwin)

        def vloop(i, _):
            j0 = t * WINC + i * 16
            mask = (j0 + _iota()) < n_w
            p = kwin[pl.ds(i * 16, 16)]
            loc = jnp.minimum(lax.shift_right_logical(p, 18), CTRN - 1)
            cnt, last = plsc.scan_count(loc, mask)
            ml = mask & last
            prev = plsc.load_gather(ctrb, [loc], mask=ml)
            plsc.store_scatter(ctrb, [loc], prev + cnt, mask=ml)
            return 0

        lax.fori_loop(0, WINC // 16, vloop, 0)
        return 0

    lax.fori_loop(0, nwin, wloop, 0)
    pltpu.sync_copy(ctrb, counts_ref.at[pl.ds(w * CTRN, CTRN)])

    def oloop(i, acc):
        cnt = ctrb[pl.ds(i * 16, 16)]
        gb = w * OWNB + i * 16 + _iota()
        om = (cnt > 0) & (gb < BIG)
        return acc + plsc.all_reduce_population_count(om)

    occv = lax.fori_loop(0, CTRN // 16, oloop, jnp.zeros((16,), _i32))
    s16[...] = occv
    pltpu.sync_copy(s16, occ_ref.at[pl.ds(w * 16, 16)])


@functools.partial(
    pl.kernel, mesh=mesh, compiler_params=CP, out_type=[],
    scratch_types=[pltpu.VMEM((W * W,), _i32), pltpu.VMEM((W * 16,), _i32),
                   pltpu.VMEM((CTRN,), _i32), pltpu.VMEM((CTRN,), _i32),
                   pltpu.VMEM((NCH_C + 1, 128), _i32),
                   pltpu.VMEM((CTRN + 128,), _i32),
                   pltpu.VMEM((CTRN + 128,), _i32), pltpu.VMEM((WINC,), _i32),
                   pltpu.VMEM((16, 128), _i32),
                   pltpu.VMEM((16, 128), _i32), pltpu.VMEM((WINC, 16), _f32),
                   pltpu.VMEM((32,), _i32), pltpu.SemaphoreType.DMA,
                   pltpu.SemaphoreType.DMA])
def _ke(pc_hbm, hist_ref, pkey_ref, counts_ref, occ_ref,
        pil_ref, npt_ref, km_ref,
        histb, occb, ctrb, vmb, didxb, npvb, kmvb, kwin, gib,
        destb, pcb, s32, sem, sem2):
    w = _wid()
    pltpu.sync_copy(hist_ref, histb)
    pltpu.sync_copy(occ_ref, occb)
    tot0, tot1, e0, e1, _, _ = _owner_bases(histb, w)
    n_w = _lane_of(tot0, tot1, w, s32)
    pb_w = pl.multiple_of(_lane_of(e0, e1, w, s32), 16)
    pltpu.sync_copy(counts_ref.at[pl.ds(w * CTRN, CTRN)], ctrb)
    o0 = plsc.load_gather(occb, [_iota() * 16])
    o1 = plsc.load_gather(occb, [(_iota() + 16) * 16])
    io = _iota()
    base_w = jnp.sum(jnp.where(io < w, o0, 0)) + \
        jnp.sum(jnp.where(io + 16 < w, o1, 0))

    @pl.when(base_w < MAXV)
    def _work():
        def vml(i, carry):
            vc, ocn = carry
            cnt = ctrb[pl.ds(i * 16, 16)]
            gb = w * OWNB + i * 16 + _iota()
            om = (cnt > 0) & (gb < BIG)
            omi = om.astype(_i32)
            excl = plsc.cumsum(omi) - omi
            vid = vc + excl
            vmb[pl.ds(i * 16, 16)] = vid
            sel = om & (vid < MAXV)
            si = sel.astype(_i32)
            rk2 = ocn + plsc.cumsum(si) - si
            plsc.store_scatter(didxb, [rk2 >> 7, rk2 & 127], vid, mask=sel)
            plsc.store_scatter(npvb, [rk2], jnp.minimum(cnt, MAXP), mask=sel)
            plsc.store_scatter(kmvb, [rk2], gb, mask=sel)
            return (vc + plsc.all_reduce_population_count(om),
                    ocn + plsc.all_reduce_population_count(sel))

        _, ocn = lax.fori_loop(
            0, CTRN // 16, vml,
            (jnp.full((16,), base_w, _i32), jnp.zeros((16,), _i32)))
        for u in range(8):
            rkp = ocn + u * 16 + _iota()
            plsc.store_scatter(didxb, [rkp >> 7, rkp & 127],
                               VOUT + (w & 15) * 128 + u * 16 + _iota())

        ntrn = (jnp.max(ocn) + 127) >> 7

        def fire(b, _):
            for u in range(4):
                c = jnp.minimum(b * 4 + u, ntrn - 1)
                pltpu.async_copy(
                    npvb.at[pl.ds(c * 128, 128)], npt_ref.at[didxb.at[c]],
                    sem)
                pltpu.async_copy(
                    kmvb.at[pl.ds(c * 128, 128)], km_ref.at[didxb.at[c]],
                    sem)
            for u in range(4):
                c = jnp.minimum(b * 4 + u, ntrn - 1)
                pltpu.make_async_copy(
                    npvb.at[pl.ds(c * 128, 128)], npt_ref.at[didxb.at[c]],
                    sem).wait()
                pltpu.make_async_copy(
                    kmvb.at[pl.ds(c * 128, 128)], km_ref.at[didxb.at[c]],
                    sem).wait()
            return 0

        lax.fori_loop(0, (ntrn + 3) >> 2, fire, 0)

        def zbody(i, _):
            ctrb[pl.ds(i * 16, 16)] = jnp.zeros((16,), _i32)
            return 0

        lax.fori_loop(0, CTRN // 16, zbody, 0)

        def pf(i, _):
            r = i >> 3
            cc = (i & 7) * 16
            destb[r, pl.ds(cc, 16)] = PILN + w * 64 + (i & 3) * 16 + _iota()
            gib[r, pl.ds(cc, 16)] = jnp.zeros((16,), _i32)
            return 0

        lax.fori_loop(0, WINC // 16, pf, 0)
        nwin = (n_w + (WINC - 1)) >> 11
        bigloc = BIG - w * OWNB

        def wloop(t, _):
            pltpu.sync_copy(pkey_ref.at[pl.ds(pb_w + t * WINC, WINC)], kwin)

            def vloop(i, oc):
                j0 = t * WINC + i * 16
                mask = (j0 + _iota()) < n_w
                p = kwin[pl.ds(i * 16, 16)]
                loc = jnp.minimum(lax.shift_right_logical(p, 18), CTRN - 1)
                cnt, last = plsc.scan_count(loc, mask)
                prev = plsc.load_gather(ctrb, [loc], mask=mask)
                rank = prev + cnt - 1
                plsc.store_scatter(ctrb, [loc], prev + cnt, mask=mask & last)
                vid = plsc.load_gather(vmb, [loc], mask=mask)
                valid = mask & (loc != bigloc) & (rank < MAXP) & (vid < MAXV)
                vi = valid.astype(_i32)
                rk = oc + plsc.cumsum(vi) - vi
                plsc.store_scatter(destb, [rk >> 7, rk & 127],
                                   vid * MAXP + rank, mask=valid)
                giv = jnp.minimum(p & 0x3FFFF, NP_ - 1)
                plsc.store_scatter(gib, [rk >> 7, rk & 127], giv, mask=valid)
                return oc + plsc.all_reduce_population_count(valid)

            oc = lax.fori_loop(0, WINC // 16, vloop, jnp.zeros((16,), _i32))
            ntr = (jnp.max(oc) + 127) >> 7

            def dloop(c, _):
                pltpu.async_copy(pc_hbm.at[gib.at[c]],
                                 pcb.at[pl.ds(c * 128, 128)], sem).wait()
                pltpu.async_copy(pcb.at[pl.ds(c * 128, 128)],
                                 pil_ref.at[destb.at[c]], sem2)
                return 0

            lax.fori_loop(0, ntr, dloop, 0)

            def drain(c, _):
                pltpu.make_async_copy(pcb.at[pl.ds(c * 128, 128)],
                                      pil_ref.at[destb.at[c]], sem2).wait()
                return 0

            lax.fori_loop(0, ntr, drain, 0)
            return 0

        lax.fori_loop(0, nwin, wloop, 0)


@functools.partial(
    pl.kernel, mesh=mesh, compiler_params=CP,
    out_type=jax.ShapeDtypeStruct((VOUT, 4), _i32),
    scratch_types=[pltpu.VMEM((512,), _i32), pltpu.VMEM((512, 4), _i32)])
def _kf(km_ref, out_ref, kb, cb):
    w = _wid()
    pltpu.sync_copy(km_ref.at[pl.ds(w * 512, 512)], kb)

    def body(i, _):
        rows = i * 16 + _iota()
        k = kb[pl.ds(i * 16, 16)]
        ok = k >= 0
        kc = jnp.maximum(k, 0)
        q = (kc.astype(_f32) / _f32(D0)).astype(_i32)
        cx = kc - q * D0
        q2 = (q.astype(_f32) / _f32(D1)).astype(_i32)
        cy = q - q2 * D1
        oki = ok.astype(_i32)
        plsc.store_scatter(cb, [rows, jnp.full((16,), 0, _i32)],
                           (cx + G0) * oki)
        plsc.store_scatter(cb, [rows, jnp.full((16,), 1, _i32)],
                           (cy + G1) * oki)
        plsc.store_scatter(cb, [rows, jnp.full((16,), 2, _i32)],
                           (q2 + G2) * oki)
        plsc.store_scatter(cb, [rows, jnp.full((16,), 3, _i32)], oki * 0)
        return 0

    lax.fori_loop(0, 32, body, 0)
    pltpu.sync_copy(cb, out_ref.at[pl.ds(w * 512, 512)])


def kernel(pointcloud):
    pc = jnp.concatenate(
        [pointcloud, jnp.full((NP_ - N, 4), 1e4, _f32)], axis=0)
    keys_ref = jax.new_ref(jnp.zeros((NP_,), _i32))
    hist_ref = jax.new_ref(jnp.zeros((W * W,), _i32))
    pkey_ref = jax.new_ref(jnp.zeros((PSZ,), _i32))
    counts_ref = jax.new_ref(jnp.zeros((W * CTRN,), _i32))
    occ_ref = jax.new_ref(jnp.zeros((W * 16,), _i32))
    pil_ref = jax.new_ref(jnp.zeros((PIL_SZ, 16), _f32))
    npt_ref = jax.new_ref(jnp.zeros((NPT_SZ,), _i32))
    km_ref = jax.new_ref(jnp.full((NPT_SZ,), -1, _i32))
    pc16 = jnp.pad(pc, ((0, 0), (0, 12)))
    _ka(pc, keys_ref, hist_ref)
    _kb(keys_ref, hist_ref, pkey_ref)
    _kc(hist_ref, pkey_ref, counts_ref, occ_ref)
    _ke(pc16, hist_ref, pkey_ref, counts_ref, occ_ref,
        pil_ref, npt_ref, km_ref)
    coords4 = _kf(km_ref)
    pillars = pil_ref[...][:PILN].reshape(MAXV, MAXP, 16)[..., :4]
    pillar_coords = coords4[:MAXV, :3]
    num_points = npt_ref[...][:MAXV]
    return pillars, pillar_coords, num_points

# --- scband reference (transcript-rebuilt; emitter-appended) ---
"""Pipeline reference for scband-voxelization-63402307224074 (READ-ONLY COPY).

The authoritative reference and input builder live on the scoring server;
editing this copy changes nothing except your own understanding.
"""

import jax, jax.numpy as jnp
import numpy as np

VS = np.array([0.16, 0.16, 4.0], dtype=np.float32)
LO = np.array([0.0, -39.68, -3.0], dtype=np.float32)
HI = np.array([69.12, 39.68, 1.0], dtype=np.float32)
GMIN = np.floor(LO / VS).astype(np.int32)
GMAX = np.floor(HI / VS).astype(np.int32)
DIMS = (GMAX - GMIN + 1).astype(np.int64)
BIG = int(DIMS[0] * DIMS[1] * DIMS[2] + 1)
MAX_POINTS = 32
MAX_VOXELS = 16000
N_POINTS = 150000


def setup_inputs(seed: int = 0):
    key = jax.random.key(seed)
    u = jax.random.uniform(key, (N_POINTS, 4), dtype=jnp.float32)
    lo = jnp.array([0.0, -39.68, -3.0, 0.0], dtype=jnp.float32)
    hi = jnp.array([69.12, 39.68, 1.0, 1.0], dtype=jnp.float32)
    pc = u * (hi - lo) + lo
    return {"pointcloud": pc}


def _voxelize(pointcloud):
    vs = jnp.asarray(VS)
    lo = jnp.asarray(LO)
    hi = jnp.asarray(HI)
    gmin = jnp.asarray(GMIN)
    dims = jnp.asarray(DIMS.astype(np.int32))
    xyz = pointcloud[:, :3]
    in_range = jnp.all((xyz >= lo) & (xyz <= hi), axis=1)
    coords = jnp.floor(xyz / vs).astype(jnp.int32)
    c = coords - gmin
    keys = (c[:, 2] * dims[1] + c[:, 1]) * dims[0] + c[:, 0]
    keys = jnp.where(in_range, keys, BIG)
    order = jnp.argsort(keys)
    skeys = keys[order]
    spts = pointcloud[order]
    scoords = coords[order]
    first = jnp.searchsorted(skeys, skeys, side='left').astype(jnp.int32)
    rank = jnp.arange(skeys.shape[0], dtype=jnp.int32) - first
    ukeys = jnp.unique(skeys, size=MAX_VOXELS, fill_value=BIG)
    vid = jnp.searchsorted(ukeys, skeys).astype(jnp.int32)
    vid_c = jnp.clip(vid, 0, MAX_VOXELS - 1)
    in_voxel = (skeys != BIG) & (vid < MAX_VOXELS) & (ukeys[vid_c] == skeys)
    valid = in_voxel & (rank < MAX_POINTS)
    rank_c = jnp.clip(rank, 0, MAX_POINTS - 1)
    sv = jnp.where(valid, vid_c, 0)
    sr = jnp.where(valid, rank_c, 0)
    pillars = jnp.zeros((MAX_VOXELS, MAX_POINTS, 4), dtype=pointcloud.dtype)
    pillars = pillars.at[sv, sr].add(jnp.where(valid[:, None], spts, 0.0))
    fm = valid & (rank == 0)
    pillar_coords = jnp.zeros((MAX_VOXELS, 3), dtype=jnp.int32)
    pillar_coords = pillar_coords.at[jnp.where(fm, vid_c, 0)].add(jnp.where(fm[:, None], scoords, 0))
    counts = jnp.zeros((MAX_VOXELS,), dtype=jnp.int32).at[jnp.where(in_voxel, vid_c, 0)].add(jnp.where(in_voxel, 1, 0))
    num_points = jnp.minimum(counts, MAX_POINTS)
    return pillars, pillar_coords, num_points


def reference(pointcloud):
    return _voxelize(pointcloud)

if __name__ == "__main__":
    import jax
    _d = setup_inputs()
    print(jax.jit(kernel)(*tuple(_d.values())))

</pallas_src>

<mosaic_0001>
#map = affine_map<(d0, d1) -> (0)>
module attributes {stable_mosaic.version = 14 : i64} {
  func.func @new_body(%arg0: i32, %arg1: i32, %arg2: memref<1024xi32, #tpu.memory_space<hbm>>, %arg3: memref<154624xi32, #tpu.memory_space<hbm>>, %arg4: memref<434176xi32, #tpu.memory_space<hbm>>, %arg5: memref<512xi32, #tpu.memory_space<hbm>>, %arg6: memref<1024xi32, #tpu.memory_space<hbm>>, %arg7: memref<154624xi32, #tpu.memory_space<hbm>>, %arg8: memref<434176xi32, #tpu.memory_space<hbm>>, %arg9: memref<512xi32, #tpu.memory_space<hbm>>, %arg10: memref<1024xi32, #tpu.memory_space<vmem>>, %arg11: memref<13568xi32, #tpu.memory_space<vmem>>, %arg12: memref<2048xi32, #tpu.memory_space<vmem>>, %arg13: memref<32xi32, #tpu.memory_space<vmem>>, %arg14: memref<16xi32, #tpu.memory_space<vmem>>) attributes {dimension_semantics = [#tpu.dimension_semantics<core_parallel>, #tpu.dimension_semantics<subcore_parallel>], iteration_bounds = array<i64: 2, 16>, scalar_prefetch = 0 : i64, scratch_operands = 5 : i64, tpu.core_type = #tpu.core_type<sc_vector_subcore>, window_params = [{transform_indices = #map}, {transform_indices = #map}, {transform_indices = #map}, {transform_indices = #map}, {transform_indices = #map}, {transform_indices = #map}, {transform_indices = #map}, {transform_indices = #map}]} {
    %mul3A = arith.constant 2 : i32
    %mul3A_0 = arith.muli %arg1, %mul3A : i32
    %add3A = arith.addi %mul3A_0, %arg0 : i32
    "tpu.region"() ({
      %run_scoped3A = tpu.sem_alloc : memref<!tpu.dma_semaphore, #tpu.memory_space<semaphore_mem>>
      tpu.enqueue_dma source(%arg2 : memref<1024xi32, #tpu.memory_space<hbm>>) target(%arg10 : memref<1024xi32, #tpu.memory_space<vmem>>) target_semaphore(%run_scoped3A : memref<!tpu.dma_semaphore, #tpu.memory_space<semaphore_mem>>)
      tpu.wait_dma2 semaphore(%run_scoped3A : memref<!tpu.dma_semaphore, #tpu.memory_space<semaphore_mem>>) src(%arg2 : memref<1024xi32, #tpu.memory_space<hbm>>) dst(%arg10 : memref<1024xi32, #tpu.memory_space<vmem>>)
      tpu.yield
    }) : () -> ()
    %broadcast_in_dim3A = arith.constant 0 : i32
    %broadcast_in_dim3A_1 = vector.broadcast %broadcast_in_dim3A : i32 to vector<16xi32>
    %scan3A = arith.constant 0 : i32
    %scan3A_2 = arith.constant 32 : i32
    %scan3A_3 = arith.addi %scan3A, %scan3A_2 : i32
    %scan3A_4 = arith.constant 1 : i32
    %scan3A_5:4 = scf.for %scan3A_91 = %scan3A to %scan3A_3 step %scan3A_4 iter_args(%scan3A_92 = %broadcast_in_dim3A_1, %scan3A_93 = %broadcast_in_dim3A_1, %scan3A_94 = %broadcast_in_dim3A_1, %scan3A_95 = %broadcast_in_dim3A_1) -> (vector<16xi32>, vector<16xi32>, vector<16xi32>, vector<16xi32>)  : i32 {
      %mul3A_96 = arith.constant 32 : i32
      %mul3A_97 = arith.muli %scan3A_91, %mul3A_96 : i32
      %get3A = arith.index_cast %mul3A_97 : i32 to index
      %get3A_98 = tpu.vector_load %arg10[%get3A] {strides = array<i32>} : memref<1024xi32, #tpu.memory_space<vmem>>, vector<16xi32>,
      %mul3A_99 = arith.constant 32 : i32
      %mul3A_100 = arith.muli %scan3A_91, %mul3A_99 : i32
      %add3A_101 = arith.constant 16 : i32
      %add3A_102 = arith.addi %mul3A_100, %add3A_101 : i32
      %get3A_103 = arith.index_cast %add3A_102 : i32 to index
      %get3A_104 = tpu.vector_load %arg10[%get3A_103] {strides = array<i32>} : memref<1024xi32, #tpu.memory_space<vmem>>, vector<16xi32>,
      %lt3A = arith.cmpi slt, %scan3A_91, %add3A : i32
      %convert_element_type3A = arith.extui %lt3A : i1 to i32
      %add3A_105 = arith.addi %scan3A_92, %get3A_98 : vector<16xi32>
      %add3A_106 = arith.addi %scan3A_93, %get3A_104 : vector<16xi32>
      %mul3A_107 = vector.broadcast %convert_element_type3A : i32 to vector<16xi32>
      %mul3A_108 = arith.muli %get3A_98, %mul3A_107 : vector<16xi32>
      %add3A_109 = arith.addi %scan3A_94, %mul3A_108 : vector<16xi32>
      %mul3A_110 = vector.broadcast %convert_element_type3A : i32 to vector<16xi32>
      %mul3A_111 = arith.muli %get3A_104, %mul3A_110 : vector<16xi32>
      %add3A_112 = arith.addi %scan3A_95, %mul3A_111 : vector<16xi32>
      scf.yield %add3A_105, %add3A_106, %add3A_109, %add3A_112 : vector<16xi32>, vector<16xi32>, vector<16xi32>, vector<16xi32>
    }
    %scan3A_6 = arith.constant 32 : i32
    %add3A_7 = arith.constant 15 : i32
    %add3A_8 = vector.broadcast %add3A_7 : i32 to vector<16xi32>
    %add3A_9 = arith.addi %scan3A_5#0, %add3A_8 : vector<16xi32>
    %and3A = arith.constant -16 : i32
    %and3A_10 = vector.broadcast %and3A : i32 to vector<16xi32>
    %and3A_11 = arith.andi %add3A_9, %and3A_10 : vector<16xi32>
    %add3A_12 = arith.constant 15 : i32
    %add3A_13 = vector.broadcast %add3A_12 : i32 to vector<16xi32>
    %add3A_14 = arith.addi %scan3A_5#1, %add3A_13 : vector<16xi32>
    %and3A_15 = arith.constant -16 : i32
    %and3A_16 = vector.broadcast %and3A_15 : i32 to vector<16xi32>
    %and3A_17 = arith.andi %add3A_14, %and3A_16 : vector<16xi32>
    %broadcast_in_dim3A_18 = arith.constant true
    %broadcast_in_dim3A_19 = vector.broadcast %broadcast_in_dim3A_18 : i1 to vector<16xi1>
    %masked_cumsum3A = tpu.scan <sum>, %and3A_11 masked %broadcast_in_dim3A_19 : vector<16xi32>, vector<16xi1> -> vector<16xi32>
    %sub3A = arith.subi %masked_cumsum3A, %and3A_11 : vector<16xi32>
    %reduce_sum3A = arith.constant true
    %reduce_sum3A_20 = vector.broadcast %reduce_sum3A : i1 to vector<16xi1>
    %reduce_sum3A_21 = tpu.scan <sum>, %and3A_11 masked %reduce_sum3A_20 : vector<16xi32>, vector<16xi1> -> vector<16xi32>
    %reduce_sum3A_22 = vector.extract %reduce_sum3A_21[15] : i32 from vector<16xi32>
    %broadcast_in_dim3A_23 = arith.constant true
    %broadcast_in_dim3A_24 = vector.broadcast %broadcast_in_dim3A_23 : i1 to vector<16xi1>
    %masked_cumsum3A_25 = tpu.scan <sum>, %and3A_17 masked %broadcast_in_dim3A_24 : vector<16xi32>, vector<16xi1> -> vector<16xi32>
    %sub3A_26 = arith.subi %masked_cumsum3A_25, %and3A_17 : vector<16xi32>
    %add3A_27 = vector.broadcast %reduce_sum3A_22 : i32 to vector<16xi32>
    %add3A_28 = arith.addi %sub3A_26, %add3A_27 : vector<16xi32>
    %add3A_29 = arith.addi %sub3A, %scan3A_5#2 : vector<16xi32>
    %add3A_30 = arith.addi %add3A_28, %scan3A_5#3 : vector<16xi32>
    %swap3A = arith.constant 0 : index
    %swap3A_31 = tpu.vector_load %arg13[%swap3A] {strides = array<i32>} : memref<32xi32, #tpu.memory_space<vmem>>, vector<16xi32>,
    tpu.vector_store %arg13[%swap3A], %scan3A_5#0 {strides = array<i32>} : memref<32xi32, #tpu.memory_space<vmem>>, vector<16xi32>,
    %swap3A_32 = arith.constant 16 : index
    %swap3A_33 = tpu.vector_load %arg13[%swap3A_32] {strides = array<i32>} : memref<32xi32, #tpu.memory_space<vmem>>, vector<16xi32>,
    tpu.vector_store %arg13[%swap3A_32], %scan3A_5#1 {strides = array<i32>} : memref<32xi32, #tpu.memory_space<vmem>>, vector<16xi32>,
    %broadcast_in_dim3A_34 = vector.broadcast %add3A : i32 to vector<16xi32>
    %gather3A = tpu.vector_load_idx %arg13[%broadcast_in_dim3A_34] : memref<32xi32, #tpu.memory_space<vmem>>[vector<16xi32>], vector<16xi32>,
    %reduce_max3A = arith.constant true
    %reduce_max3A_35 = vector.broadcast %reduce_max3A : i1 to vector<16xi1>
    %reduce_max3A_36 = arith.constant -2147483648 : i32
    %reduce_max3A_37 = vector.broadcast %reduce_max3A_36 : i32 to vector<16xi32>
    %reduce_max3A_38 = arith.xori %gather3A, %reduce_max3A_37 : vector<16xi32>
    %reduce_max3A_39 = tpu.scan <max>, %reduce_max3A_38 masked %reduce_max3A_35 : vector<16xi32>, vector<16xi1> -> vector<16xi32>
    %reduce_max3A_40 = arith.xori %reduce_max3A_39, %reduce_max3A_37 : vector<16xi32>
    %reduce_max3A_41 = vector.extract %reduce_max3A_40[15] : i32 from vector<16xi32>
    %swap3A_42 = arith.constant 0 : index
    %swap3A_43 = tpu.vector_load %arg13[%swap3A_42] {strides = array<i32>} : memref<32xi32, #tpu.memory_space<vmem>>, vector<16xi32>,
    tpu.vector_store %arg13[%swap3A_42], %sub3A {strides = array<i32>} : memref<32xi32, #tpu.memory_space<vmem>>, vector<16xi32>,
    %swap3A_44 = arith.constant 16 : index
    %swap3A_45 = tpu.vector_load %arg13[%swap3A_44] {strides = array<i32>} : memref<32xi32, #tpu.memory_space<vmem>>, vector<16xi32>,
    tpu.vector_store %arg13[%swap3A_44], %add3A_28 {strides = array<i32>} : memref<32xi32, #tpu.memory_space<vmem>>, vector<16xi32>,
    %broadcast_in_dim3A_46 = vector.broadcast %add3A : i32 to vector<16xi32>
    %gather3A_47 = tpu.vector_load_idx %arg13[%broadcast_in_dim3A_46] : memref<32xi32, #tpu.memory_space<vmem>>[vector<16xi32>], vector<16xi32>,
    %reduce_max3A_48 = arith.constant true
    %reduce_max3A_49 = vector.broadcast %reduce_max3A_48 : i1 to vector<16xi1>
    %reduce_max3A_50 = arith.constant -2147483648 : i32
    %reduce_max3A_51 = vector.broadcast %reduce_max3A_50 : i32 to vector<16xi32>
    %reduce_max3A_52 = arith.xori %gather3A_47, %reduce_max3A_51 : vector<16xi32>
    %reduce_max3A_53 = tpu.scan <max>, %reduce_max3A_52 masked %reduce_max3A_49 : vector<16xi32>, vector<16xi1> -> vector<16xi32>
    %reduce_max3A_54 = arith.xori %reduce_max3A_53, %reduce_max3A_51 : vector<16xi32>
    %reduce_max3A_55 = vector.extract %reduce_max3A_54[15] : i32 from vector<16xi32>
    %multiple_of3A = tpu.assume_multiple %reduce_max3A_55, 16 : i32
    %scan3A_56 = arith.constant 0 : i32
    %scan3A_57 = arith.constant 0 : i32
    %scan3A_58 = arith.constant 848 : i32
    %scan3A_59 = arith.addi %scan3A_57, %scan3A_58 : i32
    %scan3A_60 = arith.constant 1 : i32
    %scan3A_61 = scf.for %scan3A_91 = %scan3A_57 to %scan3A_59 step %scan3A_60 iter_args(%scan3A_92 = %scan3A_56) -> (i32)  : i32 {
      %broadcast_in_dim3A_93 = arith.constant 0 : i32
      %broadcast_in_dim3A_94 = vector.broadcast %broadcast_in_dim3A_93 : i32 to vector<16xi32>
      %mul3A_95 = arith.constant 16 : i32
      %mul3A_96 = arith.muli %scan3A_91, %mul3A_95 : i32
      %swap3A_97 = arith.index_cast %mul3A_96 : i32 to index
      %swap3A_98 = tpu.vector_load %arg11[%swap3A_97] {strides = array<i32>} : memref<13568xi32, #tpu.memory_space<vmem>>, vector<16xi32>,
      tpu.vector_store %arg11[%swap3A_97], %broadcast_in_dim3A_94 {strides = array<i32>} : memref<13568xi32, #tpu.memory_space<vmem>>, vector<16xi32>,
      %scan3A_99 = arith.constant 0 : i32
      scf.yield %scan3A_99 : i32
    }
    %scan3A_62 = arith.constant 848 : i32
    %add3A_63 = arith.constant 2047 : i32
    %add3A_64 = arith.addi %reduce_max3A_41, %add3A_63 : i32
    %shift_right_arithmetic3A = arith.constant 11 : i32
    %shift_right_arithmetic3A_65 = arith.shrsi %add3A_64, %shift_right_arithmetic3A : i32
    %while3A = arith.constant 0 : i32
    %while3A_66 = arith.constant 0 : i32
    %while3A_67 = arith.subi %shift_right_arithmetic3A_65, %while3A : i32
    %while3A_68 = arith.addi %while3A, %while3A_67 : i32
    %while3A_69 = arith.constant 1 : i32
    %while3A_70 = arith.divsi %while3A_67, %while3A_69 : i32
    %while3A_71 = arith.muli %while3A_70, %while3A_69 : i32
    %while3A_72 = arith.addi %while3A, %while3A_71 : i32
    %while3A_73 = arith.constant 1 : i32
    %while3A_74 = scf.for %while3A_91 = %while3A to %while3A_72 step %while3A_73 iter_args(%while3A_92 = %while3A_66) -> (i32)  : i32 {
      %mul3A_93 = arith.constant 2048 : i32
      %mul3A_94 = arith.muli %while3A_91, %mul3A_93 : i32
      %add3A_95 = arith.addi %multiple_of3A, %mul3A_94 : i32
      "tpu.region"() ({
        %run_scoped3A = tpu.sem_alloc : memref<!tpu.dma_semaphore, #tpu.memory_space<semaphore_mem>>
        %dma_start3A = tpu.memref_slice %arg3[%add3A_95] : memref<154624xi32, #tpu.memory_space<hbm>> -> memref<2048xi32, #tpu.memory_space<hbm>>
        %dma_start3A_104 = tpu.memref_slice %arg3[%add3A_95] : memref<154624xi32, #tpu.memory_space<hbm>> -> memref<2048xi32, #tpu.memory_space<hbm>>
        tpu.enqueue_dma source(%dma_start3A_104 : memref<2048xi32, #tpu.memory_space<hbm>>) target(%arg12 : memref<2048xi32, #tpu.memory_space<vmem>>) target_semaphore(%run_scoped3A : memref<!tpu.dma_semaphore, #tpu.memory_space<semaphore_mem>>)
        %dma_wait3A = tpu.memref_slice %arg3[%add3A_95] : memref<154624xi32, #tpu.memory_space<hbm>> -> memref<2048xi32, #tpu.memory_space<hbm>>
        %dma_wait3A_105 = tpu.memref_slice %arg3[%add3A_95] : memref<154624xi32, #tpu.memory_space<hbm>> -> memref<2048xi32, #tpu.memory_space<hbm>>
        tpu.wait_dma2 semaphore(%run_scoped3A : memref<!tpu.dma_semaphore, #tpu.memory_space<semaphore_mem>>) src(%dma_wait3A_105 : memref<2048xi32, #tpu.memory_space<hbm>>) dst(%arg12 : memref<2048xi32, #tpu.memory_space<vmem>>)
        tpu.yield
      }) : () -> ()
      %scan3A_96 = arith.constant 0 : i32
      %scan3A_97 = arith.constant 0 : i32
      %scan3A_98 = arith.constant 128 : i32
      %scan3A_99 = arith.addi %scan3A_97, %scan3A_98 : i32
      %scan3A_100 = arith.constant 1 : i32
      %scan3A_101 = scf.for %scan3A_104 = %scan3A_97 to %scan3A_99 step %scan3A_100 iter_args(%scan3A_105 = %scan3A_96) -> (i32)  : i32 {
        %mul3A_106 = arith.constant 2048 : i32
        %mul3A_107 = arith.muli %while3A_91, %mul3A_106 : i32
        %mul3A_108 = arith.constant 16 : i32
        %mul3A_109 = arith.muli %scan3A_104, %mul3A_108 : i32
        %add3A_110 = arith.addi %mul3A_107, %mul3A_109 : i32
        %iota3A = tpu.iota {dimensions = array<i32: 0>} : vector<16xi32>
        %add3A_111 = vector.broadcast %add3A_110 : i32 to vector<16xi32>
        %add3A_112 = arith.addi %add3A_111, %iota3A : vector<16xi32>
        %lt3A = vector.broadcast %reduce_max3A_41 : i32 to vector<16xi32>
        %lt3A_113 = arith.cmpi slt, %add3A_112, %lt3A : vector<16xi32>
        %mul3A_114 = arith.constant 16 : i32
        %mul3A_115 = arith.muli %scan3A_104, %mul3A_114 : i32
        %get3A = arith.index_cast %mul3A_115 : i32 to index
        %get3A_116 = tpu.vector_load %arg12[%get3A] {strides = array<i32>} : memref<2048xi32, #tpu.memory_space<vmem>>, vector<16xi32>,
        %shift_right_logical3A = arith.constant 18 : i32
        %shift_right_logical3A_117 = vector.broadcast %shift_right_logical3A : i32 to vector<16xi32>
        %shift_right_logical3A_118 = arith.shrui %get3A_116, %shift_right_logical3A_117 : vector<16xi32>
        %min3A = arith.constant 13567 : i32
        %min3A_119 = vector.broadcast %min3A : i32 to vector<16xi32>
        %min3A_120 = arith.minsi %shift_right_logical3A_118, %min3A_119 : vector<16xi32>
        %unique3A, %unique3A_121 = tpu.scan_count mask(%lt3A_113 : vector<16xi1>) value(%min3A_120 : vector<16xi32>) : vector<16xi1>, vector<16xi32>
        %and3A_122 = arith.andi %lt3A_113, %unique3A : vector<16xi1>
        %gather3A_123 = tpu.vector_load_idx %arg11[%min3A_120] masked %and3A_122 : memref<13568xi32, #tpu.memory_space<vmem>>[vector<16xi32>], vector<16xi32>, vector<16xi1>
        %add3A_124 = arith.addi %gather3A_123, %unique3A_121 : vector<16xi32>
        tpu.vector_store_idx %arg11[%min3A_120], %add3A_124 masked %and3A_122 : memref<13568xi32, #tpu.memory_space<vmem>>[vector<16xi32>], vector<16xi32>, vector<16xi1>
        %scan3A_125 = arith.constant 0 : i32
        scf.yield %scan3A_125 : i32
      }
      %scan3A_102 = arith.constant 128 : i32
      %while3A_103 = arith.constant 0 : i32
      scf.yield %while3A_103 : i32
    }
    %while3A_75 = arith.constant 1 : i32
    %while3A_76 = scf.for %while3A_91 = %while3A_72 to %while3A_68 step %while3A_75 iter_args(%while3A_92 = %while3A_74) -> (i32)  : i32 {
      %mul3A_93 = arith.constant 2048 : i32
      %mul3A_94 = arith.muli %while3A_91, %mul3A_93 : i32
      %add3A_95 = arith.addi %multiple_of3A, %mul3A_94 : i32
      "tpu.region"() ({
        %run_scoped3A = tpu.sem_alloc : memref<!tpu.dma_semaphore, #tpu.memory_space<semaphore_mem>>
        %dma_start3A = tpu.memref_slice %arg3[%add3A_95] : memref<154624xi32, #tpu.memory_space<hbm>> -> memref<2048xi32, #tpu.memory_space<hbm>>
        %dma_start3A_104 = tpu.memref_slice %arg3[%add3A_95] : memref<154624xi32, #tpu.memory_space<hbm>> -> memref<2048xi32, #tpu.memory_space<hbm>>
        tpu.enqueue_dma source(%dma_start3A_104 : memref<2048xi32, #tpu.memory_space<hbm>>) target(%arg12 : memref<2048xi32, #tpu.memory_space<vmem>>) target_semaphore(%run_scoped3A : memref<!tpu.dma_semaphore, #tpu.memory_space<semaphore_mem>>)
        %dma_wait3A = tpu.memref_slice %arg3[%add3A_95] : memref<154624xi32, #tpu.memory_space<hbm>> -> memref<2048xi32, #tpu.memory_space<hbm>>
        %dma_wait3A_105 = tpu.memref_slice %arg3[%add3A_95] : memref<154624xi32, #tpu.memory_space<hbm>> -> memref<2048xi32, #tpu.memory_space<hbm>>
        tpu.wait_dma2 semaphore(%run_scoped3A : memref<!tpu.dma_semaphore, #tpu.memory_space<semaphore_mem>>) src(%dma_wait3A_105 : memref<2048xi32, #tpu.memory_space<hbm>>) dst(%arg12 : memref<2048xi32, #tpu.memory_space<vmem>>)
        tpu.yield
      }) : () -> ()
      %scan3A_96 = arith.constant 0 : i32
      %scan3A_97 = arith.constant 0 : i32
      %scan3A_98 = arith.constant 128 : i32
      %scan3A_99 = arith.addi %scan3A_97, %scan3A_98 : i32
      %scan3A_100 = arith.constant 1 : i32
      %scan3A_101 = scf.for %scan3A_104 = %scan3A_97 to %scan3A_99 step %scan3A_100 iter_args(%scan3A_105 = %scan3A_96) -> (i32)  : i32 {
        %mul3A_106 = arith.constant 2048 : i32
        %mul3A_107 = arith.muli %while3A_91, %mul3A_106 : i32
        %mul3A_108 = arith.constant 16 : i32
        %mul3A_109 = arith.muli %scan3A_104, %mul3A_108 : i32
        %add3A_110 = arith.addi %mul3A_107, %mul3A_109 : i32
        %iota3A = tpu.iota {dimensions = array<i32: 0>} : vector<16xi32>
        %add3A_111 = vector.broadcast %add3A_110 : i32 to vector<16xi32>
        %add3A_112 = arith.addi %add3A_111, %iota3A : vector<16xi32>
        %lt3A = vector.broadcast %reduce_max3A_41 : i32 to vector<16xi32>
        %lt3A_113 = arith.cmpi slt, %add3A_112, %lt3A : vector<16xi32>
        %mul3A_114 = arith.constant 16 : i32
        %mul3A_115 = arith.muli %scan3A_104, %mul3A_114 : i32
        %get3A = arith.index_cast %mul3A_115 : i32 to index
        %get3A_116 = tpu.vector_load %arg12[%get3A] {strides = array<i32>} : memref<2048xi32, #tpu.memory_space<vmem>>, vector<16xi32>,
        %shift_right_logical3A = arith.constant 18 : i32
        %shift_right_logical3A_117 = vector.broadcast %shift_right_logical3A : i32 to vector<16xi32>
        %shift_right_logical3A_118 = arith.shrui %get3A_116, %shift_right_logical3A_117 : vector<16xi32>
        %min3A = arith.constant 13567 : i32
        %min3A_119 = vector.broadcast %min3A : i32 to vector<16xi32>
        %min3A_120 = arith.minsi %shift_right_logical3A_118, %min3A_119 : vector<16xi32>
        %unique3A, %unique3A_121 = tpu.scan_count mask(%lt3A_113 : vector<16xi1>) value(%min3A_120 : vector<16xi32>) : vector<16xi1>, vector<16xi32>
        %and3A_122 = arith.andi %lt3A_113, %unique3A : vector<16xi1>
        %gather3A_123 = tpu.vector_load_idx %arg11[%min3A_120] masked %and3A_122 : memref<13568xi32, #tpu.memory_space<vmem>>[vector<16xi32>], vector<16xi32>, vector<16xi1>
        %add3A_124 = arith.addi %gather3A_123, %unique3A_121 : vector<16xi32>
        tpu.vector_store_idx %arg11[%min3A_120], %add3A_124 masked %and3A_122 : memref<13568xi32, #tpu.memory_space<vmem>>[vector<16xi32>], vector<16xi32>, vector<16xi1>
        %scan3A_125 = arith.constant 0 : i32
        scf.yield %scan3A_125 : i32
      }
      %scan3A_102 = arith.constant 128 : i32
      %while3A_103 = arith.constant 0 : i32
      scf.yield %while3A_103 : i32
    }
    %mul3A_77 = arith.constant 13568 : i32
    %mul3A_78 = arith.muli %add3A, %mul3A_77 : i32
    "tpu.region"() ({
      %run_scoped3A = tpu.sem_alloc : memref<!tpu.dma_semaphore, #tpu.memory_space<semaphore_mem>>
      %dma_start3A = tpu.memref_slice %arg4[%mul3A_78] : memref<434176xi32, #tpu.memory_space<hbm>> -> memref<13568xi32, #tpu.memory_space<hbm>>
      %dma_start3A_91 = tpu.memref_slice %arg4[%mul3A_78] : memref<434176xi32, #tpu.memory_space<hbm>> -> memref<13568xi32, #tpu.memory_space<hbm>>
      tpu.enqueue_dma source(%arg11 : memref<13568xi32, #tpu.memory_space<vmem>>) target(%dma_start3A_91 : memref<13568xi32, #tpu.memory_space<hbm>>) target_semaphore(%run_scoped3A : memref<!tpu.dma_semaphore, #tpu.memory_space<semaphore_mem>>)
      %dma_wait3A = tpu.memref_slice %arg4[%mul3A_78] : memref<434176xi32, #tpu.memory_space<hbm>> -> memref<13568xi32, #tpu.memory_space<hbm>>
      %dma_wait3A_92 = tpu.memref_slice %arg4[%mul3A_78] : memref<434176xi32, #tpu.memory_space<hbm>> -> memref<13568xi32, #tpu.memory_space<hbm>>
      tpu.wait_dma2 semaphore(%run_scoped3A : memref<!tpu.dma_semaphore, #tpu.memory_space<semaphore_mem>>) src(%arg11 : memref<13568xi32, #tpu.memory_space<vmem>>) dst(%dma_wait3A_92 : memref<13568xi32, #tpu.memory_space<hbm>>)
      tpu.yield
    }) : () -> ()
    %broadcast_in_dim3A_79 = arith.constant 0 : i32
    %broadcast_in_dim3A_80 = vector.broadcast %broadcast_in_dim3A_79 : i32 to vector<16xi32>
    %scan3A_81 = arith.constant 0 : i32
    %scan3A_82 = arith.constant 848 : i32
    %scan3A_83 = arith.addi %scan3A_81, %scan3A_82 : i32
    %scan3A_84 = arith.constant 1 : i32
    %scan3A_85 = scf.for %scan3A_91 = %scan3A_81 to %scan3A_83 step %scan3A_84 iter_args(%scan3A_92 = %broadcast_in_dim3A_80) -> (vector<16xi32>)  : i32 {
      %mul3A_93 = arith.constant 16 : i32
      %mul3A_94 = arith.muli %scan3A_91, %mul3A_93 : i32
      %get3A = arith.index_cast %mul3A_94 : i32 to index
      %get3A_95 = tpu.vector_load %arg11[%get3A] {strides = array<i32>} : memref<13568xi32, #tpu.memory_space<vmem>>, vector<16xi32>,
      %mul3A_96 = arith.constant 13451 : i32
      %mul3A_97 = arith.muli %add3A, %mul3A_96 : i32
      %mul3A_98 = arith.constant 16 : i32
      %mul3A_99 = arith.muli %scan3A_91, %mul3A_98 : i32
      %add3A_100 = arith.addi %mul3A_97, %mul3A_99 : i32
      %iota3A = tpu.iota {dimensions = array<i32: 0>} : vector<16xi32>
      %add3A_101 = vector.broadcast %add3A_100 : i32 to vector<16xi32>
      %add3A_102 = arith.addi %add3A_101, %iota3A : vector<16xi32>
      %gt3A = arith.constant 0 : i32
      %gt3A_103 = vector.broadcast %gt3A : i32 to vector<16xi32>
      %gt3A_104 = arith.cmpi sgt, %get3A_95, %gt3A_103 : vector<16xi32>
      %lt3A = arith.constant 430403 : i32
      %lt3A_105 = vector.broadcast %lt3A : i32 to vector<16xi32>
      %lt3A_106 = arith.cmpi slt, %add3A_102, %lt3A_105 : vector<16xi32>
      %and3A_107 = arith.andi %gt3A_104, %lt3A_106 : vector<16xi1>
      %all_reduce_population_count3A = tpu.all_reduce %and3A_107 {dim = 0 : i64, kind = #tpu.reduction_kind<sum>} : vector<16xi1> -> vector<16xi32>
      %add3A_108 = arith.addi %scan3A_92, %all_reduce_population_count3A : vector<16xi32>
      scf.yield %add3A_108 : vector<16xi32>
    }
    %scan3A_86 = arith.constant 848 : i32
    %swap3A_87 = arith.constant 0 : index
    %swap3A_88 = tpu.vector_load %arg14[%swap3A_87] {strides = array<i32>} : memref<16xi32, #tpu.memory_space<vmem>>, vector<16xi32>,
    tpu.vector_store %arg14[%swap3A_87], %scan3A_85 {strides = array<i32>} : memref<16xi32, #tpu.memory_space<vmem>>, vector<16xi32>,
    %mul3A_89 = arith.constant 16 : i32
    %mul3A_90 = arith.muli %add3A, %mul3A_89 : i32
    "tpu.region"() ({
      %run_scoped3A = tpu.sem_alloc : memref<!tpu.dma_semaphore, #tpu.memory_space<semaphore_mem>>
      %dma_start3A = tpu.memref_slice %arg5[%mul3A_90] : memref<512xi32, #tpu.memory_space<hbm>> -> memref<16xi32, #tpu.memory_space<hbm>>
      %dma_start3A_91 = tpu.memref_slice %arg5[%mul3A_90] : memref<512xi32, #tpu.memory_space<hbm>> -> memref<16xi32, #tpu.memory_space<hbm>>
      tpu.enqueue_dma source(%arg14 : memref<16xi32, #tpu.memory_space<vmem>>) target(%dma_start3A_91 : memref<16xi32, #tpu.memory_space<hbm>>) target_semaphore(%run_scoped3A : memref<!tpu.dma_semaphore, #tpu.memory_space<semaphore_mem>>)
      %dma_wait3A = tpu.memref_slice %arg5[%mul3A_90] : memref<512xi32, #tpu.memory_space<hbm>> -> memref<16xi32, #tpu.memory_space<hbm>>
      %dma_wait3A_92 = tpu.memref_slice %arg5[%mul3A_90] : memref<512xi32, #tpu.memory_space<hbm>> -> memref<16xi32, #tpu.memory_space<hbm>>
      tpu.wait_dma2 semaphore(%run_scoped3A : memref<!tpu.dma_semaphore, #tpu.memory_space<semaphore_mem>>) src(%arg14 : memref<16xi32, #tpu.memory_space<vmem>>) dst(%dma_wait3A_92 : memref<16xi32, #tpu.memory_space<hbm>>)
      tpu.yield
    }) : () -> ()
    return
  }
}

#map = affine_map<(d0, d1) -> (0, 0)>
#map1 = affine_map<(d0, d1) -> (0)>
module attributes {stable_mosaic.version = 14 : i64} {
  func.func @new_body(%arg0: i32, %arg1: i32, %arg2: memref<150016x16xf32, #tpu.memory_space<hbm>>, %arg3: memref<1024xi32, #tpu.memory_space<hbm>>, %arg4: memref<154624xi32, #tpu.memory_space<hbm>>, %arg5: memref<434176xi32, #tpu.memory_space<hbm>>, %arg6: memref<512xi32, #tpu.memory_space<hbm>>, %arg7: memref<514048x16xf32, #tpu.memory_space<hbm>>, %arg8: memref<18432xi32, #tpu.memory_space<hbm>>, %arg9: memref<18432xi32, #tpu.memory_space<hbm>>, %arg10: memref<1024xi32, #tpu.memory_space<hbm>>, %arg11: memref<154624xi32, #tpu.memory_space<hbm>>, %arg12: memref<434176xi32, #tpu.memory_space<hbm>>, %arg13: memref<512xi32, #tpu.memory_space<hbm>>, %arg14: memref<514048x16xf32, #tpu.memory_space<hbm>>, %arg15: memref<18432xi32, #tpu.memory_space<hbm>>, %arg16: memref<18432xi32, #tpu.memory_space<hbm>>, %arg17: memref<1024xi32, #tpu.memory_space<vmem>>, %arg18: memref<512xi32, #tpu.memory_space<vmem>>, %arg19: memref<13568xi32, #tpu.memory_space<vmem>>, %arg20: memref<13568xi32, #tpu.memory_space<vmem>>, %arg21: memref<107x128xi32, #tpu.memory_space<vmem>>, %arg22: memref<13696xi32, #tpu.memory_space<vmem>>, %arg23: memref<13696xi32, #tpu.memory_space<vmem>>, %arg24: memref<2048xi32, #tpu.memory_space<vmem>>, %arg25: memref<16x128xi32, #tpu.memory_space<vmem>>, %arg26: memref<16x128xi32, #tpu.memory_space<vmem>>, %arg27: memref<2048x16xf32, #tpu.memory_space<vmem>>, %arg28: memref<32xi32, #tpu.memory_space<vmem>>, %arg29: memref<!tpu.dma_semaphore, #tpu.memory_space<semaphore_mem>>, %arg30: memref<!tpu.dma_semaphore, #tpu.memory_space<semaphore_mem>>) attributes {dimension_semantics = [#tpu.dimension_semantics<core_parallel>, #tpu.dimension_semantics<subcore_parallel>], iteration_bounds = array<i64: 2, 16>, scalar_prefetch = 0 : i64, scratch_operands = 14 : i64, tpu.core_type = #tpu.core_type<sc_vector_subcore>, window_params = [{transform_indices = #map}, {transform_indices = #map1}, {transform_indices = #map1}, {transform_indices = #map1}, {transform_indices = #map1}, {transform_indices = #map}, {transform_indices = #map1}, {transform_indices = #map1}, {transform_indices = #map1}, {transform_indices = #map1}, {transform_indices = #map1}, {transform_indices = #map1}, {transform_indices = #map}, {transform_indices = #map1}, {transform_indices = #map1}]} {
    %mul3A = arith.constant 2 : i32
    %mul3A_0 = arith.muli %arg1, %mul3A : i32
    %add3A = arith.addi %mul3A_0, %arg0 : i32
    "tpu.region"() ({
      %run_scoped3A = tpu.sem_alloc : memref<!tpu.dma_semaphore, #tpu.memory_space<semaphore_mem>>
      tpu.enqueue_dma source(%arg3 : memref<1024xi32, #tpu.memory_space<hbm>>) target(%arg17 : memref<1024xi32, #tpu.memory_space<vmem>>) target_semaphore(%run_scoped3A : memref<!tpu.dma_semaphore, #tpu.memory_space<semaphore_mem>>)
      tpu.wait_dma2 semaphore(%run_scoped3A : memref<!tpu.dma_semaphore, #tpu.memory_space<semaphore_mem>>) src(%arg3 : memref<1024xi32, #tpu.memory_space<hbm>>) dst(%arg17 : memref<1024xi32, #tpu.memory_space<vmem>>)
      tpu.yield
    }) : () -> ()
    "tpu.region"() ({
      %run_scoped3A = tpu.sem_alloc : memref<!tpu.dma_semaphore, #tpu.memory_space<semaphore_mem>>
      tpu.enqueue_dma source(%arg6 : memref<512xi32, #tpu.memory_space<hbm>>) target(%arg18 : memref<512xi32, #tpu.memory_space<vmem>>) target_semaphore(%run_scoped3A : memref<!tpu.dma_semaphore, #tpu.memory_space<semaphore_mem>>)
      tpu.wait_dma2 semaphore(%run_scoped3A : memref<!tpu.dma_semaphore, #tpu.memory_space<semaphore_mem>>) src(%arg6 : memref<512xi32, #tpu.memory_space<hbm>>) dst(%arg18 : memref<512xi32, #tpu.memory_space<vmem>>)
      tpu.yield
    }) : () -> ()
    %broadcast_in_dim3A = arith.constant 0 : i32
    %broadcast_in_dim3A_1 = vector.broadcast %broadcast_in_dim3A : i32 to vector<16xi32>
    %scan3A = arith.constant 0 : i32
    %scan3A_2 = arith.constant 32 : i32
    %scan3A_3 = arith.addi %scan3A, %scan3A_2 : i32
    %scan3A_4 = arith.constant 1 : i32
    %scan3A_5:4 = scf.for %scan3A_93 = %scan3A to %scan3A_3 step %scan3A_4 iter_args(%scan3A_94 = %broadcast_in_dim3A_1, %scan3A_95 = %broadcast_in_dim3A_1, %scan3A_96 = %broadcast_in_dim3A_1, %scan3A_97 = %broadcast_in_dim3A_1) -> (vector<16xi32>, vector<16xi32>, vector<16xi32>, vector<16xi32>)  : i32 {
      %mul3A_98 = arith.constant 32 : i32
      %mul3A_99 = arith.muli %scan3A_93, %mul3A_98 : i32
      %get3A = arith.index_cast %mul3A_99 : i32 to index
      %get3A_100 = tpu.vector_load %arg17[%get3A] {strides = array<i32>} : memref<1024xi32, #tpu.memory_space<vmem>>, vector<16xi32>,
      %mul3A_101 = arith.constant 32 : i32
      %mul3A_102 = arith.muli %scan3A_93, %mul3A_101 : i32
      %add3A_103 = arith.constant 16 : i32
      %add3A_104 = arith.addi %mul3A_102, %add3A_103 : i32
      %get3A_105 = arith.index_cast %add3A_104 : i32 to index
      %get3A_106 = tpu.vector_load %arg17[%get3A_105] {strides = array<i32>} : memref<1024xi32, #tpu.memory_space<vmem>>, vector<16xi32>,
      %lt3A_107 = arith.cmpi slt, %scan3A_93, %add3A : i32
      %convert_element_type3A_108 = arith.extui %lt3A_107 : i1 to i32
      %add3A_109 = arith.addi %scan3A_94, %get3A_100 : vector<16xi32>
      %add3A_110 = arith.addi %scan3A_95, %get3A_106 : vector<16xi32>
      %mul3A_111 = vector.broadcast %convert_element_type3A_108 : i32 to vector<16xi32>
      %mul3A_112 = arith.muli %get3A_100, %mul3A_111 : vector<16xi32>
      %add3A_113 = arith.addi %scan3A_96, %mul3A_112 : vector<16xi32>
      %mul3A_114 = vector.broadcast %convert_element_type3A_108 : i32 to vector<16xi32>
      %mul3A_115 = arith.muli %get3A_106, %mul3A_114 : vector<16xi32>
      %add3A_116 = arith.addi %scan3A_97, %mul3A_115 : vector<16xi32>
      scf.yield %add3A_109, %add3A_110, %add3A_113, %add3A_116 : vector<16xi32>, vector<16xi32>, vector<16xi32>, vector<16xi32>
    }
    %scan3A_6 = arith.constant 32 : i32
    %add3A_7 = arith.constant 15 : i32
    %add3A_8 = vector.broadcast %add3A_7 : i32 to vector<16xi32>
    %add3A_9 = arith.addi %scan3A_5#0, %add3A_8 : vector<16xi32>
    %and3A = arith.constant -16 : i32
    %and3A_10 = vector.broadcast %and3A : i32 to vector<16xi32>
    %and3A_11 = arith.andi %add3A_9, %and3A_10 : vector<16xi32>
    %add3A_12 = arith.constant 15 : i32
    %add3A_13 = vector.broadcast %add3A_12 : i32 to vector<16xi32>
    %add3A_14 = arith.addi %scan3A_5#1, %add3A_13 : vector<16xi32>
    %and3A_15 = arith.constant -16 : i32
    %and3A_16 = vector.broadcast %and3A_15 : i32 to vector<16xi32>
    %and3A_17 = arith.andi %add3A_14, %and3A_16 : vector<16xi32>
    %broadcast_in_dim3A_18 = arith.constant true
    %broadcast_in_dim3A_19 = vector.broadcast %broadcast_in_dim3A_18 : i1 to vector<16xi1>
    %masked_cumsum3A = tpu.scan <sum>, %and3A_11 masked %broadcast_in_dim3A_19 : vector<16xi32>, vector<16xi1> -> vector<16xi32>
    %sub3A = arith.subi %masked_cumsum3A, %and3A_11 : vector<16xi32>
    %reduce_sum3A = arith.constant true
    %reduce_sum3A_20 = vector.broadcast %reduce_sum3A : i1 to vector<16xi1>
    %reduce_sum3A_21 = tpu.scan <sum>, %and3A_11 masked %reduce_sum3A_20 : vector<16xi32>, vector<16xi1> -> vector<16xi32>
    %reduce_sum3A_22 = vector.extract %reduce_sum3A_21[15] : i32 from vector<16xi32>
    %broadcast_in_dim3A_23 = arith.constant true
    %broadcast_in_dim3A_24 = vector.broadcast %broadcast_in_dim3A_23 : i1 to vector<16xi1>
    %masked_cumsum3A_25 = tpu.scan <sum>, %and3A_17 masked %broadcast_in_dim3A_24 : vector<16xi32>, vector<16xi1> -> vector<16xi32>
    %sub3A_26 = arith.subi %masked_cumsum3A_25, %and3A_17 : vector<16xi32>
    %add3A_27 = vector.broadcast %reduce_sum3A_22 : i32 to vector<16xi32>
    %add3A_28 = arith.addi %sub3A_26, %add3A_27 : vector<16xi32>
    %add3A_29 = arith.addi %sub3A, %scan3A_5#2 : vector<16xi32>
    %add3A_30 = arith.addi %add3A_28, %scan3A_5#3 : vector<16xi32>
    %swap3A = arith.constant 0 : index
    %swap3A_31 = tpu.vector_load %arg28[%swap3A] {strides = array<i32>} : memref<32xi32, #tpu.memory_space<vmem>>, vector<16xi32>,
    tpu.vector_store %arg28[%swap3A], %scan3A_5#0 {strides = array<i32>} : memref<32xi32, #tpu.memory_space<vmem>>, vector<16xi32>,
    %swap3A_32 = arith.constant 16 : index
    %swap3A_33 = tpu.vector_load %arg28[%swap3A_32] {strides = array<i32>} : memref<32xi32, #tpu.memory_space<vmem>>, vector<16xi32>,
    tpu.vector_store %arg28[%swap3A_32], %scan3A_5#1 {strides = array<i32>} : memref<32xi32, #tpu.memory_space<vmem>>, vector<16xi32>,
    %broadcast_in_dim3A_34 = vector.broadcast %add3A : i32 to vector<16xi32>
    %gather3A = tpu.vector_load_idx %arg28[%broadcast_in_dim3A_34] : memref<32xi32, #tpu.memory_space<vmem>>[vector<16xi32>], vector<16xi32>,
    %reduce_max3A = arith.constant true
    %reduce_max3A_35 = vector.broadcast %reduce_max3A : i1 to vector<16xi1>
    %reduce_max3A_36 = arith.constant -2147483648 : i32
    %reduce_max3A_37 = vector.broadcast %reduce_max3A_36 : i32 to vector<16xi32>
    %reduce_max3A_38 = arith.xori %gather3A, %reduce_max3A_37 : vector<16xi32>
    %reduce_max3A_39 = tpu.scan <max>, %reduce_max3A_38 masked %reduce_max3A_35 : vector<16xi32>, vector<16xi1> -> vector<16xi32>
    %reduce_max3A_40 = arith.xori %reduce_max3A_39, %reduce_max3A_37 : vector<16xi32>
    %reduce_max3A_41 = vector.extract %reduce_max3A_40[15] : i32 from vector<16xi32>
    %swap3A_42 = arith.constant 0 : index
    %swap3A_43 = tpu.vector_load %arg28[%swap3A_42] {strides = array<i32>} : memref<32xi32, #tpu.memory_space<vmem>>, vector<16xi32>,
    tpu.vector_store %arg28[%swap3A_42], %sub3A {strides = array<i32>} : memref<32xi32, #tpu.memory_space<vmem>>, vector<16xi32>,
    %swap3A_44 = arith.constant 16 : index
    %swap3A_45 = tpu.vector_load %arg28[%swap3A_44] {strides = array<i32>} : memref<32xi32, #tpu.memory_space<vmem>>, vector<16xi32>,
    tpu.vector_store %arg28[%swap3A_44], %add3A_28 {strides = array<i32>} : memref<32xi32, #tpu.memory_space<vmem>>, vector<16xi32>,
    %broadcast_in_dim3A_46 = vector.broadcast %add3A : i32 to vector<16xi32>
    %gather3A_47 = tpu.vector_load_idx %arg28[%broadcast_in_dim3A_46] : memref<32xi32, #tpu.memory_space<vmem>>[vector<16xi32>], vector<16xi32>,
    %reduce_max3A_48 = arith.constant true
    %reduce_max3A_49 = vector.broadcast %reduce_max3A_48 : i1 to vector<16xi1>
    %reduce_max3A_50 = arith.constant -2147483648 : i32
    %reduce_max3A_51 = vector.broadcast %reduce_max3A_50 : i32 to vector<16xi32>
    %reduce_max3A_52 = arith.xori %gather3A_47, %reduce_max3A_51 : vector<16xi32>
    %reduce_max3A_53 = tpu.scan <max>, %reduce_max3A_52 masked %reduce_max3A_49 : vector<16xi32>, vector<16xi1> -> vector<16xi32>
    %reduce_max3A_54 = arith.xori %reduce_max3A_53, %reduce_max3A_51 : vector<16xi32>
    %reduce_max3A_55 = vector.extract %reduce_max3A_54[15] : i32 from vector<16xi32>
    %multiple_of3A = tpu.assume_multiple %reduce_max3A_55, 16 : i32
    %mul3A_56 = arith.constant 13568 : i32
    %mul3A_57 = arith.muli %add3A, %mul3A_56 : i32
    "tpu.region"() ({
      %run_scoped3A = tpu.sem_alloc : memref<!tpu.dma_semaphore, #tpu.memory_space<semaphore_mem>>
      %dma_start3A = tpu.memref_slice %arg5[%mul3A_57] : memref<434176xi32, #tpu.memory_space<hbm>> -> memref<13568xi32, #tpu.memory_space<hbm>>
      %dma_start3A_93 = tpu.memref_slice %arg5[%mul3A_57] : memref<434176xi32, #tpu.memory_space<hbm>> -> memref<13568xi32, #tpu.memory_space<hbm>>
      tpu.enqueue_dma source(%dma_start3A_93 : memref<13568xi32, #tpu.memory_space<hbm>>) target(%arg19 : memref<13568xi32, #tpu.memory_space<vmem>>) target_semaphore(%run_scoped3A : memref<!tpu.dma_semaphore, #tpu.memory_space<semaphore_mem>>)
      %dma_wait3A = tpu.memref_slice %arg5[%mul3A_57] : memref<434176xi32, #tpu.memory_space<hbm>> -> memref<13568xi32, #tpu.memory_space<hbm>>
      %dma_wait3A_94 = tpu.memref_slice %arg5[%mul3A_57] : memref<434176xi32, #tpu.memory_space<hbm>> -> memref<13568xi32, #tpu.memory_space<hbm>>
      tpu.wait_dma2 semaphore(%run_scoped3A : memref<!tpu.dma_semaphore, #tpu.memory_space<semaphore_mem>>) src(%dma_wait3A_94 : memref<13568xi32, #tpu.memory_space<hbm>>) dst(%arg19 : memref<13568xi32, #tpu.memory_space<vmem>>)
      tpu.yield
    }) : () -> ()
    %iota3A = tpu.iota {dimensions = array<i32: 0>} : vector<16xi32>
    %mul3A_58 = arith.constant 16 : i32
    %mul3A_59 = vector.broadcast %mul3A_58 : i32 to vector<16xi32>
    %mul3A_60 = arith.muli %iota3A, %mul3A_59 : vector<16xi32>
    %gather3A_61 = tpu.vector_load_idx %arg18[%mul3A_60] : memref<512xi32, #tpu.memory_space<vmem>>[vector<16xi32>], vector<16xi32>,
    %iota3A_62 = tpu.iota {dimensions = array<i32: 0>} : vector<16xi32>
    %add3A_63 = arith.constant 16 : i32
    %add3A_64 = vector.broadcast %add3A_63 : i32 to vector<16xi32>
    %add3A_65 = arith.addi %iota3A_62, %add3A_64 : vector<16xi32>
    %mul3A_66 = arith.constant 16 : i32
    %mul3A_67 = vector.broadcast %mul3A_66 : i32 to vector<16xi32>
    %mul3A_68 = arith.muli %add3A_65, %mul3A_67 : vector<16xi32>
    %gather3A_69 = tpu.vector_load_idx %arg18[%mul3A_68] : memref<512xi32, #tpu.memory_space<vmem>>[vector<16xi32>], vector<16xi32>,
    %iota3A_70 = tpu.iota {dimensions = array<i32: 0>} : vector<16xi32>
    %lt3A = vector.broadcast %add3A : i32 to vector<16xi32>
    %lt3A_71 = arith.cmpi slt, %iota3A_70, %lt3A : vector<16xi32>
    %jit3A = arith.constant 0 : i32
    %broadcast_in_dim3A_72 = vector.broadcast %jit3A : i32 to vector<16xi32>
    %select_n3A = arith.select %lt3A_71, %gather3A_61, %broadcast_in_dim3A_72 : vector<16xi1>, vector<16xi32>
    %reduce_sum3A_73 = arith.constant true
    %reduce_sum3A_74 = vector.broadcast %reduce_sum3A_73 : i1 to vector<16xi1>
    %reduce_sum3A_75 = tpu.scan <sum>, %select_n3A masked %reduce_sum3A_74 : vector<16xi32>, vector<16xi1> -> vector<16xi32>
    %reduce_sum3A_76 = vector.extract %reduce_sum3A_75[15] : i32 from vector<16xi32>
    %add3A_77 = arith.constant 16 : i32
    %add3A_78 = vector.broadcast %add3A_77 : i32 to vector<16xi32>
    %add3A_79 = arith.addi %iota3A_70, %add3A_78 : vector<16xi32>
    %lt3A_80 = vector.broadcast %add3A : i32 to vector<16xi32>
    %lt3A_81 = arith.cmpi slt, %add3A_79, %lt3A_80 : vector<16xi32>
    %jit3A_82 = arith.constant 0 : i32
    %broadcast_in_dim3A_83 = vector.broadcast %jit3A_82 : i32 to vector<16xi32>
    %select_n3A_84 = arith.select %lt3A_81, %gather3A_69, %broadcast_in_dim3A_83 : vector<16xi1>, vector<16xi32>
    %reduce_sum3A_85 = arith.constant true
    %reduce_sum3A_86 = vector.broadcast %reduce_sum3A_85 : i1 to vector<16xi1>
    %reduce_sum3A_87 = tpu.scan <sum>, %select_n3A_84 masked %reduce_sum3A_86 : vector<16xi32>, vector<16xi1> -> vector<16xi32>
    %reduce_sum3A_88 = vector.extract %reduce_sum3A_87[15] : i32 from vector<16xi32>
    %add3A_89 = arith.addi %reduce_sum3A_76, %reduce_sum3A_88 : i32
    %lt3A_90 = arith.constant 16000 : i32
    %lt3A_91 = arith.cmpi slt, %add3A_89, %lt3A_90 : i32
    %convert_element_type3A = arith.extui %lt3A_91 : i1 to i32
    %cond3A = arith.constant 0 : i32
    %cond3A_92 = arith.cmpi ne, %convert_element_type3A, %cond3A : i32
    scf.if %cond3A_92 {
      %broadcast_in_dim3A_93 = vector.broadcast %add3A_89 : i32 to vector<16xi32>
      %broadcast_in_dim3A_94 = arith.constant 0 : i32
      %broadcast_in_dim3A_95 = vector.broadcast %broadcast_in_dim3A_94 : i32 to vector<16xi32>
      %scan3A_96 = arith.constant 0 : i32
      %scan3A_97 = arith.constant 848 : i32
      %scan3A_98 = arith.addi %scan3A_96, %scan3A_97 : i32
      %scan3A_99 = arith.constant 1 : i32
      %scan3A_100:2 = scf.for %scan3A_338 = %scan3A_96 to %scan3A_98 step %scan3A_99 iter_args(%scan3A_339 = %broadcast_in_dim3A_93, %scan3A_340 = %broadcast_in_dim3A_95) -> (vector<16xi32>, vector<16xi32>)  : i32 {
        %mul3A_341 = arith.constant 16 : i32
        %mul3A_342 = arith.muli %scan3A_338, %mul3A_341 : i32
        %get3A = arith.index_cast %mul3A_342 : i32 to index
        %get3A_343 = tpu.vector_load %arg19[%get3A] {strides = array<i32>} : memref<13568xi32, #tpu.memory_space<vmem>>, vector<16xi32>,
        %mul3A_344 = arith.constant 13451 : i32
        %mul3A_345 = arith.muli %add3A, %mul3A_344 : i32
        %mul3A_346 = arith.constant 16 : i32
        %mul3A_347 = arith.muli %scan3A_338, %mul3A_346 : i32
        %add3A_348 = arith.addi %mul3A_345, %mul3A_347 : i32
        %iota3A_349 = tpu.iota {dimensions = array<i32: 0>} : vector<16xi32>
        %add3A_350 = vector.broadcast %add3A_348 : i32 to vector<16xi32>
        %add3A_351 = arith.addi %add3A_350, %iota3A_349 : vector<16xi32>
        %gt3A = arith.constant 0 : i32
        %gt3A_352 = vector.broadcast %gt3A : i32 to vector<16xi32>
        %gt3A_353 = arith.cmpi sgt, %get3A_343, %gt3A_352 : vector<16xi32>
        %lt3A_354 = arith.constant 430403 : i32
        %lt3A_355 = vector.broadcast %lt3A_354 : i32 to vector<16xi32>
        %lt3A_356 = arith.cmpi slt, %add3A_351, %lt3A_355 : vector<16xi32>
        %and3A_357 = arith.andi %gt3A_353, %lt3A_356 : vector<16xi1>
        %convert_element_type3A_358 = arith.extui %and3A_357 : vector<16xi1> to vector<16xi32>
        %broadcast_in_dim3A_359 = arith.constant true
        %broadcast_in_dim3A_360 = vector.broadcast %broadcast_in_dim3A_359 : i1 to vector<16xi1>
        %masked_cumsum3A_361 = tpu.scan <sum>, %convert_element_type3A_358 masked %broadcast_in_dim3A_360 : vector<16xi32>, vector<16xi1> -> vector<16xi32>
        %sub3A_362 = arith.subi %masked_cumsum3A_361, %convert_element_type3A_358 : vector<16xi32>
        %add3A_363 = arith.addi %scan3A_339, %sub3A_362 : vector<16xi32>
        %mul3A_364 = arith.constant 16 : i32
        %mul3A_365 = arith.muli %scan3A_338, %mul3A_364 : i32
        %swap3A_366 = arith.index_cast %mul3A_365 : i32 to index
        %swap3A_367 = tpu.vector_load %arg20[%swap3A_366] {strides = array<i32>} : memref<13568xi32, #tpu.memory_space<vmem>>, vector<16xi32>,
        tpu.vector_store %arg20[%swap3A_366], %add3A_363 {strides = array<i32>} : memref<13568xi32, #tpu.memory_space<vmem>>, vector<16xi32>,
        %lt3A_368 = arith.constant 16000 : i32
        %lt3A_369 = vector.broadcast %lt3A_368 : i32 to vector<16xi32>
        %lt3A_370 = arith.cmpi slt, %add3A_363, %lt3A_369 : vector<16xi32>
        %and3A_371 = arith.andi %and3A_357, %lt3A_370 : vector<16xi1>
        %convert_element_type3A_372 = arith.extui %and3A_371 : vector<16xi1> to vector<16xi32>
        %broadcast_in_dim3A_373 = arith.constant true
        %broadcast_in_dim3A_374 = vector.broadcast %broadcast_in_dim3A_373 : i1 to vector<16xi1>
        %masked_cumsum3A_375 = tpu.scan <sum>, %convert_element_type3A_372 masked %broadcast_in_dim3A_374 : vector<16xi32>, vector<16xi1> -> vector<16xi32>
        %add3A_376 = arith.addi %scan3A_340, %masked_cumsum3A_375 : vector<16xi32>
        %sub3A_377 = arith.subi %add3A_376, %convert_element_type3A_372 : vector<16xi32>
        %shift_right_arithmetic3A_378 = arith.constant 7 : i32
        %shift_right_arithmetic3A_379 = vector.broadcast %shift_right_arithmetic3A_378 : i32 to vector<16xi32>
        %shift_right_arithmetic3A_380 = arith.shrsi %sub3A_377, %shift_right_arithmetic3A_379 : vector<16xi32>
        %and3A_381 = arith.constant 127 : i32
        %and3A_382 = vector.broadcast %and3A_381 : i32 to vector<16xi32>
        %and3A_383 = arith.andi %sub3A_377, %and3A_382 : vector<16xi32>
        tpu.vector_store_idx %arg21[%shift_right_arithmetic3A_380, %and3A_383], %add3A_363 masked %and3A_371 : memref<107x128xi32, #tpu.memory_space<vmem>>[vector<16xi32>, vector<16xi32>], vector<16xi32>, vector<16xi1>
        %min3A = arith.constant 32 : i32
        %min3A_384 = vector.broadcast %min3A : i32 to vector<16xi32>
        %min3A_385 = arith.minsi %get3A_343, %min3A_384 : vector<16xi32>
        tpu.vector_store_idx %arg22[%sub3A_377], %min3A_385 masked %and3A_371 : memref<13696xi32, #tpu.memory_space<vmem>>[vector<16xi32>], vector<16xi32>, vector<16xi1>
        tpu.vector_store_idx %arg23[%sub3A_377], %add3A_351 masked %and3A_371 : memref<13696xi32, #tpu.memory_space<vmem>>[vector<16xi32>], vector<16xi32>, vector<16xi1>
        %all_reduce_population_count3A = tpu.all_reduce %and3A_357 {dim = 0 : i64, kind = #tpu.reduction_kind<sum>} : vector<16xi1> -> vector<16xi32>
        %add3A_386 = arith.addi %scan3A_339, %all_reduce_population_count3A : vector<16xi32>
        %all_reduce_population_count3A_387 = tpu.all_reduce %and3A_371 {dim = 0 : i64, kind = #tpu.reduction_kind<sum>} : vector<16xi1> -> vector<16xi32>
        %add3A_388 = arith.addi %scan3A_340, %all_reduce_population_count3A_387 : vector<16xi32>
        scf.yield %add3A_386, %add3A_388 : vector<16xi32>, vector<16xi32>
      }
      %scan3A_101 = arith.constant 848 : i32
      %add3A_102 = arith.constant 0 : i32
      %add3A_103 = vector.broadcast %add3A_102 : i32 to vector<16xi32>
      %add3A_104 = arith.addi %scan3A_100#1, %add3A_103 : vector<16xi32>
      %iota3A_105 = tpu.iota {dimensions = array<i32: 0>} : vector<16xi32>
      %add3A_106 = arith.addi %add3A_104, %iota3A_105 : vector<16xi32>
      %shift_right_arithmetic3A = arith.constant 7 : i32
      %shift_right_arithmetic3A_107 = vector.broadcast %shift_right_arithmetic3A : i32 to vector<16xi32>
      %shift_right_arithmetic3A_108 = arith.shrsi %add3A_106, %shift_right_arithmetic3A_107 : vector<16xi32>
      %and3A_109 = arith.constant 127 : i32
      %and3A_110 = vector.broadcast %and3A_109 : i32 to vector<16xi32>
      %and3A_111 = arith.andi %add3A_106, %and3A_110 : vector<16xi32>
      %and3A_112 = arith.constant 15 : i32
      %and3A_113 = arith.andi %add3A, %and3A_112 : i32
      %mul3A_114 = arith.constant 128 : i32
      %mul3A_115 = arith.muli %and3A_113, %mul3A_114 : i32
      %add3A_116 = arith.constant 16384 : i32
      %add3A_117 = arith.addi %add3A_116, %mul3A_115 : i32
      %add3A_118 = arith.constant 0 : i32
      %add3A_119 = arith.addi %add3A_117, %add3A_118 : i32
      %iota3A_120 = tpu.iota {dimensions = array<i32: 0>} : vector<16xi32>
      %add3A_121 = vector.broadcast %add3A_119 : i32 to vector<16xi32>
      %add3A_122 = arith.addi %add3A_121, %iota3A_120 : vector<16xi32>
      tpu.vector_store_idx %arg21[%shift_right_arithmetic3A_108, %and3A_111], %add3A_122 : memref<107x128xi32, #tpu.memory_space<vmem>>[vector<16xi32>, vector<16xi32>], vector<16xi32>,
      %add3A_123 = arith.constant 16 : i32
      %add3A_124 = vector.broadcast %add3A_123 : i32 to vector<16xi32>
      %add3A_125 = arith.addi %scan3A_100#1, %add3A_124 : vector<16xi32>
      %iota3A_126 = tpu.iota {dimensions = array<i32: 0>} : vector<16xi32>
      %add3A_127 = arith.addi %add3A_125, %iota3A_126 : vector<16xi32>
      %shift_right_arithmetic3A_128 = arith.constant 7 : i32
      %shift_right_arithmetic3A_129 = vector.broadcast %shift_right_arithmetic3A_128 : i32 to vector<16xi32>
      %shift_right_arithmetic3A_130 = arith.shrsi %add3A_127, %shift_right_arithmetic3A_129 : vector<16xi32>
      %and3A_131 = arith.constant 127 : i32
      %and3A_132 = vector.broadcast %and3A_131 : i32 to vector<16xi32>
      %and3A_133 = arith.andi %add3A_127, %and3A_132 : vector<16xi32>
      %and3A_134 = arith.constant 15 : i32
      %and3A_135 = arith.andi %add3A, %and3A_134 : i32
      %mul3A_136 = arith.constant 128 : i32
      %mul3A_137 = arith.muli %and3A_135, %mul3A_136 : i32
      %add3A_138 = arith.constant 16384 : i32
      %add3A_139 = arith.addi %add3A_138, %mul3A_137 : i32
      %add3A_140 = arith.constant 16 : i32
      %add3A_141 = arith.addi %add3A_139, %add3A_140 : i32
      %iota3A_142 = tpu.iota {dimensions = array<i32: 0>} : vector<16xi32>
      %add3A_143 = vector.broadcast %add3A_141 : i32 to vector<16xi32>
      %add3A_144 = arith.addi %add3A_143, %iota3A_142 : vector<16xi32>
      tpu.vector_store_idx %arg21[%shift_right_arithmetic3A_130, %and3A_133], %add3A_144 : memref<107x128xi32, #tpu.memory_space<vmem>>[vector<16xi32>, vector<16xi32>], vector<16xi32>,
      %add3A_145 = arith.constant 32 : i32
      %add3A_146 = vector.broadcast %add3A_145 : i32 to vector<16xi32>
      %add3A_147 = arith.addi %scan3A_100#1, %add3A_146 : vector<16xi32>
      %iota3A_148 = tpu.iota {dimensions = array<i32: 0>} : vector<16xi32>
      %add3A_149 = arith.addi %add3A_147, %iota3A_148 : vector<16xi32>
      %shift_right_arithmetic3A_150 = arith.constant 7 : i32
      %shift_right_arithmetic3A_151 = vector.broadcast %shift_right_arithmetic3A_150 : i32 to vector<16xi32>
      %shift_right_arithmetic3A_152 = arith.shrsi %add3A_149, %shift_right_arithmetic3A_151 : vector<16xi32>
      %and3A_153 = arith.constant 127 : i32
      %and3A_154 = vector.broadcast %and3A_153 : i32 to vector<16xi32>
      %and3A_155 = arith.andi %add3A_149, %and3A_154 : vector<16xi32>
      %and3A_156 = arith.constant 15 : i32
      %and3A_157 = arith.andi %add3A, %and3A_156 : i32
      %mul3A_158 = arith.constant 128 : i32
      %mul3A_159 = arith.muli %and3A_157, %mul3A_158 : i32
      %add3A_160 = arith.constant 16384 : i32
      %add3A_161 = arith.addi %add3A_160, %mul3A_159 : i32
      %add3A_162 = arith.constant 32 : i32
      %add3A_163 = arith.addi %add3A_161, %add3A_162 : i32
      %iota3A_164 = tpu.iota {dimensions = array<i32: 0>} : vector<16xi32>
      %add3A_165 = vector.broadcast %add3A_163 : i32 to vector<16xi32>
      %add3A_166 = arith.addi %add3A_165, %iota3A_164 : vector<16xi32>
      tpu.vector_store_idx %arg21[%shift_right_arithmetic3A_152, %and3A_155], %add3A_166 : memref<107x128xi32, #tpu.memory_space<vmem>>[vector<16xi32>, vector<16xi32>], vector<16xi32>,
      %add3A_167 = arith.constant 48 : i32
      %add3A_168 = vector.broadcast %add3A_167 : i32 to vector<16xi32>
      %add3A_169 = arith.addi %scan3A_100#1, %add3A_168 : vector<16xi32>
      %iota3A_170 = tpu.iota {dimensions = array<i32: 0>} : vector<16xi32>
      %add3A_171 = arith.addi %add3A_169, %iota3A_170 : vector<16xi32>
      %shift_right_arithmetic3A_172 = arith.constant 7 : i32
      %shift_right_arithmetic3A_173 = vector.broadcast %shift_right_arithmetic3A_172 : i32 to vector<16xi32>
      %shift_right_arithmetic3A_174 = arith.shrsi %add3A_171, %shift_right_arithmetic3A_173 : vector<16xi32>
      %and3A_175 = arith.constant 127 : i32
      %and3A_176 = vector.broadcast %and3A_175 : i32 to vector<16xi32>
      %and3A_177 = arith.andi %add3A_171, %and3A_176 : vector<16xi32>
      %and3A_178 = arith.constant 15 : i32
      %and3A_179 = arith.andi %add3A, %and3A_178 : i32
      %mul3A_180 = arith.constant 128 : i32
      %mul3A_181 = arith.muli %and3A_179, %mul3A_180 : i32
      %add3A_182 = arith.constant 16384 : i32
      %add3A_183 = arith.addi %add3A_182, %mul3A_181 : i32
      %add3A_184 = arith.constant 48 : i32
      %add3A_185 = arith.addi %add3A_183, %add3A_184 : i32
      %iota3A_186 = tpu.iota {dimensions = array<i32: 0>} : vector<16xi32>
      %add3A_187 = vector.broadcast %add3A_185 : i32 to vector<16xi32>
      %add3A_188 = arith.addi %add3A_187, %iota3A_186 : vector<16xi32>
      tpu.vector_store_idx %arg21[%shift_right_arithmetic3A_174, %and3A_177], %add3A_188 : memref<107x128xi32, #tpu.memory_space<vmem>>[vector<16xi32>, vector<16xi32>], vector<16xi32>,
      %add3A_189 = arith.constant 64 : i32
      %add3A_190 = vector.broadcast %add3A_189 : i32 to vector<16xi32>
      %add3A_191 = arith.addi %scan3A_100#1, %add3A_190 : vector<16xi32>
      %iota3A_192 = tpu.iota {dimensions = array<i32: 0>} : vector<16xi32>
      %add3A_193 = arith.addi %add3A_191, %iota3A_192 : vector<16xi32>
      %shift_right_arithmetic3A_194 = arith.constant 7 : i32
      %shift_right_arithmetic3A_195 = vector.broadcast %shift_right_arithmetic3A_194 : i32 to vector<16xi32>
      %shift_right_arithmetic3A_196 = arith.shrsi %add3A_193, %shift_right_arithmetic3A_195 : vector<16xi32>
      %and3A_197 = arith.constant 127 : i32
      %and3A_198 = vector.broadcast %and3A_197 : i32 to vector<16xi32>
      %and3A_199 = arith.andi %add3A_193, %and3A_198 : vector<16xi32>
      %and3A_200 = arith.constant 15 : i32
      %and3A_201 = arith.andi %add3A, %and3A_200 : i32
      %mul3A_202 = arith.constant 128 : i32
      %mul3A_203 = arith.muli %and3A_201, %mul3A_202 : i32
      %add3A_204 = arith.constant 16384 : i32
      %add3A_205 = arith.addi %add3A_204, %mul3A_203 : i32
      %add3A_206 = arith.constant 64 : i32
      %add3A_207 = arith.addi %add3A_205, %add3A_206 : i32
      %iota3A_208 = tpu.iota {dimensions = array<i32: 0>} : vector<16xi32>
      %add3A_209 = vector.broadcast %add3A_207 : i32 to vector<16xi32>
      %add3A_210 = arith.addi %add3A_209, %iota3A_208 : vector<16xi32>
      tpu.vector_store_idx %arg21[%shift_right_arithmetic3A_196, %and3A_199], %add3A_210 : memref<107x128xi32, #tpu.memory_space<vmem>>[vector<16xi32>, vector<16xi32>], vector<16xi32>,
      %add3A_211 = arith.constant 80 : i32
      %add3A_212 = vector.broadcast %add3A_211 : i32 to vector<16xi32>
      %add3A_213 = arith.addi %scan3A_100#1, %add3A_212 : vector<16xi32>
      %iota3A_214 = tpu.iota {dimensions = array<i32: 0>} : vector<16xi32>
      %add3A_215 = arith.addi %add3A_213, %iota3A_214 : vector<16xi32>
      %shift_right_arithmetic3A_216 = arith.constant 7 : i32
      %shift_right_arithmetic3A_217 = vector.broadcast %shift_right_arithmetic3A_216 : i32 to vector<16xi32>
      %shift_right_arithmetic3A_218 = arith.shrsi %add3A_215, %shift_right_arithmetic3A_217 : vector<16xi32>
      %and3A_219 = arith.constant 127 : i32
      %and3A_220 = vector.broadcast %and3A_219 : i32 to vector<16xi32>
      %and3A_221 = arith.andi %add3A_215, %and3A_220 : vector<16xi32>
      %and3A_222 = arith.constant 15 : i32
      %and3A_223 = arith.andi %add3A, %and3A_222 : i32
      %mul3A_224 = arith.constant 128 : i32
      %mul3A_225 = arith.muli %and3A_223, %mul3A_224 : i32
      %add3A_226 = arith.constant 16384 : i32
      %add3A_227 = arith.addi %add3A_226, %mul3A_225 : i32
      %add3A_228 = arith.constant 80 : i32
      %add3A_229 = arith.addi %add3A_227, %add3A_228 : i32
      %iota3A_230 = tpu.iota {dimensions = array<i32: 0>} : vector<16xi32>
      %add3A_231 = vector.broadcast %add3A_229 : i32 to vector<16xi32>
      %add3A_232 = arith.addi %add3A_231, %iota3A_230 : vector<16xi32>
      tpu.vector_store_idx %arg21[%shift_right_arithmetic3A_218, %and3A_221], %add3A_232 : memref<107x128xi32, #tpu.memory_space<vmem>>[vector<16xi32>, vector<16xi32>], vector<16xi32>,
      %add3A_233 = arith.constant 96 : i32
      %add3A_234 = vector.broadcast %add3A_233 : i32 to vector<16xi32>
      %add3A_235 = arith.addi %scan3A_100#1, %add3A_234 : vector<16xi32>
      %iota3A_236 = tpu.iota {dimensions = array<i32: 0>} : vector<16xi32>
      %add3A_237 = arith.addi %add3A_235, %iota3A_236 : vector<16xi32>
      %shift_right_arithmetic3A_238 = arith.constant 7 : i32
      %shift_right_arithmetic3A_239 = vector.broadcast %shift_right_arithmetic3A_238 : i32 to vector<16xi32>
      %shift_right_arithmetic3A_240 = arith.shrsi %add3A_237, %shift_right_arithmetic3A_239 : vector<16xi32>
      %and3A_241 = arith.constant 127 : i32
      %and3A_242 = vector.broadcast %and3A_241 : i32 to vector<16xi32>
      %and3A_243 = arith.andi %add3A_237, %and3A_242 : vector<16xi32>
      %and3A_244 = arith.constant 15 : i32
      %and3A_245 = arith.andi %add3A, %and3A_244 : i32
      %mul3A_246 = arith.constant 128 : i32
      %mul3A_247 = arith.muli %and3A_245, %mul3A_246 : i32
      %add3A_248 = arith.constant 16384 : i32
      %add3A_249 = arith.addi %add3A_248, %mul3A_247 : i32
      %add3A_250 = arith.constant 96 : i32
      %add3A_251 = arith.addi %add3A_249, %add3A_250 : i32
      %iota3A_252 = tpu.iota {dimensions = array<i32: 0>} : vector<16xi32>
      %add3A_253 = vector.broadcast %add3A_251 : i32 to vector<16xi32>
      %add3A_254 = arith.addi %add3A_253, %iota3A_252 : vector<16xi32>
      tpu.vector_store_idx %arg21[%shift_right_arithmetic3A_240, %and3A_243], %add3A_254 : memref<107x128xi32, #tpu.memory_space<vmem>>[vector<16xi32>, vector<16xi32>], vector<16xi32>,
      %add3A_255 = arith.constant 112 : i32
      %add3A_256 = vector.broadcast %add3A_255 : i32 to vector<16xi32>
      %add3A_257 = arith.addi %scan3A_100#1, %add3A_256 : vector<16xi32>
      %iota3A_258 = tpu.iota {dimensions = array<i32: 0>} : vector<16xi32>
      %add3A_259 = arith.addi %add3A_257, %iota3A_258 : vector<16xi32>
      %shift_right_arithmetic3A_260 = arith.constant 7 : i32
      %shift_right_arithmetic3A_261 = vector.broadcast %shift_right_arithmetic3A_260 : i32 to vector<16xi32>
      %shift_right_arithmetic3A_262 = arith.shrsi %add3A_259, %shift_right_arithmetic3A_261 : vector<16xi32>
      %and3A_263 = arith.constant 127 : i32
      %and3A_264 = vector.broadcast %and3A_263 : i32 to vector<16xi32>
      %and3A_265 = arith.andi %add3A_259, %and3A_264 : vector<16xi32>
      %and3A_266 = arith.constant 15 : i32
      %and3A_267 = arith.andi %add3A, %and3A_266 : i32
      %mul3A_268 = arith.constant 128 : i32
      %mul3A_269 = arith.muli %and3A_267, %mul3A_268 : i32
      %add3A_270 = arith.constant 16384 : i32
      %add3A_271 = arith.addi %add3A_270, %mul3A_269 : i32
      %add3A_272 = arith.constant 112 : i32
      %add3A_273 = arith.addi %add3A_271, %add3A_272 : i32
      %iota3A_274 = tpu.iota {dimensions = array<i32: 0>} : vector<16xi32>
      %add3A_275 = vector.broadcast %add3A_273 : i32 to vector<16xi32>
      %add3A_276 = arith.addi %add3A_275, %iota3A_274 : vector<16xi32>
      tpu.vector_store_idx %arg21[%shift_right_arithmetic3A_262, %and3A_265], %add3A_276 : memref<107x128xi32, #tpu.memory_space<vmem>>[vector<16xi32>, vector<16xi32>], vector<16xi32>,
      %reduce_max3A_277 = arith.constant true
      %reduce_max3A_278 = vector.broadcast %reduce_max3A_277 : i1 to vector<16xi1>
      %reduce_max3A_279 = arith.constant -2147483648 : i32
      %reduce_max3A_280 = vector.broadcast %reduce_max3A_279 : i32 to vector<16xi32>
      %reduce_max3A_281 = arith.xori %scan3A_100#1, %reduce_max3A_280 : vector<16xi32>
      %reduce_max3A_282 = tpu.scan <max>, %reduce_max3A_281 masked %reduce_max3A_278 : vector<16xi32>, vector<16xi1> -> vector<16xi32>
      %reduce_max3A_283 = arith.xori %reduce_max3A_282, %reduce_max3A_280 : vector<16xi32>
      %reduce_max3A_284 = vector.extract %reduce_max3A_283[15] : i32 from vector<16xi32>
      %add3A_285 = arith.constant 127 : i32
      %add3A_286 = arith.addi %reduce_max3A_284, %add3A_285 : i32
      %shift_right_arithmetic3A_287 = arith.constant 7 : i32
      %shift_right_arithmetic3A_288 = arith.shrsi %add3A_286, %shift_right_arithmetic3A_287 : i32
      %add3A_289 = arith.constant 3 : i32
      %add3A_290 = arith.addi %shift_right_arithmetic3A_288, %add3A_289 : i32
      %shift_right_arithmetic3A_291 = arith.constant 2 : i32
      %shift_right_arithmetic3A_292 = arith.shrsi %add3A_290, %shift_right_arithmetic3A_291 : i32
      %while3A = arith.constant 0 : i32
      %while3A_293 = arith.constant 0 : i32
      %while3A_294 = arith.subi %shift_right_arithmetic3A_292, %while3A : i32
      %while3A_295 = arith.addi %while3A, %while3A_294 : i32
      %while3A_296 = arith.constant 1 : i32
      %while3A_297 = arith.divsi %while3A_294, %while3A_296 : i32
      %while3A_298 = arith.muli %while3A_297, %while3A_296 : i32
      %while3A_299 = arith.addi %while3A, %while3A_298 : i32
      %while3A_300 = arith.constant 1 : i32
      %while3A_301 = scf.for %while3A_338 = %while3A to %while3A_299 step %while3A_300 iter_args(%while3A_339 = %while3A_293) -> (i32)  : i32 {
        %mul3A_340 = arith.constant 4 : i32
        %mul3A_341 = arith.muli %while3A_338, %mul3A_340 : i32
        %add3A_342 = arith.constant 0 : i32
        %add3A_343 = arith.addi %mul3A_341, %add3A_342 : i32
        %sub3A_344 = arith.constant 1 : i32
        %sub3A_345 = arith.subi %shift_right_arithmetic3A_288, %sub3A_344 : i32
        %min3A = arith.minsi %add3A_343, %sub3A_345 : i32
        %mul3A_346 = arith.constant 128 : i32
        %mul3A_347 = arith.muli %min3A, %mul3A_346 : i32
        %dma_start3A = tpu.memref_slice %arg22[%mul3A_347] : memref<13696xi32, #tpu.memory_space<vmem>> -> memref<128xi32, #tpu.memory_space<vmem>>
        %dma_start3A_348 = arith.constant 0 : i32
        %dma_start3A_349 = tpu.memref_slice %arg21[%min3A, %dma_start3A_348] : memref<107x128xi32, #tpu.memory_space<vmem>> -> memref<1x128xi32, #tpu.memory_space<vmem>>
        %dma_start3A_350 = tpu.memref_squeeze %dma_start3A_349 : memref<1x128xi32, #tpu.memory_space<vmem>> -> memref<128xi32, #tpu.memory_space<vmem>>
        %dma_start3A_351 = arith.constant 0 : i32
        %dma_start3A_352 = tpu.memref_slice %arg8[%dma_start3A_351] : memref<18432xi32, #tpu.memory_space<hbm>> -> memref<18432xi32, #tpu.memory_space<hbm>>
        tpu.enqueue_indirect_dma source(%dma_start3A : memref<128xi32, #tpu.memory_space<vmem>>) target(%dma_start3A_352 : memref<18432xi32, #tpu.memory_space<hbm>>) offsets(%dma_start3A_350 : memref<128xi32, #tpu.memory_space<vmem>>) semaphore(%arg29 : memref<!tpu.dma_semaphore, #tpu.memory_space<semaphore_mem>>)
        %mul3A_353 = arith.constant 128 : i32
        %mul3A_354 = arith.muli %min3A, %mul3A_353 : i32
        %dma_start3A_355 = tpu.memref_slice %arg23[%mul3A_354] : memref<13696xi32, #tpu.memory_space<vmem>> -> memref<128xi32, #tpu.memory_space<vmem>>
        %dma_start3A_356 = arith.constant 0 : i32
        %dma_start3A_357 = tpu.memref_slice %arg21[%min3A, %dma_start3A_356] : memref<107x128xi32, #tpu.memory_space<vmem>> -> memref<1x128xi32, #tpu.memory_space<vmem>>
        %dma_start3A_358 = tpu.memref_squeeze %dma_start3A_357 : memref<1x128xi32, #tpu.memory_space<vmem>> -> memref<128xi32, #tpu.memory_space<vmem>>
        %dma_start3A_359 = arith.constant 0 : i32
        %dma_start3A_360 = tpu.memref_slice %arg9[%dma_start3A_359] : memref<18432xi32, #tpu.memory_space<hbm>> -> memref<18432xi32, #tpu.memory_space<hbm>>
        tpu.enqueue_indirect_dma source(%dma_start3A_355 : memref<128xi32, #tpu.memory_space<vmem>>) target(%dma_start3A_360 : memref<18432xi32, #tpu.memory_space<hbm>>) offsets(%dma_start3A_358 : memref<128xi32, #tpu.memory_space<vmem>>) semaphore(%arg29 : memref<!tpu.dma_semaphore, #tpu.memory_space<semaphore_mem>>)
        %mul3A_361 = arith.constant 4 : i32
        %mul3A_362 = arith.muli %while3A_338, %mul3A_361 : i32
        %add3A_363 = arith.constant 1 : i32
        %add3A_364 = arith.addi %mul3A_362, %add3A_363 : i32
        %sub3A_365 = arith.constant 1 : i32
        %sub3A_366 = arith.subi %shift_right_arithmetic3A_288, %sub3A_365 : i32
        %min3A_367 = arith.minsi %add3A_364, %sub3A_366 : i32
        %mul3A_368 = arith.constant 128 : i32
        %mul3A_369 = arith.muli %min3A_367, %mul3A_368 : i32
        %dma_start3A_370 = tpu.memref_slice %arg22[%mul3A_369] : memref<13696xi32, #tpu.memory_space<vmem>> -> memref<128xi32, #tpu.memory_space<vmem>>
        %dma_start3A_371 = arith.constant 0 : i32
        %dma_start3A_372 = tpu.memref_slice %arg21[%min3A_367, %dma_start3A_371] : memref<107x128xi32, #tpu.memory_space<vmem>> -> memref<1x128xi32, #tpu.memory_space<vmem>>
        %dma_start3A_373 = tpu.memref_squeeze %dma_start3A_372 : memref<1x128xi32, #tpu.memory_space<vmem>> -> memref<128xi32, #tpu.memory_space<vmem>>
        %dma_start3A_374 = arith.constant 0 : i32
        %dma_start3A_375 = tpu.memref_slice %arg8[%dma_start3A_374] : memref<18432xi32, #tpu.memory_space<hbm>> -> memref<18432xi32, #tpu.memory_space<hbm>>
        tpu.enqueue_indirect_dma source(%dma_start3A_370 : memref<128xi32, #tpu.memory_space<vmem>>) target(%dma_start3A_375 : memref<18432xi32, #tpu.memory_space<hbm>>) offsets(%dma_start3A_373 : memref<128xi32, #tpu.memory_space<vmem>>) semaphore(%arg29 : memref<!tpu.dma_semaphore, #tpu.memory_space<semaphore_mem>>)
        %mul3A_376 = arith.constant 128 : i32
        %mul3A_377 = arith.muli %min3A_367, %mul3A_376 : i32
        %dma_start3A_378 = tpu.memref_slice %arg23[%mul3A_377] : memref<13696xi32, #tpu.memory_space<vmem>> -> memref<128xi32, #tpu.memory_space<vmem>>
        %dma_start3A_379 = arith.constant 0 : i32
        %dma_start3A_380 = tpu.memref_slice %arg21[%min3A_367, %dma_start3A_379] : memref<107x128xi32, #tpu.memory_space<vmem>> -> memref<1x128xi32, #tpu.memory_space<vmem>>
        %dma_start3A_381 = tpu.memref_squeeze %dma_start3A_380 : memref<1x128xi32, #tpu.memory_space<vmem>> -> memref<128xi32, #tpu.memory_space<vmem>>
        %dma_start3A_382 = arith.constant 0 : i32
        %dma_start3A_383 = tpu.memref_slice %arg9[%dma_start3A_382] : memref<18432xi32, #tpu.memory_space<hbm>> -> memref<18432xi32, #tpu.memory_space<hbm>>
        tpu.enqueue_indirect_dma source(%dma_start3A_378 : memref<128xi32, #tpu.memory_space<vmem>>) target(%dma_start3A_383 : memref<18432xi32, #tpu.memory_space<hbm>>) offsets(%dma_start3A_381 : memref<128xi32, #tpu.memory_space<vmem>>) semaphore(%arg29 : memref<!tpu.dma_semaphore, #tpu.memory_space<semaphore_mem>>)
        %mul3A_384 = arith.constant 4 : i32
        %mul3A_385 = arith.muli %while3A_338, %mul3A_384 : i32
        %add3A_386 = arith.constant 2 : i32
        %add3A_387 = arith.addi %mul3A_385, %add3A_386 : i32
        %sub3A_388 = arith.constant 1 : i32
        %sub3A_389 = arith.subi %shift_right_arithmetic3A_288, %sub3A_388 : i32
        %min3A_390 = arith.minsi %add3A_387, %sub3A_389 : i32
        %mul3A_391 = arith.constant 128 : i32
        %mul3A_392 = arith.muli %min3A_390, %mul3A_391 : i32
        %dma_start3A_393 = tpu.memref_slice %arg22[%mul3A_392] : memref<13696xi32, #tpu.memory_space<vmem>> -> memref<128xi32, #tpu.memory_space<vmem>>
        %dma_start3A_394 = arith.constant 0 : i32
        %dma_start3A_395 = tpu.memref_slice %arg21[%min3A_390, %dma_start3A_394] : memref<107x128xi32, #tpu.memory_space<vmem>> -> memref<1x128xi32, #tpu.memory_space<vmem>>
        %dma_start3A_396 = tpu.memref_squeeze %dma_start3A_395 : memref<1x128xi32, #tpu.memory_space<vmem>> -> memref<128xi32, #tpu.memory_space<vmem>>
        %dma_start3A_397 = arith.constant 0 : i32
        %dma_start3A_398 = tpu.memref_slice %arg8[%dma_start3A_397] : memref<18432xi32, #tpu.memory_space<hbm>> -> memref<18432xi32, #tpu.memory_space<hbm>>
        tpu.enqueue_indirect_dma source(%dma_start3A_393 : memref<128xi32, #tpu.memory_space<vmem>>) target(%dma_start3A_398 : memref<18432xi32, #tpu.memory_space<hbm>>) offsets(%dma_start3A_396 : memref<128xi32, #tpu.memory_space<vmem>>) semaphore(%arg29 : memref<!tpu.dma_semaphore, #tpu.memory_space<semaphore_mem>>)
        %mul3A_399 = arith.constant 128 : i32
        %mul3A_400 = arith.muli %min3A_390, %mul3A_399 : i32
        %dma_start3A_401 = tpu.memref_slice %arg23[%mul3A_400] : memref<13696xi32, #tpu.memory_space<vmem>> -> memref<128xi32, #tpu.memory_space<vmem>>
        %dma_start3A_402 = arith.constant 0 : i32
        %dma_start3A_403 = tpu.memref_slice %arg21[%min3A_390, %dma_start3A_402] : memref<107x128xi32, #tpu.memory_space<vmem>> -> memref<1x128xi32, #tpu.memory_space<vmem>>
        %dma_start3A_404 = tpu.memref_squeeze %dma_start3A_403 : memref<1x128xi32, #tpu.memory_space<vmem>> -> memref<128xi32, #tpu.memory_space<vmem>>
        %dma_start3A_405 = arith.constant 0 : i32
        %dma_start3A_406 = tpu.memref_slice %arg9[%dma_start3A_405] : memref<18432xi32, #tpu.memory_space<hbm>> -> memref<18432xi32, #tpu.memory_space<hbm>>
        tpu.enqueue_indirect_dma source(%dma_start3A_401 : memref<128xi32, #tpu.memory_space<vmem>>) target(%dma_start3A_406 : memref<18432xi32, #tpu.memory_space<hbm>>) offsets(%dma_start3A_404 : memref<128xi32, #tpu.memory_space<vmem>>) semaphore(%arg29 : memref<!tpu.dma_semaphore, #tpu.memory_space<semaphore_mem>>)
        %mul3A_407 = arith.constant 4 : i32
        %mul3A_408 = arith.muli %while3A_338, %mul3A_407 : i32
        %add3A_409 = arith.constant 3 : i32
        %add3A_410 = arith.addi %mul3A_408, %add3A_409 : i32
        %sub3A_411 = arith.constant 1 : i32
        %sub3A_412 = arith.subi %shift_right_arithmetic3A_288, %sub3A_411 : i32
        %min3A_413 = arith.minsi %add3A_410, %sub3A_412 : i32
        %mul3A_414 = arith.constant 128 : i32
        %mul3A_415 = arith.muli %min3A_413, %mul3A_414 : i32
        %dma_start3A_416 = tpu.memref_slice %arg22[%mul3A_415] : memref<13696xi32, #tpu.memory_space<vmem>> -> memref<128xi32, #tpu.memory_space<vmem>>
        %dma_start3A_417 = arith.constant 0 : i32
        %dma_start3A_418 = tpu.memref_slice %arg21[%min3A_413, %dma_start3A_417] : memref<107x128xi32, #tpu.memory_space<vmem>> -> memref<1x128xi32, #tpu.memory_space<vmem>>
        %dma_start3A_419 = tpu.memref_squeeze %dma_start3A_418 : memref<1x128xi32, #tpu.memory_space<vmem>> -> memref<128xi32, #tpu.memory_space<vmem>>
        %dma_start3A_420 = arith.constant 0 : i32
        %dma_start3A_421 = tpu.memref_slice %arg8[%dma_start3A_420] : memref<18432xi32, #tpu.memory_space<hbm>> -> memref<18432xi32, #tpu.memory_space<hbm>>
        tpu.enqueue_indirect_dma source(%dma_start3A_416 : memref<128xi32, #tpu.memory_space<vmem>>) target(%dma_start3A_421 : memref<18432xi32, #tpu.memory_space<hbm>>) offsets(%dma_start3A_419 : memref<128xi32, #tpu.memory_space<vmem>>) semaphore(%arg29 : memref<!tpu.dma_semaphore, #tpu.memory_space<semaphore_mem>>)
        %mul3A_422 = arith.constant 128 : i32
        %mul3A_423 = arith.muli %min3A_413, %mul3A_422 : i32
        %dma_start3A_424 = tpu.memref_slice %arg23[%mul3A_423] : memref<13696xi32, #tpu.memory_space<vmem>> -> memref<128xi32, #tpu.memory_space<vmem>>
        %dma_start3A_425 = arith.constant 0 : i32
        %dma_start3A_426 = tpu.memref_slice %arg21[%min3A_413, %dma_start3A_425] : memref<107x128xi32, #tpu.memory_space<vmem>> -> memref<1x128xi32, #tpu.memory_space<vmem>>
        %dma_start3A_427 = tpu.memref_squeeze %dma_start3A_426 : memref<1x128xi32, #tpu.memory_space<vmem>> -> memref<128xi32, #tpu.memory_space<vmem>>
        %dma_start3A_428 = arith.constant 0 : i32
        %dma_start3A_429 = tpu.memref_slice %arg9[%dma_start3A_428] : memref<18432xi32, #tpu.memory_space<hbm>> -> memref<18432xi32, #tpu.memory_space<hbm>>
        tpu.enqueue_indirect_dma source(%dma_start3A_424 : memref<128xi32, #tpu.memory_space<vmem>>) target(%dma_start3A_429 : memref<18432xi32, #tpu.memory_space<hbm>>) offsets(%dma_start3A_427 : memref<128xi32, #tpu.memory_space<vmem>>) semaphore(%arg29 : memref<!tpu.dma_semaphore, #tpu.memory_space<semaphore_mem>>)
        %mul3A_430 = arith.constant 4 : i32
        %mul3A_431 = arith.muli %while3A_338, %mul3A_430 : i32
        %add3A_432 = arith.constant 0 : i32
        %add3A_433 = arith.addi %mul3A_431, %add3A_432 : i32
        %sub3A_434 = arith.constant 1 : i32
        %sub3A_435 = arith.subi %shift_right_arithmetic3A_288, %sub3A_434 : i32
        %min3A_436 = arith.minsi %add3A_433, %sub3A_435 : i32
        %mul3A_437 = arith.constant 128 : i32
        %mul3A_438 = arith.muli %min3A_436, %mul3A_437 : i32
        %dma_wait3A = tpu.memref_slice %arg22[%mul3A_438] : memref<13696xi32, #tpu.memory_space<vmem>> -> memref<128xi32, #tpu.memory_space<vmem>>
        %dma_wait3A_439 = arith.constant 0 : i32
        %dma_wait3A_440 = tpu.memref_slice %arg21[%min3A_436, %dma_wait3A_439] : memref<107x128xi32, #tpu.memory_space<vmem>> -> memref<1x128xi32, #tpu.memory_space<vmem>>
        %dma_wait3A_441 = tpu.memref_squeeze %dma_wait3A_440 : memref<1x128xi32, #tpu.memory_space<vmem>> -> memref<128xi32, #tpu.memory_space<vmem>>
        %dma_wait3A_442 = arith.constant 0 : i32
        %dma_wait3A_443 = tpu.memref_slice %arg8[%dma_wait3A_442] : memref<18432xi32, #tpu.memory_space<hbm>> -> memref<18432xi32, #tpu.memory_space<hbm>>
        tpu.wait_indirect_dma semaphore(%arg29 : memref<!tpu.dma_semaphore, #tpu.memory_space<semaphore_mem>>) src(%dma_wait3A : memref<128xi32, #tpu.memory_space<vmem>>) dst(%dma_wait3A_443 : memref<18432xi32, #tpu.memory_space<hbm>>)
        %mul3A_444 = arith.constant 128 : i32
        %mul3A_445 = arith.muli %min3A_436, %mul3A_444 : i32
        %dma_wait3A_446 = tpu.memref_slice %arg23[%mul3A_445] : memref<13696xi32, #tpu.memory_space<vmem>> -> memref<128xi32, #tpu.memory_space<vmem>>
        %dma_wait3A_447 = arith.constant 0 : i32
        %dma_wait3A_448 = tpu.memref_slice %arg21[%min3A_436, %dma_wait3A_447] : memref<107x128xi32, #tpu.memory_space<vmem>> -> memref<1x128xi32, #tpu.memory_space<vmem>>
        %dma_wait3A_449 = tpu.memref_squeeze %dma_wait3A_448 : memref<1x128xi32, #tpu.memory_space<vmem>> -> memref<128xi32, #tpu.memory_space<vmem>>
        %dma_wait3A_450 = arith.constant 0 : i32
        %dma_wait3A_451 = tpu.memref_slice %arg9[%dma_wait3A_450] : memref<18432xi32, #tpu.memory_space<hbm>> -> memref<18432xi32, #tpu.memory_space<hbm>>
        tpu.wait_indirect_dma semaphore(%arg29 : memref<!tpu.dma_semaphore, #tpu.memory_space<semaphore_mem>>) src(%dma_wait3A_446 : memref<128xi32, #tpu.memory_space<vmem>>) dst(%dma_wait3A_451 : memref<18432xi32, #tpu.memory_space<hbm>>)
        %mul3A_452 = arith.constant 4 : i32
        %mul3A_453 = arith.muli %while3A_338, %mul3A_452 : i32
        %add3A_454 = arith.constant 1 : i32
        %add3A_455 = arith.addi %mul3A_453, %add3A_454 : i32
        %sub3A_456 = arith.constant 1 : i32
        %sub3A_457 = arith.subi %shift_right_arithmetic3A_288, %sub3A_456 : i32
        %min3A_458 = arith.minsi %add3A_455, %sub3A_457 : i32
        %mul3A_459 = arith.constant 128 : i32
        %mul3A_460 = arith.muli %min3A_458, %mul3A_459 : i32
        %dma_wait3A_461 = tpu.memref_slice %arg22[%mul3A_460] : memref<13696xi32, #tpu.memory_space<vmem>> -> memref<128xi32, #tpu.memory_space<vmem>>
        %dma_wait3A_462 = arith.constant 0 : i32
        %dma_wait3A_463 = tpu.memref_slice %arg21[%min3A_458, %dma_wait3A_462] : memref<107x128xi32, #tpu.memory_space<vmem>> -> memref<1x128xi32, #tpu.memory_space<vmem>>
        %dma_wait3A_464 = tpu.memref_squeeze %dma_wait3A_463 : memref<1x128xi32, #tpu.memory_space<vmem>> -> memref<128xi32, #tpu.memory_space<vmem>>
        %dma_wait3A_465 = arith.constant 0 : i32
        %dma_wait3A_466 = tpu.memref_slice %arg8[%dma_wait3A_465] : memref<18432xi32, #tpu.memory_space<hbm>> -> memref<18432xi32, #tpu.memory_space<hbm>>
        tpu.wait_indirect_dma semaphore(%arg29 : memref<!tpu.dma_semaphore, #tpu.memory_space<semaphore_mem>>) src(%dma_wait3A_461 : memref<128xi32, #tpu.memory_space<vmem>>) dst(%dma_wait3A_466 : memref<18432xi32, #tpu.memory_space<hbm>>)
        %mul3A_467 = arith.constant 128 : i32
        %mul3A_468 = arith.muli %min3A_458, %mul3A_467 : i32
        %dma_wait3A_469 = tpu.memref_slice %arg23[%mul3A_468] : memref<13696xi32, #tpu.memory_space<vmem>> -> memref<128xi32, #tpu.memory_space<vmem>>
        %dma_wait3A_470 = arith.constant 0 : i32
        %dma_wait3A_471 = tpu.memref_slice %arg21[%min3A_458, %dma_wait3A_470] : memref<107x128xi32, #tpu.memory_space<vmem>> -> memref<1x128xi32, #tpu.memory_space<vmem>>
        %dma_wait3A_472 = tpu.memref_squeeze %dma_wait3A_471 : memref<1x128xi32, #tpu.memory_space<vmem>> -> memref<128xi32, #tpu.memory_space<vmem>>
        %dma_wait3A_473 = arith.constant 0 : i32
        %dma_wait3A_474 = tpu.memref_slice %arg9[%dma_wait3A_473] : memref<18432xi32, #tpu.memory_space<hbm>> -> memref<18432xi32, #tpu.memory_space<hbm>>
        tpu.wait_indirect_dma semaphore(%arg29 : memref<!tpu.dma_semaphore, #tpu.memory_space<semaphore_mem>>) src(%dma_wait3A_469 : memref<128xi32, #tpu.memory_space<vmem>>) dst(%dma_wait3A_474 : memref<18432xi32, #tpu.memory_space<hbm>>)
        %mul3A_475 = arith.constant 4 : i32
        %mul3A_476 = arith.muli %while3A_338, %mul3A_475 : i32
        %add3A_477 = arith.constant 2 : i32
        %add3A_478 = arith.addi %mul3A_476, %add3A_477 : i32
        %sub3A_479 = arith.constant 1 : i32
        %sub3A_480 = arith.subi %shift_right_arithmetic3A_288, %sub3A_479 : i32
        %min3A_481 = arith.minsi %add3A_478, %sub3A_480 : i32
        %mul3A_482 = arith.constant 128 : i32
        %mul3A_483 = arith.muli %min3A_481, %mul3A_482 : i32
        %dma_wait3A_484 = tpu.memref_slice %arg22[%mul3A_483] : memref<13696xi32, #tpu.memory_space<vmem>> -> memref<128xi32, #tpu.memory_space<vmem>>
        %dma_wait3A_485 = arith.constant 0 : i32
        %dma_wait3A_486 = tpu.memref_slice %arg21[%min3A_481, %dma_wait3A_485] : memref<107x128xi32, #tpu.memory_space<vmem>> -> memref<1x128xi32, #tpu.memory_space<vmem>>
        %dma_wait3A_487 = tpu.memref_squeeze %dma_wait3A_486 : memref<1x128xi32, #tpu.memory_space<vmem>> -> memref<128xi32, #tpu.memory_space<vmem>>
        %dma_wait3A_488 = arith.constant 0 : i32
        %dma_wait3A_489 = tpu.memref_slice %arg8[%dma_wait3A_488] : memref<18432xi32, #tpu.memory_space<hbm>> -> memref<18432xi32, #tpu.memory_space<hbm>>
        tpu.wait_indirect_dma semaphore(%arg29 : memref<!tpu.dma_semaphore, #tpu.memory_space<semaphore_mem>>) src(%dma_wait3A_484 : memref<128xi32, #tpu.memory_space<vmem>>) dst(%dma_wait3A_489 : memref<18432xi32, #tpu.memory_space<hbm>>)
        %mul3A_490 = arith.constant 128 : i32
        %mul3A_491 = arith.muli %min3A_481, %mul3A_490 : i32
        %dma_wait3A_492 = tpu.memref_slice %arg23[%mul3A_491] : memref<13696xi32, #tpu.memory_space<vmem>> -> memref<128xi32, #tpu.memory_space<vmem>>
        %dma_wait3A_493 = arith.constant 0 : i32
        %dma_wait3A_494 = tpu.memref_slice %arg21[%min3A_481, %dma_wait3A_493] : memref<107x128xi32, #tpu.memory_space<vmem>> -> memref<1x128xi32, #tpu.memory_space<vmem>>
        %dma_wait3A_495 = tpu.memref_squeeze %dma_wait3A_494 : memref<1x128xi32, #tpu.memory_space<vmem>> -> memref<128xi32, #tpu.memory_space<vmem>>
        %dma_wait3A_496 = arith.constant 0 : i32
        %dma_wait3A_497 = tpu.memref_slice %arg9[%dma_wait3A_496] : memref<18432xi32, #tpu.memory_space<hbm>> -> memref<18432xi32, #tpu.memory_space<hbm>>
        tpu.wait_indirect_dma semaphore(%arg29 : memref<!tpu.dma_semaphore, #tpu.memory_space<semaphore_mem>>) src(%dma_wait3A_492 : memref<128xi32, #tpu.memory_space<vmem>>) dst(%dma_wait3A_497 : memref<18432xi32, #tpu.memory_space<hbm>>)
        %mul3A_498 = arith.constant 4 : i32
        %mul3A_499 = arith.muli %while3A_338, %mul3A_498 : i32
        %add3A_500 = arith.constant 3 : i32
        %add3A_501 = arith.addi %mul3A_499, %add3A_500 : i32
        %sub3A_502 = arith.constant 1 : i32
        %sub3A_503 = arith.subi %shift_right_arithmetic3A_288, %sub3A_502 : i32
        %min3A_504 = arith.minsi %add3A_501, %sub3A_503 : i32
        %mul3A_505 = arith.constant 128 : i32
        %mul3A_506 = arith.muli %min3A_504, %mul3A_505 : i32
        %dma_wait3A_507 = tpu.memref_slice %arg22[%mul3A_506] : memref<13696xi32, #tpu.memory_space<vmem>> -> memref<128xi32, #tpu.memory_space<vmem>>
        %dma_wait3A_508 = arith.constant 0 : i32
        %dma_wait3A_509 = tpu.memref_slice %arg21[%min3A_504, %dma_wait3A_508] : memref<107x128xi32, #tpu.memory_space<vmem>> -> memref<1x128xi32, #tpu.memory_space<vmem>>
        %dma_wait3A_510 = tpu.memref_squeeze %dma_wait3A_509 : memref<1x128xi32, #tpu.memory_space<vmem>> -> memref<128xi32, #tpu.memory_space<vmem>>
        %dma_wait3A_511 = arith.constant 0 : i32
        %dma_wait3A_512 = tpu.memref_slice %arg8[%dma_wait3A_511] : memref<18432xi32, #tpu.memory_space<hbm>> -> memref<18432xi32, #tpu.memory_space<hbm>>
        tpu.wait_indirect_dma semaphore(%arg29 : memref<!tpu.dma_semaphore, #tpu.memory_space<semaphore_mem>>) src(%dma_wait3A_507 : memref<128xi32, #tpu.memory_space<vmem>>) dst(%dma_wait3A_512 : memref<18432xi32, #tpu.memory_space<hbm>>)
        %mul3A_513 = arith.constant 128 : i32
        %mul3A_514 = arith.muli %min3A_504, %mul3A_513 : i32
        %dma_wait3A_515 = tpu.memref_slice %arg23[%mul3A_514] : memref<13696xi32, #tpu.memory_space<vmem>> -> memref<128xi32, #tpu.memory_space<vmem>>
        %dma_wait3A_516 = arith.constant 0 : i32
        %dma_wait3A_517 = tpu.memref_slice %arg21[%min3A_504, %dma_wait3A_516] : memref<107x128xi32, #tpu.memory_space<vmem>> -> memref<1x128xi32, #tpu.memory_space<vmem>>
        %dma_wait3A_518 = tpu.memref_squeeze %dma_wait3A_517 : memref<1x128xi32, #tpu.memory_space<vmem>> -> memref<128xi32, #tpu.memory_space<vmem>>
        %dma_wait3A_519 = arith.constant 0 : i32
        %dma_wait3A_520 = tpu.memref_slice %arg9[%dma_wait3A_519] : memref<18432xi32, #tpu.memory_space<hbm>> -> memref<18432xi32, #tpu.memory_space<hbm>>
        tpu.wait_indirect_dma semaphore(%arg29 : memref<!tpu.dma_semaphore, #tpu.memory_space<semaphore_mem>>) src(%dma_wait3A_515 : memref<128xi32, #tpu.memory_space<vmem>>) dst(%dma_wait3A_520 : memref<18432xi32, #tpu.memory_space<hbm>>)
        %while3A_521 = arith.constant 0 : i32
        scf.yield %while3A_521 : i32
      }
      %while3A_302 = arith.constant 1 : i32
      %while3A_303 = scf.for %while3A_338 = %while3A_299 to %while3A_295 step %while3A_302 iter_args(%while3A_339 = %while3A_301) -> (i32)  : i32 {
        %mul3A_340 = arith.constant 4 : i32
        %mul3A_341 = arith.muli %while3A_338, %mul3A_340 : i32
        %add3A_342 = arith.constant 0 : i32
        %add3A_343 = arith.addi %mul3A_341, %add3A_342 : i32
        %sub3A_344 = arith.constant 1 : i32
        %sub3A_345 = arith.subi %shift_right_arithmetic3A_288, %sub3A_344 : i32
        %min3A = arith.minsi %add3A_343, %sub3A_345 : i32
        %mul3A_346 = arith.constant 128 : i32
        %mul3A_347 = arith.muli %min3A, %mul3A_346 : i32
        %dma_start3A = tpu.memref_slice %arg22[%mul3A_347] : memref<13696xi32, #tpu.memory_space<vmem>> -> memref<128xi32, #tpu.memory_space<vmem>>
        %dma_start3A_348 = arith.constant 0 : i32
        %dma_start3A_349 = tpu.memref_slice %arg21[%min3A, %dma_start3A_348] : memref<107x128xi32, #tpu.memory_space<vmem>> -> memref<1x128xi32, #tpu.memory_space<vmem>>
        %dma_start3A_350 = tpu.memref_squeeze %dma_start3A_349 : memref<1x128xi32, #tpu.memory_space<vmem>> -> memref<128xi32, #tpu.memory_space<vmem>>
        %dma_start3A_351 = arith.constant 0 : i32
        %dma_start3A_352 = tpu.memref_slice %arg8[%dma_start3A_351] : memref<18432xi32, #tpu.memory_space<hbm>> -> memref<18432xi32, #tpu.memory_space<hbm>>
        tpu.enqueue_indirect_dma source(%dma_start3A : memref<128xi32, #tpu.memory_space<vmem>>) target(%dma_start3A_352 : memref<18432xi32, #tpu.memory_space<hbm>>) offsets(%dma_start3A_350 : memref<128xi32, #tpu.memory_space<vmem>>) semaphore(%arg29 : memref<!tpu.dma_semaphore, #tpu.memory_space<semaphore_mem>>)
        %mul3A_353 = arith.constant 128 : i32
        %mul3A_354 = arith.muli %min3A, %mul3A_353 : i32
        %dma_start3A_355 = tpu.memref_slice %arg23[%mul3A_354] : memref<13696xi32, #tpu.memory_space<vmem>> -> memref<128xi32, #tpu.memory_space<vmem>>
        %dma_start3A_356 = arith.constant 0 : i32
        %dma_start3A_357 = tpu.memref_slice %arg21[%min3A, %dma_start3A_356] : memref<107x128xi32, #tpu.memory_space<vmem>> -> memref<1x128xi32, #tpu.memory_space<vmem>>
        %dma_start3A_358 = tpu.memref_squeeze %dma_start3A_357 : memref<1x128xi32, #tpu.memory_space<vmem>> -> memref<128xi32, #tpu.memory_space<vmem>>
        %dma_start3A_359 = arith.constant 0 : i32
        %dma_start3A_360 = tpu.memref_slice %arg9[%dma_start3A_359] : memref<18432xi32, #tpu.memory_space<hbm>> -> memref<18432xi32, #tpu.memory_space<hbm>>
        tpu.enqueue_indirect_dma source(%dma_start3A_355 : memref<128xi32, #tpu.memory_space<vmem>>) target(%dma_start3A_360 : memref<18432xi32, #tpu.memory_space<hbm>>) offsets(%dma_start3A_358 : memref<128xi32, #tpu.memory_space<vmem>>) semaphore(%arg29 : memref<!tpu.dma_semaphore, #tpu.memory_space<semaphore_mem>>)
        %mul3A_361 = arith.constant 4 : i32
        %mul3A_362 = arith.muli %while3A_338, %mul3A_361 : i32
        %add3A_363 = arith.constant 1 : i32
        %add3A_364 = arith.addi %mul3A_362, %add3A_363 : i32
        %sub3A_365 = arith.constant 1 : i32
        %sub3A_366 = arith.subi %shift_right_arithmetic3A_288, %sub3A_365 : i32
        %min3A_367 = arith.minsi %add3A_364, %sub3A_366 : i32
        %mul3A_368 = arith.constant 128 : i32
        %mul3A_369 = arith.muli %min3A_367, %mul3A_368 : i32
        %dma_start3A_370 = tpu.memref_slice %arg22[%mul3A_369] : memref<13696xi32, #tpu.memory_space<vmem>> -> memref<128xi32, #tpu.memory_space<vmem>>
        %dma_start3A_371 = arith.constant 0 : i32
        %dma_start3A_372 = tpu.memref_slice %arg21[%min3A_367, %dma_start3A_371] : memref<107x128xi32, #tpu.memory_space<vmem>> -> memref<1x128xi32, #tpu.memory_space<vmem>>
        %dma_start3A_373 = tpu.memref_squeeze %dma_start3A_372 : memref<1x128xi32, #tpu.memory_space<vmem>> -> memref<128xi32, #tpu.memory_space<vmem>>
        %dma_start3A_374 = arith.constant 0 : i32
        %dma_start3A_375 = tpu.memref_slice %arg8[%dma_start3A_374] : memref<18432xi32, #tpu.memory_space<hbm>> -> memref<18432xi32, #tpu.memory_space<hbm>>
        tpu.enqueue_indirect_dma source(%dma_start3A_370 : memref<128xi32, #tpu.memory_space<vmem>>) target(%dma_start3A_375 : memref<18432xi32, #tpu.memory_space<hbm>>) offsets(%dma_start3A_373 : memref<128xi32, #tpu.memory_space<vmem>>) semaphore(%arg29 : memref<!tpu.dma_semaphore, #tpu.memory_space<semaphore_mem>>)
        %mul3A_376 = arith.constant 128 : i32
        %mul3A_377 = arith.muli %min3A_367, %mul3A_376 : i32
        %dma_start3A_378 = tpu.memref_slice %arg23[%mul3A_377] : memref<13696xi32, #tpu.memory_space<vmem>> -> memref<128xi32, #tpu.memory_space<vmem>>
        %dma_start3A_379 = arith.constant 0 : i32
        %dma_start3A_380 = tpu.memref_slice %arg21[%min3A_367, %dma_start3A_379] : memref<107x128xi32, #tpu.memory_space<vmem>> -> memref<1x128xi32, #tpu.memory_space<vmem>>
        %dma_start3A_381 = tpu.memref_squeeze %dma_start3A_380 : memref<1x128xi32, #tpu.memory_space<vmem>> -> memref<128xi32, #tpu.memory_space<vmem>>
        %dma_start3A_382 = arith.constant 0 : i32
        %dma_start3A_383 = tpu.memref_slice %arg9[%dma_start3A_382] : memref<18432xi32, #tpu.memory_space<hbm>> -> memref<18432xi32, #tpu.memory_space<hbm>>
        tpu.enqueue_indirect_dma source(%dma_start3A_378 : memref<128xi32, #tpu.memory_space<vmem>>) target(%dma_start3A_383 : memref<18432xi32, #tpu.memory_space<hbm>>) offsets(%dma_start3A_381 : memref<128xi32, #tpu.memory_space<vmem>>) semaphore(%arg29 : memref<!tpu.dma_semaphore, #tpu.memory_space<semaphore_mem>>)
        %mul3A_384 = arith.constant 4 : i32
        %mul3A_385 = arith.muli %while3A_338, %mul3A_384 : i32
        %add3A_386 = arith.constant 2 : i32
        %add3A_387 = arith.addi %mul3A_385, %add3A_386 : i32
        %sub3A_388 = arith.constant 1 : i32
        %sub3A_389 = arith.subi %shift_right_arithmetic3A_288, %sub3A_388 : i32
        %min3A_390 = arith.minsi %add3A_387, %sub3A_389 : i32
        %mul3A_391 = arith.constant 128 : i32
        %mul3A_392 = arith.muli %min3A_390, %mul3A_391 : i32
        %dma_start3A_393 = tpu.memref_slice %arg22[%mul3A_392] : memref<13696xi32, #tpu.memory_space<vmem>> -> memref<128xi32, #tpu.memory_space<vmem>>
        %dma_start3A_394 = arith.constant 0 : i32
        %dma_start3A_395 = tpu.memref_slice %arg21[%min3A_390, %dma_start3A_394] : memref<107x128xi32, #tpu.memory_space<vmem>> -> memref<1x128xi32, #tpu.memory_space<vmem>>
        %dma_start3A_396 = tpu.memref_squeeze %dma_start3A_395 : memref<1x128xi32, #tpu.memory_space<vmem>> -> memref<128xi32, #tpu.memory_space<vmem>>
        %dma_start3A_397 = arith.constant 0 : i32
        %dma_start3A_398 = tpu.memref_slice %arg8[%dma_start3A_397] : memref<18432xi32, #tpu.memory_space<hbm>> -> memref<18432xi32, #tpu.memory_space<hbm>>
        tpu.enqueue_indirect_dma source(%dma_start3A_393 : memref<128xi32, #tpu.memory_space<vmem>>) target(%dma_start3A_398 : memref<18432xi32, #tpu.memory_space<hbm>>) offsets(%dma_start3A_396 : memref<128xi32, #tpu.memory_space<vmem>>) semaphore(%arg29 : memref<!tpu.dma_semaphore, #tpu.memory_space<semaphore_mem>>)
        %mul3A_399 = arith.constant 128 : i32
        %mul3A_400 = arith.muli %min3A_390, %mul3A_399 : i32
        %dma_start3A_401 = tpu.memref_slice %arg23[%mul3A_400] : memref<13696xi32, #tpu.memory_space<vmem>> -> memref<128xi32, #tpu.memory_space<vmem>>
        %dma_start3A_402 = arith.constant 0 : i32
        %dma_start3A_403 = tpu.memref_slice %arg21[%min3A_390, %dma_start3A_402] : memref<107x128xi32, #tpu.memory_space<vmem>> -> memref<1x128xi32, #tpu.memory_space<vmem>>
        %dma_start3A_404 = tpu.memref_squeeze %dma_start3A_403 : memref<1x128xi32, #tpu.memory_space<vmem>> -> memref<128xi32, #tpu.memory_space<vmem>>
        %dma_start3A_405 = arith.constant 0 : i32
        %dma_start3A_406 = tpu.memref_slice %arg9[%dma_start3A_405] : memref<18432xi32, #tpu.memory_space<hbm>> -> memref<18432xi32, #tpu.memory_space<hbm>>
        tpu.enqueue_indirect_dma source(%dma_start3A_401 : memref<128xi32, #tpu.memory_space<vmem>>) target(%dma_start3A_406 : memref<18432xi32, #tpu.memory_space<hbm>>) offsets(%dma_start3A_404 : memref<128xi32, #tpu.memory_space<vmem>>) semaphore(%arg29 : memref<!tpu.dma_semaphore, #tpu.memory_space<semaphore_mem>>)
        %mul3A_407 = arith.constant 4 : i32
        %mul3A_408 = arith.muli %while3A_338, %mul3A_407 : i32
        %add3A_409 = arith.constant 3 : i32
        %add3A_410 = arith.addi %mul3A_408, %add3A_409 : i32
        %sub3A_411 = arith.constant 1 : i32
        %sub3A_412 = arith.subi %shift_right_arithmetic3A_288, %sub3A_411 : i32
        %min3A_413 = arith.minsi %add3A_410, %sub3A_412 : i32
        %mul3A_414 = arith.constant 128 : i32
        %mul3A_415 = arith.muli %min3A_413, %mul3A_414 : i32
        %dma_start3A_416 = tpu.memref_slice %arg22[%mul3A_415] : memref<13696xi32, #tpu.memory_space<vmem>> -> memref<128xi32, #tpu.memory_space<vmem>>
        %dma_start3A_417 = arith.constant 0 : i32
        %dma_start3A_418 = tpu.memref_slice %arg21[%min3A_413, %dma_start3A_417] : memref<107x128xi32, #tpu.memory_space<vmem>> -> memref<1x128xi32, #tpu.memory_space<vmem>>
        %dma_start3A_419 = tpu.memref_squeeze %dma_start3A_418 : memref<1x128xi32, #tpu.memory_space<vmem>> -> memref<128xi32, #tpu.memory_space<vmem>>
        %dma_start3A_420 = arith.constant 0 : i32
        %dma_start3A_421 = tpu.memref_slice %arg8[%dma_start3A_420] : memref<18432xi32, #tpu.memory_space<hbm>> -> memref<18432xi32, #tpu.memory_space<hbm>>
        tpu.enqueue_indirect_dma source(%dma_start3A_416 : memref<128xi32, #tpu.memory_space<vmem>>) target(%dma_start3A_421 : memref<18432xi32, #tpu.memory_space<hbm>>) offsets(%dma_start3A_419 : memref<128xi32, #tpu.memory_space<vmem>>) semaphore(%arg29 : memref<!tpu.dma_semaphore, #tpu.memory_space<semaphore_mem>>)
        %mul3A_422 = arith.constant 128 : i32
        %mul3A_423 = arith.muli %min3A_413, %mul3A_422 : i32
        %dma_start3A_424 = tpu.memref_slice %arg23[%mul3A_423] : memref<13696xi32, #tpu.memory_space<vmem>> -> memref<128xi32, #tpu.memory_space<vmem>>
        %dma_start3A_425 = arith.constant 0 : i32
        %dma_start3A_426 = tpu.memref_slice %arg21[%min3A_413, %dma_start3A_425] : memref<107x128xi32, #tpu.memory_space<vmem>> -> memref<1x128xi32, #tpu.memory_space<vmem>>
        %dma_start3A_427 = tpu.memref_squeeze %dma_start3A_426 : memref<1x128xi32, #tpu.memory_space<vmem>> -> memref<128xi32, #tpu.memory_space<vmem>>
        %dma_start3A_428 = arith.constant 0 : i32
        %dma_start3A_429 = tpu.memref_slice %arg9[%dma_start3A_428] : memref<18432xi32, #tpu.memory_space<hbm>> -> memref<18432xi32, #tpu.memory_space<hbm>>
        tpu.enqueue_indirect_dma source(%dma_start3A_424 : memref<128xi32, #tpu.memory_space<vmem>>) target(%dma_start3A_429 : memref<18432xi32, #tpu.memory_space<hbm>>) offsets(%dma_start3A_427 : memref<128xi32, #tpu.memory_space<vmem>>) semaphore(%arg29 : memref<!tpu.dma_semaphore, #tpu.memory_space<semaphore_mem>>)
        %mul3A_430 = arith.constant 4 : i32
        %mul3A_431 = arith.muli %while3A_338, %mul3A_430 : i32
        %add3A_432 = arith.constant 0 : i32
        %add3A_433 = arith.addi %mul3A_431, %add3A_432 : i32
        %sub3A_434 = arith.constant 1 : i32
        %sub3A_435 = arith.subi %shift_right_arithmetic3A_288, %sub3A_434 : i32
        %min3A_436 = arith.minsi %add3A_433, %sub3A_435 : i32
        %mul3A_437 = arith.constant 128 : i32
        %mul3A_438 = arith.muli %min3A_436, %mul3A_437 : i32
        %dma_wait3A = tpu.memref_slice %arg22[%mul3A_438] : memref<13696xi32, #tpu.memory_space<vmem>> -> memref<128xi32, #tpu.memory_space<vmem>>
        %dma_wait3A_439 = arith.constant 0 : i32
        %dma_wait3A_440 = tpu.memref_slice %arg21[%min3A_436, %dma_wait3A_439] : memref<107x128xi32, #tpu.memory_space<vmem>> -> memref<1x128xi32, #tpu.memory_space<vmem>>
        %dma_wait3A_441 = tpu.memref_squeeze %dma_wait3A_440 : memref<1x128xi32, #tpu.memory_space<vmem>> -> memref<128xi32, #tpu.memory_space<vmem>>
        %dma_wait3A_442 = arith.constant 0 : i32
        %dma_wait3A_443 = tpu.memref_slice %arg8[%dma_wait3A_442] : memref<18432xi32, #tpu.memory_space<hbm>> -> memref<18432xi32, #tpu.memory_space<hbm>>
        tpu.wait_indirect_dma semaphore(%arg29 : memref<!tpu.dma_semaphore, #tpu.memory_space<semaphore_mem>>) src(%dma_wait3A : memref<128xi32, #tpu.memory_space<vmem>>) dst(%dma_wait3A_443 : memref<18432xi32, #tpu.memory_space<hbm>>)
        %mul3A_444 = arith.constant 128 : i32
        %mul3A_445 = arith.muli %min3A_436, %mul3A_444 : i32
        %dma_wait3A_446 = tpu.memref_slice %arg23[%mul3A_445] : memref<13696xi32, #tpu.memory_space<vmem>> -> memref<128xi32, #tpu.memory_space<vmem>>
        %dma_wait3A_447 = arith.constant 0 : i32
        %dma_wait3A_448 = tpu.memref_slice %arg21[%min3A_436, %dma_wait3A_447] : memref<107x128xi32, #tpu.memory_space<vmem>> -> memref<1x128xi32, #tpu.memory_space<vmem>>
        %dma_wait3A_449 = tpu.memref_squeeze %dma_wait3A_448 : memref<1x128xi32, #tpu.memory_space<vmem>> -> memref<128xi32, #tpu.memory_space<vmem>>
        %dma_wait3A_450 = arith.constant 0 : i32
        %dma_wait3A_451 = tpu.memref_slice %arg9[%dma_wait3A_450] : memref<18432xi32, #tpu.memory_space<hbm>> -> memref<18432xi32, #tpu.memory_space<hbm>>
        tpu.wait_indirect_dma semaphore(%arg29 : memref<!tpu.dma_semaphore, #tpu.memory_space<semaphore_mem>>) src(%dma_wait3A_446 : memref<128xi32, #tpu.memory_space<vmem>>) dst(%dma_wait3A_451 : memref<18432xi32, #tpu.memory_space<hbm>>)
        %mul3A_452 = arith.constant 4 : i32
        %mul3A_453 = arith.muli %while3A_338, %mul3A_452 : i32
        %add3A_454 = arith.constant 1 : i32
        %add3A_455 = arith.addi %mul3A_453, %add3A_454 : i32
        %sub3A_456 = arith.constant 1 : i32
        %sub3A_457 = arith.subi %shift_right_arithmetic3A_288, %sub3A_456 : i32
        %min3A_458 = arith.minsi %add3A_455, %sub3A_457 : i32
        %mul3A_459 = arith.constant 128 : i32
        %mul3A_460 = arith.muli %min3A_458, %mul3A_459 : i32
        %dma_wait3A_461 = tpu.memref_slice %arg22[%mul3A_460] : memref<13696xi32, #tpu.memory_space<vmem>> -> memref<128xi32, #tpu.memory_space<vmem>>
        %dma_wait3A_462 = arith.constant 0 : i32
        %dma_wait3A_463 = tpu.memref_slice %arg21[%min3A_458, %dma_wait3A_462] : memref<107x128xi32, #tpu.memory_space<vmem>> -> memref<1x128xi32, #tpu.memory_space<vmem>>
        %dma_wait3A_464 = tpu.memref_squeeze %dma_wait3A_463 : memref<1x128xi32, #tpu.memory_space<vmem>> -> memref<128xi32, #tpu.memory_space<vmem>>
        %dma_wait3A_465 = arith.constant 0 : i32
        %dma_wait3A_466 = tpu.memref_slice %arg8[%dma_wait3A_465] : memref<18432xi32, #tpu.memory_space<hbm>> -> memref<18432xi32, #tpu.memory_space<hbm>>
        tpu.wait_indirect_dma semaphore(%arg29 : memref<!tpu.dma_semaphore, #tpu.memory_space<semaphore_mem>>) src(%dma_wait3A_461 : memref<128xi32, #tpu.memory_space<vmem>>) dst(%dma_wait3A_466 : memref<18432xi32, #tpu.memory_space<hbm>>)
        %mul3A_467 = arith.constant 128 : i32
        %mul3A_468 = arith.muli %min3A_458, %mul3A_467 : i32
        %dma_wait3A_469 = tpu.memref_slice %arg23[%mul3A_468] : memref<13696xi32, #tpu.memory_space<vmem>> -> memref<128xi32, #tpu.memory_space<vmem>>
        %dma_wait3A_470 = arith.constant 0 : i32
        %dma_wait3A_471 = tpu.memref_slice %arg21[%min3A_458, %dma_wait3A_470] : memref<107x128xi32, #tpu.memory_space<vmem>> -> memref<1x128xi32, #tpu.memory_space<vmem>>
        %dma_wait3A_472 = tpu.memref_squeeze %dma_wait3A_471 : memref<1x128xi32, #tpu.memory_space<vmem>> -> memref<128xi32, #tpu.memory_space<vmem>>
        %dma_wait3A_473 = arith.constant 0 : i32
        %dma_wait3A_474 = tpu.memref_slice %arg9[%dma_wait3A_473] : memref<18432xi32, #tpu.memory_space<hbm>> -> memref<18432xi32, #tpu.memory_space<hbm>>
        tpu.wait_indirect_dma semaphore(%arg29 : memref<!tpu.dma_semaphore, #tpu.memory_space<semaphore_mem>>) src(%dma_wait3A_469 : memref<128xi32, #tpu.memory_space<vmem>>) dst(%dma_wait3A_474 : memref<18432xi32, #tpu.memory_space<hbm>>)
        %mul3A_475 = arith.constant 4 : i32
        %mul3A_476 = arith.muli %while3A_338, %mul3A_475 : i32
        %add3A_477 = arith.constant 2 : i32
        %add3A_478 = arith.addi %mul3A_476, %add3A_477 : i32
        %sub3A_479 = arith.constant 1 : i32
        %sub3A_480 = arith.subi %shift_right_arithmetic3A_288, %sub3A_479 : i32
        %min3A_481 = arith.minsi %add3A_478, %sub3A_480 : i32
        %mul3A_482 = arith.constant 128 : i32
        %mul3A_483 = arith.muli %min3A_481, %mul3A_482 : i32
        %dma_wait3A_484 = tpu.memref_slice %arg22[%mul3A_483] : memref<13696xi32, #tpu.memory_space<vmem>> -> memref<128xi32, #tpu.memory_space<vmem>>
        %dma_wait3A_485 = arith.constant 0 : i32
        %dma_wait3A_486 = tpu.memref_slice %arg21[%min3A_481, %dma_wait3A_485] : memref<107x128xi32, #tpu.memory_space<vmem>> -> memref<1x128xi32, #tpu.memory_space<vmem>>
        %dma_wait3A_487 = tpu.memref_squeeze %dma_wait3A_486 : memref<1x128xi32, #tpu.memory_space<vmem>> -> memref<128xi32, #tpu.memory_space<vmem>>
        %dma_wait3A_488 = arith.constant 0 : i32
        %dma_wait3A_489 = tpu.memref_slice %arg8[%dma_wait3A_488] : memref<18432xi32, #tpu.memory_space<hbm>> -> memref<18432xi32, #tpu.memory_space<hbm>>
        tpu.wait_indirect_dma semaphore(%arg29 : memref<!tpu.dma_semaphore, #tpu.memory_space<semaphore_mem>>) src(%dma_wait3A_484 : memref<128xi32, #tpu.memory_space<vmem>>) dst(%dma_wait3A_489 : memref<18432xi32, #tpu.memory_space<hbm>>)
        %mul3A_490 = arith.constant 128 : i32
        %mul3A_491 = arith.muli %min3A_481, %mul3A_490 : i32
        %dma_wait3A_492 = tpu.memref_slice %arg23[%mul3A_491] : memref<13696xi32, #tpu.memory_space<vmem>> -> memref<128xi32, #tpu.memory_space<vmem>>
        %dma_wait3A_493 = arith.constant 0 : i32
        %dma_wait3A_494 = tpu.memref_slice %arg21[%min3A_481, %dma_wait3A_493] : memref<107x128xi32, #tpu.memory_space<vmem>> -> memref<1x128xi32, #tpu.memory_space<vmem>>
        %dma_wait3A_495 = tpu.memref_squeeze %dma_wait3A_494 : memref<1x128xi32, #tpu.memory_space<vmem>> -> memref<128xi32, #tpu.memory_space<vmem>>
        %dma_wait3A_496 = arith.constant 0 : i32
        %dma_wait3A_497 = tpu.memref_slice %arg9[%dma_wait3A_496] : memref<18432xi32, #tpu.memory_space<hbm>> -> memref<18432xi32, #tpu.memory_space<hbm>>
        tpu.wait_indirect_dma semaphore(%arg29 : memref<!tpu.dma_semaphore, #tpu.memory_space<semaphore_mem>>) src(%dma_wait3A_492 : memref<128xi32, #tpu.memory_space<vmem>>) dst(%dma_wait3A_497 : memref<18432xi32, #tpu.memory_space<hbm>>)
        %mul3A_498 = arith.constant 4 : i32
        %mul3A_499 = arith.muli %while3A_338, %mul3A_498 : i32
        %add3A_500 = arith.constant 3 : i32
        %add3A_501 = arith.addi %mul3A_499, %add3A_500 : i32
        %sub3A_502 = arith.constant 1 : i32
        %sub3A_503 = arith.subi %shift_right_arithmetic3A_288, %sub3A_502 : i32
        %min3A_504 = arith.minsi %add3A_501, %sub3A_503 : i32
        %mul3A_505 = arith.constant 128 : i32
        %mul3A_506 = arith.muli %min3A_504, %mul3A_505 : i32
        %dma_wait3A_507 = tpu.memref_slice %arg22[%mul3A_506] : memref<13696xi32, #tpu.memory_space<vmem>> -> memref<128xi32, #tpu.memory_space<vmem>>
        %dma_wait3A_508 = arith.constant 0 : i32
        %dma_wait3A_509 = tpu.memref_slice %arg21[%min3A_504, %dma_wait3A_508] : memref<107x128xi32, #tpu.memory_space<vmem>> -> memref<1x128xi32, #tpu.memory_space<vmem>>
        %dma_wait3A_510 = tpu.memref_squeeze %dma_wait3A_509 : memref<1x128xi32, #tpu.memory_space<vmem>> -> memref<128xi32, #tpu.memory_space<vmem>>
        %dma_wait3A_511 = arith.constant 0 : i32
        %dma_wait3A_512 = tpu.memref_slice %arg8[%dma_wait3A_511] : memref<18432xi32, #tpu.memory_space<hbm>> -> memref<18432xi32, #tpu.memory_space<hbm>>
        tpu.wait_indirect_dma semaphore(%arg29 : memref<!tpu.dma_semaphore, #tpu.memory_space<semaphore_mem>>) src(%dma_wait3A_507 : memref<128xi32, #tpu.memory_space<vmem>>) dst(%dma_wait3A_512 : memref<18432xi32, #tpu.memory_space<hbm>>)
        %mul3A_513 = arith.constant 128 : i32
        %mul3A_514 = arith.muli %min3A_504, %mul3A_513 : i32
        %dma_wait3A_515 = tpu.memref_slice %arg23[%mul3A_514] : memref<13696xi32, #tpu.memory_space<vmem>> -> memref<128xi32, #tpu.memory_space<vmem>>
        %dma_wait3A_516 = arith.constant 0 : i32
        %dma_wait3A_517 = tpu.memref_slice %arg21[%min3A_504, %dma_wait3A_516] : memref<107x128xi32, #tpu.memory_space<vmem>> -> memref<1x128xi32, #tpu.memory_space<vmem>>
        %dma_wait3A_518 = tpu.memref_squeeze %dma_wait3A_517 : memref<1x128xi32, #tpu.memory_space<vmem>> -> memref<128xi32, #tpu.memory_space<vmem>>
        %dma_wait3A_519 = arith.constant 0 : i32
        %dma_wait3A_520 = tpu.memref_slice %arg9[%dma_wait3A_519] : memref<18432xi32, #tpu.memory_space<hbm>> -> memref<18432xi32, #tpu.memory_space<hbm>>
        tpu.wait_indirect_dma semaphore(%arg29 : memref<!tpu.dma_semaphore, #tpu.memory_space<semaphore_mem>>) src(%dma_wait3A_515 : memref<128xi32, #tpu.memory_space<vmem>>) dst(%dma_wait3A_520 : memref<18432xi32, #tpu.memory_space<hbm>>)
        %while3A_521 = arith.constant 0 : i32
        scf.yield %while3A_521 : i32
      }
      %scan3A_304 = arith.constant 0 : i32
      %scan3A_305 = arith.constant 0 : i32
      %scan3A_306 = arith.constant 848 : i32
      %scan3A_307 = arith.addi %scan3A_305, %scan3A_306 : i32
      %scan3A_308 = arith.constant 1 : i32
      %scan3A_309 = scf.for %scan3A_338 = %scan3A_305 to %scan3A_307 step %scan3A_308 iter_args(%scan3A_339 = %scan3A_304) -> (i32)  : i32 {
        %broadcast_in_dim3A_340 = arith.constant 0 : i32
        %broadcast_in_dim3A_341 = vector.broadcast %broadcast_in_dim3A_340 : i32 to vector<16xi32>
        %mul3A_342 = arith.constant 16 : i32
        %mul3A_343 = arith.muli %scan3A_338, %mul3A_342 : i32
        %swap3A_344 = arith.index_cast %mul3A_343 : i32 to index
        %swap3A_345 = tpu.vector_load %arg19[%swap3A_344] {strides = array<i32>} : memref<13568xi32, #tpu.memory_space<vmem>>, vector<16xi32>,
        tpu.vector_store %arg19[%swap3A_344], %broadcast_in_dim3A_341 {strides = array<i32>} : memref<13568xi32, #tpu.memory_space<vmem>>, vector<16xi32>,
        %scan3A_346 = arith.constant 0 : i32
        scf.yield %scan3A_346 : i32
      }
      %scan3A_310 = arith.constant 848 : i32
      %scan3A_311 = arith.constant 0 : i32
      %scan3A_312 = arith.constant 0 : i32
      %scan3A_313 = arith.constant 128 : i32
      %scan3A_314 = arith.addi %scan3A_312, %scan3A_313 : i32
      %scan3A_315 = arith.constant 1 : i32
      %scan3A_316 = scf.for %scan3A_338 = %scan3A_312 to %scan3A_314 step %scan3A_315 iter_args(%scan3A_339 = %scan3A_311) -> (i32)  : i32 {
        %shift_right_arithmetic3A_340 = arith.constant 3 : i32
        %shift_right_arithmetic3A_341 = arith.shrsi %scan3A_338, %shift_right_arithmetic3A_340 : i32
        %and3A_342 = arith.constant 7 : i32
        %and3A_343 = arith.andi %scan3A_338, %and3A_342 : i32
        %mul3A_344 = arith.constant 16 : i32
        %mul3A_345 = arith.muli %and3A_343, %mul3A_344 : i32
        %mul3A_346 = arith.constant 64 : i32
        %mul3A_347 = arith.muli %add3A, %mul3A_346 : i32
        %add3A_348 = arith.constant 512000 : i32
        %add3A_349 = arith.addi %add3A_348, %mul3A_347 : i32
        %and3A_350 = arith.constant 3 : i32
        %and3A_351 = arith.andi %scan3A_338, %and3A_350 : i32
        %mul3A_352 = arith.constant 16 : i32
        %mul3A_353 = arith.muli %and3A_351, %mul3A_352 : i32
        %add3A_354 = arith.addi %add3A_349, %mul3A_353 : i32
        %iota3A_355 = tpu.iota {dimensions = array<i32: 0>} : vector<16xi32>
        %add3A_356 = vector.broadcast %add3A_354 : i32 to vector<16xi32>
        %add3A_357 = arith.addi %add3A_356, %iota3A_355 : vector<16xi32>
        %swap3A_358 = arith.index_cast %shift_right_arithmetic3A_341 : i32 to index
        %swap3A_359 = arith.index_cast %mul3A_345 : i32 to index
        %swap3A_360 = tpu.vector_load %arg26[%swap3A_358, %swap3A_359] {strides = array<i32>} : memref<16x128xi32, #tpu.memory_space<vmem>>, vector<16xi32>,
        tpu.vector_store %arg26[%swap3A_358, %swap3A_359], %add3A_357 {strides = array<i32>} : memref<16x128xi32, #tpu.memory_space<vmem>>, vector<16xi32>,
        %broadcast_in_dim3A_361 = arith.constant 0 : i32
        %broadcast_in_dim3A_362 = vector.broadcast %broadcast_in_dim3A_361 : i32 to vector<16xi32>
        %swap3A_363 = arith.index_cast %shift_right_arithmetic3A_341 : i32 to index
        %swap3A_364 = arith.index_cast %mul3A_345 : i32 to index
        %swap3A_365 = tpu.vector_load %arg25[%swap3A_363, %swap3A_364] {strides = array<i32>} : memref<16x128xi32, #tpu.memory_space<vmem>>, vector<16xi32>,
        tpu.vector_store %arg25[%swap3A_363, %swap3A_364], %broadcast_in_dim3A_362 {strides = array<i32>} : memref<16x128xi32, #tpu.memory_space<vmem>>, vector<16xi32>,
        %scan3A_366 = arith.constant 0 : i32
        scf.yield %scan3A_366 : i32
      }
      %scan3A_317 = arith.constant 128 : i32
      %add3A_318 = arith.constant 2047 : i32
      %add3A_319 = arith.addi %reduce_max3A_41, %add3A_318 : i32
      %shift_right_arithmetic3A_320 = arith.constant 11 : i32
      %shift_right_arithmetic3A_321 = arith.shrsi %add3A_319, %shift_right_arithmetic3A_320 : i32
      %mul3A_322 = arith.constant 13451 : i32
      %mul3A_323 = arith.muli %add3A, %mul3A_322 : i32
      %sub3A_324 = arith.constant 430403 : i32
      %sub3A_325 = arith.subi %sub3A_324, %mul3A_323 : i32
      %while3A_326 = arith.constant 0 : i32
      %while3A_327 = arith.constant 0 : i32
      %while3A_328 = arith.subi %shift_right_arithmetic3A_321, %while3A_326 : i32
      %while3A_329 = arith.addi %while3A_326, %while3A_328 : i32
      %while3A_330 = arith.constant 1 : i32
      %while3A_331 = arith.divsi %while3A_328, %while3A_330 : i32
      %while3A_332 = arith.muli %while3A_331, %while3A_330 : i32
      %while3A_333 = arith.addi %while3A_326, %while3A_332 : i32
      %while3A_334 = arith.constant 1 : i32
      %while3A_335 = scf.for %while3A_338 = %while3A_326 to %while3A_333 step %while3A_334 iter_args(%while3A_339 = %while3A_327) -> (i32)  : i32 {
        %mul3A_340 = arith.constant 2048 : i32
        %mul3A_341 = arith.muli %while3A_338, %mul3A_340 : i32
        %add3A_342 = arith.addi %multiple_of3A, %mul3A_341 : i32
        "tpu.region"() ({
          %run_scoped3A = tpu.sem_alloc : memref<!tpu.dma_semaphore, #tpu.memory_space<semaphore_mem>>
          %dma_start3A = tpu.memref_slice %arg4[%add3A_342] : memref<154624xi32, #tpu.memory_space<hbm>> -> memref<2048xi32, #tpu.memory_space<hbm>>
          %dma_start3A_388 = tpu.memref_slice %arg4[%add3A_342] : memref<154624xi32, #tpu.memory_space<hbm>> -> memref<2048xi32, #tpu.memory_space<hbm>>
          tpu.enqueue_dma source(%dma_start3A_388 : memref<2048xi32, #tpu.memory_space<hbm>>) target(%arg24 : memref<2048xi32, #tpu.memory_space<vmem>>) target_semaphore(%run_scoped3A : memref<!tpu.dma_semaphore, #tpu.memory_space<semaphore_mem>>)
          %dma_wait3A = tpu.memref_slice %arg4[%add3A_342] : memref<154624xi32, #tpu.memory_space<hbm>> -> memref<2048xi32, #tpu.memory_space<hbm>>
          %dma_wait3A_389 = tpu.memref_slice %arg4[%add3A_342] : memref<154624xi32, #tpu.memory_space<hbm>> -> memref<2048xi32, #tpu.memory_space<hbm>>
          tpu.wait_dma2 semaphore(%run_scoped3A : memref<!tpu.dma_semaphore, #tpu.memory_space<semaphore_mem>>) src(%dma_wait3A_389 : memref<2048xi32, #tpu.memory_space<hbm>>) dst(%arg24 : memref<2048xi32, #tpu.memory_space<vmem>>)
          tpu.yield
        }) : () -> ()
        %broadcast_in_dim3A_343 = arith.constant 0 : i32
        %broadcast_in_dim3A_344 = vector.broadcast %broadcast_in_dim3A_343 : i32 to vector<16xi32>
        %scan3A_345 = arith.constant 0 : i32
        %scan3A_346 = arith.constant 128 : i32
        %scan3A_347 = arith.addi %scan3A_345, %scan3A_346 : i32
        %scan3A_348 = arith.constant 1 : i32
        %scan3A_349 = scf.for %scan3A_388 = %scan3A_345 to %scan3A_347 step %scan3A_348 iter_args(%scan3A_389 = %broadcast_in_dim3A_344) -> (vector<16xi32>)  : i32 {
          %mul3A_390 = arith.constant 2048 : i32
          %mul3A_391 = arith.muli %while3A_338, %mul3A_390 : i32
          %mul3A_392 = arith.constant 16 : i32
          %mul3A_393 = arith.muli %scan3A_388, %mul3A_392 : i32
          %add3A_394 = arith.addi %mul3A_391, %mul3A_393 : i32
          %iota3A_395 = tpu.iota {dimensions = array<i32: 0>} : vector<16xi32>
          %add3A_396 = vector.broadcast %add3A_394 : i32 to vector<16xi32>
          %add3A_397 = arith.addi %add3A_396, %iota3A_395 : vector<16xi32>
          %lt3A_398 = vector.broadcast %reduce_max3A_41 : i32 to vector<16xi32>
          %lt3A_399 = arith.cmpi slt, %add3A_397, %lt3A_398 : vector<16xi32>
          %mul3A_400 = arith.constant 16 : i32
          %mul3A_401 = arith.muli %scan3A_388, %mul3A_400 : i32
          %get3A = arith.index_cast %mul3A_401 : i32 to index
          %get3A_402 = tpu.vector_load %arg24[%get3A] {strides = array<i32>} : memref<2048xi32, #tpu.memory_space<vmem>>, vector<16xi32>,
          %shift_right_logical3A = arith.constant 18 : i32
          %shift_right_logical3A_403 = vector.broadcast %shift_right_logical3A : i32 to vector<16xi32>
          %shift_right_logical3A_404 = arith.shrui %get3A_402, %shift_right_logical3A_403 : vector<16xi32>
          %min3A = arith.constant 13567 : i32
          %min3A_405 = vector.broadcast %min3A : i32 to vector<16xi32>
          %min3A_406 = arith.minsi %shift_right_logical3A_404, %min3A_405 : vector<16xi32>
          %unique3A, %unique3A_407 = tpu.scan_count mask(%lt3A_399 : vector<16xi1>) value(%min3A_406 : vector<16xi32>) : vector<16xi1>, vector<16xi32>
          %gather3A_408 = tpu.vector_load_idx %arg19[%min3A_406] masked %lt3A_399 : memref<13568xi32, #tpu.memory_space<vmem>>[vector<16xi32>], vector<16xi32>, vector<16xi1>
          %add3A_409 = arith.addi %gather3A_408, %unique3A_407 : vector<16xi32>
          %sub3A_410 = arith.constant 1 : i32
          %sub3A_411 = vector.broadcast %sub3A_410 : i32 to vector<16xi32>
          %sub3A_412 = arith.subi %add3A_409, %sub3A_411 : vector<16xi32>
          %add3A_413 = arith.addi %gather3A_408, %unique3A_407 : vector<16xi32>
          %and3A_414 = arith.andi %lt3A_399, %unique3A : vector<16xi1>
          tpu.vector_store_idx %arg19[%min3A_406], %add3A_413 masked %and3A_414 : memref<13568xi32, #tpu.memory_space<vmem>>[vector<16xi32>], vector<16xi32>, vector<16xi1>
          %gather3A_415 = tpu.vector_load_idx %arg20[%min3A_406] masked %lt3A_399 : memref<13568xi32, #tpu.memory_space<vmem>>[vector<16xi32>], vector<16xi32>, vector<16xi1>
          %ne3A = vector.broadcast %sub3A_325 : i32 to vector<16xi32>
          %ne3A_416 = arith.cmpi ne, %min3A_406, %ne3A : vector<16xi32>
          %and3A_417 = arith.andi %lt3A_399, %ne3A_416 : vector<16xi1>
          %lt3A_418 = arith.constant 32 : i32
          %lt3A_419 = vector.broadcast %lt3A_418 : i32 to vector<16xi32>
          %lt3A_420 = arith.cmpi slt, %sub3A_412, %lt3A_419 : vector<16xi32>
          %and3A_421 = arith.andi %and3A_417, %lt3A_420 : vector<16xi1>
          %lt3A_422 = arith.constant 16000 : i32
          %lt3A_423 = vector.broadcast %lt3A_422 : i32 to vector<16xi32>
          %lt3A_424 = arith.cmpi slt, %gather3A_415, %lt3A_423 : vector<16xi32>
          %and3A_425 = arith.andi %and3A_421, %lt3A_424 : vector<16xi1>
          %convert_element_type3A_426 = arith.extui %and3A_425 : vector<16xi1> to vector<16xi32>
          %broadcast_in_dim3A_427 = arith.constant true
          %broadcast_in_dim3A_428 = vector.broadcast %broadcast_in_dim3A_427 : i1 to vector<16xi1>
          %masked_cumsum3A_429 = tpu.scan <sum>, %convert_element_type3A_426 masked %broadcast_in_dim3A_428 : vector<16xi32>, vector<16xi1> -> vector<16xi32>
          %add3A_430 = arith.addi %scan3A_389, %masked_cumsum3A_429 : vector<16xi32>
          %sub3A_431 = arith.subi %add3A_430, %convert_element_type3A_426 : vector<16xi32>
          %shift_right_arithmetic3A_432 = arith.constant 7 : i32
          %shift_right_arithmetic3A_433 = vector.broadcast %shift_right_arithmetic3A_432 : i32 to vector<16xi32>
          %shift_right_arithmetic3A_434 = arith.shrsi %sub3A_431, %shift_right_arithmetic3A_433 : vector<16xi32>
          %and3A_435 = arith.constant 127 : i32
          %and3A_436 = vector.broadcast %and3A_435 : i32 to vector<16xi32>
          %and3A_437 = arith.andi %sub3A_431, %and3A_436 : vector<16xi32>
          %mul3A_438 = arith.constant 32 : i32
          %mul3A_439 = vector.broadcast %mul3A_438 : i32 to vector<16xi32>
          %mul3A_440 = arith.muli %gather3A_415, %mul3A_439 : vector<16xi32>
          %add3A_441 = arith.addi %mul3A_440, %sub3A_412 : vector<16xi32>
          tpu.vector_store_idx %arg26[%shift_right_arithmetic3A_434, %and3A_437], %add3A_441 masked %and3A_425 : memref<16x128xi32, #tpu.memory_space<vmem>>[vector<16xi32>, vector<16xi32>], vector<16xi32>, vector<16xi1>
          %and3A_442 = arith.constant 262143 : i32
          %and3A_443 = vector.broadcast %and3A_442 : i32 to vector<16xi32>
          %and3A_444 = arith.andi %get3A_402, %and3A_443 : vector<16xi32>
          %min3A_445 = arith.constant 150015 : i32
          %min3A_446 = vector.broadcast %min3A_445 : i32 to vector<16xi32>
          %min3A_447 = arith.minsi %and3A_444, %min3A_446 : vector<16xi32>
          %shift_right_arithmetic3A_448 = arith.constant 7 : i32
          %shift_right_arithmetic3A_449 = vector.broadcast %shift_right_arithmetic3A_448 : i32 to vector<16xi32>
          %shift_right_arithmetic3A_450 = arith.shrsi %sub3A_431, %shift_right_arithmetic3A_449 : vector<16xi32>
          %and3A_451 = arith.constant 127 : i32
          %and3A_452 = vector.broadcast %and3A_451 : i32 to vector<16xi32>
          %and3A_453 = arith.andi %sub3A_431, %and3A_452 : vector<16xi32>
          tpu.vector_store_idx %arg25[%shift_right_arithmetic3A_450, %and3A_453], %min3A_447 masked %and3A_425 : memref<16x128xi32, #tpu.memory_space<vmem>>[vector<16xi32>, vector<16xi32>], vector<16xi32>, vector<16xi1>
          %all_reduce_population_count3A = tpu.all_reduce %and3A_425 {dim = 0 : i64, kind = #tpu.reduction_kind<sum>} : vector<16xi1> -> vector<16xi32>
          %add3A_454 = arith.addi %scan3A_389, %all_reduce_population_count3A : vector<16xi32>
          scf.yield %add3A_454 : vector<16xi32>
        }
        %scan3A_350 = arith.constant 128 : i32
        %reduce_max3A_351 = arith.constant true
        %reduce_max3A_352 = vector.broadcast %reduce_max3A_351 : i1 to vector<16xi1>
        %reduce_max3A_353 = arith.constant -2147483648 : i32
        %reduce_max3A_354 = vector.broadcast %reduce_max3A_353 : i32 to vector<16xi32>
        %reduce_max3A_355 = arith.xori %scan3A_349, %reduce_max3A_354 : vector<16xi32>
        %reduce_max3A_356 = tpu.scan <max>, %reduce_max3A_355 masked %reduce_max3A_352 : vector<16xi32>, vector<16xi1> -> vector<16xi32>
        %reduce_max3A_357 = arith.xori %reduce_max3A_356, %reduce_max3A_354 : vector<16xi32>
        %reduce_max3A_358 = vector.extract %reduce_max3A_357[15] : i32 from vector<16xi32>
        %add3A_359 = arith.constant 127 : i32
        %add3A_360 = arith.addi %reduce_max3A_358, %add3A_359 : i32
        %shift_right_arithmetic3A_361 = arith.constant 7 : i32
        %shift_right_arithmetic3A_362 = arith.shrsi %add3A_360, %shift_right_arithmetic3A_361 : i32
        %while3A_363 = arith.constant 0 : i32
        %while3A_364 = arith.constant 0 : i32
        %while3A_365 = arith.subi %shift_right_arithmetic3A_362, %while3A_363 : i32
        %while3A_366 = arith.addi %while3A_363, %while3A_365 : i32
        %while3A_367 = arith.constant 1 : i32
        %while3A_368 = arith.divsi %while3A_365, %while3A_367 : i32
        %while3A_369 = arith.muli %while3A_368, %while3A_367 : i32
        %while3A_370 = arith.addi %while3A_363, %while3A_369 : i32
        %while3A_371 = arith.constant 1 : i32
        %while3A_372 = scf.for %while3A_388 = %while3A_363 to %while3A_370 step %while3A_371 iter_args(%while3A_389 = %while3A_364) -> (i32)  : i32 {
          %mul3A_390 = arith.constant 128 : i32
          %mul3A_391 = arith.muli %while3A_388, %mul3A_390 : i32
          %dma_start3A = arith.constant 0 : i32
          %dma_start3A_392 = tpu.memref_slice %arg27[%mul3A_391, %dma_start3A] : memref<2048x16xf32, #tpu.memory_space<vmem>> -> memref<128x16xf32, #tpu.memory_space<vmem>>
          %dma_start3A_393 = arith.constant 0 : i32
          %dma_start3A_394 = tpu.memref_slice %arg25[%while3A_388, %dma_start3A_393] : memref<16x128xi32, #tpu.memory_space<vmem>> -> memref<1x128xi32, #tpu.memory_space<vmem>>
          %dma_start3A_395 = tpu.memref_squeeze %dma_start3A_394 : memref<1x128xi32, #tpu.memory_space<vmem>> -> memref<128xi32, #tpu.memory_space<vmem>>
          %dma_start3A_396 = arith.constant 0 : i32
          %dma_start3A_397 = arith.constant 0 : i32
          %dma_start3A_398 = tpu.memref_slice %arg2[%dma_start3A_396, %dma_start3A_397] : memref<150016x16xf32, #tpu.memory_space<hbm>> -> memref<150016x16xf32, #tpu.memory_space<hbm>>
          tpu.enqueue_indirect_dma source(%dma_start3A_398 : memref<150016x16xf32, #tpu.memory_space<hbm>>) target(%dma_start3A_392 : memref<128x16xf32, #tpu.memory_space<vmem>>) offsets(%dma_start3A_395 : memref<128xi32, #tpu.memory_space<vmem>>) semaphore(%arg29 : memref<!tpu.dma_semaphore, #tpu.memory_space<semaphore_mem>>)
          %dma_wait3A = arith.constant 0 : i32
          %dma_wait3A_399 = tpu.memref_slice %arg27[%mul3A_391, %dma_wait3A] : memref<2048x16xf32, #tpu.memory_space<vmem>> -> memref<128x16xf32, #tpu.memory_space<vmem>>
          %dma_wait3A_400 = arith.constant 0 : i32
          %dma_wait3A_401 = tpu.memref_slice %arg25[%while3A_388, %dma_wait3A_400] : memref<16x128xi32, #tpu.memory_space<vmem>> -> memref<1x128xi32, #tpu.memory_space<vmem>>
          %dma_wait3A_402 = tpu.memref_squeeze %dma_wait3A_401 : memref<1x128xi32, #tpu.memory_space<vmem>> -> memref<128xi32, #tpu.memory_space<vmem>>
          %dma_wait3A_403 = arith.constant 0 : i32
          %dma_wait3A_404 = arith.constant 0 : i32
          %dma_wait3A_405 = tpu.memref_slice %arg2[%dma_wait3A_403, %dma_wait3A_404] : memref<150016x16xf32, #tpu.memory_space<hbm>> -> memref<150016x16xf32, #tpu.memory_space<hbm>>
          tpu.wait_indirect_dma semaphore(%arg29 : memref<!tpu.dma_semaphore, #tpu.memory_space<semaphore_mem>>) src(%dma_wait3A_405 : memref<150016x16xf32, #tpu.memory_space<hbm>>) dst(%dma_wait3A_399 : memref<128x16xf32, #tpu.memory_space<vmem>>)
          %mul3A_406 = arith.constant 128 : i32
          %mul3A_407 = arith.muli %while3A_388, %mul3A_406 : i32
          %dma_start3A_408 = arith.constant 0 : i32
          %dma_start3A_409 = tpu.memref_slice %arg27[%mul3A_407, %dma_start3A_408] : memref<2048x16xf32, #tpu.memory_space<vmem>> -> memref<128x16xf32, #tpu.memory_space<vmem>>
          %dma_start3A_410 = arith.constant 0 : i32
          %dma_start3A_411 = tpu.memref_slice %arg26[%while3A_388, %dma_start3A_410] : memref<16x128xi32, #tpu.memory_space<vmem>> -> memref<1x128xi32, #tpu.memory_space<vmem>>
          %dma_start3A_412 = tpu.memref_squeeze %dma_start3A_411 : memref<1x128xi32, #tpu.memory_space<vmem>> -> memref<128xi32, #tpu.memory_space<vmem>>
          %dma_start3A_413 = arith.constant 0 : i32
          %dma_start3A_414 = arith.constant 0 : i32
          %dma_start3A_415 = tpu.memref_slice %arg7[%dma_start3A_413, %dma_start3A_414] : memref<514048x16xf32, #tpu.memory_space<hbm>> -> memref<514048x16xf32, #tpu.memory_space<hbm>>
          tpu.enqueue_indirect_dma source(%dma_start3A_409 : memref<128x16xf32, #tpu.memory_space<vmem>>) target(%dma_start3A_415 : memref<514048x16xf32, #tpu.memory_space<hbm>>) offsets(%dma_start3A_412 : memref<128xi32, #tpu.memory_space<vmem>>) semaphore(%arg30 : memref<!tpu.dma_semaphore, #tpu.memory_space<semaphore_mem>>)
          %while3A_416 = arith.constant 0 : i32
          scf.yield %while3A_416 : i32
        }
        %while3A_373 = arith.constant 1 : i32
        %while3A_374 = scf.for %while3A_388 = %while3A_370 to %while3A_366 step %while3A_373 iter_args(%while3A_389 = %while3A_372) -> (i32)  : i32 {
          %mul3A_390 = arith.constant 128 : i32
          %mul3A_391 = arith.muli %while3A_388, %mul3A_390 : i32
          %dma_start3A = arith.constant 0 : i32
          %dma_start3A_392 = tpu.memref_slice %arg27[%mul3A_391, %dma_start3A] : memref<2048x16xf32, #tpu.memory_space<vmem>> -> memref<128x16xf32, #tpu.memory_space<vmem>>
          %dma_start3A_393 = arith.constant 0 : i32
          %dma_start3A_394 = tpu.memref_slice %arg25[%while3A_388, %dma_start3A_393] : memref<16x128xi32, #tpu.memory_space<vmem>> -> memref<1x128xi32, #tpu.memory_space<vmem>>
          %dma_start3A_395 = tpu.memref_squeeze %dma_start3A_394 : memref<1x128xi32, #tpu.memory_space<vmem>> -> memref<128xi32, #tpu.memory_space<vmem>>
          %dma_start3A_396 = arith.constant 0 : i32
          %dma_start3A_397 = arith.constant 0 : i32
          %dma_start3A_398 = tpu.memref_slice %arg2[%dma_start3A_396, %dma_start3A_397] : memref<150016x16xf32, #tpu.memory_space<hbm>> -> memref<150016x16xf32, #tpu.memory_space<hbm>>
          tpu.enqueue_indirect_dma source(%dma_start3A_398 : memref<150016x16xf32, #tpu.memory_space<hbm>>) target(%dma_start3A_392 : memref<128x16xf32, #tpu.memory_space<vmem>>) offsets(%dma_start3A_395 : memref<128xi32, #tpu.memory_space<vmem>>) semaphore(%arg29 : memref<!tpu.dma_semaphore, #tpu.memory_space<semaphore_mem>>)
          %dma_wait3A = arith.constant 0 : i32
          %dma_wait3A_399 = tpu.memref_slice %arg27[%mul3A_391, %dma_wait3A] : memref<2048x16xf32, #tpu.memory_space<vmem>> -> memref<128x16xf32, #tpu.memory_space<vmem>>
          %dma_wait3A_400 = arith.constant 0 : i32
          %dma_wait3A_401 = tpu.memref_slice %arg25[%while3A_388, %dma_wait3A_400] : memref<16x128xi32, #tpu.memory_space<vmem>> -> memref<1x128xi32, #tpu.memory_space<vmem>>
          %dma_wait3A_402 = tpu.memref_squeeze %dma_wait3A_401 : memref<1x128xi32, #tpu.memory_space<vmem>> -> memref<128xi32, #tpu.memory_space<vmem>>
          %dma_wait3A_403 = arith.constant 0 : i32
          %dma_wait3A_404 = arith.constant 0 : i32
          %dma_wait3A_405 = tpu.memref_slice %arg2[%dma_wait3A_403, %dma_wait3A_404] : memref<150016x16xf32, #tpu.memory_space<hbm>> -> memref<150016x16xf32, #tpu.memory_space<hbm>>
          tpu.wait_indirect_dma semaphore(%arg29 : memref<!tpu.dma_semaphore, #tpu.memory_space<semaphore_mem>>) src(%dma_wait3A_405 : memref<150016x16xf32, #tpu.memory_space<hbm>>) dst(%dma_wait3A_399 : memref<128x16xf32, #tpu.memory_space<vmem>>)
          %mul3A_406 = arith.constant 128 : i32
          %mul3A_407 = arith.muli %while3A_388, %mul3A_406 : i32
          %dma_start3A_408 = arith.constant 0 : i32
          %dma_start3A_409 = tpu.memref_slice %arg27[%mul3A_407, %dma_start3A_408] : memref<2048x16xf32, #tpu.memory_space<vmem>> -> memref<128x16xf32, #tpu.memory_space<vmem>>
          %dma_start3A_410 = arith.constant 0 : i32
          %dma_start3A_411 = tpu.memref_slice %arg26[%while3A_388, %dma_start3A_410] : memref<16x128xi32, #tpu.memory_space<vmem>> -> memref<1x128xi32, #tpu.memory_space<vmem>>
          %dma_start3A_412 = tpu.memref_squeeze %dma_start3A_411 : memref<1x128xi32, #tpu.memory_space<vmem>> -> memref<128xi32, #tpu.memory_space<vmem>>
          %dma_start3A_413 = arith.constant 0 : i32
          %dma_start3A_414 = arith.constant 0 : i32
          %dma_start3A_415 = tpu.memref_slice %arg7[%dma_start3A_413, %dma_start3A_414] : memref<514048x16xf32, #tpu.memory_space<hbm>> -> memref<514048x16xf32, #tpu.memory_space<hbm>>
          tpu.enqueue_indirect_dma source(%dma_start3A_409 : memref<128x16xf32, #tpu.memory_space<vmem>>) target(%dma_start3A_415 : memref<514048x16xf32, #tpu.memory_space<hbm>>) offsets(%dma_start3A_412 : memref<128xi32, #tpu.memory_space<vmem>>) semaphore(%arg30 : memref<!tpu.dma_semaphore, #tpu.memory_space<semaphore_mem>>)
          %while3A_416 = arith.constant 0 : i32
          scf.yield %while3A_416 : i32
        }
        %while3A_375 = arith.constant 0 : i32
        %while3A_376 = arith.constant 0 : i32
        %while3A_377 = arith.subi %shift_right_arithmetic3A_362, %while3A_375 : i32
        %while3A_378 = arith.addi %while3A_375, %while3A_377 : i32
        %while3A_379 = arith.constant 1 : i32
        %while3A_380 = arith.divsi %while3A_377, %while3A_379 : i32
        %while3A_381 = arith.muli %while3A_380, %while3A_379 : i32
        %while3A_382 = arith.addi %while3A_375, %while3A_381 : i32
        %while3A_383 = arith.constant 1 : i32
        %while3A_384 = scf.for %while3A_388 = %while3A_375 to %while3A_382 step %while3A_383 iter_args(%while3A_389 = %while3A_376) -> (i32)  : i32 {
          %mul3A_390 = arith.constant 128 : i32
          %mul3A_391 = arith.muli %while3A_388, %mul3A_390 : i32
          %dma_wait3A = arith.constant 0 : i32
          %dma_wait3A_392 = tpu.memref_slice %arg27[%mul3A_391, %dma_wait3A] : memref<2048x16xf32, #tpu.memory_space<vmem>> -> memref<128x16xf32, #tpu.memory_space<vmem>>
          %dma_wait3A_393 = arith.constant 0 : i32
          %dma_wait3A_394 = tpu.memref_slice %arg26[%while3A_388, %dma_wait3A_393] : memref<16x128xi32, #tpu.memory_space<vmem>> -> memref<1x128xi32, #tpu.memory_space<vmem>>
          %dma_wait3A_395 = tpu.memref_squeeze %dma_wait3A_394 : memref<1x128xi32, #tpu.memory_space<vmem>> -> memref<128xi32, #tpu.memory_space<vmem>>
          %dma_wait3A_396 = arith.constant 0 : i32
          %dma_wait3A_397 = arith.constant 0 : i32
          %dma_wait3A_398 = tpu.memref_slice %arg7[%dma_wait3A_396, %dma_wait3A_397] : memref<514048x16xf32, #tpu.memory_space<hbm>> -> memref<514048x16xf32, #tpu.memory_space<hbm>>
          tpu.wait_indirect_dma semaphore(%arg30 : memref<!tpu.dma_semaphore, #tpu.memory_space<semaphore_mem>>) src(%dma_wait3A_392 : memref<128x16xf32, #tpu.memory_space<vmem>>) dst(%dma_wait3A_398 : memref<514048x16xf32, #tpu.memory_space<hbm>>)
          %while3A_399 = arith.constant 0 : i32
          scf.yield %while3A_399 : i32
        }
        %while3A_385 = arith.constant 1 : i32
        %while3A_386 = scf.for %while3A_388 = %while3A_382 to %while3A_378 step %while3A_385 iter_args(%while3A_389 = %while3A_384) -> (i32)  : i32 {
          %mul3A_390 = arith.constant 128 : i32
          %mul3A_391 = arith.muli %while3A_388, %mul3A_390 : i32
          %dma_wait3A = arith.constant 0 : i32
          %dma_wait3A_392 = tpu.memref_slice %arg27[%mul3A_391, %dma_wait3A] : memref<2048x16xf32, #tpu.memory_space<vmem>> -> memref<128x16xf32, #tpu.memory_space<vmem>>
          %dma_wait3A_393 = arith.constant 0 : i32
          %dma_wait3A_394 = tpu.memref_slice %arg26[%while3A_388, %dma_wait3A_393] : memref<16x128xi32, #tpu.memory_space<vmem>> -> memref<1x128xi32, #tpu.memory_space<vmem>>
          %dma_wait3A_395 = tpu.memref_squeeze %dma_wait3A_394 : memref<1x128xi32, #tpu.memory_space<vmem>> -> memref<128xi32, #tpu.memory_space<vmem>>
          %dma_wait3A_396 = arith.constant 0 : i32
          %dma_wait3A_397 = arith.constant 0 : i32
          %dma_wait3A_398 = tpu.memref_slice %arg7[%dma_wait3A_396, %dma_wait3A_397] : memref<514048x16xf32, #tpu.memory_space<hbm>> -> memref<514048x16xf32, #tpu.memory_space<hbm>>
          tpu.wait_indirect_dma semaphore(%arg30 : memref<!tpu.dma_semaphore, #tpu.memory_space<semaphore_mem>>) src(%dma_wait3A_392 : memref<128x16xf32, #tpu.memory_space<vmem>>) dst(%dma_wait3A_398 : memref<514048x16xf32, #tpu.memory_space<hbm>>)
          %while3A_399 = arith.constant 0 : i32
          scf.yield %while3A_399 : i32
        }
        %while3A_387 = arith.constant 0 : i32
        scf.yield %while3A_387 : i32
      }
      %while3A_336 = arith.constant 1 : i32
      %while3A_337 = scf.for %while3A_338 = %while3A_333 to %while3A_329 step %while3A_336 iter_args(%while3A_339 = %while3A_335) -> (i32)  : i32 {
        %mul3A_340 = arith.constant 2048 : i32
        %mul3A_341 = arith.muli %while3A_338, %mul3A_340 : i32
        %add3A_342 = arith.addi %multiple_of3A, %mul3A_341 : i32
        "tpu.region"() ({
          %run_scoped3A = tpu.sem_alloc : memref<!tpu.dma_semaphore, #tpu.memory_space<semaphore_mem>>
          %dma_start3A = tpu.memref_slice %arg4[%add3A_342] : memref<154624xi32, #tpu.memory_space<hbm>> -> memref<2048xi32, #tpu.memory_space<hbm>>
          %dma_start3A_388 = tpu.memref_slice %arg4[%add3A_342] : memref<154624xi32, #tpu.memory_space<hbm>> -> memref<2048xi32, #tpu.memory_space<hbm>>
          tpu.enqueue_dma source(%dma_start3A_388 : memref<2048xi32, #tpu.memory_space<hbm>>) target(%arg24 : memref<2048xi32, #tpu.memory_space<vmem>>) target_semaphore(%run_scoped3A : memref<!tpu.dma_semaphore, #tpu.memory_space<semaphore_mem>>)
          %dma_wait3A = tpu.memref_slice %arg4[%add3A_342] : memref<154624xi32, #tpu.memory_space<hbm>> -> memref<2048xi32, #tpu.memory_space<hbm>>
          %dma_wait3A_389 = tpu.memref_slice %arg4[%add3A_342] : memref<154624xi32, #tpu.memory_space<hbm>> -> memref<2048xi32, #tpu.memory_space<hbm>>
          tpu.wait_dma2 semaphore(%run_scoped3A : memref<!tpu.dma_semaphore, #tpu.memory_space<semaphore_mem>>) src(%dma_wait3A_389 : memref<2048xi32, #tpu.memory_space<hbm>>) dst(%arg24 : memref<2048xi32, #tpu.memory_space<vmem>>)
          tpu.yield
        }) : () -> ()
        %broadcast_in_dim3A_343 = arith.constant 0 : i32
        %broadcast_in_dim3A_344 = vector.broadcast %broadcast_in_dim3A_343 : i32 to vector<16xi32>
        %scan3A_345 = arith.constant 0 : i32
        %scan3A_346 = arith.constant 128 : i32
        %scan3A_347 = arith.addi %scan3A_345, %scan3A_346 : i32
        %scan3A_348 = arith.constant 1 : i32
        %scan3A_349 = scf.for %scan3A_388 = %scan3A_345 to %scan3A_347 step %scan3A_348 iter_args(%scan3A_389 = %broadcast_in_dim3A_344) -> (vector<16xi32>)  : i32 {
          %mul3A_390 = arith.constant 2048 : i32
          %mul3A_391 = arith.muli %while3A_338, %mul3A_390 : i32
          %mul3A_392 = arith.constant 16 : i32
          %mul3A_393 = arith.muli %scan3A_388, %mul3A_392 : i32
          %add3A_394 = arith.addi %mul3A_391, %mul3A_393 : i32
          %iota3A_395 = tpu.iota {dimensions = array<i32: 0>} : vector<16xi32>
          %add3A_396 = vector.broadcast %add3A_394 : i32 to vector<16xi32>
          %add3A_397 = arith.addi %add3A_396, %iota3A_395 : vector<16xi32>
          %lt3A_398 = vector.broadcast %reduce_max3A_41 : i32 to vector<16xi32>
          %lt3A_399 = arith.cmpi slt, %add3A_397, %lt3A_398 : vector<16xi32>
          %mul3A_400 = arith.constant 16 : i32
          %mul3A_401 = arith.muli %scan3A_388, %mul3A_400 : i32
          %get3A = arith.index_cast %mul3A_401 : i32 to index
          %get3A_402 = tpu.vector_load %arg24[%get3A] {strides = array<i32>} : memref<2048xi32, #tpu.memory_space<vmem>>, vector<16xi32>,
          %shift_right_logical3A = arith.constant 18 : i32
          %shift_right_logical3A_403 = vector.broadcast %shift_right_logical3A : i32 to vector<16xi32>
          %shift_right_logical3A_404 = arith.shrui %get3A_402, %shift_right_logical3A_403 : vector<16xi32>
          %min3A = arith.constant 13567 : i32
          %min3A_405 = vector.broadcast %min3A : i32 to vector<16xi32>
          %min3A_406 = arith.minsi %shift_right_logical3A_404, %min3A_405 : vector<16xi32>
          %unique3A, %unique3A_407 = tpu.scan_count mask(%lt3A_399 : vector<16xi1>) value(%min3A_406 : vector<16xi32>) : vector<16xi1>, vector<16xi32>
          %gather3A_408 = tpu.vector_load_idx %arg19[%min3A_406] masked %lt3A_399 : memref<13568xi32, #tpu.memory_space<vmem>>[vector<16xi32>], vector<16xi32>, vector<16xi1>
          %add3A_409 = arith.addi %gather3A_408, %unique3A_407 : vector<16xi32>
          %sub3A_410 = arith.constant 1 : i32
          %sub3A_411 = vector.broadcast %sub3A_410 : i32 to vector<16xi32>
          %sub3A_412 = arith.subi %add3A_409, %sub3A_411 : vector<16xi32>
          %add3A_413 = arith.addi %gather3A_408, %unique3A_407 : vector<16xi32>
          %and3A_414 = arith.andi %lt3A_399, %unique3A : vector<16xi1>
          tpu.vector_store_idx %arg19[%min3A_406], %add3A_413 masked %and3A_414 : memref<13568xi32, #tpu.memory_space<vmem>>[vector<16xi32>], vector<16xi32>, vector<16xi1>
          %gather3A_415 = tpu.vector_load_idx %arg20[%min3A_406] masked %lt3A_399 : memref<13568xi32, #tpu.memory_space<vmem>>[vector<16xi32>], vector<16xi32>, vector<16xi1>
          %ne3A = vector.broadcast %sub3A_325 : i32 to vector<16xi32>
          %ne3A_416 = arith.cmpi ne, %min3A_406, %ne3A : vector<16xi32>
          %and3A_417 = arith.andi %lt3A_399, %ne3A_416 : vector<16xi1>
          %lt3A_418 = arith.constant 32 : i32
          %lt3A_419 = vector.broadcast %lt3A_418 : i32 to vector<16xi32>
          %lt3A_420 = arith.cmpi slt, %sub3A_412, %lt3A_419 : vector<16xi32>
          %and3A_421 = arith.andi %and3A_417, %lt3A_420 : vector<16xi1>
          %lt3A_422 = arith.constant 16000 : i32
          %lt3A_423 = vector.broadcast %lt3A_422 : i32 to vector<16xi32>
          %lt3A_424 = arith.cmpi slt, %gather3A_415, %lt3A_423 : vector<16xi32>
          %and3A_425 = arith.andi %and3A_421, %lt3A_424 : vector<16xi1>
          %convert_element_type3A_426 = arith.extui %and3A_425 : vector<16xi1> to vector<16xi32>
          %broadcast_in_dim3A_427 = arith.constant true
          %broadcast_in_dim3A_428 = vector.broadcast %broadcast_in_dim3A_427 : i1 to vector<16xi1>
          %masked_cumsum3A_429 = tpu.scan <sum>, %convert_element_type3A_426 masked %broadcast_in_dim3A_428 : vector<16xi32>, vector<16xi1> -> vector<16xi32>
          %add3A_430 = arith.addi %scan3A_389, %masked_cumsum3A_429 : vector<16xi32>
          %sub3A_431 = arith.subi %add3A_430, %convert_element_type3A_426 : vector<16xi32>
          %shift_right_arithmetic3A_432 = arith.constant 7 : i32
          %shift_right_arithmetic3A_433 = vector.broadcast %shift_right_arithmetic3A_432 : i32 to vector<16xi32>
          %shift_right_arithmetic3A_434 = arith.shrsi %sub3A_431, %shift_right_arithmetic3A_433 : vector<16xi32>
          %and3A_435 = arith.constant 127 : i32
          %and3A_436 = vector.broadcast %and3A_435 : i32 to vector<16xi32>
          %and3A_437 = arith.andi %sub3A_431, %and3A_436 : vector<16xi32>
          %mul3A_438 = arith.constant 32 : i32
          %mul3A_439 = vector.broadcast %mul3A_438 : i32 to vector<16xi32>
          %mul3A_440 = arith.muli %gather3A_415, %mul3A_439 : vector<16xi32>
          %add3A_441 = arith.addi %mul3A_440, %sub3A_412 : vector<16xi32>
          tpu.vector_store_idx %arg26[%shift_right_arithmetic3A_434, %and3A_437], %add3A_441 masked %and3A_425 : memref<16x128xi32, #tpu.memory_space<vmem>>[vector<16xi32>, vector<16xi32>], vector<16xi32>, vector<16xi1>
          %and3A_442 = arith.constant 262143 : i32
          %and3A_443 = vector.broadcast %and3A_442 : i32 to vector<16xi32>
          %and3A_444 = arith.andi %get3A_402, %and3A_443 : vector<16xi32>
          %min3A_445 = arith.constant 150015 : i32
          %min3A_446 = vector.broadcast %min3A_445 : i32 to vector<16xi32>
          %min3A_447 = arith.minsi %and3A_444, %min3A_446 : vector<16xi32>
          %shift_right_arithmetic3A_448 = arith.constant 7 : i32
          %shift_right_arithmetic3A_449 = vector.broadcast %shift_right_arithmetic3A_448 : i32 to vector<16xi32>
          %shift_right_arithmetic3A_450 = arith.shrsi %sub3A_431, %shift_right_arithmetic3A_449 : vector<16xi32>
          %and3A_451 = arith.constant 127 : i32
          %and3A_452 = vector.broadcast %and3A_451 : i32 to vector<16xi32>
          %and3A_453 = arith.andi %sub3A_431, %and3A_452 : vector<16xi32>
          tpu.vector_store_idx %arg25[%shift_right_arithmetic3A_450, %and3A_453], %min3A_447 masked %and3A_425 : memref<16x128xi32, #tpu.memory_space<vmem>>[vector<16xi32>, vector<16xi32>], vector<16xi32>, vector<16xi1>
          %all_reduce_population_count3A = tpu.all_reduce %and3A_425 {dim = 0 : i64, kind = #tpu.reduction_kind<sum>} : vector<16xi1> -> vector<16xi32>
          %add3A_454 = arith.addi %scan3A_389, %all_reduce_population_count3A : vector<16xi32>
          scf.yield %add3A_454 : vector<16xi32>
        }
        %scan3A_350 = arith.constant 128 : i32
        %reduce_max3A_351 = arith.constant true
        %reduce_max3A_352 = vector.broadcast %reduce_max3A_351 : i1 to vector<16xi1>
        %reduce_max3A_353 = arith.constant -2147483648 : i32
        %reduce_max3A_354 = vector.broadcast %reduce_max3A_353 : i32 to vector<16xi32>
        %reduce_max3A_355 = arith.xori %scan3A_349, %reduce_max3A_354 : vector<16xi32>
        %reduce_max3A_356 = tpu.scan <max>, %reduce_max3A_355 masked %reduce_max3A_352 : vector<16xi32>, vector<16xi1> -> vector<16xi32>
        %reduce_max3A_357 = arith.xori %reduce_max3A_356, %reduce_max3A_354 : vector<16xi32>
        %reduce_max3A_358 = vector.extract %reduce_max3A_357[15] : i32 from vector<16xi32>
        %add3A_359 = arith.constant 127 : i32
        %add3A_360 = arith.addi %reduce_max3A_358, %add3A_359 : i32
        %shift_right_arithmetic3A_361 = arith.constant 7 : i32
        %shift_right_arithmetic3A_362 = arith.shrsi %add3A_360, %shift_right_arithmetic3A_361 : i32
        %while3A_363 = arith.constant 0 : i32
        %while3A_364 = arith.constant 0 : i32
        %while3A_365 = arith.subi %shift_right_arithmetic3A_362, %while3A_363 : i32
        %while3A_366 = arith.addi %while3A_363, %while3A_365 : i32
        %while3A_367 = arith.constant 1 : i32
        %while3A_368 = arith.divsi %while3A_365, %while3A_367 : i32
        %while3A_369 = arith.muli %while3A_368, %while3A_367 : i32
        %while3A_370 = arith.addi %while3A_363, %while3A_369 : i32
        %while3A_371 = arith.constant 1 : i32
        %while3A_372 = scf.for %while3A_388 = %while3A_363 to %while3A_370 step %while3A_371 iter_args(%while3A_389 = %while3A_364) -> (i32)  : i32 {
          %mul3A_390 = arith.constant 128 : i32
          %mul3A_391 = arith.muli %while3A_388, %mul3A_390 : i32
          %dma_start3A = arith.constant 0 : i32
          %dma_start3A_392 = tpu.memref_slice %arg27[%mul3A_391, %dma_start3A] : memref<2048x16xf32, #tpu.memory_space<vmem>> -> memref<128x16xf32, #tpu.memory_space<vmem>>
          %dma_start3A_393 = arith.constant 0 : i32
          %dma_start3A_394 = tpu.memref_slice %arg25[%while3A_388, %dma_start3A_393] : memref<16x128xi32, #tpu.memory_space<vmem>> -> memref<1x128xi32, #tpu.memory_space<vmem>>
          %dma_start3A_395 = tpu.memref_squeeze %dma_start3A_394 : memref<1x128xi32, #tpu.memory_space<vmem>> -> memref<128xi32, #tpu.memory_space<vmem>>
          %dma_start3A_396 = arith.constant 0 : i32
          %dma_start3A_397 = arith.constant 0 : i32
          %dma_start3A_398 = tpu.memref_slice %arg2[%dma_start3A_396, %dma_start3A_397] : memref<150016x16xf32, #tpu.memory_space<hbm>> -> memref<150016x16xf32, #tpu.memory_space<hbm>>
          tpu.enqueue_indirect_dma source(%dma_start3A_398 : memref<150016x16xf32, #tpu.memory_space<hbm>>) target(%dma_start3A_392 : memref<128x16xf32, #tpu.memory_space<vmem>>) offsets(%dma_start3A_395 : memref<128xi32, #tpu.memory_space<vmem>>) semaphore(%arg29 : memref<!tpu.dma_semaphore, #tpu.memory_space<semaphore_mem>>)
          %dma_wait3A = arith.constant 0 : i32
          %dma_wait3A_399 = tpu.memref_slice %arg27[%mul3A_391, %dma_wait3A] : memref<2048x16xf32, #tpu.memory_space<vmem>> -> memref<128x16xf32, #tpu.memory_space<vmem>>
          %dma_wait3A_400 = arith.constant 0 : i32
          %dma_wait3A_401 = tpu.memref_slice %arg25[%while3A_388, %dma_wait3A_400] : memref<16x128xi32, #tpu.memory_space<vmem>> -> memref<1x128xi32, #tpu.memory_space<vmem>>
          %dma_wait3A_402 = tpu.memref_squeeze %dma_wait3A_401 : memref<1x128xi32, #tpu.memory_space<vmem>> -> memref<128xi32, #tpu.memory_space<vmem>>
          %dma_wait3A_403 = arith.constant 0 : i32
          %dma_wait3A_404 = arith.constant 0 : i32
          %dma_wait3A_405 = tpu.memref_slice %arg2[%dma_wait3A_403, %dma_wait3A_404] : memref<150016x16xf32, #tpu.memory_space<hbm>> -> memref<150016x16xf32, #tpu.memory_space<hbm>>
          tpu.wait_indirect_dma semaphore(%arg29 : memref<!tpu.dma_semaphore, #tpu.memory_space<semaphore_mem>>) src(%dma_wait3A_405 : memref<150016x16xf32, #tpu.memory_space<hbm>>) dst(%dma_wait3A_399 : memref<128x16xf32, #tpu.memory_space<vmem>>)
          %mul3A_406 = arith.constant 128 : i32
          %mul3A_407 = arith.muli %while3A_388, %mul3A_406 : i32
          %dma_start3A_408 = arith.constant 0 : i32
          %dma_start3A_409 = tpu.memref_slice %arg27[%mul3A_407, %dma_start3A_408] : memref<2048x16xf32, #tpu.memory_space<vmem>> -> memref<128x16xf32, #tpu.memory_space<vmem>>
          %dma_start3A_410 = arith.constant 0 : i32
          %dma_start3A_411 = tpu.memref_slice %arg26[%while3A_388, %dma_start3A_410] : memref<16x128xi32, #tpu.memory_space<vmem>> -> memref<1x128xi32, #tpu.memory_space<vmem>>
          %dma_start3A_412 = tpu.memref_squeeze %dma_start3A_411 : memref<1x128xi32, #tpu.memory_space<vmem>> -> memref<128xi32, #tpu.memory_space<vmem>>
          %dma_start3A_413 = arith.constant 0 : i32
          %dma_start3A_414 = arith.constant 0 : i32
          %dma_start3A_415 = tpu.memref_slice %arg7[%dma_start3A_413, %dma_start3A_414] : memref<514048x16xf32, #tpu.memory_space<hbm>> -> memref<514048x16xf32, #tpu.memory_space<hbm>>
          tpu.enqueue_indirect_dma source(%dma_start3A_409 : memref<128x16xf32, #tpu.memory_space<vmem>>) target(%dma_start3A_415 : memref<514048x16xf32, #tpu.memory_space<hbm>>) offsets(%dma_start3A_412 : memref<128xi32, #tpu.memory_space<vmem>>) semaphore(%arg30 : memref<!tpu.dma_semaphore, #tpu.memory_space<semaphore_mem>>)
          %while3A_416 = arith.constant 0 : i32
          scf.yield %while3A_416 : i32
        }
        %while3A_373 = arith.constant 1 : i32
        %while3A_374 = scf.for %while3A_388 = %while3A_370 to %while3A_366 step %while3A_373 iter_args(%while3A_389 = %while3A_372) -> (i32)  : i32 {
          %mul3A_390 = arith.constant 128 : i32
          %mul3A_391 = arith.muli %while3A_388, %mul3A_390 : i32
          %dma_start3A = arith.constant 0 : i32
          %dma_start3A_392 = tpu.memref_slice %arg27[%mul3A_391, %dma_start3A] : memref<2048x16xf32, #tpu.memory_space<vmem>> -> memref<128x16xf32, #tpu.memory_space<vmem>>
          %dma_start3A_393 = arith.constant 0 : i32
          %dma_start3A_394 = tpu.memref_slice %arg25[%while3A_388, %dma_start3A_393] : memref<16x128xi32, #tpu.memory_space<vmem>> -> memref<1x128xi32, #tpu.memory_space<vmem>>
          %dma_start3A_395 = tpu.memref_squeeze %dma_start3A_394 : memref<1x128xi32, #tpu.memory_space<vmem>> -> memref<128xi32, #tpu.memory_space<vmem>>
          %dma_start3A_396 = arith.constant 0 : i32
          %dma_start3A_397 = arith.constant 0 : i32
          %dma_start3A_398 = tpu.memref_slice %arg2[%dma_start3A_396, %dma_start3A_397] : memref<150016x16xf32, #tpu.memory_space<hbm>> -> memref<150016x16xf32, #tpu.memory_space<hbm>>
          tpu.enqueue_indirect_dma source(%dma_start3A_398 : memref<150016x16xf32, #tpu.memory_space<hbm>>) target(%dma_start3A_392 : memref<128x16xf32, #tpu.memory_space<vmem>>) offsets(%dma_start3A_395 : memref<128xi32, #tpu.memory_space<vmem>>) semaphore(%arg29 : memref<!tpu.dma_semaphore, #tpu.memory_space<semaphore_mem>>)
          %dma_wait3A = arith.constant 0 : i32
          %dma_wait3A_399 = tpu.memref_slice %arg27[%mul3A_391, %dma_wait3A] : memref<2048x16xf32, #tpu.memory_space<vmem>> -> memref<128x16xf32, #tpu.memory_space<vmem>>
          %dma_wait3A_400 = arith.constant 0 : i32
          %dma_wait3A_401 = tpu.memref_slice %arg25[%while3A_388, %dma_wait3A_400] : memref<16x128xi32, #tpu.memory_space<vmem>> -> memref<1x128xi32, #tpu.memory_space<vmem>>
          %dma_wait3A_402 = tpu.memref_squeeze %dma_wait3A_401 : memref<1x128xi32, #tpu.memory_space<vmem>> -> memref<128xi32, #tpu.memory_space<vmem>>
          %dma_wait3A_403 = arith.constant 0 : i32
          %dma_wait3A_404 = arith.constant 0 : i32
          %dma_wait3A_405 = tpu.memref_slice %arg2[%dma_wait3A_403, %dma_wait3A_404] : memref<150016x16xf32, #tpu.memory_space<hbm>> -> memref<150016x16xf32, #tpu.memory_space<hbm>>
          tpu.wait_indirect_dma semaphore(%arg29 : memref<!tpu.dma_semaphore, #tpu.memory_space<semaphore_mem>>) src(%dma_wait3A_405 : memref<150016x16xf32, #tpu.memory_space<hbm>>) dst(%dma_wait3A_399 : memref<128x16xf32, #tpu.memory_space<vmem>>)
          %mul3A_406 = arith.constant 128 : i32
          %mul3A_407 = arith.muli %while3A_388, %mul3A_406 : i32
          %dma_start3A_408 = arith.constant 0 : i32
          %dma_start3A_409 = tpu.memref_slice %arg27[%mul3A_407, %dma_start3A_408] : memref<2048x16xf32, #tpu.memory_space<vmem>> -> memref<128x16xf32, #tpu.memory_space<vmem>>
          %dma_start3A_410 = arith.constant 0 : i32
          %dma_start3A_411 = tpu.memref_slice %arg26[%while3A_388, %dma_start3A_410] : memref<16x128xi32, #tpu.memory_space<vmem>> -> memref<1x128xi32, #tpu.memory_space<vmem>>
          %dma_start3A_412 = tpu.memref_squeeze %dma_start3A_411 : memref<1x128xi32, #tpu.memory_space<vmem>> -> memref<128xi32, #tpu.memory_space<vmem>>
          %dma_start3A_413 = arith.constant 0 : i32
          %dma_start3A_414 = arith.constant 0 : i32
          %dma_start3A_415 = tpu.memref_slice %arg7[%dma_start3A_413, %dma_start3A_414] : memref<514048x16xf32, #tpu.memory_space<hbm>> -> memref<514048x16xf32, #tpu.memory_space<hbm>>
          tpu.enqueue_indirect_dma source(%dma_start3A_409 : memref<128x16xf32, #tpu.memory_space<vmem>>) target(%dma_start3A_415 : memref<514048x16xf32, #tpu.memory_space<hbm>>) offsets(%dma_start3A_412 : memref<128xi32, #tpu.memory_space<vmem>>) semaphore(%arg30 : memref<!tpu.dma_semaphore, #tpu.memory_space<semaphore_mem>>)
          %while3A_416 = arith.constant 0 : i32
          scf.yield %while3A_416 : i32
        }
        %while3A_375 = arith.constant 0 : i32
        %while3A_376 = arith.constant 0 : i32
        %while3A_377 = arith.subi %shift_right_arithmetic3A_362, %while3A_375 : i32
        %while3A_378 = arith.addi %while3A_375, %while3A_377 : i32
        %while3A_379 = arith.constant 1 : i32
        %while3A_380 = arith.divsi %while3A_377, %while3A_379 : i32
        %while3A_381 = arith.muli %while3A_380, %while3A_379 : i32
        %while3A_382 = arith.addi %while3A_375, %while3A_381 : i32
        %while3A_383 = arith.constant 1 : i32
        %while3A_384 = scf.for %while3A_388 = %while3A_375 to %while3A_382 step %while3A_383 iter_args(%while3A_389 = %while3A_376) -> (i32)  : i32 {
          %mul3A_390 = arith.constant 128 : i32
          %mul3A_391 = arith.muli %while3A_388, %mul3A_390 : i32
          %dma_wait3A = arith.constant 0 : i32
          %dma_wait3A_392 = tpu.memref_slice %arg27[%mul3A_391, %dma_wait3A] : memref<2048x16xf32, #tpu.memory_space<vmem>> -> memref<128x16xf32, #tpu.memory_space<vmem>>
          %dma_wait3A_393 = arith.constant 0 : i32
          %dma_wait3A_394 = tpu.memref_slice %arg26[%while3A_388, %dma_wait3A_393] : memref<16x128xi32, #tpu.memory_space<vmem>> -> memref<1x128xi32, #tpu.memory_space<vmem>>
          %dma_wait3A_395 = tpu.memref_squeeze %dma_wait3A_394 : memref<1x128xi32, #tpu.memory_space<vmem>> -> memref<128xi32, #tpu.memory_space<vmem>>
          %dma_wait3A_396 = arith.constant 0 : i32
          %dma_wait3A_397 = arith.constant 0 : i32
          %dma_wait3A_398 = tpu.memref_slice %arg7[%dma_wait3A_396, %dma_wait3A_397] : memref<514048x16xf32, #tpu.memory_space<hbm>> -> memref<514048x16xf32, #tpu.memory_space<hbm>>
          tpu.wait_indirect_dma semaphore(%arg30 : memref<!tpu.dma_semaphore, #tpu.memory_space<semaphore_mem>>) src(%dma_wait3A_392 : memref<128x16xf32, #tpu.memory_space<vmem>>) dst(%dma_wait3A_398 : memref<514048x16xf32, #tpu.memory_space<hbm>>)
          %while3A_399 = arith.constant 0 : i32
          scf.yield %while3A_399 : i32
        }
        %while3A_385 = arith.constant 1 : i32
        %while3A_386 = scf.for %while3A_388 = %while3A_382 to %while3A_378 step %while3A_385 iter_args(%while3A_389 = %while3A_384) -> (i32)  : i32 {
          %mul3A_390 = arith.constant 128 : i32
          %mul3A_391 = arith.muli %while3A_388, %mul3A_390 : i32
          %dma_wait3A = arith.constant 0 : i32
          %dma_wait3A_392 = tpu.memref_slice %arg27[%mul3A_391, %dma_wait3A] : memref<2048x16xf32, #tpu.memory_space<vmem>> -> memref<128x16xf32, #tpu.memory_space<vmem>>
          %dma_wait3A_393 = arith.constant 0 : i32
          %dma_wait3A_394 = tpu.memref_slice %arg26[%while3A_388, %dma_wait3A_393] : memref<16x128xi32, #tpu.memory_space<vmem>> -> memref<1x128xi32, #tpu.memory_space<vmem>>
          %dma_wait3A_395 = tpu.memref_squeeze %dma_wait3A_394 : memref<1x128xi32, #tpu.memory_space<vmem>> -> memref<128xi32, #tpu.memory_space<vmem>>
          %dma_wait3A_396 = arith.constant 0 : i32
          %dma_wait3A_397 = arith.constant 0 : i32
          %dma_wait3A_398 = tpu.memref_slice %arg7[%dma_wait3A_396, %dma_wait3A_397] : memref<514048x16xf32, #tpu.memory_space<hbm>> -> memref<514048x16xf32, #tpu.memory_space<hbm>>
          tpu.wait_indirect_dma semaphore(%arg30 : memref<!tpu.dma_semaphore, #tpu.memory_space<semaphore_mem>>) src(%dma_wait3A_392 : memref<128x16xf32, #tpu.memory_space<vmem>>) dst(%dma_wait3A_398 : memref<514048x16xf32, #tpu.memory_space<hbm>>)
          %while3A_399 = arith.constant 0 : i32
          scf.yield %while3A_399 : i32
        }
        %while3A_387 = arith.constant 0 : i32
        scf.yield %while3A_387 : i32
      }
    } else {
    }
    return
  }
}

#map = affine_map<(d0, d1) -> (0, 0)>
#map1 = affine_map<(d0, d1) -> (0)>
module attributes {stable_mosaic.version = 14 : i64} {
  func.func @new_body(%arg0: i32, %arg1: i32, %arg2: memref<150016x4xf32, #tpu.memory_space<hbm>>, %arg3: memref<150016xi32, #tpu.memory_space<hbm>>, %arg4: memref<1024xi32, #tpu.memory_space<hbm>>, %arg5: memref<150016xi32, #tpu.memory_space<hbm>>, %arg6: memref<1024xi32, #tpu.memory_space<hbm>>, %arg7: memref<4688x4xf32, #tpu.memory_space<vmem>>, %arg8: memref<4688xi32, #tpu.memory_space<vmem>>, %arg9: memref<32xi32, #tpu.memory_space<vmem>>) attributes {dimension_semantics = [#tpu.dimension_semantics<core_parallel>, #tpu.dimension_semantics<subcore_parallel>], iteration_bounds = array<i64: 2, 16>, scalar_prefetch = 0 : i64, scratch_operands = 3 : i64, tpu.core_type = #tpu.core_type<sc_vector_subcore>, window_params = [{transform_indices = #map}, {transform_indices = #map1}, {transform_indices = #map1}, {transform_indices = #map1}, {transform_indices = #map1}]} {
    %mul3A = arith.constant 2 : i32
    %mul3A_0 = arith.muli %arg1, %mul3A : i32
    %add3A = arith.addi %mul3A_0, %arg0 : i32
    %mul3A_1 = arith.constant 4688 : i32
    %mul3A_2 = arith.muli %add3A, %mul3A_1 : i32
    "tpu.region"() ({
      %run_scoped3A = tpu.sem_alloc : memref<!tpu.dma_semaphore, #tpu.memory_space<semaphore_mem>>
      %dma_start3A = arith.constant 0 : i32
      %dma_start3A_19 = tpu.memref_slice %arg2[%mul3A_2, %dma_start3A] : memref<150016x4xf32, #tpu.memory_space<hbm>> -> memref<4688x4xf32, #tpu.memory_space<hbm>>
      %dma_start3A_20 = arith.constant 0 : i32
      %dma_start3A_21 = tpu.memref_slice %arg2[%mul3A_2, %dma_start3A_20] : memref<150016x4xf32, #tpu.memory_space<hbm>> -> memref<4688x4xf32, #tpu.memory_space<hbm>>
      tpu.enqueue_dma source(%dma_start3A_21 : memref<4688x4xf32, #tpu.memory_space<hbm>>) target(%arg7 : memref<4688x4xf32, #tpu.memory_space<vmem>>) target_semaphore(%run_scoped3A : memref<!tpu.dma_semaphore, #tpu.memory_space<semaphore_mem>>)
      %dma_wait3A = arith.constant 0 : i32
      %dma_wait3A_22 = tpu.memref_slice %arg2[%mul3A_2, %dma_wait3A] : memref<150016x4xf32, #tpu.memory_space<hbm>> -> memref<4688x4xf32, #tpu.memory_space<hbm>>
      %dma_wait3A_23 = arith.constant 0 : i32
      %dma_wait3A_24 = tpu.memref_slice %arg2[%mul3A_2, %dma_wait3A_23] : memref<150016x4xf32, #tpu.memory_space<hbm>> -> memref<4688x4xf32, #tpu.memory_space<hbm>>
      tpu.wait_dma2 semaphore(%run_scoped3A : memref<!tpu.dma_semaphore, #tpu.memory_space<semaphore_mem>>) src(%dma_wait3A_24 : memref<4688x4xf32, #tpu.memory_space<hbm>>) dst(%arg7 : memref<4688x4xf32, #tpu.memory_space<vmem>>)
      tpu.yield
    }) : () -> ()
    %broadcast_in_dim3A = arith.constant 0 : i32
    %broadcast_in_dim3A_3 = vector.broadcast %broadcast_in_dim3A : i32 to vector<16xi32>
    %swap3A = arith.constant 0 : index
    %swap3A_4 = tpu.vector_load %arg9[%swap3A] {strides = array<i32>} : memref<32xi32, #tpu.memory_space<vmem>>, vector<16xi32>,
    tpu.vector_store %arg9[%swap3A], %broadcast_in_dim3A_3 {strides = array<i32>} : memref<32xi32, #tpu.memory_space<vmem>>, vector<16xi32>,
    %broadcast_in_dim3A_5 = arith.constant 0 : i32
    %broadcast_in_dim3A_6 = vector.broadcast %broadcast_in_dim3A_5 : i32 to vector<16xi32>
    %swap3A_7 = arith.constant 16 : index
    %swap3A_8 = tpu.vector_load %arg9[%swap3A_7] {strides = array<i32>} : memref<32xi32, #tpu.memory_space<vmem>>, vector<16xi32>,
    tpu.vector_store %arg9[%swap3A_7], %broadcast_in_dim3A_6 {strides = array<i32>} : memref<32xi32, #tpu.memory_space<vmem>>, vector<16xi32>,
    %scan3A = arith.constant 0 : i32
    %scan3A_9 = arith.constant 0 : i32
    %scan3A_10 = arith.constant 293 : i32
    %scan3A_11 = arith.addi %scan3A_9, %scan3A_10 : i32
    %scan3A_12 = arith.constant 1 : i32
    %scan3A_13 = scf.for %scan3A_19 = %scan3A_9 to %scan3A_11 step %scan3A_12 iter_args(%scan3A_20 = %scan3A) -> (i32)  : i32 {
      %mul3A_21 = arith.constant 16 : i32
      %mul3A_22 = arith.muli %scan3A_19, %mul3A_21 : i32
      %iota3A = tpu.iota {dimensions = array<i32: 0>} : vector<16xi32>
      %add3A_23 = vector.broadcast %mul3A_22 : i32 to vector<16xi32>
      %add3A_24 = arith.addi %add3A_23, %iota3A : vector<16xi32>
      %broadcast_in_dim3A_25 = arith.constant 0 : i32
      %broadcast_in_dim3A_26 = vector.broadcast %broadcast_in_dim3A_25 : i32 to vector<16xi32>
      %gather3A = tpu.vector_load_idx %arg7[%add3A_24, %broadcast_in_dim3A_26] : memref<4688x4xf32, #tpu.memory_space<vmem>>[vector<16xi32>, vector<16xi32>], vector<16xf32>,
      %broadcast_in_dim3A_27 = arith.constant 1 : i32
      %broadcast_in_dim3A_28 = vector.broadcast %broadcast_in_dim3A_27 : i32 to vector<16xi32>
      %gather3A_29 = tpu.vector_load_idx %arg7[%add3A_24, %broadcast_in_dim3A_28] : memref<4688x4xf32, #tpu.memory_space<vmem>>[vector<16xi32>, vector<16xi32>], vector<16xf32>,
      %broadcast_in_dim3A_30 = arith.constant 2 : i32
      %broadcast_in_dim3A_31 = vector.broadcast %broadcast_in_dim3A_30 : i32 to vector<16xi32>
      %gather3A_32 = tpu.vector_load_idx %arg7[%add3A_24, %broadcast_in_dim3A_31] : memref<4688x4xf32, #tpu.memory_space<vmem>>[vector<16xi32>, vector<16xi32>], vector<16xf32>,
      %ge3A = arith.constant 0.000000e+00 : f32
      %ge3A_33 = vector.broadcast %ge3A : f32 to vector<16xf32>
      %ge3A_34 = arith.cmpf oge, %gather3A, %ge3A_33 : vector<16xf32>
      %le3A = arith.constant 6.912000e+01 : f32
      %le3A_35 = vector.broadcast %le3A : f32 to vector<16xf32>
      %le3A_36 = arith.cmpf ole, %gather3A, %le3A_35 : vector<16xf32>
      %and3A = arith.andi %ge3A_34, %le3A_36 : vector<16xi1>
      %ge3A_37 = arith.constant -3.968000e+01 : f32
      %ge3A_38 = vector.broadcast %ge3A_37 : f32 to vector<16xf32>
      %ge3A_39 = arith.cmpf oge, %gather3A_29, %ge3A_38 : vector<16xf32>
      %and3A_40 = arith.andi %and3A, %ge3A_39 : vector<16xi1>
      %le3A_41 = arith.constant 3.968000e+01 : f32
      %le3A_42 = vector.broadcast %le3A_41 : f32 to vector<16xf32>
      %le3A_43 = arith.cmpf ole, %gather3A_29, %le3A_42 : vector<16xf32>
      %and3A_44 = arith.andi %and3A_40, %le3A_43 : vector<16xi1>
      %ge3A_45 = arith.constant -3.000000e+00 : f32
      %ge3A_46 = vector.broadcast %ge3A_45 : f32 to vector<16xf32>
      %ge3A_47 = arith.cmpf oge, %gather3A_32, %ge3A_46 : vector<16xf32>
      %and3A_48 = arith.andi %and3A_44, %ge3A_47 : vector<16xi1>
      %le3A_49 = arith.constant 1.000000e+00 : f32
      %le3A_50 = vector.broadcast %le3A_49 : f32 to vector<16xf32>
      %le3A_51 = arith.cmpf ole, %gather3A_32, %le3A_50 : vector<16xf32>
      %and3A_52 = arith.andi %and3A_48, %le3A_51 : vector<16xi1>
      %div3A = arith.constant 1.600000e-01 : f32
      %div3A_53 = vector.broadcast %div3A : f32 to vector<16xf32>
      %div3A_54 = arith.divf %gather3A, %div3A_53 : vector<16xf32>
      %convert_element_type3A = arith.fptosi %div3A_54 : vector<16xf32> to vector<16xi32>
      %convert_element_type3A_55 = arith.sitofp %convert_element_type3A : vector<16xi32> to vector<16xf32>
      %gt3A = arith.cmpf ogt, %convert_element_type3A_55, %div3A_54 : vector<16xf32>
      %convert_element_type3A_56 = arith.extui %gt3A : vector<16xi1> to vector<16xi32>
      %sub3A = arith.subi %convert_element_type3A, %convert_element_type3A_56 : vector<16xi32>
      %div3A_57 = arith.constant 1.600000e-01 : f32
      %div3A_58 = vector.broadcast %div3A_57 : f32 to vector<16xf32>
      %div3A_59 = arith.divf %gather3A_29, %div3A_58 : vector<16xf32>
      %convert_element_type3A_60 = arith.fptosi %div3A_59 : vector<16xf32> to vector<16xi32>
      %convert_element_type3A_61 = arith.sitofp %convert_element_type3A_60 : vector<16xi32> to vector<16xf32>
      %gt3A_62 = arith.cmpf ogt, %convert_element_type3A_61, %div3A_59 : vector<16xf32>
      %convert_element_type3A_63 = arith.extui %gt3A_62 : vector<16xi1> to vector<16xi32>
      %sub3A_64 = arith.subi %convert_element_type3A_60, %convert_element_type3A_63 : vector<16xi32>
      %div3A_65 = arith.constant 4.000000e+00 : f32
      %div3A_66 = vector.broadcast %div3A_65 : f32 to vector<16xf32>
      %div3A_67 = arith.divf %gather3A_32, %div3A_66 : vector<16xf32>
      %convert_element_type3A_68 = arith.fptosi %div3A_67 : vector<16xf32> to vector<16xi32>
      %convert_element_type3A_69 = arith.sitofp %convert_element_type3A_68 : vector<16xi32> to vector<16xf32>
      %gt3A_70 = arith.cmpf ogt, %convert_element_type3A_69, %div3A_67 : vector<16xf32>
      %convert_element_type3A_71 = arith.extui %gt3A_70 : vector<16xi1> to vector<16xi32>
      %sub3A_72 = arith.subi %convert_element_type3A_68, %convert_element_type3A_71 : vector<16xi32>
      %sub3A_73 = arith.constant -1 : i32
      %sub3A_74 = vector.broadcast %sub3A_73 : i32 to vector<16xi32>
      %sub3A_75 = arith.subi %sub3A_72, %sub3A_74 : vector<16xi32>
      %mul3A_76 = arith.constant 497 : i32
      %mul3A_77 = vector.broadcast %mul3A_76 : i32 to vector<16xi32>
      %mul3A_78 = arith.muli %sub3A_75, %mul3A_77 : vector<16xi32>
      %sub3A_79 = arith.constant -248 : i32
      %sub3A_80 = vector.broadcast %sub3A_79 : i32 to vector<16xi32>
      %sub3A_81 = arith.subi %sub3A_64, %sub3A_80 : vector<16xi32>
      %add3A_82 = arith.addi %mul3A_78, %sub3A_81 : vector<16xi32>
      %mul3A_83 = arith.constant 433 : i32
      %mul3A_84 = vector.broadcast %mul3A_83 : i32 to vector<16xi32>
      %mul3A_85 = arith.muli %add3A_82, %mul3A_84 : vector<16xi32>
      %sub3A_86 = arith.constant 0 : i32
      %sub3A_87 = vector.broadcast %sub3A_86 : i32 to vector<16xi32>
      %sub3A_88 = arith.subi %sub3A, %sub3A_87 : vector<16xi32>
      %add3A_89 = arith.addi %mul3A_85, %sub3A_88 : vector<16xi32>
      %jit3A = arith.constant 430403 : i32
      %broadcast_in_dim3A_90 = vector.broadcast %jit3A : i32 to vector<16xi32>
      %select_n3A = arith.select %and3A_52, %add3A_89, %broadcast_in_dim3A_90 : vector<16xi1>, vector<16xi32>
      %mul3A_91 = arith.constant 16 : i32
      %mul3A_92 = arith.muli %scan3A_19, %mul3A_91 : i32
      %swap3A_93 = arith.index_cast %mul3A_92 : i32 to index
      %swap3A_94 = tpu.vector_load %arg8[%swap3A_93] {strides = array<i32>} : memref<4688xi32, #tpu.memory_space<vmem>>, vector<16xi32>,
      tpu.vector_store %arg8[%swap3A_93], %select_n3A {strides = array<i32>} : memref<4688xi32, #tpu.memory_space<vmem>>, vector<16xi32>,
      %convert_element_type3A_95 = arith.sitofp %select_n3A : vector<16xi32> to vector<16xf32>
      %div3A_96 = arith.constant 1.345100e+04 : f32
      %div3A_97 = vector.broadcast %div3A_96 : f32 to vector<16xf32>
      %div3A_98 = arith.divf %convert_element_type3A_95, %div3A_97 : vector<16xf32>
      %convert_element_type3A_99 = arith.fptosi %div3A_98 : vector<16xf32> to vector<16xi32>
      %broadcast_in_dim3A_100 = arith.constant true
      %broadcast_in_dim3A_101 = vector.broadcast %broadcast_in_dim3A_100 : i1 to vector<16xi1>
      %unique3A, %unique3A_102 = tpu.scan_count mask(%broadcast_in_dim3A_101 : vector<16xi1>) value(%convert_element_type3A_99 : vector<16xi32>) : vector<16xi1>, vector<16xi32>
      %gather3A_103 = tpu.vector_load_idx %arg9[%convert_element_type3A_99] masked %unique3A : memref<32xi32, #tpu.memory_space<vmem>>[vector<16xi32>], vector<16xi32>, vector<16xi1>
      %add3A_104 = arith.addi %gather3A_103, %unique3A_102 : vector<16xi32>
      tpu.vector_store_idx %arg9[%convert_element_type3A_99], %add3A_104 masked %unique3A : memref<32xi32, #tpu.memory_space<vmem>>[vector<16xi32>], vector<16xi32>, vector<16xi1>
      %scan3A_105 = arith.constant 0 : i32
      scf.yield %scan3A_105 : i32
    }
    %scan3A_14 = arith.constant 293 : i32
    %mul3A_15 = arith.constant 4688 : i32
    %mul3A_16 = arith.muli %add3A, %mul3A_15 : i32
    "tpu.region"() ({
      %run_scoped3A = tpu.sem_alloc : memref<!tpu.dma_semaphore, #tpu.memory_space<semaphore_mem>>
      %dma_start3A = tpu.memref_slice %arg3[%mul3A_16] : memref<150016xi32, #tpu.memory_space<hbm>> -> memref<4688xi32, #tpu.memory_space<hbm>>
      %dma_start3A_19 = tpu.memref_slice %arg3[%mul3A_16] : memref<150016xi32, #tpu.memory_space<hbm>> -> memref<4688xi32, #tpu.memory_space<hbm>>
      tpu.enqueue_dma source(%arg8 : memref<4688xi32, #tpu.memory_space<vmem>>) target(%dma_start3A_19 : memref<4688xi32, #tpu.memory_space<hbm>>) target_semaphore(%run_scoped3A : memref<!tpu.dma_semaphore, #tpu.memory_space<semaphore_mem>>)
      %dma_wait3A = tpu.memref_slice %arg3[%mul3A_16] : memref<150016xi32, #tpu.memory_space<hbm>> -> memref<4688xi32, #tpu.memory_space<hbm>>
      %dma_wait3A_20 = tpu.memref_slice %arg3[%mul3A_16] : memref<150016xi32, #tpu.memory_space<hbm>> -> memref<4688xi32, #tpu.memory_space<hbm>>
      tpu.wait_dma2 semaphore(%run_scoped3A : memref<!tpu.dma_semaphore, #tpu.memory_space<semaphore_mem>>) src(%arg8 : memref<4688xi32, #tpu.memory_space<vmem>>) dst(%dma_wait3A_20 : memref<4688xi32, #tpu.memory_space<hbm>>)
      tpu.yield
    }) : () -> ()
    %mul3A_17 = arith.constant 32 : i32
    %mul3A_18 = arith.muli %add3A, %mul3A_17 : i32
    "tpu.region"() ({
      %run_scoped3A = tpu.sem_alloc : memref<!tpu.dma_semaphore, #tpu.memory_space<semaphore_mem>>
      %dma_start3A = tpu.memref_slice %arg4[%mul3A_18] : memref<1024xi32, #tpu.memory_space<hbm>> -> memref<32xi32, #tpu.memory_space<hbm>>
      %dma_start3A_19 = tpu.memref_slice %arg4[%mul3A_18] : memref<1024xi32, #tpu.memory_space<hbm>> -> memref<32xi32, #tpu.memory_space<hbm>>
      tpu.enqueue_dma source(%arg9 : memref<32xi32, #tpu.memory_space<vmem>>) target(%dma_start3A_19 : memref<32xi32, #tpu.memory_space<hbm>>) target_semaphore(%run_scoped3A : memref<!tpu.dma_semaphore, #tpu.memory_space<semaphore_mem>>)
      %dma_wait3A = tpu.memref_slice %arg4[%mul3A_18] : memref<1024xi32, #tpu.memory_space<hbm>> -> memref<32xi32, #tpu.memory_space<hbm>>
      %dma_wait3A_20 = tpu.memref_slice %arg4[%mul3A_18] : memref<1024xi32, #tpu.memory_space<hbm>> -> memref<32xi32, #tpu.memory_space<hbm>>
      tpu.wait_dma2 semaphore(%run_scoped3A : memref<!tpu.dma_semaphore, #tpu.memory_space<semaphore_mem>>) src(%arg9 : memref<32xi32, #tpu.memory_space<vmem>>) dst(%dma_wait3A_20 : memref<32xi32, #tpu.memory_space<hbm>>)
      tpu.yield
    }) : () -> ()
    return
  }
}

#map = affine_map<(d0, d1) -> (0)>
module attributes {stable_mosaic.version = 14 : i64} {
  func.func @new_body(%arg0: i32, %arg1: i32, %arg2: memref<150016xi32, #tpu.memory_space<hbm>>, %arg3: memref<1024xi32, #tpu.memory_space<hbm>>, %arg4: memref<154624xi32, #tpu.memory_space<hbm>>, %arg5: memref<150016xi32, #tpu.memory_space<hbm>>, %arg6: memref<1024xi32, #tpu.memory_space<hbm>>, %arg7: memref<154624xi32, #tpu.memory_space<hbm>>, %arg8: memref<1024xi32, #tpu.memory_space<vmem>>, %arg9: memref<4688xi32, #tpu.memory_space<vmem>>, %arg10: memref<4736xi32, #tpu.memory_space<vmem>>, %arg11: memref<37x128xi32, #tpu.memory_space<vmem>>, %arg12: memref<32xi32, #tpu.memory_space<vmem>>, %arg13: memref<!tpu.dma_semaphore, #tpu.memory_space<semaphore_mem>>) attributes {dimension_semantics = [#tpu.dimension_semantics<core_parallel>, #tpu.dimension_semantics<subcore_parallel>], iteration_bounds = array<i64: 2, 16>, scalar_prefetch = 0 : i64, scratch_operands = 6 : i64, tpu.core_type = #tpu.core_type<sc_vector_subcore>, window_params = [{transform_indices = #map}, {transform_indices = #map}, {transform_indices = #map}, {transform_indices = #map}, {transform_indices = #map}, {transform_indices = #map}]} {
    %mul3A = arith.constant 2 : i32
    %mul3A_0 = arith.muli %arg1, %mul3A : i32
    %add3A = arith.addi %mul3A_0, %arg0 : i32
    "tpu.region"() ({
      %run_scoped3A = tpu.sem_alloc : memref<!tpu.dma_semaphore, #tpu.memory_space<semaphore_mem>>
      tpu.enqueue_dma source(%arg3 : memref<1024xi32, #tpu.memory_space<hbm>>) target(%arg8 : memref<1024xi32, #tpu.memory_space<vmem>>) target_semaphore(%run_scoped3A : memref<!tpu.dma_semaphore, #tpu.memory_space<semaphore_mem>>)
      tpu.wait_dma2 semaphore(%run_scoped3A : memref<!tpu.dma_semaphore, #tpu.memory_space<semaphore_mem>>) src(%arg3 : memref<1024xi32, #tpu.memory_space<hbm>>) dst(%arg8 : memref<1024xi32, #tpu.memory_space<vmem>>)
      tpu.yield
    }) : () -> ()
    %mul3A_1 = arith.constant 4688 : i32
    %mul3A_2 = arith.muli %add3A, %mul3A_1 : i32
    "tpu.region"() ({
      %run_scoped3A = tpu.sem_alloc : memref<!tpu.dma_semaphore, #tpu.memory_space<semaphore_mem>>
      %dma_start3A_683 = tpu.memref_slice %arg2[%mul3A_2] : memref<150016xi32, #tpu.memory_space<hbm>> -> memref<4688xi32, #tpu.memory_space<hbm>>
      %dma_start3A_684 = tpu.memref_slice %arg2[%mul3A_2] : memref<150016xi32, #tpu.memory_space<hbm>> -> memref<4688xi32, #tpu.memory_space<hbm>>
      tpu.enqueue_dma source(%dma_start3A_684 : memref<4688xi32, #tpu.memory_space<hbm>>) target(%arg9 : memref<4688xi32, #tpu.memory_space<vmem>>) target_semaphore(%run_scoped3A : memref<!tpu.dma_semaphore, #tpu.memory_space<semaphore_mem>>)
      %dma_wait3A_685 = tpu.memref_slice %arg2[%mul3A_2] : memref<150016xi32, #tpu.memory_space<hbm>> -> memref<4688xi32, #tpu.memory_space<hbm>>
      %dma_wait3A_686 = tpu.memref_slice %arg2[%mul3A_2] : memref<150016xi32, #tpu.memory_space<hbm>> -> memref<4688xi32, #tpu.memory_space<hbm>>
      tpu.wait_dma2 semaphore(%run_scoped3A : memref<!tpu.dma_semaphore, #tpu.memory_space<semaphore_mem>>) src(%dma_wait3A_686 : memref<4688xi32, #tpu.memory_space<hbm>>) dst(%arg9 : memref<4688xi32, #tpu.memory_space<vmem>>)
      tpu.yield
    }) : () -> ()
    %broadcast_in_dim3A = arith.constant 0 : i32
    %broadcast_in_dim3A_3 = vector.broadcast %broadcast_in_dim3A : i32 to vector<16xi32>
    %scan3A = arith.constant 0 : i32
    %scan3A_4 = arith.constant 32 : i32
    %scan3A_5 = arith.addi %scan3A, %scan3A_4 : i32
    %scan3A_6 = arith.constant 1 : i32
    %scan3A_7:4 = scf.for %scan3A_683 = %scan3A to %scan3A_5 step %scan3A_6 iter_args(%scan3A_684 = %broadcast_in_dim3A_3, %scan3A_685 = %broadcast_in_dim3A_3, %scan3A_686 = %broadcast_in_dim3A_3, %scan3A_687 = %broadcast_in_dim3A_3) -> (vector<16xi32>, vector<16xi32>, vector<16xi32>, vector<16xi32>)  : i32 {
      %mul3A_688 = arith.constant 32 : i32
      %mul3A_689 = arith.muli %scan3A_683, %mul3A_688 : i32
      %get3A = arith.index_cast %mul3A_689 : i32 to index
      %get3A_690 = tpu.vector_load %arg8[%get3A] {strides = array<i32>} : memref<1024xi32, #tpu.memory_space<vmem>>, vector<16xi32>,
      %mul3A_691 = arith.constant 32 : i32
      %mul3A_692 = arith.muli %scan3A_683, %mul3A_691 : i32
      %add3A_693 = arith.constant 16 : i32
      %add3A_694 = arith.addi %mul3A_692, %add3A_693 : i32
      %get3A_695 = arith.index_cast %add3A_694 : i32 to index
      %get3A_696 = tpu.vector_load %arg8[%get3A_695] {strides = array<i32>} : memref<1024xi32, #tpu.memory_space<vmem>>, vector<16xi32>,
      %lt3A = arith.cmpi slt, %scan3A_683, %add3A : i32
      %convert_element_type3A = arith.extui %lt3A : i1 to i32
      %add3A_697 = arith.addi %scan3A_684, %get3A_690 : vector<16xi32>
      %add3A_698 = arith.addi %scan3A_685, %get3A_696 : vector<16xi32>
      %mul3A_699 = vector.broadcast %convert_element_type3A : i32 to vector<16xi32>
      %mul3A_700 = arith.muli %get3A_690, %mul3A_699 : vector<16xi32>
      %add3A_701 = arith.addi %scan3A_686, %mul3A_700 : vector<16xi32>
      %mul3A_702 = vector.broadcast %convert_element_type3A : i32 to vector<16xi32>
      %mul3A_703 = arith.muli %get3A_696, %mul3A_702 : vector<16xi32>
      %add3A_704 = arith.addi %scan3A_687, %mul3A_703 : vector<16xi32>
      scf.yield %add3A_697, %add3A_698, %add3A_701, %add3A_704 : vector<16xi32>, vector<16xi32>, vector<16xi32>, vector<16xi32>
    }
    %scan3A_8 = arith.constant 32 : i32
    %add3A_9 = arith.constant 15 : i32
    %add3A_10 = vector.broadcast %add3A_9 : i32 to vector<16xi32>
    %add3A_11 = arith.addi %scan3A_7#0, %add3A_10 : vector<16xi32>
    %and3A = arith.constant -16 : i32
    %and3A_12 = vector.broadcast %and3A : i32 to vector<16xi32>
    %and3A_13 = arith.andi %add3A_11, %and3A_12 : vector<16xi32>
    %add3A_14 = arith.constant 15 : i32
    %add3A_15 = vector.broadcast %add3A_14 : i32 to vector<16xi32>
    %add3A_16 = arith.addi %scan3A_7#1, %add3A_15 : vector<16xi32>
    %and3A_17 = arith.constant -16 : i32
    %and3A_18 = vector.broadcast %and3A_17 : i32 to vector<16xi32>
    %and3A_19 = arith.andi %add3A_16, %and3A_18 : vector<16xi32>
    %broadcast_in_dim3A_20 = arith.constant true
    %broadcast_in_dim3A_21 = vector.broadcast %broadcast_in_dim3A_20 : i1 to vector<16xi1>
    %masked_cumsum3A = tpu.scan <sum>, %and3A_13 masked %broadcast_in_dim3A_21 : vector<16xi32>, vector<16xi1> -> vector<16xi32>
    %sub3A = arith.subi %masked_cumsum3A, %and3A_13 : vector<16xi32>
    %reduce_sum3A = arith.constant true
    %reduce_sum3A_22 = vector.broadcast %reduce_sum3A : i1 to vector<16xi1>
    %reduce_sum3A_23 = tpu.scan <sum>, %and3A_13 masked %reduce_sum3A_22 : vector<16xi32>, vector<16xi1> -> vector<16xi32>
    %reduce_sum3A_24 = vector.extract %reduce_sum3A_23[15] : i32 from vector<16xi32>
    %broadcast_in_dim3A_25 = arith.constant true
    %broadcast_in_dim3A_26 = vector.broadcast %broadcast_in_dim3A_25 : i1 to vector<16xi1>
    %masked_cumsum3A_27 = tpu.scan <sum>, %and3A_19 masked %broadcast_in_dim3A_26 : vector<16xi32>, vector<16xi1> -> vector<16xi32>
    %sub3A_28 = arith.subi %masked_cumsum3A_27, %and3A_19 : vector<16xi32>
    %add3A_29 = vector.broadcast %reduce_sum3A_24 : i32 to vector<16xi32>
    %add3A_30 = arith.addi %sub3A_28, %add3A_29 : vector<16xi32>
    %add3A_31 = arith.addi %sub3A, %scan3A_7#2 : vector<16xi32>
    %add3A_32 = arith.addi %add3A_30, %scan3A_7#3 : vector<16xi32>
    %swap3A = arith.constant 0 : index
    %swap3A_33 = tpu.vector_load %arg12[%swap3A] {strides = array<i32>} : memref<32xi32, #tpu.memory_space<vmem>>, vector<16xi32>,
    tpu.vector_store %arg12[%swap3A], %add3A_31 {strides = array<i32>} : memref<32xi32, #tpu.memory_space<vmem>>, vector<16xi32>,
    %swap3A_34 = arith.constant 16 : index
    %swap3A_35 = tpu.vector_load %arg12[%swap3A_34] {strides = array<i32>} : memref<32xi32, #tpu.memory_space<vmem>>, vector<16xi32>,
    tpu.vector_store %arg12[%swap3A_34], %add3A_32 {strides = array<i32>} : memref<32xi32, #tpu.memory_space<vmem>>, vector<16xi32>,
    %scan3A_36 = arith.constant 0 : i32
    %scan3A_37 = arith.constant 0 : i32
    %scan3A_38 = arith.constant 293 : i32
    %scan3A_39 = arith.addi %scan3A_37, %scan3A_38 : i32
    %scan3A_40 = arith.constant 1 : i32
    %scan3A_41 = scf.for %scan3A_683 = %scan3A_37 to %scan3A_39 step %scan3A_40 iter_args(%scan3A_684 = %scan3A_36) -> (i32)  : i32 {
      %mul3A_685 = arith.constant 16 : i32
      %mul3A_686 = arith.muli %scan3A_683, %mul3A_685 : i32
      %get3A = arith.index_cast %mul3A_686 : i32 to index
      %get3A_687 = tpu.vector_load %arg9[%get3A] {strides = array<i32>} : memref<4688xi32, #tpu.memory_space<vmem>>, vector<16xi32>,
      %convert_element_type3A = arith.sitofp %get3A_687 : vector<16xi32> to vector<16xf32>
      %div3A = arith.constant 1.345100e+04 : f32
      %div3A_688 = vector.broadcast %div3A : f32 to vector<16xf32>
      %div3A_689 = arith.divf %convert_element_type3A, %div3A_688 : vector<16xf32>
      %convert_element_type3A_690 = arith.fptosi %div3A_689 : vector<16xf32> to vector<16xi32>
      %broadcast_in_dim3A_691 = arith.constant true
      %broadcast_in_dim3A_692 = vector.broadcast %broadcast_in_dim3A_691 : i1 to vector<16xi1>
      %unique3A, %unique3A_693 = tpu.scan_count mask(%broadcast_in_dim3A_692 : vector<16xi1>) value(%convert_element_type3A_690 : vector<16xi32>) : vector<16xi1>, vector<16xi32>
      %gather3A = tpu.vector_load_idx %arg12[%convert_element_type3A_690] : memref<32xi32, #tpu.memory_space<vmem>>[vector<16xi32>], vector<16xi32>,
      %add3A_694 = arith.addi %gather3A, %unique3A_693 : vector<16xi32>
      %sub3A_695 = arith.constant 1 : i32
      %sub3A_696 = vector.broadcast %sub3A_695 : i32 to vector<16xi32>
      %sub3A_697 = arith.subi %add3A_694, %sub3A_696 : vector<16xi32>
      %add3A_698 = arith.addi %gather3A, %unique3A_693 : vector<16xi32>
      tpu.vector_store_idx %arg12[%convert_element_type3A_690], %add3A_698 masked %unique3A : memref<32xi32, #tpu.memory_space<vmem>>[vector<16xi32>], vector<16xi32>, vector<16xi1>
      %shift_right_arithmetic3A = arith.constant 3 : i32
      %shift_right_arithmetic3A_699 = arith.shrsi %scan3A_683, %shift_right_arithmetic3A : i32
      %and3A_700 = arith.constant 7 : i32
      %and3A_701 = arith.andi %scan3A_683, %and3A_700 : i32
      %mul3A_702 = arith.constant 16 : i32
      %mul3A_703 = arith.muli %and3A_701, %mul3A_702 : i32
      %swap3A_704 = arith.index_cast %shift_right_arithmetic3A_699 : i32 to index
      %swap3A_705 = arith.index_cast %mul3A_703 : i32 to index
      %swap3A_706 = tpu.vector_load %arg11[%swap3A_704, %swap3A_705] {strides = array<i32>} : memref<37x128xi32, #tpu.memory_space<vmem>>, vector<16xi32>,
      tpu.vector_store %arg11[%swap3A_704, %swap3A_705], %sub3A_697 {strides = array<i32>} : memref<37x128xi32, #tpu.memory_space<vmem>>, vector<16xi32>,
      %mul3A_707 = arith.constant 13451 : i32
      %mul3A_708 = vector.broadcast %mul3A_707 : i32 to vector<16xi32>
      %mul3A_709 = arith.muli %convert_element_type3A_690, %mul3A_708 : vector<16xi32>
      %sub3A_710 = arith.subi %get3A_687, %mul3A_709 : vector<16xi32>
      %shift_left3A = arith.constant 18 : i32
      %shift_left3A_711 = vector.broadcast %shift_left3A : i32 to vector<16xi32>
      %shift_left3A_712 = arith.shli %sub3A_710, %shift_left3A_711 : vector<16xi32>
      %mul3A_713 = arith.constant 4688 : i32
      %mul3A_714 = arith.muli %add3A, %mul3A_713 : i32
      %mul3A_715 = arith.constant 16 : i32
      %mul3A_716 = arith.muli %scan3A_683, %mul3A_715 : i32
      %add3A_717 = arith.addi %mul3A_714, %mul3A_716 : i32
      %iota3A_718 = tpu.iota {dimensions = array<i32: 0>} : vector<16xi32>
      %add3A_719 = vector.broadcast %add3A_717 : i32 to vector<16xi32>
      %add3A_720 = arith.addi %add3A_719, %iota3A_718 : vector<16xi32>
      %or3A = arith.ori %shift_left3A_712, %add3A_720 : vector<16xi32>
      %mul3A_721 = arith.constant 16 : i32
      %mul3A_722 = arith.muli %scan3A_683, %mul3A_721 : i32
      %swap3A_723 = arith.index_cast %mul3A_722 : i32 to index
      %swap3A_724 = tpu.vector_load %arg10[%swap3A_723] {strides = array<i32>} : memref<4736xi32, #tpu.memory_space<vmem>>, vector<16xi32>,
      tpu.vector_store %arg10[%swap3A_723], %or3A {strides = array<i32>} : memref<4736xi32, #tpu.memory_space<vmem>>, vector<16xi32>,
      %scan3A_725 = arith.constant 0 : i32
      scf.yield %scan3A_725 : i32
    }
    %scan3A_42 = arith.constant 293 : i32
    %broadcast_in_dim3A_43 = arith.constant 0 : i32
    %broadcast_in_dim3A_44 = vector.broadcast %broadcast_in_dim3A_43 : i32 to vector<16xi32>
    %swap3A_45 = arith.constant 4688 : index
    %swap3A_46 = tpu.vector_load %arg10[%swap3A_45] {strides = array<i32>} : memref<4736xi32, #tpu.memory_space<vmem>>, vector<16xi32>,
    tpu.vector_store %arg10[%swap3A_45], %broadcast_in_dim3A_44 {strides = array<i32>} : memref<4736xi32, #tpu.memory_space<vmem>>, vector<16xi32>,
    %mul3A_47 = arith.constant 64 : i32
    %mul3A_48 = arith.muli %add3A, %mul3A_47 : i32
    %add3A_49 = arith.constant 150528 : i32
    %add3A_50 = arith.addi %add3A_49, %mul3A_48 : i32
    %add3A_51 = arith.constant 0 : i32
    %add3A_52 = arith.addi %add3A_50, %add3A_51 : i32
    %iota3A = tpu.iota {dimensions = array<i32: 0>} : vector<16xi32>
    %add3A_53 = vector.broadcast %add3A_52 : i32 to vector<16xi32>
    %add3A_54 = arith.addi %add3A_53, %iota3A : vector<16xi32>
    %swap3A_55 = arith.constant 36 : i32
    %swap3A_56 = arith.index_cast %swap3A_55 : i32 to index
    %swap3A_57 = arith.constant 80 : index
    %swap3A_58 = tpu.vector_load %arg11[%swap3A_56, %swap3A_57] {strides = array<i32>} : memref<37x128xi32, #tpu.memory_space<vmem>>, vector<16xi32>,
    tpu.vector_store %arg11[%swap3A_56, %swap3A_57], %add3A_54 {strides = array<i32>} : memref<37x128xi32, #tpu.memory_space<vmem>>, vector<16xi32>,
    %broadcast_in_dim3A_59 = arith.constant 0 : i32
    %broadcast_in_dim3A_60 = vector.broadcast %broadcast_in_dim3A_59 : i32 to vector<16xi32>
    %swap3A_61 = arith.constant 4704 : index
    %swap3A_62 = tpu.vector_load %arg10[%swap3A_61] {strides = array<i32>} : memref<4736xi32, #tpu.memory_space<vmem>>, vector<16xi32>,
    tpu.vector_store %arg10[%swap3A_61], %broadcast_in_dim3A_60 {strides = array<i32>} : memref<4736xi32, #tpu.memory_space<vmem>>, vector<16xi32>,
    %mul3A_63 = arith.constant 64 : i32
    %mul3A_64 = arith.muli %add3A, %mul3A_63 : i32
    %add3A_65 = arith.constant 150528 : i32
    %add3A_66 = arith.addi %add3A_65, %mul3A_64 : i32
    %add3A_67 = arith.constant 16 : i32
    %add3A_68 = arith.addi %add3A_66, %add3A_67 : i32
    %iota3A_69 = tpu.iota {dimensions = array<i32: 0>} : vector<16xi32>
    %add3A_70 = vector.broadcast %add3A_68 : i32 to vector<16xi32>
    %add3A_71 = arith.addi %add3A_70, %iota3A_69 : vector<16xi32>
    %swap3A_72 = arith.constant 36 : i32
    %swap3A_73 = arith.index_cast %swap3A_72 : i32 to index
    %swap3A_74 = arith.constant 96 : index
    %swap3A_75 = tpu.vector_load %arg11[%swap3A_73, %swap3A_74] {strides = array<i32>} : memref<37x128xi32, #tpu.memory_space<vmem>>, vector<16xi32>,
    tpu.vector_store %arg11[%swap3A_73, %swap3A_74], %add3A_71 {strides = array<i32>} : memref<37x128xi32, #tpu.memory_space<vmem>>, vector<16xi32>,
    %broadcast_in_dim3A_76 = arith.constant 0 : i32
    %broadcast_in_dim3A_77 = vector.broadcast %broadcast_in_dim3A_76 : i32 to vector<16xi32>
    %swap3A_78 = arith.constant 4720 : index
    %swap3A_79 = tpu.vector_load %arg10[%swap3A_78] {strides = array<i32>} : memref<4736xi32, #tpu.memory_space<vmem>>, vector<16xi32>,
    tpu.vector_store %arg10[%swap3A_78], %broadcast_in_dim3A_77 {strides = array<i32>} : memref<4736xi32, #tpu.memory_space<vmem>>, vector<16xi32>,
    %mul3A_80 = arith.constant 64 : i32
    %mul3A_81 = arith.muli %add3A, %mul3A_80 : i32
    %add3A_82 = arith.constant 150528 : i32
    %add3A_83 = arith.addi %add3A_82, %mul3A_81 : i32
    %add3A_84 = arith.constant 32 : i32
    %add3A_85 = arith.addi %add3A_83, %add3A_84 : i32
    %iota3A_86 = tpu.iota {dimensions = array<i32: 0>} : vector<16xi32>
    %add3A_87 = vector.broadcast %add3A_85 : i32 to vector<16xi32>
    %add3A_88 = arith.addi %add3A_87, %iota3A_86 : vector<16xi32>
    %swap3A_89 = arith.constant 36 : i32
    %swap3A_90 = arith.index_cast %swap3A_89 : i32 to index
    %swap3A_91 = arith.constant 112 : index
    %swap3A_92 = tpu.vector_load %arg11[%swap3A_90, %swap3A_91] {strides = array<i32>} : memref<37x128xi32, #tpu.memory_space<vmem>>, vector<16xi32>,
    tpu.vector_store %arg11[%swap3A_90, %swap3A_91], %add3A_88 {strides = array<i32>} : memref<37x128xi32, #tpu.memory_space<vmem>>, vector<16xi32>,
    %dma_start3A = arith.constant 0 : i32
    %dma_start3A_93 = arith.constant 0 : i32
    %dma_start3A_94 = tpu.memref_slice %arg10[%dma_start3A_93] : memref<4736xi32, #tpu.memory_space<vmem>> -> memref<128xi32, #tpu.memory_space<vmem>>
    %dma_start3A_95 = arith.constant 0 : i32
    %dma_start3A_96 = tpu.memref_slice %arg11[%dma_start3A, %dma_start3A_95] : memref<37x128xi32, #tpu.memory_space<vmem>> -> memref<1x128xi32, #tpu.memory_space<vmem>>
    %dma_start3A_97 = tpu.memref_squeeze %dma_start3A_96 : memref<1x128xi32, #tpu.memory_space<vmem>> -> memref<128xi32, #tpu.memory_space<vmem>>
    %dma_start3A_98 = arith.constant 0 : i32
    %dma_start3A_99 = tpu.memref_slice %arg4[%dma_start3A_98] : memref<154624xi32, #tpu.memory_space<hbm>> -> memref<154624xi32, #tpu.memory_space<hbm>>
    tpu.enqueue_indirect_dma source(%dma_start3A_94 : memref<128xi32, #tpu.memory_space<vmem>>) target(%dma_start3A_99 : memref<154624xi32, #tpu.memory_space<hbm>>) offsets(%dma_start3A_97 : memref<128xi32, #tpu.memory_space<vmem>>) semaphore(%arg13 : memref<!tpu.dma_semaphore, #tpu.memory_space<semaphore_mem>>)
    %dma_start3A_100 = arith.constant 1 : i32
    %dma_start3A_101 = arith.constant 128 : i32
    %dma_start3A_102 = tpu.memref_slice %arg10[%dma_start3A_101] : memref<4736xi32, #tpu.memory_space<vmem>> -> memref<128xi32, #tpu.memory_space<vmem>>
    %dma_start3A_103 = arith.constant 0 : i32
    %dma_start3A_104 = tpu.memref_slice %arg11[%dma_start3A_100, %dma_start3A_103] : memref<37x128xi32, #tpu.memory_space<vmem>> -> memref<1x128xi32, #tpu.memory_space<vmem>>
    %dma_start3A_105 = tpu.memref_squeeze %dma_start3A_104 : memref<1x128xi32, #tpu.memory_space<vmem>> -> memref<128xi32, #tpu.memory_space<vmem>>
    %dma_start3A_106 = arith.constant 0 : i32
    %dma_start3A_107 = tpu.memref_slice %arg4[%dma_start3A_106] : memref<154624xi32, #tpu.memory_space<hbm>> -> memref<154624xi32, #tpu.memory_space<hbm>>
    tpu.enqueue_indirect_dma source(%dma_start3A_102 : memref<128xi32, #tpu.memory_space<vmem>>) target(%dma_start3A_107 : memref<154624xi32, #tpu.memory_space<hbm>>) offsets(%dma_start3A_105 : memref<128xi32, #tpu.memory_space<vmem>>) semaphore(%arg13 : memref<!tpu.dma_semaphore, #tpu.memory_space<semaphore_mem>>)
    %dma_start3A_108 = arith.constant 2 : i32
    %dma_start3A_109 = arith.constant 256 : i32
    %dma_start3A_110 = tpu.memref_slice %arg10[%dma_start3A_109] : memref<4736xi32, #tpu.memory_space<vmem>> -> memref<128xi32, #tpu.memory_space<vmem>>
    %dma_start3A_111 = arith.constant 0 : i32
    %dma_start3A_112 = tpu.memref_slice %arg11[%dma_start3A_108, %dma_start3A_111] : memref<37x128xi32, #tpu.memory_space<vmem>> -> memref<1x128xi32, #tpu.memory_space<vmem>>
    %dma_start3A_113 = tpu.memref_squeeze %dma_start3A_112 : memref<1x128xi32, #tpu.memory_space<vmem>> -> memref<128xi32, #tpu.memory_space<vmem>>
    %dma_start3A_114 = arith.constant 0 : i32
    %dma_start3A_115 = tpu.memref_slice %arg4[%dma_start3A_114] : memref<154624xi32, #tpu.memory_space<hbm>> -> memref<154624xi32, #tpu.memory_space<hbm>>
    tpu.enqueue_indirect_dma source(%dma_start3A_110 : memref<128xi32, #tpu.memory_space<vmem>>) target(%dma_start3A_115 : memref<154624xi32, #tpu.memory_space<hbm>>) offsets(%dma_start3A_113 : memref<128xi32, #tpu.memory_space<vmem>>) semaphore(%arg13 : memref<!tpu.dma_semaphore, #tpu.memory_space<semaphore_mem>>)
    %dma_start3A_116 = arith.constant 3 : i32
    %dma_start3A_117 = arith.constant 384 : i32
    %dma_start3A_118 = tpu.memref_slice %arg10[%dma_start3A_117] : memref<4736xi32, #tpu.memory_space<vmem>> -> memref<128xi32, #tpu.memory_space<vmem>>
    %dma_start3A_119 = arith.constant 0 : i32
    %dma_start3A_120 = tpu.memref_slice %arg11[%dma_start3A_116, %dma_start3A_119] : memref<37x128xi32, #tpu.memory_space<vmem>> -> memref<1x128xi32, #tpu.memory_space<vmem>>
    %dma_start3A_121 = tpu.memref_squeeze %dma_start3A_120 : memref<1x128xi32, #tpu.memory_space<vmem>> -> memref<128xi32, #tpu.memory_space<vmem>>
    %dma_start3A_122 = arith.constant 0 : i32
    %dma_start3A_123 = tpu.memref_slice %arg4[%dma_start3A_122] : memref<154624xi32, #tpu.memory_space<hbm>> -> memref<154624xi32, #tpu.memory_space<hbm>>
    tpu.enqueue_indirect_dma source(%dma_start3A_118 : memref<128xi32, #tpu.memory_space<vmem>>) target(%dma_start3A_123 : memref<154624xi32, #tpu.memory_space<hbm>>) offsets(%dma_start3A_121 : memref<128xi32, #tpu.memory_space<vmem>>) semaphore(%arg13 : memref<!tpu.dma_semaphore, #tpu.memory_space<semaphore_mem>>)
    %dma_start3A_124 = arith.constant 4 : i32
    %dma_start3A_125 = arith.constant 512 : i32
    %dma_start3A_126 = tpu.memref_slice %arg10[%dma_start3A_125] : memref<4736xi32, #tpu.memory_space<vmem>> -> memref<128xi32, #tpu.memory_space<vmem>>
    %dma_start3A_127 = arith.constant 0 : i32
    %dma_start3A_128 = tpu.memref_slice %arg11[%dma_start3A_124, %dma_start3A_127] : memref<37x128xi32, #tpu.memory_space<vmem>> -> memref<1x128xi32, #tpu.memory_space<vmem>>
    %dma_start3A_129 = tpu.memref_squeeze %dma_start3A_128 : memref<1x128xi32, #tpu.memory_space<vmem>> -> memref<128xi32, #tpu.memory_space<vmem>>
    %dma_start3A_130 = arith.constant 0 : i32
    %dma_start3A_131 = tpu.memref_slice %arg4[%dma_start3A_130] : memref<154624xi32, #tpu.memory_space<hbm>> -> memref<154624xi32, #tpu.memory_space<hbm>>
    tpu.enqueue_indirect_dma source(%dma_start3A_126 : memref<128xi32, #tpu.memory_space<vmem>>) target(%dma_start3A_131 : memref<154624xi32, #tpu.memory_space<hbm>>) offsets(%dma_start3A_129 : memref<128xi32, #tpu.memory_space<vmem>>) semaphore(%arg13 : memref<!tpu.dma_semaphore, #tpu.memory_space<semaphore_mem>>)
    %dma_start3A_132 = arith.constant 5 : i32
    %dma_start3A_133 = arith.constant 640 : i32
    %dma_start3A_134 = tpu.memref_slice %arg10[%dma_start3A_133] : memref<4736xi32, #tpu.memory_space<vmem>> -> memref<128xi32, #tpu.memory_space<vmem>>
    %dma_start3A_135 = arith.constant 0 : i32
    %dma_start3A_136 = tpu.memref_slice %arg11[%dma_start3A_132, %dma_start3A_135] : memref<37x128xi32, #tpu.memory_space<vmem>> -> memref<1x128xi32, #tpu.memory_space<vmem>>
    %dma_start3A_137 = tpu.memref_squeeze %dma_start3A_136 : memref<1x128xi32, #tpu.memory_space<vmem>> -> memref<128xi32, #tpu.memory_space<vmem>>
    %dma_start3A_138 = arith.constant 0 : i32
    %dma_start3A_139 = tpu.memref_slice %arg4[%dma_start3A_138] : memref<154624xi32, #tpu.memory_space<hbm>> -> memref<154624xi32, #tpu.memory_space<hbm>>
    tpu.enqueue_indirect_dma source(%dma_start3A_134 : memref<128xi32, #tpu.memory_space<vmem>>) target(%dma_start3A_139 : memref<154624xi32, #tpu.memory_space<hbm>>) offsets(%dma_start3A_137 : memref<128xi32, #tpu.memory_space<vmem>>) semaphore(%arg13 : memref<!tpu.dma_semaphore, #tpu.memory_space<semaphore_mem>>)
    %dma_start3A_140 = arith.constant 6 : i32
    %dma_start3A_141 = arith.constant 768 : i32
    %dma_start3A_142 = tpu.memref_slice %arg10[%dma_start3A_141] : memref<4736xi32, #tpu.memory_space<vmem>> -> memref<128xi32, #tpu.memory_space<vmem>>
    %dma_start3A_143 = arith.constant 0 : i32
    %dma_start3A_144 = tpu.memref_slice %arg11[%dma_start3A_140, %dma_start3A_143] : memref<37x128xi32, #tpu.memory_space<vmem>> -> memref<1x128xi32, #tpu.memory_space<vmem>>
    %dma_start3A_145 = tpu.memref_squeeze %dma_start3A_144 : memref<1x128xi32, #tpu.memory_space<vmem>> -> memref<128xi32, #tpu.memory_space<vmem>>
    %dma_start3A_146 = arith.constant 0 : i32
    %dma_start3A_147 = tpu.memref_slice %arg4[%dma_start3A_146] : memref<154624xi32, #tpu.memory_space<hbm>> -> memref<154624xi32, #tpu.memory_space<hbm>>
    tpu.enqueue_indirect_dma source(%dma_start3A_142 : memref<128xi32, #tpu.memory_space<vmem>>) target(%dma_start3A_147 : memref<154624xi32, #tpu.memory_space<hbm>>) offsets(%dma_start3A_145 : memref<128xi32, #tpu.memory_space<vmem>>) semaphore(%arg13 : memref<!tpu.dma_semaphore, #tpu.memory_space<semaphore_mem>>)
    %dma_start3A_148 = arith.constant 7 : i32
    %dma_start3A_149 = arith.constant 896 : i32
    %dma_start3A_150 = tpu.memref_slice %arg10[%dma_start3A_149] : memref<4736xi32, #tpu.memory_space<vmem>> -> memref<128xi32, #tpu.memory_space<vmem>>
    %dma_start3A_151 = arith.constant 0 : i32
    %dma_start3A_152 = tpu.memref_slice %arg11[%dma_start3A_148, %dma_start3A_151] : memref<37x128xi32, #tpu.memory_space<vmem>> -> memref<1x128xi32, #tpu.memory_space<vmem>>
    %dma_start3A_153 = tpu.memref_squeeze %dma_start3A_152 : memref<1x128xi32, #tpu.memory_space<vmem>> -> memref<128xi32, #tpu.memory_space<vmem>>
    %dma_start3A_154 = arith.constant 0 : i32
    %dma_start3A_155 = tpu.memref_slice %arg4[%dma_start3A_154] : memref<154624xi32, #tpu.memory_space<hbm>> -> memref<154624xi32, #tpu.memory_space<hbm>>
    tpu.enqueue_indirect_dma source(%dma_start3A_150 : memref<128xi32, #tpu.memory_space<vmem>>) target(%dma_start3A_155 : memref<154624xi32, #tpu.memory_space<hbm>>) offsets(%dma_start3A_153 : memref<128xi32, #tpu.memory_space<vmem>>) semaphore(%arg13 : memref<!tpu.dma_semaphore, #tpu.memory_space<semaphore_mem>>)
    %dma_start3A_156 = arith.constant 8 : i32
    %dma_start3A_157 = arith.constant 1024 : i32
    %dma_start3A_158 = tpu.memref_slice %arg10[%dma_start3A_157] : memref<4736xi32, #tpu.memory_space<vmem>> -> memref<128xi32, #tpu.memory_space<vmem>>
    %dma_start3A_159 = arith.constant 0 : i32
    %dma_start3A_160 = tpu.memref_slice %arg11[%dma_start3A_156, %dma_start3A_159] : memref<37x128xi32, #tpu.memory_space<vmem>> -> memref<1x128xi32, #tpu.memory_space<vmem>>
    %dma_start3A_161 = tpu.memref_squeeze %dma_start3A_160 : memref<1x128xi32, #tpu.memory_space<vmem>> -> memref<128xi32, #tpu.memory_space<vmem>>
    %dma_start3A_162 = arith.constant 0 : i32
    %dma_start3A_163 = tpu.memref_slice %arg4[%dma_start3A_162] : memref<154624xi32, #tpu.memory_space<hbm>> -> memref<154624xi32, #tpu.memory_space<hbm>>
    tpu.enqueue_indirect_dma source(%dma_start3A_158 : memref<128xi32, #tpu.memory_space<vmem>>) target(%dma_start3A_163 : memref<154624xi32, #tpu.memory_space<hbm>>) offsets(%dma_start3A_161 : memref<128xi32, #tpu.memory_space<vmem>>) semaphore(%arg13 : memref<!tpu.dma_semaphore, #tpu.memory_space<semaphore_mem>>)
    %dma_start3A_164 = arith.constant 9 : i32
    %dma_start3A_165 = arith.constant 1152 : i32
    %dma_start3A_166 = tpu.memref_slice %arg10[%dma_start3A_165] : memref<4736xi32, #tpu.memory_space<vmem>> -> memref<128xi32, #tpu.memory_space<vmem>>
    %dma_start3A_167 = arith.constant 0 : i32
    %dma_start3A_168 = tpu.memref_slice %arg11[%dma_start3A_164, %dma_start3A_167] : memref<37x128xi32, #tpu.memory_space<vmem>> -> memref<1x128xi32, #tpu.memory_space<vmem>>
    %dma_start3A_169 = tpu.memref_squeeze %dma_start3A_168 : memref<1x128xi32, #tpu.memory_space<vmem>> -> memref<128xi32, #tpu.memory_space<vmem>>
    %dma_start3A_170 = arith.constant 0 : i32
    %dma_start3A_171 = tpu.memref_slice %arg4[%dma_start3A_170] : memref<154624xi32, #tpu.memory_space<hbm>> -> memref<154624xi32, #tpu.memory_space<hbm>>
    tpu.enqueue_indirect_dma source(%dma_start3A_166 : memref<128xi32, #tpu.memory_space<vmem>>) target(%dma_start3A_171 : memref<154624xi32, #tpu.memory_space<hbm>>) offsets(%dma_start3A_169 : memref<128xi32, #tpu.memory_space<vmem>>) semaphore(%arg13 : memref<!tpu.dma_semaphore, #tpu.memory_space<semaphore_mem>>)
    %dma_start3A_172 = arith.constant 10 : i32
    %dma_start3A_173 = arith.constant 1280 : i32
    %dma_start3A_174 = tpu.memref_slice %arg10[%dma_start3A_173] : memref<4736xi32, #tpu.memory_space<vmem>> -> memref<128xi32, #tpu.memory_space<vmem>>
    %dma_start3A_175 = arith.constant 0 : i32
    %dma_start3A_176 = tpu.memref_slice %arg11[%dma_start3A_172, %dma_start3A_175] : memref<37x128xi32, #tpu.memory_space<vmem>> -> memref<1x128xi32, #tpu.memory_space<vmem>>
    %dma_start3A_177 = tpu.memref_squeeze %dma_start3A_176 : memref<1x128xi32, #tpu.memory_space<vmem>> -> memref<128xi32, #tpu.memory_space<vmem>>
    %dma_start3A_178 = arith.constant 0 : i32
    %dma_start3A_179 = tpu.memref_slice %arg4[%dma_start3A_178] : memref<154624xi32, #tpu.memory_space<hbm>> -> memref<154624xi32, #tpu.memory_space<hbm>>
    tpu.enqueue_indirect_dma source(%dma_start3A_174 : memref<128xi32, #tpu.memory_space<vmem>>) target(%dma_start3A_179 : memref<154624xi32, #tpu.memory_space<hbm>>) offsets(%dma_start3A_177 : memref<128xi32, #tpu.memory_space<vmem>>) semaphore(%arg13 : memref<!tpu.dma_semaphore, #tpu.memory_space<semaphore_mem>>)
    %dma_start3A_180 = arith.constant 11 : i32
    %dma_start3A_181 = arith.constant 1408 : i32
    %dma_start3A_182 = tpu.memref_slice %arg10[%dma_start3A_181] : memref<4736xi32, #tpu.memory_space<vmem>> -> memref<128xi32, #tpu.memory_space<vmem>>
    %dma_start3A_183 = arith.constant 0 : i32
    %dma_start3A_184 = tpu.memref_slice %arg11[%dma_start3A_180, %dma_start3A_183] : memref<37x128xi32, #tpu.memory_space<vmem>> -> memref<1x128xi32, #tpu.memory_space<vmem>>
    %dma_start3A_185 = tpu.memref_squeeze %dma_start3A_184 : memref<1x128xi32, #tpu.memory_space<vmem>> -> memref<128xi32, #tpu.memory_space<vmem>>
    %dma_start3A_186 = arith.constant 0 : i32
    %dma_start3A_187 = tpu.memref_slice %arg4[%dma_start3A_186] : memref<154624xi32, #tpu.memory_space<hbm>> -> memref<154624xi32, #tpu.memory_space<hbm>>
    tpu.enqueue_indirect_dma source(%dma_start3A_182 : memref<128xi32, #tpu.memory_space<vmem>>) target(%dma_start3A_187 : memref<154624xi32, #tpu.memory_space<hbm>>) offsets(%dma_start3A_185 : memref<128xi32, #tpu.memory_space<vmem>>) semaphore(%arg13 : memref<!tpu.dma_semaphore, #tpu.memory_space<semaphore_mem>>)
    %dma_start3A_188 = arith.constant 12 : i32
    %dma_start3A_189 = arith.constant 1536 : i32
    %dma_start3A_190 = tpu.memref_slice %arg10[%dma_start3A_189] : memref<4736xi32, #tpu.memory_space<vmem>> -> memref<128xi32, #tpu.memory_space<vmem>>
    %dma_start3A_191 = arith.constant 0 : i32
    %dma_start3A_192 = tpu.memref_slice %arg11[%dma_start3A_188, %dma_start3A_191] : memref<37x128xi32, #tpu.memory_space<vmem>> -> memref<1x128xi32, #tpu.memory_space<vmem>>
    %dma_start3A_193 = tpu.memref_squeeze %dma_start3A_192 : memref<1x128xi32, #tpu.memory_space<vmem>> -> memref<128xi32, #tpu.memory_space<vmem>>
    %dma_start3A_194 = arith.constant 0 : i32
    %dma_start3A_195 = tpu.memref_slice %arg4[%dma_start3A_194] : memref<154624xi32, #tpu.memory_space<hbm>> -> memref<154624xi32, #tpu.memory_space<hbm>>
    tpu.enqueue_indirect_dma source(%dma_start3A_190 : memref<128xi32, #tpu.memory_space<vmem>>) target(%dma_start3A_195 : memref<154624xi32, #tpu.memory_space<hbm>>) offsets(%dma_start3A_193 : memref<128xi32, #tpu.memory_space<vmem>>) semaphore(%arg13 : memref<!tpu.dma_semaphore, #tpu.memory_space<semaphore_mem>>)
    %dma_start3A_196 = arith.constant 13 : i32
    %dma_start3A_197 = arith.constant 1664 : i32
    %dma_start3A_198 = tpu.memref_slice %arg10[%dma_start3A_197] : memref<4736xi32, #tpu.memory_space<vmem>> -> memref<128xi32, #tpu.memory_space<vmem>>
    %dma_start3A_199 = arith.constant 0 : i32
    %dma_start3A_200 = tpu.memref_slice %arg11[%dma_start3A_196, %dma_start3A_199] : memref<37x128xi32, #tpu.memory_space<vmem>> -> memref<1x128xi32, #tpu.memory_space<vmem>>
    %dma_start3A_201 = tpu.memref_squeeze %dma_start3A_200 : memref<1x128xi32, #tpu.memory_space<vmem>> -> memref<128xi32, #tpu.memory_space<vmem>>
    %dma_start3A_202 = arith.constant 0 : i32
    %dma_start3A_203 = tpu.memref_slice %arg4[%dma_start3A_202] : memref<154624xi32, #tpu.memory_space<hbm>> -> memref<154624xi32, #tpu.memory_space<hbm>>
    tpu.enqueue_indirect_dma source(%dma_start3A_198 : memref<128xi32, #tpu.memory_space<vmem>>) target(%dma_start3A_203 : memref<154624xi32, #tpu.memory_space<hbm>>) offsets(%dma_start3A_201 : memref<128xi32, #tpu.memory_space<vmem>>) semaphore(%arg13 : memref<!tpu.dma_semaphore, #tpu.memory_space<semaphore_mem>>)
    %dma_start3A_204 = arith.constant 14 : i32
    %dma_start3A_205 = arith.constant 1792 : i32
    %dma_start3A_206 = tpu.memref_slice %arg10[%dma_start3A_205] : memref<4736xi32, #tpu.memory_space<vmem>> -> memref<128xi32, #tpu.memory_space<vmem>>
    %dma_start3A_207 = arith.constant 0 : i32
    %dma_start3A_208 = tpu.memref_slice %arg11[%dma_start3A_204, %dma_start3A_207] : memref<37x128xi32, #tpu.memory_space<vmem>> -> memref<1x128xi32, #tpu.memory_space<vmem>>
    %dma_start3A_209 = tpu.memref_squeeze %dma_start3A_208 : memref<1x128xi32, #tpu.memory_space<vmem>> -> memref<128xi32, #tpu.memory_space<vmem>>
    %dma_start3A_210 = arith.constant 0 : i32
    %dma_start3A_211 = tpu.memref_slice %arg4[%dma_start3A_210] : memref<154624xi32, #tpu.memory_space<hbm>> -> memref<154624xi32, #tpu.memory_space<hbm>>
    tpu.enqueue_indirect_dma source(%dma_start3A_206 : memref<128xi32, #tpu.memory_space<vmem>>) target(%dma_start3A_211 : memref<154624xi32, #tpu.memory_space<hbm>>) offsets(%dma_start3A_209 : memref<128xi32, #tpu.memory_space<vmem>>) semaphore(%arg13 : memref<!tpu.dma_semaphore, #tpu.memory_space<semaphore_mem>>)
    %dma_start3A_212 = arith.constant 15 : i32
    %dma_start3A_213 = arith.constant 1920 : i32
    %dma_start3A_214 = tpu.memref_slice %arg10[%dma_start3A_213] : memref<4736xi32, #tpu.memory_space<vmem>> -> memref<128xi32, #tpu.memory_space<vmem>>
    %dma_start3A_215 = arith.constant 0 : i32
    %dma_start3A_216 = tpu.memref_slice %arg11[%dma_start3A_212, %dma_start3A_215] : memref<37x128xi32, #tpu.memory_space<vmem>> -> memref<1x128xi32, #tpu.memory_space<vmem>>
    %dma_start3A_217 = tpu.memref_squeeze %dma_start3A_216 : memref<1x128xi32, #tpu.memory_space<vmem>> -> memref<128xi32, #tpu.memory_space<vmem>>
    %dma_start3A_218 = arith.constant 0 : i32
    %dma_start3A_219 = tpu.memref_slice %arg4[%dma_start3A_218] : memref<154624xi32, #tpu.memory_space<hbm>> -> memref<154624xi32, #tpu.memory_space<hbm>>
    tpu.enqueue_indirect_dma source(%dma_start3A_214 : memref<128xi32, #tpu.memory_space<vmem>>) target(%dma_start3A_219 : memref<154624xi32, #tpu.memory_space<hbm>>) offsets(%dma_start3A_217 : memref<128xi32, #tpu.memory_space<vmem>>) semaphore(%arg13 : memref<!tpu.dma_semaphore, #tpu.memory_space<semaphore_mem>>)
    %dma_start3A_220 = arith.constant 16 : i32
    %dma_start3A_221 = arith.constant 2048 : i32
    %dma_start3A_222 = tpu.memref_slice %arg10[%dma_start3A_221] : memref<4736xi32, #tpu.memory_space<vmem>> -> memref<128xi32, #tpu.memory_space<vmem>>
    %dma_start3A_223 = arith.constant 0 : i32
    %dma_start3A_224 = tpu.memref_slice %arg11[%dma_start3A_220, %dma_start3A_223] : memref<37x128xi32, #tpu.memory_space<vmem>> -> memref<1x128xi32, #tpu.memory_space<vmem>>
    %dma_start3A_225 = tpu.memref_squeeze %dma_start3A_224 : memref<1x128xi32, #tpu.memory_space<vmem>> -> memref<128xi32, #tpu.memory_space<vmem>>
    %dma_start3A_226 = arith.constant 0 : i32
    %dma_start3A_227 = tpu.memref_slice %arg4[%dma_start3A_226] : memref<154624xi32, #tpu.memory_space<hbm>> -> memref<154624xi32, #tpu.memory_space<hbm>>
    tpu.enqueue_indirect_dma source(%dma_start3A_222 : memref<128xi32, #tpu.memory_space<vmem>>) target(%dma_start3A_227 : memref<154624xi32, #tpu.memory_space<hbm>>) offsets(%dma_start3A_225 : memref<128xi32, #tpu.memory_space<vmem>>) semaphore(%arg13 : memref<!tpu.dma_semaphore, #tpu.memory_space<semaphore_mem>>)
    %dma_start3A_228 = arith.constant 17 : i32
    %dma_start3A_229 = arith.constant 2176 : i32
    %dma_start3A_230 = tpu.memref_slice %arg10[%dma_start3A_229] : memref<4736xi32, #tpu.memory_space<vmem>> -> memref<128xi32, #tpu.memory_space<vmem>>
    %dma_start3A_231 = arith.constant 0 : i32
    %dma_start3A_232 = tpu.memref_slice %arg11[%dma_start3A_228, %dma_start3A_231] : memref<37x128xi32, #tpu.memory_space<vmem>> -> memref<1x128xi32, #tpu.memory_space<vmem>>
    %dma_start3A_233 = tpu.memref_squeeze %dma_start3A_232 : memref<1x128xi32, #tpu.memory_space<vmem>> -> memref<128xi32, #tpu.memory_space<vmem>>
    %dma_start3A_234 = arith.constant 0 : i32
    %dma_start3A_235 = tpu.memref_slice %arg4[%dma_start3A_234] : memref<154624xi32, #tpu.memory_space<hbm>> -> memref<154624xi32, #tpu.memory_space<hbm>>
    tpu.enqueue_indirect_dma source(%dma_start3A_230 : memref<128xi32, #tpu.memory_space<vmem>>) target(%dma_start3A_235 : memref<154624xi32, #tpu.memory_space<hbm>>) offsets(%dma_start3A_233 : memref<128xi32, #tpu.memory_space<vmem>>) semaphore(%arg13 : memref<!tpu.dma_semaphore, #tpu.memory_space<semaphore_mem>>)
    %dma_start3A_236 = arith.constant 18 : i32
    %dma_start3A_237 = arith.constant 2304 : i32
    %dma_start3A_238 = tpu.memref_slice %arg10[%dma_start3A_237] : memref<4736xi32, #tpu.memory_space<vmem>> -> memref<128xi32, #tpu.memory_space<vmem>>
    %dma_start3A_239 = arith.constant 0 : i32
    %dma_start3A_240 = tpu.memref_slice %arg11[%dma_start3A_236, %dma_start3A_239] : memref<37x128xi32, #tpu.memory_space<vmem>> -> memref<1x128xi32, #tpu.memory_space<vmem>>
    %dma_start3A_241 = tpu.memref_squeeze %dma_start3A_240 : memref<1x128xi32, #tpu.memory_space<vmem>> -> memref<128xi32, #tpu.memory_space<vmem>>
    %dma_start3A_242 = arith.constant 0 : i32
    %dma_start3A_243 = tpu.memref_slice %arg4[%dma_start3A_242] : memref<154624xi32, #tpu.memory_space<hbm>> -> memref<154624xi32, #tpu.memory_space<hbm>>
    tpu.enqueue_indirect_dma source(%dma_start3A_238 : memref<128xi32, #tpu.memory_space<vmem>>) target(%dma_start3A_243 : memref<154624xi32, #tpu.memory_space<hbm>>) offsets(%dma_start3A_241 : memref<128xi32, #tpu.memory_space<vmem>>) semaphore(%arg13 : memref<!tpu.dma_semaphore, #tpu.memory_space<semaphore_mem>>)
    %dma_start3A_244 = arith.constant 19 : i32
    %dma_start3A_245 = arith.constant 2432 : i32
    %dma_start3A_246 = tpu.memref_slice %arg10[%dma_start3A_245] : memref<4736xi32, #tpu.memory_space<vmem>> -> memref<128xi32, #tpu.memory_space<vmem>>
    %dma_start3A_247 = arith.constant 0 : i32
    %dma_start3A_248 = tpu.memref_slice %arg11[%dma_start3A_244, %dma_start3A_247] : memref<37x128xi32, #tpu.memory_space<vmem>> -> memref<1x128xi32, #tpu.memory_space<vmem>>
    %dma_start3A_249 = tpu.memref_squeeze %dma_start3A_248 : memref<1x128xi32, #tpu.memory_space<vmem>> -> memref<128xi32, #tpu.memory_space<vmem>>
    %dma_start3A_250 = arith.constant 0 : i32
    %dma_start3A_251 = tpu.memref_slice %arg4[%dma_start3A_250] : memref<154624xi32, #tpu.memory_space<hbm>> -> memref<154624xi32, #tpu.memory_space<hbm>>
    tpu.enqueue_indirect_dma source(%dma_start3A_246 : memref<128xi32, #tpu.memory_space<vmem>>) target(%dma_start3A_251 : memref<154624xi32, #tpu.memory_space<hbm>>) offsets(%dma_start3A_249 : memref<128xi32, #tpu.memory_space<vmem>>) semaphore(%arg13 : memref<!tpu.dma_semaphore, #tpu.memory_space<semaphore_mem>>)
    %dma_start3A_252 = arith.constant 20 : i32
    %dma_start3A_253 = arith.constant 2560 : i32
    %dma_start3A_254 = tpu.memref_slice %arg10[%dma_start3A_253] : memref<4736xi32, #tpu.memory_space<vmem>> -> memref<128xi32, #tpu.memory_space<vmem>>
    %dma_start3A_255 = arith.constant 0 : i32
    %dma_start3A_256 = tpu.memref_slice %arg11[%dma_start3A_252, %dma_start3A_255] : memref<37x128xi32, #tpu.memory_space<vmem>> -> memref<1x128xi32, #tpu.memory_space<vmem>>
    %dma_start3A_257 = tpu.memref_squeeze %dma_start3A_256 : memref<1x128xi32, #tpu.memory_space<vmem>> -> memref<128xi32, #tpu.memory_space<vmem>>
    %dma_start3A_258 = arith.constant 0 : i32
    %dma_start3A_259 = tpu.memref_slice %arg4[%dma_start3A_258] : memref<154624xi32, #tpu.memory_space<hbm>> -> memref<154624xi32, #tpu.memory_space<hbm>>
    tpu.enqueue_indirect_dma source(%dma_start3A_254 : memref<128xi32, #tpu.memory_space<vmem>>) target(%dma_start3A_259 : memref<154624xi32, #tpu.memory_space<hbm>>) offsets(%dma_start3A_257 : memref<128xi32, #tpu.memory_space<vmem>>) semaphore(%arg13 : memref<!tpu.dma_semaphore, #tpu.memory_space<semaphore_mem>>)
    %dma_start3A_260 = arith.constant 21 : i32
    %dma_start3A_261 = arith.constant 2688 : i32
    %dma_start3A_262 = tpu.memref_slice %arg10[%dma_start3A_261] : memref<4736xi32, #tpu.memory_space<vmem>> -> memref<128xi32, #tpu.memory_space<vmem>>
    %dma_start3A_263 = arith.constant 0 : i32
    %dma_start3A_264 = tpu.memref_slice %arg11[%dma_start3A_260, %dma_start3A_263] : memref<37x128xi32, #tpu.memory_space<vmem>> -> memref<1x128xi32, #tpu.memory_space<vmem>>
    %dma_start3A_265 = tpu.memref_squeeze %dma_start3A_264 : memref<1x128xi32, #tpu.memory_space<vmem>> -> memref<128xi32, #tpu.memory_space<vmem>>
    %dma_start3A_266 = arith.constant 0 : i32
    %dma_start3A_267 = tpu.memref_slice %arg4[%dma_start3A_266] : memref<154624xi32, #tpu.memory_space<hbm>> -> memref<154624xi32, #tpu.memory_space<hbm>>
    tpu.enqueue_indirect_dma source(%dma_start3A_262 : memref<128xi32, #tpu.memory_space<vmem>>) target(%dma_start3A_267 : memref<154624xi32, #tpu.memory_space<hbm>>) offsets(%dma_start3A_265 : memref<128xi32, #tpu.memory_space<vmem>>) semaphore(%arg13 : memref<!tpu.dma_semaphore, #tpu.memory_space<semaphore_mem>>)
    %dma_start3A_268 = arith.constant 22 : i32
    %dma_start3A_269 = arith.constant 2816 : i32
    %dma_start3A_270 = tpu.memref_slice %arg10[%dma_start3A_269] : memref<4736xi32, #tpu.memory_space<vmem>> -> memref<128xi32, #tpu.memory_space<vmem>>
    %dma_start3A_271 = arith.constant 0 : i32
    %dma_start3A_272 = tpu.memref_slice %arg11[%dma_start3A_268, %dma_start3A_271] : memref<37x128xi32, #tpu.memory_space<vmem>> -> memref<1x128xi32, #tpu.memory_space<vmem>>
    %dma_start3A_273 = tpu.memref_squeeze %dma_start3A_272 : memref<1x128xi32, #tpu.memory_space<vmem>> -> memref<128xi32, #tpu.memory_space<vmem>>
    %dma_start3A_274 = arith.constant 0 : i32
    %dma_start3A_275 = tpu.memref_slice %arg4[%dma_start3A_274] : memref<154624xi32, #tpu.memory_space<hbm>> -> memref<154624xi32, #tpu.memory_space<hbm>>
    tpu.enqueue_indirect_dma source(%dma_start3A_270 : memref<128xi32, #tpu.memory_space<vmem>>) target(%dma_start3A_275 : memref<154624xi32, #tpu.memory_space<hbm>>) offsets(%dma_start3A_273 : memref<128xi32, #tpu.memory_space<vmem>>) semaphore(%arg13 : memref<!tpu.dma_semaphore, #tpu.memory_space<semaphore_mem>>)
    %dma_start3A_276 = arith.constant 23 : i32
    %dma_start3A_277 = arith.constant 2944 : i32
    %dma_start3A_278 = tpu.memref_slice %arg10[%dma_start3A_277] : memref<4736xi32, #tpu.memory_space<vmem>> -> memref<128xi32, #tpu.memory_space<vmem>>
    %dma_start3A_279 = arith.constant 0 : i32
    %dma_start3A_280 = tpu.memref_slice %arg11[%dma_start3A_276, %dma_start3A_279] : memref<37x128xi32, #tpu.memory_space<vmem>> -> memref<1x128xi32, #tpu.memory_space<vmem>>
    %dma_start3A_281 = tpu.memref_squeeze %dma_start3A_280 : memref<1x128xi32, #tpu.memory_space<vmem>> -> memref<128xi32, #tpu.memory_space<vmem>>
    %dma_start3A_282 = arith.constant 0 : i32
    %dma_start3A_283 = tpu.memref_slice %arg4[%dma_start3A_282] : memref<154624xi32, #tpu.memory_space<hbm>> -> memref<154624xi32, #tpu.memory_space<hbm>>
    tpu.enqueue_indirect_dma source(%dma_start3A_278 : memref<128xi32, #tpu.memory_space<vmem>>) target(%dma_start3A_283 : memref<154624xi32, #tpu.memory_space<hbm>>) offsets(%dma_start3A_281 : memref<128xi32, #tpu.memory_space<vmem>>) semaphore(%arg13 : memref<!tpu.dma_semaphore, #tpu.memory_space<semaphore_mem>>)
    %dma_start3A_284 = arith.constant 24 : i32
    %dma_start3A_285 = arith.constant 3072 : i32
    %dma_start3A_286 = tpu.memref_slice %arg10[%dma_start3A_285] : memref<4736xi32, #tpu.memory_space<vmem>> -> memref<128xi32, #tpu.memory_space<vmem>>
    %dma_start3A_287 = arith.constant 0 : i32
    %dma_start3A_288 = tpu.memref_slice %arg11[%dma_start3A_284, %dma_start3A_287] : memref<37x128xi32, #tpu.memory_space<vmem>> -> memref<1x128xi32, #tpu.memory_space<vmem>>
    %dma_start3A_289 = tpu.memref_squeeze %dma_start3A_288 : memref<1x128xi32, #tpu.memory_space<vmem>> -> memref<128xi32, #tpu.memory_space<vmem>>
    %dma_start3A_290 = arith.constant 0 : i32
    %dma_start3A_291 = tpu.memref_slice %arg4[%dma_start3A_290] : memref<154624xi32, #tpu.memory_space<hbm>> -> memref<154624xi32, #tpu.memory_space<hbm>>
    tpu.enqueue_indirect_dma source(%dma_start3A_286 : memref<128xi32, #tpu.memory_space<vmem>>) target(%dma_start3A_291 : memref<154624xi32, #tpu.memory_space<hbm>>) offsets(%dma_start3A_289 : memref<128xi32, #tpu.memory_space<vmem>>) semaphore(%arg13 : memref<!tpu.dma_semaphore, #tpu.memory_space<semaphore_mem>>)
    %dma_start3A_292 = arith.constant 25 : i32
    %dma_start3A_293 = arith.constant 3200 : i32
    %dma_start3A_294 = tpu.memref_slice %arg10[%dma_start3A_293] : memref<4736xi32, #tpu.memory_space<vmem>> -> memref<128xi32, #tpu.memory_space<vmem>>
    %dma_start3A_295 = arith.constant 0 : i32
    %dma_start3A_296 = tpu.memref_slice %arg11[%dma_start3A_292, %dma_start3A_295] : memref<37x128xi32, #tpu.memory_space<vmem>> -> memref<1x128xi32, #tpu.memory_space<vmem>>
    %dma_start3A_297 = tpu.memref_squeeze %dma_start3A_296 : memref<1x128xi32, #tpu.memory_space<vmem>> -> memref<128xi32, #tpu.memory_space<vmem>>
    %dma_start3A_298 = arith.constant 0 : i32
    %dma_start3A_299 = tpu.memref_slice %arg4[%dma_start3A_298] : memref<154624xi32, #tpu.memory_space<hbm>> -> memref<154624xi32, #tpu.memory_space<hbm>>
    tpu.enqueue_indirect_dma source(%dma_start3A_294 : memref<128xi32, #tpu.memory_space<vmem>>) target(%dma_start3A_299 : memref<154624xi32, #tpu.memory_space<hbm>>) offsets(%dma_start3A_297 : memref<128xi32, #tpu.memory_space<vmem>>) semaphore(%arg13 : memref<!tpu.dma_semaphore, #tpu.memory_space<semaphore_mem>>)
    %dma_start3A_300 = arith.constant 26 : i32
    %dma_start3A_301 = arith.constant 3328 : i32
    %dma_start3A_302 = tpu.memref_slice %arg10[%dma_start3A_301] : memref<4736xi32, #tpu.memory_space<vmem>> -> memref<128xi32, #tpu.memory_space<vmem>>
    %dma_start3A_303 = arith.constant 0 : i32
    %dma_start3A_304 = tpu.memref_slice %arg11[%dma_start3A_300, %dma_start3A_303] : memref<37x128xi32, #tpu.memory_space<vmem>> -> memref<1x128xi32, #tpu.memory_space<vmem>>
    %dma_start3A_305 = tpu.memref_squeeze %dma_start3A_304 : memref<1x128xi32, #tpu.memory_space<vmem>> -> memref<128xi32, #tpu.memory_space<vmem>>
    %dma_start3A_306 = arith.constant 0 : i32
    %dma_start3A_307 = tpu.memref_slice %arg4[%dma_start3A_306] : memref<154624xi32, #tpu.memory_space<hbm>> -> memref<154624xi32, #tpu.memory_space<hbm>>
    tpu.enqueue_indirect_dma source(%dma_start3A_302 : memref<128xi32, #tpu.memory_space<vmem>>) target(%dma_start3A_307 : memref<154624xi32, #tpu.memory_space<hbm>>) offsets(%dma_start3A_305 : memref<128xi32, #tpu.memory_space<vmem>>) semaphore(%arg13 : memref<!tpu.dma_semaphore, #tpu.memory_space<semaphore_mem>>)
    %dma_start3A_308 = arith.constant 27 : i32
    %dma_start3A_309 = arith.constant 3456 : i32
    %dma_start3A_310 = tpu.memref_slice %arg10[%dma_start3A_309] : memref<4736xi32, #tpu.memory_space<vmem>> -> memref<128xi32, #tpu.memory_space<vmem>>
    %dma_start3A_311 = arith.constant 0 : i32
    %dma_start3A_312 = tpu.memref_slice %arg11[%dma_start3A_308, %dma_start3A_311] : memref<37x128xi32, #tpu.memory_space<vmem>> -> memref<1x128xi32, #tpu.memory_space<vmem>>
    %dma_start3A_313 = tpu.memref_squeeze %dma_start3A_312 : memref<1x128xi32, #tpu.memory_space<vmem>> -> memref<128xi32, #tpu.memory_space<vmem>>
    %dma_start3A_314 = arith.constant 0 : i32
    %dma_start3A_315 = tpu.memref_slice %arg4[%dma_start3A_314] : memref<154624xi32, #tpu.memory_space<hbm>> -> memref<154624xi32, #tpu.memory_space<hbm>>
    tpu.enqueue_indirect_dma source(%dma_start3A_310 : memref<128xi32, #tpu.memory_space<vmem>>) target(%dma_start3A_315 : memref<154624xi32, #tpu.memory_space<hbm>>) offsets(%dma_start3A_313 : memref<128xi32, #tpu.memory_space<vmem>>) semaphore(%arg13 : memref<!tpu.dma_semaphore, #tpu.memory_space<semaphore_mem>>)
    %dma_start3A_316 = arith.constant 28 : i32
    %dma_start3A_317 = arith.constant 3584 : i32
    %dma_start3A_318 = tpu.memref_slice %arg10[%dma_start3A_317] : memref<4736xi32, #tpu.memory_space<vmem>> -> memref<128xi32, #tpu.memory_space<vmem>>
    %dma_start3A_319 = arith.constant 0 : i32
    %dma_start3A_320 = tpu.memref_slice %arg11[%dma_start3A_316, %dma_start3A_319] : memref<37x128xi32, #tpu.memory_space<vmem>> -> memref<1x128xi32, #tpu.memory_space<vmem>>
    %dma_start3A_321 = tpu.memref_squeeze %dma_start3A_320 : memref<1x128xi32, #tpu.memory_space<vmem>> -> memref<128xi32, #tpu.memory_space<vmem>>
    %dma_start3A_322 = arith.constant 0 : i32
    %dma_start3A_323 = tpu.memref_slice %arg4[%dma_start3A_322] : memref<154624xi32, #tpu.memory_space<hbm>> -> memref<154624xi32, #tpu.memory_space<hbm>>
    tpu.enqueue_indirect_dma source(%dma_start3A_318 : memref<128xi32, #tpu.memory_space<vmem>>) target(%dma_start3A_323 : memref<154624xi32, #tpu.memory_space<hbm>>) offsets(%dma_start3A_321 : memref<128xi32, #tpu.memory_space<vmem>>) semaphore(%arg13 : memref<!tpu.dma_semaphore, #tpu.memory_space<semaphore_mem>>)
    %dma_start3A_324 = arith.constant 29 : i32
    %dma_start3A_325 = arith.constant 3712 : i32
    %dma_start3A_326 = tpu.memref_slice %arg10[%dma_start3A_325] : memref<4736xi32, #tpu.memory_space<vmem>> -> memref<128xi32, #tpu.memory_space<vmem>>
    %dma_start3A_327 = arith.constant 0 : i32
    %dma_start3A_328 = tpu.memref_slice %arg11[%dma_start3A_324, %dma_start3A_327] : memref<37x128xi32, #tpu.memory_space<vmem>> -> memref<1x128xi32, #tpu.memory_space<vmem>>
    %dma_start3A_329 = tpu.memref_squeeze %dma_start3A_328 : memref<1x128xi32, #tpu.memory_space<vmem>> -> memref<128xi32, #tpu.memory_space<vmem>>
    %dma_start3A_330 = arith.constant 0 : i32
    %dma_start3A_331 = tpu.memref_slice %arg4[%dma_start3A_330] : memref<154624xi32, #tpu.memory_space<hbm>> -> memref<154624xi32, #tpu.memory_space<hbm>>
    tpu.enqueue_indirect_dma source(%dma_start3A_326 : memref<128xi32, #tpu.memory_space<vmem>>) target(%dma_start3A_331 : memref<154624xi32, #tpu.memory_space<hbm>>) offsets(%dma_start3A_329 : memref<128xi32, #tpu.memory_space<vmem>>) semaphore(%arg13 : memref<!tpu.dma_semaphore, #tpu.memory_space<semaphore_mem>>)
    %dma_start3A_332 = arith.constant 30 : i32
    %dma_start3A_333 = arith.constant 3840 : i32
    %dma_start3A_334 = tpu.memref_slice %arg10[%dma_start3A_333] : memref<4736xi32, #tpu.memory_space<vmem>> -> memref<128xi32, #tpu.memory_space<vmem>>
    %dma_start3A_335 = arith.constant 0 : i32
    %dma_start3A_336 = tpu.memref_slice %arg11[%dma_start3A_332, %dma_start3A_335] : memref<37x128xi32, #tpu.memory_space<vmem>> -> memref<1x128xi32, #tpu.memory_space<vmem>>
    %dma_start3A_337 = tpu.memref_squeeze %dma_start3A_336 : memref<1x128xi32, #tpu.memory_space<vmem>> -> memref<128xi32, #tpu.memory_space<vmem>>
    %dma_start3A_338 = arith.constant 0 : i32
    %dma_start3A_339 = tpu.memref_slice %arg4[%dma_start3A_338] : memref<154624xi32, #tpu.memory_space<hbm>> -> memref<154624xi32, #tpu.memory_space<hbm>>
    tpu.enqueue_indirect_dma source(%dma_start3A_334 : memref<128xi32, #tpu.memory_space<vmem>>) target(%dma_start3A_339 : memref<154624xi32, #tpu.memory_space<hbm>>) offsets(%dma_start3A_337 : memref<128xi32, #tpu.memory_space<vmem>>) semaphore(%arg13 : memref<!tpu.dma_semaphore, #tpu.memory_space<semaphore_mem>>)
    %dma_start3A_340 = arith.constant 31 : i32
    %dma_start3A_341 = arith.constant 3968 : i32
    %dma_start3A_342 = tpu.memref_slice %arg10[%dma_start3A_341] : memref<4736xi32, #tpu.memory_space<vmem>> -> memref<128xi32, #tpu.memory_space<vmem>>
    %dma_start3A_343 = arith.constant 0 : i32
    %dma_start3A_344 = tpu.memref_slice %arg11[%dma_start3A_340, %dma_start3A_343] : memref<37x128xi32, #tpu.memory_space<vmem>> -> memref<1x128xi32, #tpu.memory_space<vmem>>
    %dma_start3A_345 = tpu.memref_squeeze %dma_start3A_344 : memref<1x128xi32, #tpu.memory_space<vmem>> -> memref<128xi32, #tpu.memory_space<vmem>>
    %dma_start3A_346 = arith.constant 0 : i32
    %dma_start3A_347 = tpu.memref_slice %arg4[%dma_start3A_346] : memref<154624xi32, #tpu.memory_space<hbm>> -> memref<154624xi32, #tpu.memory_space<hbm>>
    tpu.enqueue_indirect_dma source(%dma_start3A_342 : memref<128xi32, #tpu.memory_space<vmem>>) target(%dma_start3A_347 : memref<154624xi32, #tpu.memory_space<hbm>>) offsets(%dma_start3A_345 : memref<128xi32, #tpu.memory_space<vmem>>) semaphore(%arg13 : memref<!tpu.dma_semaphore, #tpu.memory_space<semaphore_mem>>)
    %dma_start3A_348 = arith.constant 32 : i32
    %dma_start3A_349 = arith.constant 4096 : i32
    %dma_start3A_350 = tpu.memref_slice %arg10[%dma_start3A_349] : memref<4736xi32, #tpu.memory_space<vmem>> -> memref<128xi32, #tpu.memory_space<vmem>>
    %dma_start3A_351 = arith.constant 0 : i32
    %dma_start3A_352 = tpu.memref_slice %arg11[%dma_start3A_348, %dma_start3A_351] : memref<37x128xi32, #tpu.memory_space<vmem>> -> memref<1x128xi32, #tpu.memory_space<vmem>>
    %dma_start3A_353 = tpu.memref_squeeze %dma_start3A_352 : memref<1x128xi32, #tpu.memory_space<vmem>> -> memref<128xi32, #tpu.memory_space<vmem>>
    %dma_start3A_354 = arith.constant 0 : i32
    %dma_start3A_355 = tpu.memref_slice %arg4[%dma_start3A_354] : memref<154624xi32, #tpu.memory_space<hbm>> -> memref<154624xi32, #tpu.memory_space<hbm>>
    tpu.enqueue_indirect_dma source(%dma_start3A_350 : memref<128xi32, #tpu.memory_space<vmem>>) target(%dma_start3A_355 : memref<154624xi32, #tpu.memory_space<hbm>>) offsets(%dma_start3A_353 : memref<128xi32, #tpu.memory_space<vmem>>) semaphore(%arg13 : memref<!tpu.dma_semaphore, #tpu.memory_space<semaphore_mem>>)
    %dma_start3A_356 = arith.constant 33 : i32
    %dma_start3A_357 = arith.constant 4224 : i32
    %dma_start3A_358 = tpu.memref_slice %arg10[%dma_start3A_357] : memref<4736xi32, #tpu.memory_space<vmem>> -> memref<128xi32, #tpu.memory_space<vmem>>
    %dma_start3A_359 = arith.constant 0 : i32
    %dma_start3A_360 = tpu.memref_slice %arg11[%dma_start3A_356, %dma_start3A_359] : memref<37x128xi32, #tpu.memory_space<vmem>> -> memref<1x128xi32, #tpu.memory_space<vmem>>
    %dma_start3A_361 = tpu.memref_squeeze %dma_start3A_360 : memref<1x128xi32, #tpu.memory_space<vmem>> -> memref<128xi32, #tpu.memory_space<vmem>>
    %dma_start3A_362 = arith.constant 0 : i32
    %dma_start3A_363 = tpu.memref_slice %arg4[%dma_start3A_362] : memref<154624xi32, #tpu.memory_space<hbm>> -> memref<154624xi32, #tpu.memory_space<hbm>>
    tpu.enqueue_indirect_dma source(%dma_start3A_358 : memref<128xi32, #tpu.memory_space<vmem>>) target(%dma_start3A_363 : memref<154624xi32, #tpu.memory_space<hbm>>) offsets(%dma_start3A_361 : memref<128xi32, #tpu.memory_space<vmem>>) semaphore(%arg13 : memref<!tpu.dma_semaphore, #tpu.memory_space<semaphore_mem>>)
    %dma_start3A_364 = arith.constant 34 : i32
    %dma_start3A_365 = arith.constant 4352 : i32
    %dma_start3A_366 = tpu.memref_slice %arg10[%dma_start3A_365] : memref<4736xi32, #tpu.memory_space<vmem>> -> memref<128xi32, #tpu.memory_space<vmem>>
    %dma_start3A_367 = arith.constant 0 : i32
    %dma_start3A_368 = tpu.memref_slice %arg11[%dma_start3A_364, %dma_start3A_367] : memref<37x128xi32, #tpu.memory_space<vmem>> -> memref<1x128xi32, #tpu.memory_space<vmem>>
    %dma_start3A_369 = tpu.memref_squeeze %dma_start3A_368 : memref<1x128xi32, #tpu.memory_space<vmem>> -> memref<128xi32, #tpu.memory_space<vmem>>
    %dma_start3A_370 = arith.constant 0 : i32
    %dma_start3A_371 = tpu.memref_slice %arg4[%dma_start3A_370] : memref<154624xi32, #tpu.memory_space<hbm>> -> memref<154624xi32, #tpu.memory_space<hbm>>
    tpu.enqueue_indirect_dma source(%dma_start3A_366 : memref<128xi32, #tpu.memory_space<vmem>>) target(%dma_start3A_371 : memref<154624xi32, #tpu.memory_space<hbm>>) offsets(%dma_start3A_369 : memref<128xi32, #tpu.memory_space<vmem>>) semaphore(%arg13 : memref<!tpu.dma_semaphore, #tpu.memory_space<semaphore_mem>>)
    %dma_start3A_372 = arith.constant 35 : i32
    %dma_start3A_373 = arith.constant 4480 : i32
    %dma_start3A_374 = tpu.memref_slice %arg10[%dma_start3A_373] : memref<4736xi32, #tpu.memory_space<vmem>> -> memref<128xi32, #tpu.memory_space<vmem>>
    %dma_start3A_375 = arith.constant 0 : i32
    %dma_start3A_376 = tpu.memref_slice %arg11[%dma_start3A_372, %dma_start3A_375] : memref<37x128xi32, #tpu.memory_space<vmem>> -> memref<1x128xi32, #tpu.memory_space<vmem>>
    %dma_start3A_377 = tpu.memref_squeeze %dma_start3A_376 : memref<1x128xi32, #tpu.memory_space<vmem>> -> memref<128xi32, #tpu.memory_space<vmem>>
    %dma_start3A_378 = arith.constant 0 : i32
    %dma_start3A_379 = tpu.memref_slice %arg4[%dma_start3A_378] : memref<154624xi32, #tpu.memory_space<hbm>> -> memref<154624xi32, #tpu.memory_space<hbm>>
    tpu.enqueue_indirect_dma source(%dma_start3A_374 : memref<128xi32, #tpu.memory_space<vmem>>) target(%dma_start3A_379 : memref<154624xi32, #tpu.memory_space<hbm>>) offsets(%dma_start3A_377 : memref<128xi32, #tpu.memory_space<vmem>>) semaphore(%arg13 : memref<!tpu.dma_semaphore, #tpu.memory_space<semaphore_mem>>)
    %dma_start3A_380 = arith.constant 36 : i32
    %dma_start3A_381 = arith.constant 4608 : i32
    %dma_start3A_382 = tpu.memref_slice %arg10[%dma_start3A_381] : memref<4736xi32, #tpu.memory_space<vmem>> -> memref<128xi32, #tpu.memory_space<vmem>>
    %dma_start3A_383 = arith.constant 0 : i32
    %dma_start3A_384 = tpu.memref_slice %arg11[%dma_start3A_380, %dma_start3A_383] : memref<37x128xi32, #tpu.memory_space<vmem>> -> memref<1x128xi32, #tpu.memory_space<vmem>>
    %dma_start3A_385 = tpu.memref_squeeze %dma_start3A_384 : memref<1x128xi32, #tpu.memory_space<vmem>> -> memref<128xi32, #tpu.memory_space<vmem>>
    %dma_start3A_386 = arith.constant 0 : i32
    %dma_start3A_387 = tpu.memref_slice %arg4[%dma_start3A_386] : memref<154624xi32, #tpu.memory_space<hbm>> -> memref<154624xi32, #tpu.memory_space<hbm>>
    tpu.enqueue_indirect_dma source(%dma_start3A_382 : memref<128xi32, #tpu.memory_space<vmem>>) target(%dma_start3A_387 : memref<154624xi32, #tpu.memory_space<hbm>>) offsets(%dma_start3A_385 : memref<128xi32, #tpu.memory_space<vmem>>) semaphore(%arg13 : memref<!tpu.dma_semaphore, #tpu.memory_space<semaphore_mem>>)
    %dma_wait3A = arith.constant 0 : i32
    %dma_wait3A_388 = arith.constant 0 : i32
    %dma_wait3A_389 = tpu.memref_slice %arg10[%dma_wait3A_388] : memref<4736xi32, #tpu.memory_space<vmem>> -> memref<128xi32, #tpu.memory_space<vmem>>
    %dma_wait3A_390 = arith.constant 0 : i32
    %dma_wait3A_391 = tpu.memref_slice %arg11[%dma_wait3A, %dma_wait3A_390] : memref<37x128xi32, #tpu.memory_space<vmem>> -> memref<1x128xi32, #tpu.memory_space<vmem>>
    %dma_wait3A_392 = tpu.memref_squeeze %dma_wait3A_391 : memref<1x128xi32, #tpu.memory_space<vmem>> -> memref<128xi32, #tpu.memory_space<vmem>>
    %dma_wait3A_393 = arith.constant 0 : i32
    %dma_wait3A_394 = tpu.memref_slice %arg4[%dma_wait3A_393] : memref<154624xi32, #tpu.memory_space<hbm>> -> memref<154624xi32, #tpu.memory_space<hbm>>
    tpu.wait_indirect_dma semaphore(%arg13 : memref<!tpu.dma_semaphore, #tpu.memory_space<semaphore_mem>>) src(%dma_wait3A_389 : memref<128xi32, #tpu.memory_space<vmem>>) dst(%dma_wait3A_394 : memref<154624xi32, #tpu.memory_space<hbm>>)
    %dma_wait3A_395 = arith.constant 1 : i32
    %dma_wait3A_396 = arith.constant 128 : i32
    %dma_wait3A_397 = tpu.memref_slice %arg10[%dma_wait3A_396] : memref<4736xi32, #tpu.memory_space<vmem>> -> memref<128xi32, #tpu.memory_space<vmem>>
    %dma_wait3A_398 = arith.constant 0 : i32
    %dma_wait3A_399 = tpu.memref_slice %arg11[%dma_wait3A_395, %dma_wait3A_398] : memref<37x128xi32, #tpu.memory_space<vmem>> -> memref<1x128xi32, #tpu.memory_space<vmem>>
    %dma_wait3A_400 = tpu.memref_squeeze %dma_wait3A_399 : memref<1x128xi32, #tpu.memory_space<vmem>> -> memref<128xi32, #tpu.memory_space<vmem>>
    %dma_wait3A_401 = arith.constant 0 : i32
    %dma_wait3A_402 = tpu.memref_slice %arg4[%dma_wait3A_401] : memref<154624xi32, #tpu.memory_space<hbm>> -> memref<154624xi32, #tpu.memory_space<hbm>>
    tpu.wait_indirect_dma semaphore(%arg13 : memref<!tpu.dma_semaphore, #tpu.memory_space<semaphore_mem>>) src(%dma_wait3A_397 : memref<128xi32, #tpu.memory_space<vmem>>) dst(%dma_wait3A_402 : memref<154624xi32, #tpu.memory_space<hbm>>)
    %dma_wait3A_403 = arith.constant 2 : i32
    %dma_wait3A_404 = arith.constant 256 : i32
    %dma_wait3A_405 = tpu.memref_slice %arg10[%dma_wait3A_404] : memref<4736xi32, #tpu.memory_space<vmem>> -> memref<128xi32, #tpu.memory_space<vmem>>
    %dma_wait3A_406 = arith.constant 0 : i32
    %dma_wait3A_407 = tpu.memref_slice %arg11[%dma_wait3A_403, %dma_wait3A_406] : memref<37x128xi32, #tpu.memory_space<vmem>> -> memref<1x128xi32, #tpu.memory_space<vmem>>
    %dma_wait3A_408 = tpu.memref_squeeze %dma_wait3A_407 : memref<1x128xi32, #tpu.memory_space<vmem>> -> memref<128xi32, #tpu.memory_space<vmem>>
    %dma_wait3A_409 = arith.constant 0 : i32
    %dma_wait3A_410 = tpu.memref_slice %arg4[%dma_wait3A_409] : memref<154624xi32, #tpu.memory_space<hbm>> -> memref<154624xi32, #tpu.memory_space<hbm>>
    tpu.wait_indirect_dma semaphore(%arg13 : memref<!tpu.dma_semaphore, #tpu.memory_space<semaphore_mem>>) src(%dma_wait3A_405 : memref<128xi32, #tpu.memory_space<vmem>>) dst(%dma_wait3A_410 : memref<154624xi32, #tpu.memory_space<hbm>>)
    %dma_wait3A_411 = arith.constant 3 : i32
    %dma_wait3A_412 = arith.constant 384 : i32
    %dma_wait3A_413 = tpu.memref_slice %arg10[%dma_wait3A_412] : memref<4736xi32, #tpu.memory_space<vmem>> -> memref<128xi32, #tpu.memory_space<vmem>>
    %dma_wait3A_414 = arith.constant 0 : i32
    %dma_wait3A_415 = tpu.memref_slice %arg11[%dma_wait3A_411, %dma_wait3A_414] : memref<37x128xi32, #tpu.memory_space<vmem>> -> memref<1x128xi32, #tpu.memory_space<vmem>>
    %dma_wait3A_416 = tpu.memref_squeeze %dma_wait3A_415 : memref<1x128xi32, #tpu.memory_space<vmem>> -> memref<128xi32, #tpu.memory_space<vmem>>
    %dma_wait3A_417 = arith.constant 0 : i32
    %dma_wait3A_418 = tpu.memref_slice %arg4[%dma_wait3A_417] : memref<154624xi32, #tpu.memory_space<hbm>> -> memref<154624xi32, #tpu.memory_space<hbm>>
    tpu.wait_indirect_dma semaphore(%arg13 : memref<!tpu.dma_semaphore, #tpu.memory_space<semaphore_mem>>) src(%dma_wait3A_413 : memref<128xi32, #tpu.memory_space<vmem>>) dst(%dma_wait3A_418 : memref<154624xi32, #tpu.memory_space<hbm>>)
    %dma_wait3A_419 = arith.constant 4 : i32
    %dma_wait3A_420 = arith.constant 512 : i32
    %dma_wait3A_421 = tpu.memref_slice %arg10[%dma_wait3A_420] : memref<4736xi32, #tpu.memory_space<vmem>> -> memref<128xi32, #tpu.memory_space<vmem>>
    %dma_wait3A_422 = arith.constant 0 : i32
    %dma_wait3A_423 = tpu.memref_slice %arg11[%dma_wait3A_419, %dma_wait3A_422] : memref<37x128xi32, #tpu.memory_space<vmem>> -> memref<1x128xi32, #tpu.memory_space<vmem>>
    %dma_wait3A_424 = tpu.memref_squeeze %dma_wait3A_423 : memref<1x128xi32, #tpu.memory_space<vmem>> -> memref<128xi32, #tpu.memory_space<vmem>>
    %dma_wait3A_425 = arith.constant 0 : i32
    %dma_wait3A_426 = tpu.memref_slice %arg4[%dma_wait3A_425] : memref<154624xi32, #tpu.memory_space<hbm>> -> memref<154624xi32, #tpu.memory_space<hbm>>
    tpu.wait_indirect_dma semaphore(%arg13 : memref<!tpu.dma_semaphore, #tpu.memory_space<semaphore_mem>>) src(%dma_wait3A_421 : memref<128xi32, #tpu.memory_space<vmem>>) dst(%dma_wait3A_426 : memref<154624xi32, #tpu.memory_space<hbm>>)
    %dma_wait3A_427 = arith.constant 5 : i32
    %dma_wait3A_428 = arith.constant 640 : i32
    %dma_wait3A_429 = tpu.memref_slice %arg10[%dma_wait3A_428] : memref<4736xi32, #tpu.memory_space<vmem>> -> memref<128xi32, #tpu.memory_space<vmem>>
    %dma_wait3A_430 = arith.constant 0 : i32
    %dma_wait3A_431 = tpu.memref_slice %arg11[%dma_wait3A_427, %dma_wait3A_430] : memref<37x128xi32, #tpu.memory_space<vmem>> -> memref<1x128xi32, #tpu.memory_space<vmem>>
    %dma_wait3A_432 = tpu.memref_squeeze %dma_wait3A_431 : memref<1x128xi32, #tpu.memory_space<vmem>> -> memref<128xi32, #tpu.memory_space<vmem>>
    %dma_wait3A_433 = arith.constant 0 : i32
    %dma_wait3A_434 = tpu.memref_slice %arg4[%dma_wait3A_433] : memref<154624xi32, #tpu.memory_space<hbm>> -> memref<154624xi32, #tpu.memory_space<hbm>>
    tpu.wait_indirect_dma semaphore(%arg13 : memref<!tpu.dma_semaphore, #tpu.memory_space<semaphore_mem>>) src(%dma_wait3A_429 : memref<128xi32, #tpu.memory_space<vmem>>) dst(%dma_wait3A_434 : memref<154624xi32, #tpu.memory_space<hbm>>)
    %dma_wait3A_435 = arith.constant 6 : i32
    %dma_wait3A_436 = arith.constant 768 : i32
    %dma_wait3A_437 = tpu.memref_slice %arg10[%dma_wait3A_436] : memref<4736xi32, #tpu.memory_space<vmem>> -> memref<128xi32, #tpu.memory_space<vmem>>
    %dma_wait3A_438 = arith.constant 0 : i32
    %dma_wait3A_439 = tpu.memref_slice %arg11[%dma_wait3A_435, %dma_wait3A_438] : memref<37x128xi32, #tpu.memory_space<vmem>> -> memref<1x128xi32, #tpu.memory_space<vmem>>
    %dma_wait3A_440 = tpu.memref_squeeze %dma_wait3A_439 : memref<1x128xi32, #tpu.memory_space<vmem>> -> memref<128xi32, #tpu.memory_space<vmem>>
    %dma_wait3A_441 = arith.constant 0 : i32
    %dma_wait3A_442 = tpu.memref_slice %arg4[%dma_wait3A_441] : memref<154624xi32, #tpu.memory_space<hbm>> -> memref<154624xi32, #tpu.memory_space<hbm>>
    tpu.wait_indirect_dma semaphore(%arg13 : memref<!tpu.dma_semaphore, #tpu.memory_space<semaphore_mem>>) src(%dma_wait3A_437 : memref<128xi32, #tpu.memory_space<vmem>>) dst(%dma_wait3A_442 : memref<154624xi32, #tpu.memory_space<hbm>>)
    %dma_wait3A_443 = arith.constant 7 : i32
    %dma_wait3A_444 = arith.constant 896 : i32
    %dma_wait3A_445 = tpu.memref_slice %arg10[%dma_wait3A_444] : memref<4736xi32, #tpu.memory_space<vmem>> -> memref<128xi32, #tpu.memory_space<vmem>>
    %dma_wait3A_446 = arith.constant 0 : i32
    %dma_wait3A_447 = tpu.memref_slice %arg11[%dma_wait3A_443, %dma_wait3A_446] : memref<37x128xi32, #tpu.memory_space<vmem>> -> memref<1x128xi32, #tpu.memory_space<vmem>>
    %dma_wait3A_448 = tpu.memref_squeeze %dma_wait3A_447 : memref<1x128xi32, #tpu.memory_space<vmem>> -> memref<128xi32, #tpu.memory_space<vmem>>
    %dma_wait3A_449 = arith.constant 0 : i32
    %dma_wait3A_450 = tpu.memref_slice %arg4[%dma_wait3A_449] : memref<154624xi32, #tpu.memory_space<hbm>> -> memref<154624xi32, #tpu.memory_space<hbm>>
    tpu.wait_indirect_dma semaphore(%arg13 : memref<!tpu.dma_semaphore, #tpu.memory_space<semaphore_mem>>) src(%dma_wait3A_445 : memref<128xi32, #tpu.memory_space<vmem>>) dst(%dma_wait3A_450 : memref<154624xi32, #tpu.memory_space<hbm>>)
    %dma_wait3A_451 = arith.constant 8 : i32
    %dma_wait3A_452 = arith.constant 1024 : i32
    %dma_wait3A_453 = tpu.memref_slice %arg10[%dma_wait3A_452] : memref<4736xi32, #tpu.memory_space<vmem>> -> memref<128xi32, #tpu.memory_space<vmem>>
    %dma_wait3A_454 = arith.constant 0 : i32
    %dma_wait3A_455 = tpu.memref_slice %arg11[%dma_wait3A_451, %dma_wait3A_454] : memref<37x128xi32, #tpu.memory_space<vmem>> -> memref<1x128xi32, #tpu.memory_space<vmem>>
    %dma_wait3A_456 = tpu.memref_squeeze %dma_wait3A_455 : memref<1x128xi32, #tpu.memory_space<vmem>> -> memref<128xi32, #tpu.memory_space<vmem>>
    %dma_wait3A_457 = arith.constant 0 : i32
    %dma_wait3A_458 = tpu.memref_slice %arg4[%dma_wait3A_457] : memref<154624xi32, #tpu.memory_space<hbm>> -> memref<154624xi32, #tpu.memory_space<hbm>>
    tpu.wait_indirect_dma semaphore(%arg13 : memref<!tpu.dma_semaphore, #tpu.memory_space<semaphore_mem>>) src(%dma_wait3A_453 : memref<128xi32, #tpu.memory_space<vmem>>) dst(%dma_wait3A_458 : memref<154624xi32, #tpu.memory_space<hbm>>)
    %dma_wait3A_459 = arith.constant 9 : i32
    %dma_wait3A_460 = arith.constant 1152 : i32
    %dma_wait3A_461 = tpu.memref_slice %arg10[%dma_wait3A_460] : memref<4736xi32, #tpu.memory_space<vmem>> -> memref<128xi32, #tpu.memory_space<vmem>>
    %dma_wait3A_462 = arith.constant 0 : i32
    %dma_wait3A_463 = tpu.memref_slice %arg11[%dma_wait3A_459, %dma_wait3A_462] : memref<37x128xi32, #tpu.memory_space<vmem>> -> memref<1x128xi32, #tpu.memory_space<vmem>>
    %dma_wait3A_464 = tpu.memref_squeeze %dma_wait3A_463 : memref<1x128xi32, #tpu.memory_space<vmem>> -> memref<128xi32, #tpu.memory_space<vmem>>
    %dma_wait3A_465 = arith.constant 0 : i32
    %dma_wait3A_466 = tpu.memref_slice %arg4[%dma_wait3A_465] : memref<154624xi32, #tpu.memory_space<hbm>> -> memref<154624xi32, #tpu.memory_space<hbm>>
    tpu.wait_indirect_dma semaphore(%arg13 : memref<!tpu.dma_semaphore, #tpu.memory_space<semaphore_mem>>) src(%dma_wait3A_461 : memref<128xi32, #tpu.memory_space<vmem>>) dst(%dma_wait3A_466 : memref<154624xi32, #tpu.memory_space<hbm>>)
    %dma_wait3A_467 = arith.constant 10 : i32
    %dma_wait3A_468 = arith.constant 1280 : i32
    %dma_wait3A_469 = tpu.memref_slice %arg10[%dma_wait3A_468] : memref<4736xi32, #tpu.memory_space<vmem>> -> memref<128xi32, #tpu.memory_space<vmem>>
    %dma_wait3A_470 = arith.constant 0 : i32
    %dma_wait3A_471 = tpu.memref_slice %arg11[%dma_wait3A_467, %dma_wait3A_470] : memref<37x128xi32, #tpu.memory_space<vmem>> -> memref<1x128xi32, #tpu.memory_space<vmem>>
    %dma_wait3A_472 = tpu.memref_squeeze %dma_wait3A_471 : memref<1x128xi32, #tpu.memory_space<vmem>> -> memref<128xi32, #tpu.memory_space<vmem>>
    %dma_wait3A_473 = arith.constant 0 : i32
    %dma_wait3A_474 = tpu.memref_slice %arg4[%dma_wait3A_473] : memref<154624xi32, #tpu.memory_space<hbm>> -> memref<154624xi32, #tpu.memory_space<hbm>>
    tpu.wait_indirect_dma semaphore(%arg13 : memref<!tpu.dma_semaphore, #tpu.memory_space<semaphore_mem>>) src(%dma_wait3A_469 : memref<128xi32, #tpu.memory_space<vmem>>) dst(%dma_wait3A_474 : memref<154624xi32, #tpu.memory_space<hbm>>)
    %dma_wait3A_475 = arith.constant 11 : i32
    %dma_wait3A_476 = arith.constant 1408 : i32
    %dma_wait3A_477 = tpu.memref_slice %arg10[%dma_wait3A_476] : memref<4736xi32, #tpu.memory_space<vmem>> -> memref<128xi32, #tpu.memory_space<vmem>>
    %dma_wait3A_478 = arith.constant 0 : i32
    %dma_wait3A_479 = tpu.memref_slice %arg11[%dma_wait3A_475, %dma_wait3A_478] : memref<37x128xi32, #tpu.memory_space<vmem>> -> memref<1x128xi32, #tpu.memory_space<vmem>>
    %dma_wait3A_480 = tpu.memref_squeeze %dma_wait3A_479 : memref<1x128xi32, #tpu.memory_space<vmem>> -> memref<128xi32, #tpu.memory_space<vmem>>
    %dma_wait3A_481 = arith.constant 0 : i32
    %dma_wait3A_482 = tpu.memref_slice %arg4[%dma_wait3A_481] : memref<154624xi32, #tpu.memory_space<hbm>> -> memref<154624xi32, #tpu.memory_space<hbm>>
    tpu.wait_indirect_dma semaphore(%arg13 : memref<!tpu.dma_semaphore, #tpu.memory_space<semaphore_mem>>) src(%dma_wait3A_477 : memref<128xi32, #tpu.memory_space<vmem>>) dst(%dma_wait3A_482 : memref<154624xi32, #tpu.memory_space<hbm>>)
    %dma_wait3A_483 = arith.constant 12 : i32
    %dma_wait3A_484 = arith.constant 1536 : i32
    %dma_wait3A_485 = tpu.memref_slice %arg10[%dma_wait3A_484] : memref<4736xi32, #tpu.memory_space<vmem>> -> memref<128xi32, #tpu.memory_space<vmem>>
    %dma_wait3A_486 = arith.constant 0 : i32
    %dma_wait3A_487 = tpu.memref_slice %arg11[%dma_wait3A_483, %dma_wait3A_486] : memref<37x128xi32, #tpu.memory_space<vmem>> -> memref<1x128xi32, #tpu.memory_space<vmem>>
    %dma_wait3A_488 = tpu.memref_squeeze %dma_wait3A_487 : memref<1x128xi32, #tpu.memory_space<vmem>> -> memref<128xi32, #tpu.memory_space<vmem>>
    %dma_wait3A_489 = arith.constant 0 : i32
    %dma_wait3A_490 = tpu.memref_slice %arg4[%dma_wait3A_489] : memref<154624xi32, #tpu.memory_space<hbm>> -> memref<154624xi32, #tpu.memory_space<hbm>>
    tpu.wait_indirect_dma semaphore(%arg13 : memref<!tpu.dma_semaphore, #tpu.memory_space<semaphore_mem>>) src(%dma_wait3A_485 : memref<128xi32, #tpu.memory_space<vmem>>) dst(%dma_wait3A_490 : memref<154624xi32, #tpu.memory_space<hbm>>)
    %dma_wait3A_491 = arith.constant 13 : i32
    %dma_wait3A_492 = arith.constant 1664 : i32
    %dma_wait3A_493 = tpu.memref_slice %arg10[%dma_wait3A_492] : memref<4736xi32, #tpu.memory_space<vmem>> -> memref<128xi32, #tpu.memory_space<vmem>>
    %dma_wait3A_494 = arith.constant 0 : i32
    %dma_wait3A_495 = tpu.memref_slice %arg11[%dma_wait3A_491, %dma_wait3A_494] : memref<37x128xi32, #tpu.memory_space<vmem>> -> memref<1x128xi32, #tpu.memory_space<vmem>>
    %dma_wait3A_496 = tpu.memref_squeeze %dma_wait3A_495 : memref<1x128xi32, #tpu.memory_space<vmem>> -> memref<128xi32, #tpu.memory_space<vmem>>
    %dma_wait3A_497 = arith.constant 0 : i32
    %dma_wait3A_498 = tpu.memref_slice %arg4[%dma_wait3A_497] : memref<154624xi32, #tpu.memory_space<hbm>> -> memref<154624xi32, #tpu.memory_space<hbm>>
    tpu.wait_indirect_dma semaphore(%arg13 : memref<!tpu.dma_semaphore, #tpu.memory_space<semaphore_mem>>) src(%dma_wait3A_493 : memref<128xi32, #tpu.memory_space<vmem>>) dst(%dma_wait3A_498 : memref<154624xi32, #tpu.memory_space<hbm>>)
    %dma_wait3A_499 = arith.constant 14 : i32
    %dma_wait3A_500 = arith.constant 1792 : i32
    %dma_wait3A_501 = tpu.memref_slice %arg10[%dma_wait3A_500] : memref<4736xi32, #tpu.memory_space<vmem>> -> memref<128xi32, #tpu.memory_space<vmem>>
    %dma_wait3A_502 = arith.constant 0 : i32
    %dma_wait3A_503 = tpu.memref_slice %arg11[%dma_wait3A_499, %dma_wait3A_502] : memref<37x128xi32, #tpu.memory_space<vmem>> -> memref<1x128xi32, #tpu.memory_space<vmem>>
    %dma_wait3A_504 = tpu.memref_squeeze %dma_wait3A_503 : memref<1x128xi32, #tpu.memory_space<vmem>> -> memref<128xi32, #tpu.memory_space<vmem>>
    %dma_wait3A_505 = arith.constant 0 : i32
    %dma_wait3A_506 = tpu.memref_slice %arg4[%dma_wait3A_505] : memref<154624xi32, #tpu.memory_space<hbm>> -> memref<154624xi32, #tpu.memory_space<hbm>>
    tpu.wait_indirect_dma semaphore(%arg13 : memref<!tpu.dma_semaphore, #tpu.memory_space<semaphore_mem>>) src(%dma_wait3A_501 : memref<128xi32, #tpu.memory_space<vmem>>) dst(%dma_wait3A_506 : memref<154624xi32, #tpu.memory_space<hbm>>)
    %dma_wait3A_507 = arith.constant 15 : i32
    %dma_wait3A_508 = arith.constant 1920 : i32
    %dma_wait3A_509 = tpu.memref_slice %arg10[%dma_wait3A_508] : memref<4736xi32, #tpu.memory_space<vmem>> -> memref<128xi32, #tpu.memory_space<vmem>>
    %dma_wait3A_510 = arith.constant 0 : i32
    %dma_wait3A_511 = tpu.memref_slice %arg11[%dma_wait3A_507, %dma_wait3A_510] : memref<37x128xi32, #tpu.memory_space<vmem>> -> memref<1x128xi32, #tpu.memory_space<vmem>>
    %dma_wait3A_512 = tpu.memref_squeeze %dma_wait3A_511 : memref<1x128xi32, #tpu.memory_space<vmem>> -> memref<128xi32, #tpu.memory_space<vmem>>
    %dma_wait3A_513 = arith.constant 0 : i32
    %dma_wait3A_514 = tpu.memref_slice %arg4[%dma_wait3A_513] : memref<154624xi32, #tpu.memory_space<hbm>> -> memref<154624xi32, #tpu.memory_space<hbm>>
    tpu.wait_indirect_dma semaphore(%arg13 : memref<!tpu.dma_semaphore, #tpu.memory_space<semaphore_mem>>) src(%dma_wait3A_509 : memref<128xi32, #tpu.memory_space<vmem>>) dst(%dma_wait3A_514 : memref<154624xi32, #tpu.memory_space<hbm>>)
    %dma_wait3A_515 = arith.constant 16 : i32
    %dma_wait3A_516 = arith.constant 2048 : i32
    %dma_wait3A_517 = tpu.memref_slice %arg10[%dma_wait3A_516] : memref<4736xi32, #tpu.memory_space<vmem>> -> memref<128xi32, #tpu.memory_space<vmem>>
    %dma_wait3A_518 = arith.constant 0 : i32
    %dma_wait3A_519 = tpu.memref_slice %arg11[%dma_wait3A_515, %dma_wait3A_518] : memref<37x128xi32, #tpu.memory_space<vmem>> -> memref<1x128xi32, #tpu.memory_space<vmem>>
    %dma_wait3A_520 = tpu.memref_squeeze %dma_wait3A_519 : memref<1x128xi32, #tpu.memory_space<vmem>> -> memref<128xi32, #tpu.memory_space<vmem>>
    %dma_wait3A_521 = arith.constant 0 : i32
    %dma_wait3A_522 = tpu.memref_slice %arg4[%dma_wait3A_521] : memref<154624xi32, #tpu.memory_space<hbm>> -> memref<154624xi32, #tpu.memory_space<hbm>>
    tpu.wait_indirect_dma semaphore(%arg13 : memref<!tpu.dma_semaphore, #tpu.memory_space<semaphore_mem>>) src(%dma_wait3A_517 : memref<128xi32, #tpu.memory_space<vmem>>) dst(%dma_wait3A_522 : memref<154624xi32, #tpu.memory_space<hbm>>)
    %dma_wait3A_523 = arith.constant 17 : i32
    %dma_wait3A_524 = arith.constant 2176 : i32
    %dma_wait3A_525 = tpu.memref_slice %arg10[%dma_wait3A_524] : memref<4736xi32, #tpu.memory_space<vmem>> -> memref<128xi32, #tpu.memory_space<vmem>>
    %dma_wait3A_526 = arith.constant 0 : i32
    %dma_wait3A_527 = tpu.memref_slice %arg11[%dma_wait3A_523, %dma_wait3A_526] : memref<37x128xi32, #tpu.memory_space<vmem>> -> memref<1x128xi32, #tpu.memory_space<vmem>>
    %dma_wait3A_528 = tpu.memref_squeeze %dma_wait3A_527 : memref<1x128xi32, #tpu.memory_space<vmem>> -> memref<128xi32, #tpu.memory_space<vmem>>
    %dma_wait3A_529 = arith.constant 0 : i32
    %dma_wait3A_530 = tpu.memref_slice %arg4[%dma_wait3A_529] : memref<154624xi32, #tpu.memory_space<hbm>> -> memref<154624xi32, #tpu.memory_space<hbm>>
    tpu.wait_indirect_dma semaphore(%arg13 : memref<!tpu.dma_semaphore, #tpu.memory_space<semaphore_mem>>) src(%dma_wait3A_525 : memref<128xi32, #tpu.memory_space<vmem>>) dst(%dma_wait3A_530 : memref<154624xi32, #tpu.memory_space<hbm>>)
    %dma_wait3A_531 = arith.constant 18 : i32
    %dma_wait3A_532 = arith.constant 2304 : i32
    %dma_wait3A_533 = tpu.memref_slice %arg10[%dma_wait3A_532] : memref<4736xi32, #tpu.memory_space<vmem>> -> memref<128xi32, #tpu.memory_space<vmem>>
    %dma_wait3A_534 = arith.constant 0 : i32
    %dma_wait3A_535 = tpu.memref_slice %arg11[%dma_wait3A_531, %dma_wait3A_534] : memref<37x128xi32, #tpu.memory_space<vmem>> -> memref<1x128xi32, #tpu.memory_space<vmem>>
    %dma_wait3A_536 = tpu.memref_squeeze %dma_wait3A_535 : memref<1x128xi32, #tpu.memory_space<vmem>> -> memref<128xi32, #tpu.memory_space<vmem>>
    %dma_wait3A_537 = arith.constant 0 : i32
    %dma_wait3A_538 = tpu.memref_slice %arg4[%dma_wait3A_537] : memref<154624xi32, #tpu.memory_space<hbm>> -> memref<154624xi32, #tpu.memory_space<hbm>>
    tpu.wait_indirect_dma semaphore(%arg13 : memref<!tpu.dma_semaphore, #tpu.memory_space<semaphore_mem>>) src(%dma_wait3A_533 : memref<128xi32, #tpu.memory_space<vmem>>) dst(%dma_wait3A_538 : memref<154624xi32, #tpu.memory_space<hbm>>)
    %dma_wait3A_539 = arith.constant 19 : i32
    %dma_wait3A_540 = arith.constant 2432 : i32
    %dma_wait3A_541 = tpu.memref_slice %arg10[%dma_wait3A_540] : memref<4736xi32, #tpu.memory_space<vmem>> -> memref<128xi32, #tpu.memory_space<vmem>>
    %dma_wait3A_542 = arith.constant 0 : i32
    %dma_wait3A_543 = tpu.memref_slice %arg11[%dma_wait3A_539, %dma_wait3A_542] : memref<37x128xi32, #tpu.memory_space<vmem>> -> memref<1x128xi32, #tpu.memory_space<vmem>>
    %dma_wait3A_544 = tpu.memref_squeeze %dma_wait3A_543 : memref<1x128xi32, #tpu.memory_space<vmem>> -> memref<128xi32, #tpu.memory_space<vmem>>
    %dma_wait3A_545 = arith.constant 0 : i32
    %dma_wait3A_546 = tpu.memref_slice %arg4[%dma_wait3A_545] : memref<154624xi32, #tpu.memory_space<hbm>> -> memref<154624xi32, #tpu.memory_space<hbm>>
    tpu.wait_indirect_dma semaphore(%arg13 : memref<!tpu.dma_semaphore, #tpu.memory_space<semaphore_mem>>) src(%dma_wait3A_541 : memref<128xi32, #tpu.memory_space<vmem>>) dst(%dma_wait3A_546 : memref<154624xi32, #tpu.memory_space<hbm>>)
    %dma_wait3A_547 = arith.constant 20 : i32
    %dma_wait3A_548 = arith.constant 2560 : i32
    %dma_wait3A_549 = tpu.memref_slice %arg10[%dma_wait3A_548] : memref<4736xi32, #tpu.memory_space<vmem>> -> memref<128xi32, #tpu.memory_space<vmem>>
    %dma_wait3A_550 = arith.constant 0 : i32
    %dma_wait3A_551 = tpu.memref_slice %arg11[%dma_wait3A_547, %dma_wait3A_550] : memref<37x128xi32, #tpu.memory_space<vmem>> -> memref<1x128xi32, #tpu.memory_space<vmem>>
    %dma_wait3A_552 = tpu.memref_squeeze %dma_wait3A_551 : memref<1x128xi32, #tpu.memory_space<vmem>> -> memref<128xi32, #tpu.memory_space<vmem>>
    %dma_wait3A_553 = arith.constant 0 : i32
    %dma_wait3A_554 = tpu.memref_slice %arg4[%dma_wait3A_553] : memref<154624xi32, #tpu.memory_space<hbm>> -> memref<154624xi32, #tpu.memory_space<hbm>>
    tpu.wait_indirect_dma semaphore(%arg13 : memref<!tpu.dma_semaphore, #tpu.memory_space<semaphore_mem>>) src(%dma_wait3A_549 : memref<128xi32, #tpu.memory_space<vmem>>) dst(%dma_wait3A_554 : memref<154624xi32, #tpu.memory_space<hbm>>)
    %dma_wait3A_555 = arith.constant 21 : i32
    %dma_wait3A_556 = arith.constant 2688 : i32
    %dma_wait3A_557 = tpu.memref_slice %arg10[%dma_wait3A_556] : memref<4736xi32, #tpu.memory_space<vmem>> -> memref<128xi32, #tpu.memory_space<vmem>>
    %dma_wait3A_558 = arith.constant 0 : i32
    %dma_wait3A_559 = tpu.memref_slice %arg11[%dma_wait3A_555, %dma_wait3A_558] : memref<37x128xi32, #tpu.memory_space<vmem>> -> memref<1x128xi32, #tpu.memory_space<vmem>>
    %dma_wait3A_560 = tpu.memref_squeeze %dma_wait3A_559 : memref<1x128xi32, #tpu.memory_space<vmem>> -> memref<128xi32, #tpu.memory_space<vmem>>
    %dma_wait3A_561 = arith.constant 0 : i32
    %dma_wait3A_562 = tpu.memref_slice %arg4[%dma_wait3A_561] : memref<154624xi32, #tpu.memory_space<hbm>> -> memref<154624xi32, #tpu.memory_space<hbm>>
    tpu.wait_indirect_dma semaphore(%arg13 : memref<!tpu.dma_semaphore, #tpu.memory_space<semaphore_mem>>) src(%dma_wait3A_557 : memref<128xi32, #tpu.memory_space<vmem>>) dst(%dma_wait3A_562 : memref<154624xi32, #tpu.memory_space<hbm>>)
    %dma_wait3A_563 = arith.constant 22 : i32
    %dma_wait3A_564 = arith.constant 2816 : i32
    %dma_wait3A_565 = tpu.memref_slice %arg10[%dma_wait3A_564] : memref<4736xi32, #tpu.memory_space<vmem>> -> memref<128xi32, #tpu.memory_space<vmem>>
    %dma_wait3A_566 = arith.constant 0 : i32
    %dma_wait3A_567 = tpu.memref_slice %arg11[%dma_wait3A_563, %dma_wait3A_566] : memref<37x128xi32, #tpu.memory_space<vmem>> -> memref<1x128xi32, #tpu.memory_space<vmem>>
    %dma_wait3A_568 = tpu.memref_squeeze %dma_wait3A_567 : memref<1x128xi32, #tpu.memory_space<vmem>> -> memref<128xi32, #tpu.memory_space<vmem>>
    %dma_wait3A_569 = arith.constant 0 : i32
    %dma_wait3A_570 = tpu.memref_slice %arg4[%dma_wait3A_569] : memref<154624xi32, #tpu.memory_space<hbm>> -> memref<154624xi32, #tpu.memory_space<hbm>>
    tpu.wait_indirect_dma semaphore(%arg13 : memref<!tpu.dma_semaphore, #tpu.memory_space<semaphore_mem>>) src(%dma_wait3A_565 : memref<128xi32, #tpu.memory_space<vmem>>) dst(%dma_wait3A_570 : memref<154624xi32, #tpu.memory_space<hbm>>)
    %dma_wait3A_571 = arith.constant 23 : i32
    %dma_wait3A_572 = arith.constant 2944 : i32
    %dma_wait3A_573 = tpu.memref_slice %arg10[%dma_wait3A_572] : memref<4736xi32, #tpu.memory_space<vmem>> -> memref<128xi32, #tpu.memory_space<vmem>>
    %dma_wait3A_574 = arith.constant 0 : i32
    %dma_wait3A_575 = tpu.memref_slice %arg11[%dma_wait3A_571, %dma_wait3A_574] : memref<37x128xi32, #tpu.memory_space<vmem>> -> memref<1x128xi32, #tpu.memory_space<vmem>>
    %dma_wait3A_576 = tpu.memref_squeeze %dma_wait3A_575 : memref<1x128xi32, #tpu.memory_space<vmem>> -> memref<128xi32, #tpu.memory_space<vmem>>
    %dma_wait3A_577 = arith.constant 0 : i32
    %dma_wait3A_578 = tpu.memref_slice %arg4[%dma_wait3A_577] : memref<154624xi32, #tpu.memory_space<hbm>> -> memref<154624xi32, #tpu.memory_space<hbm>>
    tpu.wait_indirect_dma semaphore(%arg13 : memref<!tpu.dma_semaphore, #tpu.memory_space<semaphore_mem>>) src(%dma_wait3A_573 : memref<128xi32, #tpu.memory_space<vmem>>) dst(%dma_wait3A_578 : memref<154624xi32, #tpu.memory_space<hbm>>)
    %dma_wait3A_579 = arith.constant 24 : i32
    %dma_wait3A_580 = arith.constant 3072 : i32
    %dma_wait3A_581 = tpu.memref_slice %arg10[%dma_wait3A_580] : memref<4736xi32, #tpu.memory_space<vmem>> -> memref<128xi32, #tpu.memory_space<vmem>>
    %dma_wait3A_582 = arith.constant 0 : i32
    %dma_wait3A_583 = tpu.memref_slice %arg11[%dma_wait3A_579, %dma_wait3A_582] : memref<37x128xi32, #tpu.memory_space<vmem>> -> memref<1x128xi32, #tpu.memory_space<vmem>>
    %dma_wait3A_584 = tpu.memref_squeeze %dma_wait3A_583 : memref<1x128xi32, #tpu.memory_space<vmem>> -> memref<128xi32, #tpu.memory_space<vmem>>
    %dma_wait3A_585 = arith.constant 0 : i32
    %dma_wait3A_586 = tpu.memref_slice %arg4[%dma_wait3A_585] : memref<154624xi32, #tpu.memory_space<hbm>> -> memref<154624xi32, #tpu.memory_space<hbm>>
    tpu.wait_indirect_dma semaphore(%arg13 : memref<!tpu.dma_semaphore, #tpu.memory_space<semaphore_mem>>) src(%dma_wait3A_581 : memref<128xi32, #tpu.memory_space<vmem>>) dst(%dma_wait3A_586 : memref<154624xi32, #tpu.memory_space<hbm>>)
    %dma_wait3A_587 = arith.constant 25 : i32
    %dma_wait3A_588 = arith.constant 3200 : i32
    %dma_wait3A_589 = tpu.memref_slice %arg10[%dma_wait3A_588] : memref<4736xi32, #tpu.memory_space<vmem>> -> memref<128xi32, #tpu.memory_space<vmem>>
    %dma_wait3A_590 = arith.constant 0 : i32
    %dma_wait3A_591 = tpu.memref_slice %arg11[%dma_wait3A_587, %dma_wait3A_590] : memref<37x128xi32, #tpu.memory_space<vmem>> -> memref<1x128xi32, #tpu.memory_space<vmem>>
    %dma_wait3A_592 = tpu.memref_squeeze %dma_wait3A_591 : memref<1x128xi32, #tpu.memory_space<vmem>> -> memref<128xi32, #tpu.memory_space<vmem>>
    %dma_wait3A_593 = arith.constant 0 : i32
    %dma_wait3A_594 = tpu.memref_slice %arg4[%dma_wait3A_593] : memref<154624xi32, #tpu.memory_space<hbm>> -> memref<154624xi32, #tpu.memory_space<hbm>>
    tpu.wait_indirect_dma semaphore(%arg13 : memref<!tpu.dma_semaphore, #tpu.memory_space<semaphore_mem>>) src(%dma_wait3A_589 : memref<128xi32, #tpu.memory_space<vmem>>) dst(%dma_wait3A_594 : memref<154624xi32, #tpu.memory_space<hbm>>)
    %dma_wait3A_595 = arith.constant 26 : i32
    %dma_wait3A_596 = arith.constant 3328 : i32
    %dma_wait3A_597 = tpu.memref_slice %arg10[%dma_wait3A_596] : memref<4736xi32, #tpu.memory_space<vmem>> -> memref<128xi32, #tpu.memory_space<vmem>>
    %dma_wait3A_598 = arith.constant 0 : i32
    %dma_wait3A_599 = tpu.memref_slice %arg11[%dma_wait3A_595, %dma_wait3A_598] : memref<37x128xi32, #tpu.memory_space<vmem>> -> memref<1x128xi32, #tpu.memory_space<vmem>>
    %dma_wait3A_600 = tpu.memref_squeeze %dma_wait3A_599 : memref<1x128xi32, #tpu.memory_space<vmem>> -> memref<128xi32, #tpu.memory_space<vmem>>
    %dma_wait3A_601 = arith.constant 0 : i32
    %dma_wait3A_602 = tpu.memref_slice %arg4[%dma_wait3A_601] : memref<154624xi32, #tpu.memory_space<hbm>> -> memref<154624xi32, #tpu.memory_space<hbm>>
    tpu.wait_indirect_dma semaphore(%arg13 : memref<!tpu.dma_semaphore, #tpu.memory_space<semaphore_mem>>) src(%dma_wait3A_597 : memref<128xi32, #tpu.memory_space<vmem>>) dst(%dma_wait3A_602 : memref<154624xi32, #tpu.memory_space<hbm>>)
    %dma_wait3A_603 = arith.constant 27 : i32
    %dma_wait3A_604 = arith.constant 3456 : i32
    %dma_wait3A_605 = tpu.memref_slice %arg10[%dma_wait3A_604] : memref<4736xi32, #tpu.memory_space<vmem>> -> memref<128xi32, #tpu.memory_space<vmem>>
    %dma_wait3A_606 = arith.constant 0 : i32
    %dma_wait3A_607 = tpu.memref_slice %arg11[%dma_wait3A_603, %dma_wait3A_606] : memref<37x128xi32, #tpu.memory_space<vmem>> -> memref<1x128xi32, #tpu.memory_space<vmem>>
    %dma_wait3A_608 = tpu.memref_squeeze %dma_wait3A_607 : memref<1x128xi32, #tpu.memory_space<vmem>> -> memref<128xi32, #tpu.memory_space<vmem>>
    %dma_wait3A_609 = arith.constant 0 : i32
    %dma_wait3A_610 = tpu.memref_slice %arg4[%dma_wait3A_609] : memref<154624xi32, #tpu.memory_space<hbm>> -> memref<154624xi32, #tpu.memory_space<hbm>>
    tpu.wait_indirect_dma semaphore(%arg13 : memref<!tpu.dma_semaphore, #tpu.memory_space<semaphore_mem>>) src(%dma_wait3A_605 : memref<128xi32, #tpu.memory_space<vmem>>) dst(%dma_wait3A_610 : memref<154624xi32, #tpu.memory_space<hbm>>)
    %dma_wait3A_611 = arith.constant 28 : i32
    %dma_wait3A_612 = arith.constant 3584 : i32
    %dma_wait3A_613 = tpu.memref_slice %arg10[%dma_wait3A_612] : memref<4736xi32, #tpu.memory_space<vmem>> -> memref<128xi32, #tpu.memory_space<vmem>>
    %dma_wait3A_614 = arith.constant 0 : i32
    %dma_wait3A_615 = tpu.memref_slice %arg11[%dma_wait3A_611, %dma_wait3A_614] : memref<37x128xi32, #tpu.memory_space<vmem>> -> memref<1x128xi32, #tpu.memory_space<vmem>>
    %dma_wait3A_616 = tpu.memref_squeeze %dma_wait3A_615 : memref<1x128xi32, #tpu.memory_space<vmem>> -> memref<128xi32, #tpu.memory_space<vmem>>
    %dma_wait3A_617 = arith.constant 0 : i32
    %dma_wait3A_618 = tpu.memref_slice %arg4[%dma_wait3A_617] : memref<154624xi32, #tpu.memory_space<hbm>> -> memref<154624xi32, #tpu.memory_space<hbm>>
    tpu.wait_indirect_dma semaphore(%arg13 : memref<!tpu.dma_semaphore, #tpu.memory_space<semaphore_mem>>) src(%dma_wait3A_613 : memref<128xi32, #tpu.memory_space<vmem>>) dst(%dma_wait3A_618 : memref<154624xi32, #tpu.memory_space<hbm>>)
    %dma_wait3A_619 = arith.constant 29 : i32
    %dma_wait3A_620 = arith.constant 3712 : i32
    %dma_wait3A_621 = tpu.memref_slice %arg10[%dma_wait3A_620] : memref<4736xi32, #tpu.memory_space<vmem>> -> memref<128xi32, #tpu.memory_space<vmem>>
    %dma_wait3A_622 = arith.constant 0 : i32
    %dma_wait3A_623 = tpu.memref_slice %arg11[%dma_wait3A_619, %dma_wait3A_622] : memref<37x128xi32, #tpu.memory_space<vmem>> -> memref<1x128xi32, #tpu.memory_space<vmem>>
    %dma_wait3A_624 = tpu.memref_squeeze %dma_wait3A_623 : memref<1x128xi32, #tpu.memory_space<vmem>> -> memref<128xi32, #tpu.memory_space<vmem>>
    %dma_wait3A_625 = arith.constant 0 : i32
    %dma_wait3A_626 = tpu.memref_slice %arg4[%dma_wait3A_625] : memref<154624xi32, #tpu.memory_space<hbm>> -> memref<154624xi32, #tpu.memory_space<hbm>>
    tpu.wait_indirect_dma semaphore(%arg13 : memref<!tpu.dma_semaphore, #tpu.memory_space<semaphore_mem>>) src(%dma_wait3A_621 : memref<128xi32, #tpu.memory_space<vmem>>) dst(%dma_wait3A_626 : memref<154624xi32, #tpu.memory_space<hbm>>)
    %dma_wait3A_627 = arith.constant 30 : i32
    %dma_wait3A_628 = arith.constant 3840 : i32
    %dma_wait3A_629 = tpu.memref_slice %arg10[%dma_wait3A_628] : memref<4736xi32, #tpu.memory_space<vmem>> -> memref<128xi32, #tpu.memory_space<vmem>>
    %dma_wait3A_630 = arith.constant 0 : i32
    %dma_wait3A_631 = tpu.memref_slice %arg11[%dma_wait3A_627, %dma_wait3A_630] : memref<37x128xi32, #tpu.memory_space<vmem>> -> memref<1x128xi32, #tpu.memory_space<vmem>>
    %dma_wait3A_632 = tpu.memref_squeeze %dma_wait3A_631 : memref<1x128xi32, #tpu.memory_space<vmem>> -> memref<128xi32, #tpu.memory_space<vmem>>
    %dma_wait3A_633 = arith.constant 0 : i32
    %dma_wait3A_634 = tpu.memref_slice %arg4[%dma_wait3A_633] : memref<154624xi32, #tpu.memory_space<hbm>> -> memref<154624xi32, #tpu.memory_space<hbm>>
    tpu.wait_indirect_dma semaphore(%arg13 : memref<!tpu.dma_semaphore, #tpu.memory_space<semaphore_mem>>) src(%dma_wait3A_629 : memref<128xi32, #tpu.memory_space<vmem>>) dst(%dma_wait3A_634 : memref<154624xi32, #tpu.memory_space<hbm>>)
    %dma_wait3A_635 = arith.constant 31 : i32
    %dma_wait3A_636 = arith.constant 3968 : i32
    %dma_wait3A_637 = tpu.memref_slice %arg10[%dma_wait3A_636] : memref<4736xi32, #tpu.memory_space<vmem>> -> memref<128xi32, #tpu.memory_space<vmem>>
    %dma_wait3A_638 = arith.constant 0 : i32
    %dma_wait3A_639 = tpu.memref_slice %arg11[%dma_wait3A_635, %dma_wait3A_638] : memref<37x128xi32, #tpu.memory_space<vmem>> -> memref<1x128xi32, #tpu.memory_space<vmem>>
    %dma_wait3A_640 = tpu.memref_squeeze %dma_wait3A_639 : memref<1x128xi32, #tpu.memory_space<vmem>> -> memref<128xi32, #tpu.memory_space<vmem>>
    %dma_wait3A_641 = arith.constant 0 : i32
    %dma_wait3A_642 = tpu.memref_slice %arg4[%dma_wait3A_641] : memref<154624xi32, #tpu.memory_space<hbm>> -> memref<154624xi32, #tpu.memory_space<hbm>>
    tpu.wait_indirect_dma semaphore(%arg13 : memref<!tpu.dma_semaphore, #tpu.memory_space<semaphore_mem>>) src(%dma_wait3A_637 : memref<128xi32, #tpu.memory_space<vmem>>) dst(%dma_wait3A_642 : memref<154624xi32, #tpu.memory_space<hbm>>)
    %dma_wait3A_643 = arith.constant 32 : i32
    %dma_wait3A_644 = arith.constant 4096 : i32
    %dma_wait3A_645 = tpu.memref_slice %arg10[%dma_wait3A_644] : memref<4736xi32, #tpu.memory_space<vmem>> -> memref<128xi32, #tpu.memory_space<vmem>>
    %dma_wait3A_646 = arith.constant 0 : i32
    %dma_wait3A_647 = tpu.memref_slice %arg11[%dma_wait3A_643, %dma_wait3A_646] : memref<37x128xi32, #tpu.memory_space<vmem>> -> memref<1x128xi32, #tpu.memory_space<vmem>>
    %dma_wait3A_648 = tpu.memref_squeeze %dma_wait3A_647 : memref<1x128xi32, #tpu.memory_space<vmem>> -> memref<128xi32, #tpu.memory_space<vmem>>
    %dma_wait3A_649 = arith.constant 0 : i32
    %dma_wait3A_650 = tpu.memref_slice %arg4[%dma_wait3A_649] : memref<154624xi32, #tpu.memory_space<hbm>> -> memref<154624xi32, #tpu.memory_space<hbm>>
    tpu.wait_indirect_dma semaphore(%arg13 : memref<!tpu.dma_semaphore, #tpu.memory_space<semaphore_mem>>) src(%dma_wait3A_645 : memref<128xi32, #tpu.memory_space<vmem>>) dst(%dma_wait3A_650 : memref<154624xi32, #tpu.memory_space<hbm>>)
    %dma_wait3A_651 = arith.constant 33 : i32
    %dma_wait3A_652 = arith.constant 4224 : i32
    %dma_wait3A_653 = tpu.memref_slice %arg10[%dma_wait3A_652] : memref<4736xi32, #tpu.memory_space<vmem>> -> memref<128xi32, #tpu.memory_space<vmem>>
    %dma_wait3A_654 = arith.constant 0 : i32
    %dma_wait3A_655 = tpu.memref_slice %arg11[%dma_wait3A_651, %dma_wait3A_654] : memref<37x128xi32, #tpu.memory_space<vmem>> -> memref<1x128xi32, #tpu.memory_space<vmem>>
    %dma_wait3A_656 = tpu.memref_squeeze %dma_wait3A_655 : memref<1x128xi32, #tpu.memory_space<vmem>> -> memref<128xi32, #tpu.memory_space<vmem>>
    %dma_wait3A_657 = arith.constant 0 : i32
    %dma_wait3A_658 = tpu.memref_slice %arg4[%dma_wait3A_657] : memref<154624xi32, #tpu.memory_space<hbm>> -> memref<154624xi32, #tpu.memory_space<hbm>>
    tpu.wait_indirect_dma semaphore(%arg13 : memref<!tpu.dma_semaphore, #tpu.memory_space<semaphore_mem>>) src(%dma_wait3A_653 : memref<128xi32, #tpu.memory_space<vmem>>) dst(%dma_wait3A_658 : memref<154624xi32, #tpu.memory_space<hbm>>)
    %dma_wait3A_659 = arith.constant 34 : i32
    %dma_wait3A_660 = arith.constant 4352 : i32
    %dma_wait3A_661 = tpu.memref_slice %arg10[%dma_wait3A_660] : memref<4736xi32, #tpu.memory_space<vmem>> -> memref<128xi32, #tpu.memory_space<vmem>>
    %dma_wait3A_662 = arith.constant 0 : i32
    %dma_wait3A_663 = tpu.memref_slice %arg11[%dma_wait3A_659, %dma_wait3A_662] : memref<37x128xi32, #tpu.memory_space<vmem>> -> memref<1x128xi32, #tpu.memory_space<vmem>>
    %dma_wait3A_664 = tpu.memref_squeeze %dma_wait3A_663 : memref<1x128xi32, #tpu.memory_space<vmem>> -> memref<128xi32, #tpu.memory_space<vmem>>
    %dma_wait3A_665 = arith.constant 0 : i32
    %dma_wait3A_666 = tpu.memref_slice %arg4[%dma_wait3A_665] : memref<154624xi32, #tpu.memory_space<hbm>> -> memref<154624xi32, #tpu.memory_space<hbm>>
    tpu.wait_indirect_dma semaphore(%arg13 : memref<!tpu.dma_semaphore, #tpu.memory_space<semaphore_mem>>) src(%dma_wait3A_661 : memref<128xi32, #tpu.memory_space<vmem>>) dst(%dma_wait3A_666 : memref<154624xi32, #tpu.memory_space<hbm>>)
    %dma_wait3A_667 = arith.constant 35 : i32
    %dma_wait3A_668 = arith.constant 4480 : i32
    %dma_wait3A_669 = tpu.memref_slice %arg10[%dma_wait3A_668] : memref<4736xi32, #tpu.memory_space<vmem>> -> memref<128xi32, #tpu.memory_space<vmem>>
    %dma_wait3A_670 = arith.constant 0 : i32
    %dma_wait3A_671 = tpu.memref_slice %arg11[%dma_wait3A_667, %dma_wait3A_670] : memref<37x128xi32, #tpu.memory_space<vmem>> -> memref<1x128xi32, #tpu.memory_space<vmem>>
    %dma_wait3A_672 = tpu.memref_squeeze %dma_wait3A_671 : memref<1x128xi32, #tpu.memory_space<vmem>> -> memref<128xi32, #tpu.memory_space<vmem>>
    %dma_wait3A_673 = arith.constant 0 : i32
    %dma_wait3A_674 = tpu.memref_slice %arg4[%dma_wait3A_673] : memref<154624xi32, #tpu.memory_space<hbm>> -> memref<154624xi32, #tpu.memory_space<hbm>>
    tpu.wait_indirect_dma semaphore(%arg13 : memref<!tpu.dma_semaphore, #tpu.memory_space<semaphore_mem>>) src(%dma_wait3A_669 : memref<128xi32, #tpu.memory_space<vmem>>) dst(%dma_wait3A_674 : memref<154624xi32, #tpu.memory_space<hbm>>)
    %dma_wait3A_675 = arith.constant 36 : i32
    %dma_wait3A_676 = arith.constant 4608 : i32
    %dma_wait3A_677 = tpu.memref_slice %arg10[%dma_wait3A_676] : memref<4736xi32, #tpu.memory_space<vmem>> -> memref<128xi32, #tpu.memory_space<vmem>>
    %dma_wait3A_678 = arith.constant 0 : i32
    %dma_wait3A_679 = tpu.memref_slice %arg11[%dma_wait3A_675, %dma_wait3A_678] : memref<37x128xi32, #tpu.memory_space<vmem>> -> memref<1x128xi32, #tpu.memory_space<vmem>>
    %dma_wait3A_680 = tpu.memref_squeeze %dma_wait3A_679 : memref<1x128xi32, #tpu.memory_space<vmem>> -> memref<128xi32, #tpu.memory_space<vmem>>
    %dma_wait3A_681 = arith.constant 0 : i32
    %dma_wait3A_682 = tpu.memref_slice %arg4[%dma_wait3A_681] : memref<154624xi32, #tpu.memory_space<hbm>> -> memref<154624xi32, #tpu.memory_space<hbm>>
    tpu.wait_indirect_dma semaphore(%arg13 : memref<!tpu.dma_semaphore, #tpu.memory_space<semaphore_mem>>) src(%dma_wait3A_677 : memref<128xi32, #tpu.memory_space<vmem>>) dst(%dma_wait3A_682 : memref<154624xi32, #tpu.memory_space<hbm>>)
    return
  }
}

#map = affine_map<(d0, d1) -> (0)>
#map1 = affine_map<(d0, d1) -> (0, 0)>
module attributes {stable_mosaic.version = 14 : i64} {
  func.func @new_body(%arg0: i32, %arg1: i32, %arg2: memref<18432xi32, #tpu.memory_space<hbm>>, %arg3: memref<16384x4xi32, #tpu.memory_space<hbm>>, %arg4: memref<18432xi32, #tpu.memory_space<hbm>>, %arg5: memref<512xi32, #tpu.memory_space<vmem>>, %arg6: memref<512x4xi32, #tpu.memory_space<vmem>>) attributes {dimension_semantics = [#tpu.dimension_semantics<core_parallel>, #tpu.dimension_semantics<subcore_parallel>], iteration_bounds = array<i64: 2, 16>, scalar_prefetch = 0 : i64, scratch_operands = 2 : i64, tpu.core_type = #tpu.core_type<sc_vector_subcore>, window_params = [{transform_indices = #map}, {transform_indices = #map1}, {transform_indices = #map}]} {
    %mul3A = arith.constant 2 : i32
    %mul3A_0 = arith.muli %arg1, %mul3A : i32
    %add3A = arith.addi %mul3A_0, %arg0 : i32
    %mul3A_1 = arith.constant 512 : i32
    %mul3A_2 = arith.muli %add3A, %mul3A_1 : i32
    "tpu.region"() ({
      %run_scoped3A = tpu.sem_alloc : memref<!tpu.dma_semaphore, #tpu.memory_space<semaphore_mem>>
      %dma_start3A = tpu.memref_slice %arg2[%mul3A_2] : memref<18432xi32, #tpu.memory_space<hbm>> -> memref<512xi32, #tpu.memory_space<hbm>>
      %dma_start3A_11 = tpu.memref_slice %arg2[%mul3A_2] : memref<18432xi32, #tpu.memory_space<hbm>> -> memref<512xi32, #tpu.memory_space<hbm>>
      tpu.enqueue_dma source(%dma_start3A_11 : memref<512xi32, #tpu.memory_space<hbm>>) target(%arg5 : memref<512xi32, #tpu.memory_space<vmem>>) target_semaphore(%run_scoped3A : memref<!tpu.dma_semaphore, #tpu.memory_space<semaphore_mem>>)
      %dma_wait3A = tpu.memref_slice %arg2[%mul3A_2] : memref<18432xi32, #tpu.memory_space<hbm>> -> memref<512xi32, #tpu.memory_space<hbm>>
      %dma_wait3A_12 = tpu.memref_slice %arg2[%mul3A_2] : memref<18432xi32, #tpu.memory_space<hbm>> -> memref<512xi32, #tpu.memory_space<hbm>>
      tpu.wait_dma2 semaphore(%run_scoped3A : memref<!tpu.dma_semaphore, #tpu.memory_space<semaphore_mem>>) src(%dma_wait3A_12 : memref<512xi32, #tpu.memory_space<hbm>>) dst(%arg5 : memref<512xi32, #tpu.memory_space<vmem>>)
      tpu.yield
    }) : () -> ()
    %scan3A = arith.constant 0 : i32
    %scan3A_3 = arith.constant 0 : i32
    %scan3A_4 = arith.constant 32 : i32
    %scan3A_5 = arith.addi %scan3A_3, %scan3A_4 : i32
    %scan3A_6 = arith.constant 1 : i32
    %scan3A_7 = scf.for %scan3A_11 = %scan3A_3 to %scan3A_5 step %scan3A_6 iter_args(%scan3A_12 = %scan3A) -> (i32)  : i32 {
      %mul3A_13 = arith.constant 16 : i32
      %mul3A_14 = arith.muli %scan3A_11, %mul3A_13 : i32
      %iota3A = tpu.iota {dimensions = array<i32: 0>} : vector<16xi32>
      %add3A_15 = vector.broadcast %mul3A_14 : i32 to vector<16xi32>
      %add3A_16 = arith.addi %add3A_15, %iota3A : vector<16xi32>
      %mul3A_17 = arith.constant 16 : i32
      %mul3A_18 = arith.muli %scan3A_11, %mul3A_17 : i32
      %get3A = arith.index_cast %mul3A_18 : i32 to index
      %get3A_19 = tpu.vector_load %arg5[%get3A] {strides = array<i32>} : memref<512xi32, #tpu.memory_space<vmem>>, vector<16xi32>,
      %ge3A = arith.constant 0 : i32
      %ge3A_20 = vector.broadcast %ge3A : i32 to vector<16xi32>
      %ge3A_21 = arith.cmpi sge, %get3A_19, %ge3A_20 : vector<16xi32>
      %max3A = arith.constant 0 : i32
      %max3A_22 = vector.broadcast %max3A : i32 to vector<16xi32>
      %max3A_23 = arith.maxsi %get3A_19, %max3A_22 : vector<16xi32>
      %convert_element_type3A = arith.sitofp %max3A_23 : vector<16xi32> to vector<16xf32>
      %div3A = arith.constant 4.330000e+02 : f32
      %div3A_24 = vector.broadcast %div3A : f32 to vector<16xf32>
      %div3A_25 = arith.divf %convert_element_type3A, %div3A_24 : vector<16xf32>
      %convert_element_type3A_26 = arith.fptosi %div3A_25 : vector<16xf32> to vector<16xi32>
      %mul3A_27 = arith.constant 433 : i32
      %mul3A_28 = vector.broadcast %mul3A_27 : i32 to vector<16xi32>
      %mul3A_29 = arith.muli %convert_element_type3A_26, %mul3A_28 : vector<16xi32>
      %sub3A = arith.subi %max3A_23, %mul3A_29 : vector<16xi32>
      %convert_element_type3A_30 = arith.sitofp %convert_element_type3A_26 : vector<16xi32> to vector<16xf32>
      %div3A_31 = arith.constant 4.970000e+02 : f32
      %div3A_32 = vector.broadcast %div3A_31 : f32 to vector<16xf32>
      %div3A_33 = arith.divf %convert_element_type3A_30, %div3A_32 : vector<16xf32>
      %convert_element_type3A_34 = arith.fptosi %div3A_33 : vector<16xf32> to vector<16xi32>
      %mul3A_35 = arith.constant 497 : i32
      %mul3A_36 = vector.broadcast %mul3A_35 : i32 to vector<16xi32>
      %mul3A_37 = arith.muli %convert_element_type3A_34, %mul3A_36 : vector<16xi32>
      %sub3A_38 = arith.subi %convert_element_type3A_26, %mul3A_37 : vector<16xi32>
      %convert_element_type3A_39 = arith.extui %ge3A_21 : vector<16xi1> to vector<16xi32>
      %broadcast_in_dim3A = arith.constant 0 : i32
      %broadcast_in_dim3A_40 = vector.broadcast %broadcast_in_dim3A : i32 to vector<16xi32>
      %add3A_41 = arith.constant 0 : i32
      %add3A_42 = vector.broadcast %add3A_41 : i32 to vector<16xi32>
      %add3A_43 = arith.addi %sub3A, %add3A_42 : vector<16xi32>
      %mul3A_44 = arith.muli %add3A_43, %convert_element_type3A_39 : vector<16xi32>
      tpu.vector_store_idx %arg6[%add3A_16, %broadcast_in_dim3A_40], %mul3A_44 : memref<512x4xi32, #tpu.memory_space<vmem>>[vector<16xi32>, vector<16xi32>], vector<16xi32>,
      %broadcast_in_dim3A_45 = arith.constant 1 : i32
      %broadcast_in_dim3A_46 = vector.broadcast %broadcast_in_dim3A_45 : i32 to vector<16xi32>
      %add3A_47 = arith.constant -248 : i32
      %add3A_48 = vector.broadcast %add3A_47 : i32 to vector<16xi32>
      %add3A_49 = arith.addi %sub3A_38, %add3A_48 : vector<16xi32>
      %mul3A_50 = arith.muli %add3A_49, %convert_element_type3A_39 : vector<16xi32>
      tpu.vector_store_idx %arg6[%add3A_16, %broadcast_in_dim3A_46], %mul3A_50 : memref<512x4xi32, #tpu.memory_space<vmem>>[vector<16xi32>, vector<16xi32>], vector<16xi32>,
      %broadcast_in_dim3A_51 = arith.constant 2 : i32
      %broadcast_in_dim3A_52 = vector.broadcast %broadcast_in_dim3A_51 : i32 to vector<16xi32>
      %add3A_53 = arith.constant -1 : i32
      %add3A_54 = vector.broadcast %add3A_53 : i32 to vector<16xi32>
      %add3A_55 = arith.addi %convert_element_type3A_34, %add3A_54 : vector<16xi32>
      %mul3A_56 = arith.muli %add3A_55, %convert_element_type3A_39 : vector<16xi32>
      tpu.vector_store_idx %arg6[%add3A_16, %broadcast_in_dim3A_52], %mul3A_56 : memref<512x4xi32, #tpu.memory_space<vmem>>[vector<16xi32>, vector<16xi32>], vector<16xi32>,
      %broadcast_in_dim3A_57 = arith.constant 3 : i32
      %broadcast_in_dim3A_58 = vector.broadcast %broadcast_in_dim3A_57 : i32 to vector<16xi32>
      %mul3A_59 = arith.constant 0 : i32
      %mul3A_60 = vector.broadcast %mul3A_59 : i32 to vector<16xi32>
      %mul3A_61 = arith.muli %convert_element_type3A_39, %mul3A_60 : vector<16xi32>
      tpu.vector_store_idx %arg6[%add3A_16, %broadcast_in_dim3A_58], %mul3A_61 : memref<512x4xi32, #tpu.memory_space<vmem>>[vector<16xi32>, vector<16xi32>], vector<16xi32>,
      %scan3A_62 = arith.constant 0 : i32
      scf.yield %scan3A_62 : i32
    }
    %scan3A_8 = arith.constant 32 : i32
    %mul3A_9 = arith.constant 512 : i32
    %mul3A_10 = arith.muli %add3A, %mul3A_9 : i32
    "tpu.region"() ({
      %run_scoped3A = tpu.sem_alloc : memref<!tpu.dma_semaphore, #tpu.memory_space<semaphore_mem>>
      %dma_start3A = arith.constant 0 : i32
      %dma_start3A_11 = tpu.memref_slice %arg3[%mul3A_10, %dma_start3A] : memref<16384x4xi32, #tpu.memory_space<hbm>> -> memref<512x4xi32, #tpu.memory_space<hbm>>
      %dma_start3A_12 = arith.constant 0 : i32
      %dma_start3A_13 = tpu.memref_slice %arg3[%mul3A_10, %dma_start3A_12] : memref<16384x4xi32, #tpu.memory_space<hbm>> -> memref<512x4xi32, #tpu.memory_space<hbm>>
      tpu.enqueue_dma source(%arg6 : memref<512x4xi32, #tpu.memory_space<vmem>>) target(%dma_start3A_13 : memref<512x4xi32, #tpu.memory_space<hbm>>) target_semaphore(%run_scoped3A : memref<!tpu.dma_semaphore, #tpu.memory_space<semaphore_mem>>)
      %dma_wait3A = arith.constant 0 : i32
      %dma_wait3A_14 = tpu.memref_slice %arg3[%mul3A_10, %dma_wait3A] : memref<16384x4xi32, #tpu.memory_space<hbm>> -> memref<512x4xi32, #tpu.memory_space<hbm>>
      %dma_wait3A_15 = arith.constant 0 : i32
      %dma_wait3A_16 = tpu.memref_slice %arg3[%mul3A_10, %dma_wait3A_15] : memref<16384x4xi32, #tpu.memory_space<hbm>> -> memref<512x4xi32, #tpu.memory_space<hbm>>
      tpu.wait_dma2 semaphore(%run_scoped3A : memref<!tpu.dma_semaphore, #tpu.memory_space<semaphore_mem>>) src(%arg6 : memref<512x4xi32, #tpu.memory_space<vmem>>) dst(%dma_wait3A_16 : memref<512x4xi32, #tpu.memory_space<hbm>>)
      tpu.yield
    }) : () -> ()
    return
  }
}

</mosaic_0001>

<sc_bundles>
// kernel: kernel.10.cloned.1.call-start
scs
__scs_entry_jumppad:
0x0: {  	(pc) =	sbr.rel $0x88, $3  }
0x1: {  	(tag) =	ssettag $0x0;
	lr =	simm.s32 $0x1  }
0x2: {  	[smem:$0x3FA0] =	sst lr;
	_ =	strace $0xD0000000  }
0x3: {  	_ = 	snop  }
0x4: {  	_ = 	snop  }
0x5: {  	_ = 	snop  }
0x6: {  	_ = 	snop  }
0x7: {  	_ = 	snop  }
__scs_overlays_trampoline_lowered:
0x8: {  	[smem:$0x3FAF] =	sst s0  }
0x9: {  	[smem:$0x3FB0] =	sst s1  }
0xa: {  	[smem:$0x3FB1] =	sst s2  }
0xb: {  	[smem:$0x3FB2] =	sst s3  }
0xc: {  	[smem:$0x3FB3] =	sst s4  }
0xd: {  	[smem:$0x3FB4] =	sst s5  }
0xe: {  	[smem:$0x3FB5] =	sst s6  }
0xf: {  	[smem:$0x3FB6] =	sst s7  }
0x10: {  	[smem:$0x3FB7] =	sst s8  }
0x11: {  	[smem:$0x3FB8] =	sst s9;
	s0 =	simm.s32 @!p0 $0x0  }
0x12: {  	s1 =	sld [smem:$0x3F9E];
	s0 =	simm.s32 @p0 $0x1  }
0x13: {  	[smem:$0x3FB9] =	sst s0;
	s0 =	simm.s32 @!p1 $0x0  }
0x14: {  	s2 =	sld [smem:$0x3F9D];
	s0 =	simm.s32 @p1 $0x1  }
0x15: {  	[smem:$0x3FBA] =	sst s0;
	s0 =	simm.s32 @!p2 $0x0  }
0x16: {  	s3 =	sld [smem:$0x3FDB];
	s0 =	simm.s32 @p2 $0x1  }
0x17: {  	s4 =	simm.s32 $0x1BF5;
	[smem:$0x3FBC] =	sst s0  }
0x18: {  	s0 =	sld [smem:$0x3F9F];
	_ =	swait.ge [sflag:s4], $0x0  }
0x19: {  	s7 =	sld [smem:$0x3FA0]  }
0x1a: {  	s8 =	sadd.s32 $0xFFFFE003, lr  }
0x1b: {  	s9 =	sadd.s32 $0xFFFFFEF7, lr;
	s5 =	simm.s32 $0xFFFFFFFF;
	p2 =	slt.u32 s8, $0xFFFFF086  }
0x1c: {  	p1 =	slt.u32 s9, $0xF7A;
	s5 =	simm.s32 @!p2 $0x0  }
0x1d: {  	s5 =	simm.s32 @p1 $0x1;
	p0 =	seq.s32 s7, s2  }
0x1e: {  	s7 =	smul.u32 @!p0 $0xF7A, s2;
	p2 =	seq.s32 @!p0 s5, $0x0  }
0x1f: {  	s9 =	smul.u32 $0xF7A, s1;
	s8 =	simm.s32 @!p0 $0x1BF5;
	p2 =	por !p2, p0  }
0x20: {  	[sflag:s8] =	ssyncset.s32 @!p0 $0xFFFFF086;
	s6 =	sadd.s32 @!p0 s3, s7;
	s7 =	simm.s32 @!p0 $0x108  }
0x21: {  	s3 =	sadd.s32 s3, s9;
	s6 =	sadd.s32 @!p0 $0x88, s6;
	s7 =	simm.s32 @p2 $0x1082  }
0x22: {  	[simem:s7], [sflag:s8] =	dma.local @!p0 [hbm:s6], $0xF7A  }
0x23: {  	s9 =	sor.u32 $0xD0000000, s2;
	s6 =	simm.s32 $0x108;
	_ =	swait.ge @!p0 [sflag:s8], $0x0  }
0x24: {  	s3 =	sadd.s32 $0x88, s3;
	s6 =	simm.s32 @!p1 $0x1082;
	[sflag:s4] =	ssyncset.s32 $0xFFFFF086  }
0x25: {  	[simem:s6], [sflag:s4] =	dma.local [hbm:s3], $0xF7A  }
0x26: {  	[smem:$0x3FA0] =	sst s1;
	(tag) =	ssettag s2;
	_ =	strace s9  }
0x27: {  	s1 =	sld [smem:$0x3FB0]  }
0x28: {  	s2 =	sld [smem:$0x3FB1]  }
0x29: {  	s4 =	sld [smem:$0x3FB3]  }
0x2a: {  	p0 =	seq.s32 s5, $0x0;
	s5 =	sld [smem:$0x3FB4]  }
0x2b: {  	s6 =	sld [smem:$0x3FB5]  }
0x2c: {  	s7 =	sld [smem:$0x3FB6]  }
0x2d: {  	s3 =	simm.s32 $0x108;
	s8 =	sld [smem:$0x3FB7]  }
0x2e: {  	s3 =	simm.s32 @!p0 $0x1082;
	s9 =	sld [smem:$0x3FB8]  }
0x2f: {  	lr =	sadd.s32 s0, s3;
	s0 =	sld [smem:$0x3FAF]  }
0x30: {  	s3 =	sld [smem:$0x3FB2]  }
0x31: {  	[smem:$0x3FBB] =	sst s10  }
0x32: {  	s10 =	sld [smem:$0x3FB9];
	_ =	sdelay $0x3  }
0x33: {  	p0 =	seq.s32 s10, $0x1;
	s10 =	sld [smem:$0x3FBB];
	_ =	sdelay $0x3  }
0x34: {  	[smem:$0x3FBB] =	sst s10  }
0x35: {  	s10 =	sld [smem:$0x3FBA];
	_ =	sdelay $0x3  }
0x36: {  	p1 =	seq.s32 s10, $0x1;
	s10 =	sld [smem:$0x3FBB];
	_ =	sdelay $0x3  }
0x37: {  	[smem:$0x3FBB] =	sst s10  }
0x38: {  	s10 =	sld [smem:$0x3FBC]  }
0x39: {  	_ = 	snop;
	(pc) =	sbr.ind lr, $3  }
0x3a: {  	_ = 	snop  }
0x3b: {  	_ = 	snop  }
0x3c: {  	p2 =	seq.s32 s10, $0x1;
	s10 =	sld [smem:$0x3FBB]  }
0x3d: {  	_ =	shalt  }
0x3e: {  	_ =	shalt  }
0x3f: {  	_ =	shalt  }
0x40: {  	_ =	shalt  }
0x41: {  	_ =	shalt  }
0x42: {  	_ =	shalt  }
0x43: {  	_ =	shalt  }
0x44: {  	_ =	shalt  }
0x45: {  	_ =	shalt  }
0x46: {  	_ =	shalt  }
0x47: {  	_ =	shalt  }
0x48: {  	_ =	shalt  }
0x49: {  	_ =	shalt  }
0x4a: {  	_ =	shalt  }
0x4b: {  	_ =	shalt  }
0x4c: {  	_ =	shalt  }
0x4d: {  	_ =	shalt  }
0x4e: {  	_ =	shalt  }
0x4f: {  	_ =	shalt  }
0x50: {  	_ =	shalt  }
0x51: {  	_ =	shalt  }
0x52: {  	_ =	shalt  }
0x53: {  	_ =	shalt  }
0x54: {  	_ =	shalt  }
0x55: {  	_ =	shalt  }
0x56: {  	_ =	shalt  }
0x57: {  	_ =	shalt  }
0x58: {  	_ =	shalt  }
0x59: {  	_ =	shalt  }
0x5a: {  	_ =	shalt  }
0x5b: {  	_ =	shalt  }
0x5c: {  	_ =	shalt  }
0x5d: {  	_ =	shalt  }
0x5e: {  	_ =	shalt  }
0x5f: {  	_ =	shalt  }
0x60: {  	_ =	shalt  }
0x61: {  	_ =	shalt  }
0x62: {  	_ =	shalt  }
0x63: {  	_ =	shalt  }
0x64: {  	_ =	shalt  }
0x65: {  	_ =	shalt  }
0x66: {  	_ =	shalt  }
0x67: {  	_ =	shalt  }
0x68: {  	_ =	shalt  }
0x69: {  	_ =	shalt  }
0x6a: {  	_ =	shalt  }
0x6b: {  	_ =	shalt  }
0x6c: {  	_ =	shalt  }
0x6d: {  	_ =	shalt  }
0x6e: {  	_ =	shalt  }
0x6f: {  	_ =	shalt  }
0x70: {  	_ =	shalt  }
0x71: {  	_ =	shalt  }
0x72: {  	_ =	shalt  }
0x73: {  	_ =	shalt  }
0x74: {  	_ =	shalt  }
0x75: {  	_ =	shalt  }
0x76: {  	_ =	shalt  }
0x77: {  	_ =	shalt  }
0x78: {  	_ =	shalt  }
0x79: {  	_ =	shalt  }
0x7a: {  	_ =	shalt  }
0x7b: {  	_ =	shalt  }
0x7c: {  	_ =	shalt  }
0x7d: {  	_ =	shalt  }
0x7e: {  	_ =	shalt  }
0x7f: {  	_ =	shalt  }
0x80: {  	_ =	shalt  }
0x81: {  	_ =	shalt  }
0x82: {  	_ =	shalt  }
0x83: {  	_ =	shalt  }
0x84: {  	_ =	shalt  }
0x85: {  	_ =	shalt  }
0x86: {  	_ =	shalt  }
0x87: {  	_ =	shalt  }
.Lfunc_end0:
.L_simem_size_0:
called_computation.1_lowered:
.L_overlay_start_0:
0x88: {  	s2 =	sld [smem:$0x3FD9]  }
0x89: {  	s3 =	sld [smem:$0x3FFE];
	_ =	sdelay $0x1  }
0x8a: {  	s1 =	srdreg.scid  }
0x8b: {  	s0 =	sand.u32 $0x1, s1  }
0x8c: {  	s14 =	sshll.u32 s0, $0xA;
	s2 =	sadd.s32 s3, s2  }
0x8d: {  	s2 =	sadd.s32 s2, s14  }
0x8e: {  	[smem:$0x3FC7] =	sst s2  }
0x8f: {  	_ = 	snop  }
0x90: {  	s2 =	sld [smem:$0x3FD0];
	_ =	sdelay $0x2  }
0x91: {  	s15 =	simm.s32 $0xA;
	s4 =	simm.s32 $0x10  }
0x92: {  	[smem:s4], [sflag:s15] =	dma.local [hbm:s2], $0x1  }
0x93: {  	_ =	swait.eq [sflag:s15], $0x1  }
0x94: {  	[sflag:s15] =	ssyncset.done $0x0  }
0x95: {  	[sflag:s15] =	ssyncadd.s32 $0xFFFFFFFF  }
0x96: {  	s16 =	sld [smem:$0x12];
	(tm) =	ssettm $0x1  }
0x97: {  	s17 =	sld [smem:$0x3FFB];
	_ =	sdelay $0x3  }
0x98: {  	_ =	strace s17  }
0x99: {  	s3 =	sld [smem:$0x3FFC];
	_ =	sdelay $0x3  }
0x9a: {  	_ =	strace s3  }
0x9b: {  	s3 =	sld [smem:$0x3FFD];
	_ =	sdelay $0x3  }
0x9c: {  	_ =	strace s3  }
0x9d: {  	_ =	strace $0x8FFFFFFF  }
0x9e: {  	s18 =	sld [smem:$0x3FDB];
	_ =	sdelay $0x1  }
0x9f: {  	s19 =	simm.s32 $_scs_section_size  }
0xa0: {  	s5 =	simm.s32 $_size__tile_overlayer_lowered;
	s6 =	simm.s32 $_tile_overlayer_lowered  }
0xa1: {  	s22 =	simm.s32 $0x1BFF;
	s21 =	sshll.u32 s6, $0x1;
	s3 =	sadd.s32 s19, s18  }
0xa2: {  	s7 =	simm.s32 $0x0;
	s20 =	sshll.u32 s5, $0x1;
	s5 =	sadd.s32 s21, s3  }
0xa3: {  	[timem:s7], [sflag:s22] =	dma.local [hbm:s5], s20  }
0xa4: {  	_ =	swait.ge [sflag:s22], s20  }
0xa5: {  	s4 =	ssub.s32 $0x0, s20;
	[sflag:s22] =	ssyncset.done $0x0  }
0xa6: {  	[sflag:s22] =	ssyncadd.s32 s4;
	_ =	sdelay $0x1  }
0xa7: {  	s23 =	simm.s32 $0x1B8B  }
0xa8: {  	_ =	swait.ge [sflag:s23], $0x1  }
0xa9: {  	[sflag:s23] =	ssyncset.done $0x0  }
0xaa: {  	s25 =	simm.s32 $0x1B8E;
	s24 =	sld [smem:$0x3FFE];
	[sflag:s23] =	ssyncadd.s32 $0xFFFFFFFF  }
0xab: {  	s26 =	simm.s32 $execute0_lowered;
	[smem:$0x3FD2] =	sst s25  }
0xac: {  	s5 =	sshll.u32 s26, $0x1;
	_ =	strace $0x80000049;
	[dreg:$0x1] =	wrdreg $0xFFFFFFFF  }
0xad: {  	s28 =	simm.s32 $_size_execute0_lowered;
	s3 =	sadd.s32 s3, s5;
	[dreg:$0x0] =	wrdreg $0x0  }
0xae: {  	s5 =	sshll.u32 s28, $0x1;
	[dreg:$0x2] =	wrdreg s3  }
0xaf: {  	[dreg:$0x3] =	wrdreg s5  }
0xb0: {  	[dreg:$0x4] =	wrdreg $0xC0  }
0xb1: {  	_ =	task [dreg:s7], $0x5FFFF  }
0xb2: {  	[dreg:$0x1] =	wrdreg $0xFFFFFFFF  }
0xb3: {  	[dreg:$0x0] =	wrdreg $0x60  }
0xb4: {  	[dreg:$0x2] =	wrdreg s24  }
0xb5: {  	[dreg:$0x3] =	wrdreg s16  }
0xb6: {  	[dreg:$0x4] =	wrdreg $0x9  }
0xb7: {  	_ =	task.clear_ibuf [dreg:s7], $0x5FFFF;
	_ =	strace $0x90000049  }
0xb8: {  	s29 =	simm.s32 $0x9;
	_ =	strace $0x8000004B  }
0xb9: {  	_ =	swait.ge [sflag:s29], $0x1  }
0xba: {  	[sflag:s29] =	ssyncadd.s32 $0xFFFFFFFF  }
0xbb: {  	_ =	strace $0x9000004B  }
0xbc: {  	_ =	sfence  }
0xbd: {  	s30 =	sld [smem:$0x0];
	_ =	sdelay $0x2  }
0xbe: {  	s31 =	sshll.u32 s1, $0xD;
	s1 =	sshrl.u32 s1, $0x2  }
0xbf: {  	s3 =	sand.u32 $0x4000, s31;
	s1 =	sadd.s32 s1, s30  }
0xc0: {  	s0 =	sor.u32 s3, s0;
	s1 =	sshll.u32 s1, $0x11  }
0xc1: {  	s0 =	sor.u32 s1, s0  }
0xc2: {  	s0 =	sadd.s32 $0x8F2B, s0  }
0xc3: {  	[sflag:s0] =	ssyncadd.remote.s32 $0x1  }
0xc4: {  	_ =	sfence.sel $0xFFFF  }
0xc5: {  	[dreg:$0x0] =	wrdreg $0xFFFFFFFF;
	(pc) =	sbr.abs _section_cstart, $3  }
0xc6: {  	[dreg:$0x1] =	wrdreg $0xFFFFFFFF  }
0xc7: {  	_ =	task.clear_ibuf [dreg:s7], $0x2FFFF;
	_ =	strace $0x9FFFFFFF  }
0xc8: {  	(tm) =	ssettm $0x7FFFFFFF  }
0xc9: {  	_ =	shalt  }
tec
execute0_lowered:
.L_overlay_start_1:
0x0: {  	(tag) =	ssettag $0x1  }
0x1: {  	s0 =	srdreg.scid;
	s8 =	stileid.u32  }
0x2: {  	s1 =	rddreg [dreg:$0x0];
	s4 =	simm.s32 $0x0;
	s9 =	simm.s32 $0x2  }
0x3: {  	s11 =	simm.s32 $0x1;
	s12 =	simm.s32 $0x3B50;
	s13 =	simm.s32 $0x80  }
0x4: {  	s10 =	simm.s32 $0x3850;
	s14 =	simm.s32 $0x25D0;
	[smem:$0x7FF] =	sst s4  }
0x5: {  	v0 =	vimm.f32 $1.345100000e+04;
	s15 =	simm.s32 $0x38D0;
	s16 =	simm.s32 $0x2650;
	_ =	strace $0x8000004A  }
0x6: {  	s17 =	simm.s32 $0x3950;
	s18 =	simm.s32 $0x26D0;
	s19 =	simm.s32 $0x39D0;
	(erf) = vrcp.f32 v0  }
0x7: {  	s21 =	simm.s32 $0x3A50;
	s22 =	simm.s32 $0x27D0;
	s25 =	simm.s32 $0x0  }
0x8: {  	s0 =	sand.u32 $0x1, s0;
	s2 =	sshll.u32 s8, $0x1;
	s8 =	smul.u32 $0x24A0, s8  }
0x9: {  	s3 =	sor.u32 s0, s2;
	s6 =	ssub.s32 $0x2, s0;
	s0 =	smul.u32 $0x1250, s0  }
0xa: {  	s5 =	sadd.s32 $0x7400, s1;
	s2 =	smul.u32 $0x1250, s3;
	s7 =	sshll.u32 s3, $0x6  }
0xb: {  	s31 =	sshrl.u32 s6, $0x1;
	s20 =	sadd.s32 $0x24C00, s7;
	s23 =	sadd.s32 $0x24C10, s7  }
0xc: {  	v0 =	vlaneseq.u32;
	s24 =	sadd.s32 $0x24C20, s7;
	s8 =	sadd.s32 s0, s8;
	s0 =	simm.s32 $0x37D0  }
0xd: {  	s2 =	sshrl.u32 s2, $0x3;
	v1 =	vor.u32 s20, v0;
	s20 =	simm.s32 $0x2750;
	v2 =	vor.u32 s23, v0;
	s23 =	simm.s32 $0x3AD0  }
0xe: {  	v3 =	vor.u32 s24, v0;
	s24 =	simm.s32 $0x2850;
	s2 =	sadd.s32 s2, s1;
	s1 =	ssub.s32 s6, s31  }
0xf: {  	v5 =	vimm.s32 $0x0;
	s6 =	sadd.s32 $0x2A00, s2;
	s7 =	smax.u32 s1, $0x1;
	s2 =	simm.s32 $0x2550;
	v4 =	vpop (erf)  }
.LBB2_1:
0x10: {  	s1 =	rddreg [dreg:$0x1]  }
0x11: {  	[tilespmem:s4], [sflag:$0x2] =	stream.linear.gather [hbm4b:s1+s4], $0x400, $0x38;
	[tilespmem:$0x3B70] =	vst v63  }
0x12: {  	_ =	swait.ge [sflag:s9], $0x400  }
0x13: {  	[sflag:s9] =	ssyncset.done $0x0  }
0x14: {  	s31 =	simm.s32 $0x400;
	[sflag:s9] =	ssyncadd.s32 $0xFFFFFC00  }
0x15: {  	[tilespmem:s31], [sflag:$0x2] =	stream.linear.gather [hbm4b:s6+s4], $0x1250, $0x38;
	[tilespmem:$0x3B70] =	vst v63  }
0x16: {  	_ =	swait.ge [sflag:s9], $0x1250  }
0x17: {  	[sflag:s9] =	ssyncset.done $0x0  }
0x18: {  	s29 =	simm.s32 $0x10;
	[sflag:s9] =	ssyncadd.s32 $0xFFFFEDB0  }
0x19: {  	v6 =	vld [tilespmem:s29+$0x0]  }
0x1a: {  	v9 =	vld [tilespmem:s29+$0xFFFFFFF0];
	_ =	sdelay $0x1  }
0x1b: {  	p0 =	sgt.u32 s3, $0x0;
	s26 =	simm.s32 $0x1  }
0x1c: {  	v11 =	vimm.s32 $0x0;
	v7 =	vimm.s32 $0x0;
	s26 =	simm.s32 @!p0 $0x0  }
0x1d: {  	s28 =	simm.s32 $0x1;
	s29 =	simm.s32 $0x30;
	v8 =	vadd.s32 v5, v6;
	v10 =	vmul.u32 s26, v6;
	v6 =	vimm.s32 $0x0  }
.LBB2_2:
0x1e: {  	v12 =	vld [tilespmem:s29+$0x0];
	p0 =	sne.s32 s28, $0x1F;
	v11 =	vadd.s32 v11, v9;
	v13 =	vmul.u32 s26, v9;
	s26 =	smov.u32 s28;
	s28 =	sadd.s32 $0x1, s28  }
.Ltmp0:
0x1f: {  	v9 =	vld [tilespmem:s29+$0xFFFFFFF0];
	v6 =	vadd.s32 v6, v10;
	(pc) =	sbr.rel @p0 .LBB2_2-.Ltmp0, $4  }
0x20: {  	v7 =	vadd.s32 v7, v13  }
0x21: {  	p1 =	slt.u32 s26, s3;
	s26 =	simm.s32 $0x1  }
0x22: {  	s26 =	simm.s32 @!p1 $0x0  }
0x23: {  	s29 =	sadd.s32 $0x20, s29;
	v8 =	vadd.s32 v8, v12;
	v10 =	vmul.u32 s26, v12  }
0x24: {  	v11 =	vadd.s32 v11, v9  }
0x25: {  	v11 =	vadd.s32 $0xF, v11  }
0x26: {  	v8 =	vadd.s32 $0xF, v8;
	v11 =	vand.u32 $0xFFFFFFF0, v11  }
0x27: {  	v8 =	vand.u32 $0xFFFFFFF0, v8;
	(xrf0) =	vadd.scan.msk.s32 $0xffff, v11  }
0x28: {  	(xrf0) =	vadd.scan.msk.s32 $0xffff, v8;
	_ =	sdelay $0x2  }
0x29: {  	v59 =	vmul.u32 s26, v9;
	_ =	sdelay $0x1  }
0x2a: {  	v6 =	vadd.s32 v6, v10;
	v7 =	vadd.s32 v7, v59;
	v12, _, _ =	vpop (xrf0)  }
0x2b: {  	v6 =	vsub.s32 v6, v8;
	v7 =	vsub.s32 v7, v11;
	v60, _, _ =	vpop (xrf0);
	v61 =	vbroadcast v12, $0xF  }
0x2c: {  	v7 =	vadd.s32 v12, v7;
	v6 =	vadd.s32 v60, v6  }
0x2d: {  	[tilespmem:$0x3B50] =	vst v7;
	v6 =	vadd.s32 v61, v6  }
0x2e: {  	s1 =	simm.s32 $0x400;
	[tilespmem:$0x3B60] =	vst v6  }
0x2f: {  	v6 =	vld [tilespmem:s1+$0x0];
	_ =	sdelay $0x4  }
0x30: {  	v7 =	vcvt.s32.f32 v6;
	_ =	sdelay $0x1  }
0x31: {  	v7 =	vmul.f32 v7, v4;
	_ =	sdelay $0x1  }
0x32: {  	v7 =	vtrunc.f32 v7  }
0x33: {  	v7 =	vcvt.f32.s32 v7;
	_ =	sdelay $0x1  }
0x34: {  	(xrf1) =	vunique.msk.u32 $0xffff, v7;
	_ =	sdelay $0xd  }
0x35: {  	v8 =	vld.idx.msk [tilespmem:v7+s12+$0x0], $0xffff;
	_, v62, vm0 =	vpop (xrf1);
	_ =	sdelay $0x1  }
0x36: {  	v63 =	vmul.u32 $0xB75, v7;
	_ =	sdelay $0x1  }
0x37: {  	v6 =	vadd.s32 v6, v63  }
0x38: {  	s31 =	simm.s32 $0x0;
	s28 =	sadd.s32 $0x0, s8;
	v6 =	vshll.u32 v6, $0x12;
	v8 =	vadd.s32 v8, v62  }
0x39: {  	s29 =	sand.u32 $0x1FF0, s31;
	v6 =	vor.u32 s28, v6;
	v9 =	vadd.s32 $0xFFFFFFFF, v8;
	[tilespmem:v7+s12+$0x0] =	vst.idx.msk vm0, v8  }
0x3a: {  	s26 =	simm.s32 $0x1650;
	v6 =	vor.u32 v0, v6;
	[tilespmem:s29+$0x28D0] =	vst v9  }
0x3b: {  	s29 =	simm.s32 $0x410;
	[tilespmem:s26+$0x0] =	vst v6  }
0x3c: {  	v6 =	vld [tilespmem:s29+$0x0];
	_ =	sdelay $0x1  }
0x3d: {  	s30 =	simm.s32 $0x20;
	s28 =	simm.s32 $0x10  }
.LBB2_4:
0x3e: {  	p0 =	sne.s32 s30, $0x1240;
	_ =	sdelay $0x1  }
0x3f: {  	v7 =	vcvt.s32.f32 v6;
	_ =	sdelay $0x1  }
0x40: {  	v7 =	vmul.f32 v7, v4;
	_ =	sdelay $0x1  }
0x41: {  	v7 =	vtrunc.f32 v7  }
0x42: {  	v7 =	vcvt.f32.s32 v7;
	_ =	sdelay $0x1  }
0x43: {  	(xrf1) =	vunique.msk.u32 $0xffff, v7;
	_ =	sdelay $0xc  }
0x44: {  	v8 =	vld.idx.msk [tilespmem:v7+s12+$0x0], $0xffff  }
0x45: {  	_, v9, vm0 =	vpop (xrf1);
	_ =	sdelay $0x1  }
0x46: {  	v10 =	vmul.u32 $0xB75, v7;
	_ =	sdelay $0x1  }
0x47: {  	v6 =	vadd.s32 v6, v10  }
0x48: {  	s31 =	sadd.s32 s28, s8;
	v6 =	vshll.u32 v6, $0x12;
	v8 =	vadd.s32 v8, v9  }
0x49: {  	s1 =	sand.u32 $0x1FF0, s28;
	s28 =	smov.u32 s30;
	v6 =	vor.u32 s31, v6;
	v9 =	vadd.s32 $0xFFFFFFFF, v8;
	[tilespmem:v7+s12+$0x0] =	vst.idx.msk vm0, v8  }
.Ltmp1:
0x4a: {  	s26 =	sadd.s32 $0x10, s26;
	v6 =	vor.u32 v0, v6;
	[tilespmem:s1+$0x28D0] =	vst v9;
	(pc) =	sbr.rel @p0 .LBB2_4-.Ltmp1, $3  }
0x4b: {  	s29 =	sadd.s32 $0x10, s29;
	[tilespmem:s26+$0x0] =	vst v6  }
0x4c: {  	v6 =	vld [tilespmem:s29+$0x0];
	_ =	sdelay $0x1  }
0x4d: {  	s30 =	sadd.s32 $0x10, s30  }
0x4e: {  	_ =	sdelay $0x1  }
0x4f: {  	v7 =	vcvt.s32.f32 v6;
	_ =	sdelay $0x1  }
0x50: {  	v7 =	vmul.f32 v7, v4;
	_ =	sdelay $0x1  }
0x51: {  	v7 =	vtrunc.f32 v7  }
0x52: {  	v7 =	vcvt.f32.s32 v7;
	_ =	sdelay $0x1  }
0x53: {  	(xrf1) =	vunique.msk.u32 $0xffff, v7;
	_ =	sdelay $0xd  }
0x54: {  	v8 =	vld.idx.msk [tilespmem:v7+s12+$0x0], $0xffff;
	_, v9, vm0 =	vpop (xrf1);
	_ =	sdelay $0x1  }
0x55: {  	v10 =	vmul.u32 $0xB75, v7;
	_ =	sdelay $0x1  }
0x56: {  	v6 =	vadd.s32 v6, v10  }
0x57: {  	s1 =	sadd.s32 s28, s8;
	v6 =	vshll.u32 v6, $0x12;
	v8 =	vadd.s32 v8, v9  }
0x58: {  	s31 =	sand.u32 $0x1FF0, s28;
	v6 =	vor.u32 s1, v6;
	v9 =	vadd.s32 $0xFFFFFFFF, v8;
	[tilespmem:v7+s12+$0x0] =	vst.idx.msk vm0, v8  }
0x59: {  	s26 =	sadd.s32 $0x10, s26;
	v6 =	vor.u32 v0, v6;
	[tilespmem:s31+$0x28D0] =	vst v9  }
0x5a: {  	[tilespmem:s26+$0x0] =	vst v6  }
0x5b: {  	[tilespmem:$0x28A0] =	vst v5  }
0x5c: {  	[tilespmem:$0x3B20] =	vst v1  }
0x5d: {  	[tilespmem:$0x28B0] =	vst v5  }
0x5e: {  	[tilespmem:$0x3B30] =	vst v2  }
0x5f: {  	[tilespmem:$0x28C0] =	vst v5  }
0x60: {  	s28 =	simm.s32 $0x28D0;
	s29 =	simm.s32 $0x1650;
	[tilespmem:$0x3B40] =	vst v3  }
0x61: {  	[hbm4b:s5+s13] =	stream.indirect.scatter [tilespmem:s29], [sflag:$0x1], $0x1, s28, s13, $0xb8;
	[tilespmem:$0x3B70] =	vst v63  }
0x62: {  	s30 =	simm.s32 $0x2950;
	s31 =	simm.s32 $0x16D0  }
0x63: {  	[hbm4b:s5+s13] =	stream.indirect.scatter [tilespmem:s31], [sflag:$0x1], $0x1, s30, s13, $0xb8;
	[tilespmem:$0x3B70] =	vst v63  }
0x64: {  	s28 =	simm.s32 $0x29D0;
	s29 =	simm.s32 $0x1750  }
0x65: {  	[hbm4b:s5+s13] =	stream.indirect.scatter [tilespmem:s29], [sflag:$0x1], $0x1, s28, s13, $0xb8;
	[tilespmem:$0x3B70] =	vst v63  }
0x66: {  	s30 =	simm.s32 $0x2A50;
	s31 =	simm.s32 $0x17D0  }
0x67: {  	[hbm4b:s5+s13] =	stream.indirect.scatter [tilespmem:s31], [sflag:$0x1], $0x1, s30, s13, $0xb8;
	[tilespmem:$0x3B70] =	vst v63  }
0x68: {  	s28 =	simm.s32 $0x2AD0;
	s29 =	simm.s32 $0x1850  }
0x69: {  	[hbm4b:s5+s13] =	stream.indirect.scatter [tilespmem:s29], [sflag:$0x1], $0x1, s28, s13, $0xb8;
	[tilespmem:$0x3B70] =	vst v63  }
0x6a: {  	s30 =	simm.s32 $0x2B50;
	s31 =	simm.s32 $0x18D0  }
0x6b: {  	[hbm4b:s5+s13] =	stream.indirect.scatter [tilespmem:s31], [sflag:$0x1], $0x1, s30, s13, $0xb8;
	[tilespmem:$0x3B70] =	vst v63  }
0x6c: {  	s28 =	simm.s32 $0x2BD0;
	s29 =	simm.s32 $0x1950  }
0x6d: {  	[hbm4b:s5+s13] =	stream.indirect.scatter [tilespmem:s29], [sflag:$0x1], $0x1, s28, s13, $0xb8;
	[tilespmem:$0x3B70] =	vst v63  }
0x6e: {  	s30 =	simm.s32 $0x2C50;
	s31 =	simm.s32 $0x19D0  }
0x6f: {  	[hbm4b:s5+s13] =	stream.indirect.scatter [tilespmem:s31], [sflag:$0x1], $0x1, s30, s13, $0xb8;
	[tilespmem:$0x3B70] =	vst v63  }
0x70: {  	s28 =	simm.s32 $0x2CD0;
	s29 =	simm.s32 $0x1A50  }
0x71: {  	[hbm4b:s5+s13] =	stream.indirect.scatter [tilespmem:s29], [sflag:$0x1], $0x1, s28, s13, $0xb8;
	[tilespmem:$0x3B70] =	vst v63  }
0x72: {  	s30 =	simm.s32 $0x2D50;
	s31 =	simm.s32 $0x1AD0  }
0x73: {  	[hbm4b:s5+s13] =	stream.indirect.scatter [tilespmem:s31], [sflag:$0x1], $0x1, s30, s13, $0xb8;
	[tilespmem:$0x3B70] =	vst v63  }
0x74: {  	s28 =	simm.s32 $0x2DD0;
	s29 =	simm.s32 $0x1B50  }
0x75: {  	[hbm4b:s5+s13] =	stream.indirect.scatter [tilespmem:s29], [sflag:$0x1], $0x1, s28, s13, $0xb8;
	[tilespmem:$0x3B70] =	vst v63  }
0x76: {  	s30 =	simm.s32 $0x2E50;
	s31 =	simm.s32 $0x1BD0  }
0x77: {  	[hbm4b:s5+s13] =	stream.indirect.scatter [tilespmem:s31], [sflag:$0x1], $0x1, s30, s13, $0xb8;
	[tilespmem:$0x3B70] =	vst v63  }
0x78: {  	s28 =	simm.s32 $0x2ED0;
	s29 =	simm.s32 $0x1C50  }
0x79: {  	[hbm4b:s5+s13] =	stream.indirect.scatter [tilespmem:s29], [sflag:$0x1], $0x1, s28, s13, $0xb8;
	[tilespmem:$0x3B70] =	vst v63  }
0x7a: {  	s30 =	simm.s32 $0x2F50;
	s31 =	simm.s32 $0x1CD0  }
0x7b: {  	[hbm4b:s5+s13] =	stream.indirect.scatter [tilespmem:s31], [sflag:$0x1], $0x1, s30, s13, $0xb8;
	[tilespmem:$0x3B70] =	vst v63  }
0x7c: {  	s28 =	simm.s32 $0x2FD0;
	s29 =	simm.s32 $0x1D50  }
0x7d: {  	[hbm4b:s5+s13] =	stream.indirect.scatter [tilespmem:s29], [sflag:$0x1], $0x1, s28, s13, $0xb8;
	[tilespmem:$0x3B70] =	vst v63  }
0x7e: {  	s30 =	simm.s32 $0x3050;
	s31 =	simm.s32 $0x1DD0  }
0x7f: {  	[hbm4b:s5+s13] =	stream.indirect.scatter [tilespmem:s31], [sflag:$0x1], $0x1, s30, s13, $0xb8;
	[tilespmem:$0x3B70] =	vst v63  }
0x80: {  	s28 =	simm.s32 $0x30D0;
	s29 =	simm.s32 $0x1E50  }
0x81: {  	[hbm4b:s5+s13] =	stream.indirect.scatter [tilespmem:s29], [sflag:$0x1], $0x1, s28, s13, $0xb8;
	[tilespmem:$0x3B70] =	vst v63  }
0x82: {  	s30 =	simm.s32 $0x3150;
	s31 =	simm.s32 $0x1ED0  }
0x83: {  	[hbm4b:s5+s13] =	stream.indirect.scatter [tilespmem:s31], [sflag:$0x1], $0x1, s30, s13, $0xb8;
	[tilespmem:$0x3B70] =	vst v63  }
0x84: {  	s28 =	simm.s32 $0x31D0;
	s29 =	simm.s32 $0x1F50  }
0x85: {  	[hbm4b:s5+s13] =	stream.indirect.scatter [tilespmem:s29], [sflag:$0x1], $0x1, s28, s13, $0xb8;
	[tilespmem:$0x3B70] =	vst v63  }
0x86: {  	s30 =	simm.s32 $0x3250;
	s31 =	simm.s32 $0x1FD0  }
0x87: {  	[hbm4b:s5+s13] =	stream.indirect.scatter [tilespmem:s31], [sflag:$0x1], $0x1, s30, s13, $0xb8;
	[tilespmem:$0x3B70] =	vst v63  }
0x88: {  	s28 =	simm.s32 $0x32D0;
	s29 =	simm.s32 $0x2050  }
0x89: {  	[hbm4b:s5+s13] =	stream.indirect.scatter [tilespmem:s29], [sflag:$0x1], $0x1, s28, s13, $0xb8;
	[tilespmem:$0x3B70] =	vst v63  }
0x8a: {  	s30 =	simm.s32 $0x3350;
	s31 =	simm.s32 $0x20D0  }
0x8b: {  	[hbm4b:s5+s13] =	stream.indirect.scatter [tilespmem:s31], [sflag:$0x1], $0x1, s30, s13, $0xb8;
	[tilespmem:$0x3B70] =	vst v63  }
0x8c: {  	s28 =	simm.s32 $0x33D0;
	s29 =	simm.s32 $0x2150  }
0x8d: {  	[hbm4b:s5+s13] =	stream.indirect.scatter [tilespmem:s29], [sflag:$0x1], $0x1, s28, s13, $0xb8;
	[tilespmem:$0x3B70] =	vst v63  }
0x8e: {  	s30 =	simm.s32 $0x3450;
	s31 =	simm.s32 $0x21D0  }
0x8f: {  	[hbm4b:s5+s13] =	stream.indirect.scatter [tilespmem:s31], [sflag:$0x1], $0x1, s30, s13, $0xb8;
	[tilespmem:$0x3B70] =	vst v63  }
0x90: {  	s28 =	simm.s32 $0x34D0;
	s29 =	simm.s32 $0x2250  }
0x91: {  	[hbm4b:s5+s13] =	stream.indirect.scatter [tilespmem:s29], [sflag:$0x1], $0x1, s28, s13, $0xb8;
	[tilespmem:$0x3B70] =	vst v63  }
0x92: {  	s30 =	simm.s32 $0x3550;
	s31 =	simm.s32 $0x22D0  }
0x93: {  	[hbm4b:s5+s13] =	stream.indirect.scatter [tilespmem:s31], [sflag:$0x1], $0x1, s30, s13, $0xb8;
	[tilespmem:$0x3B70] =	vst v63  }
0x94: {  	s28 =	simm.s32 $0x35D0;
	s29 =	simm.s32 $0x2350  }
0x95: {  	[hbm4b:s5+s13] =	stream.indirect.scatter [tilespmem:s29], [sflag:$0x1], $0x1, s28, s13, $0xb8;
	[tilespmem:$0x3B70] =	vst v63  }
0x96: {  	s30 =	simm.s32 $0x3650;
	s31 =	simm.s32 $0x23D0  }
0x97: {  	[hbm4b:s5+s13] =	stream.indirect.scatter [tilespmem:s31], [sflag:$0x1], $0x1, s30, s13, $0xb8;
	[tilespmem:$0x3B70] =	vst v63  }
0x98: {  	s28 =	simm.s32 $0x36D0;
	s29 =	simm.s32 $0x2450  }
0x99: {  	[hbm4b:s5+s13] =	stream.indirect.scatter [tilespmem:s29], [sflag:$0x1], $0x1, s28, s13, $0xb8;
	[tilespmem:$0x3B70] =	vst v63  }
0x9a: {  	s30 =	simm.s32 $0x3750;
	s31 =	simm.s32 $0x24D0  }
0x9b: {  	[hbm4b:s5+s13] =	stream.indirect.scatter [tilespmem:s31], [sflag:$0x1], $0x1, s30, s13, $0xb8;
	[tilespmem:$0x3B70] =	vst v63  }
0x9c: {  	_ = 	snop  }
0x9d: {  	[hbm4b:s5+s13] =	stream.indirect.scatter [tilespmem:s2], [sflag:$0x1], $0x1, s0, s13, $0xb8;
	[tilespmem:$0x3B70] =	vst v63  }
0x9e: {  	_ = 	snop  }
0x9f: {  	[hbm4b:s5+s13] =	stream.indirect.scatter [tilespmem:s14], [sflag:$0x1], $0x1, s10, s13, $0xb8;
	[tilespmem:$0x3B70] =	vst v63  }
0xa0: {  	_ = 	snop  }
0xa1: {  	[hbm4b:s5+s13] =	stream.indirect.scatter [tilespmem:s16], [sflag:$0x1], $0x1, s15, s13, $0xb8;
	[tilespmem:$0x3B70] =	vst v63  }
0xa2: {  	_ = 	snop  }
0xa3: {  	[hbm4b:s5+s13] =	stream.indirect.scatter [tilespmem:s18], [sflag:$0x1], $0x1, s17, s13, $0xb8;
	[tilespmem:$0x3B70] =	vst v63  }
0xa4: {  	_ = 	snop  }
0xa5: {  	[hbm4b:s5+s13] =	stream.indirect.scatter [tilespmem:s20], [sflag:$0x1], $0x1, s19, s13, $0xb8;
	[tilespmem:$0x3B70] =	vst v63  }
0xa6: {  	_ = 	snop  }
0xa7: {  	[hbm4b:s5+s13] =	stream.indirect.scatter [tilespmem:s22], [sflag:$0x1], $0x1, s21, s13, $0xb8;
	[tilespmem:$0x3B70] =	vst v63  }
0xa8: {  	_ = 	snop  }
0xa9: {  	[hbm4b:s5+s13] =	stream.indirect.scatter [tilespmem:s24], [sflag:$0x1], $0x1, s23, s13, $0xb8;
	[tilespmem:$0x3B70] =	vst v63  }
0xaa: {  	_ =	swait.ge [sflag:s11], $0x80  }
0xab: {  	[sflag:s11] =	ssyncset.done $0x0  }
0xac: {  	[sflag:s11] =	ssyncadd.s32 $0xFFFFFF80  }
0xad: {  	_ =	swait.ge [sflag:s11], $0x80  }
0xae: {  	[sflag:s11] =	ssyncset.done $0x0  }
0xaf: {  	[sflag:s11] =	ssyncadd.s32 $0xFFFFFF80  }
0xb0: {  	_ =	swait.ge [sflag:s11], $0x80  }
0xb1: {  	[sflag:s11] =	ssyncset.done $0x0  }
0xb2: {  	[sflag:s11] =	ssyncadd.s32 $0xFFFFFF80  }
0xb3: {  	_ =	swait.ge [sflag:s11], $0x80  }
0xb4: {  	[sflag:s11] =	ssyncset.done $0x0  }
0xb5: {  	[sflag:s11] =	ssyncadd.s32 $0xFFFFFF80  }
0xb6: {  	_ =	swait.ge [sflag:s11], $0x80  }
0xb7: {  	[sflag:s11] =	ssyncset.done $0x0  }
0xb8: {  	[sflag:s11] =	ssyncadd.s32 $0xFFFFFF80  }
0xb9: {  	_ =	swait.ge [sflag:s11], $0x80  }
0xba: {  	[sflag:s11] =	ssyncset.done $0x0  }
0xbb: {  	[sflag:s11] =	ssyncadd.s32 $0xFFFFFF80  }
0xbc: {  	_ =	swait.ge [sflag:s11], $0x80  }
0xbd: {  	[sflag:s11] =	ssyncset.done $0x0  }
0xbe: {  	[sflag:s11] =	ssyncadd.s32 $0xFFFFFF80  }
0xbf: {  	_ =	swait.ge [sflag:s11], $0x80  }
0xc0: {  	[sflag:s11] =	ssyncset.done $0x0  }
0xc1: {  	[sflag:s11] =	ssyncadd.s32 $0xFFFFFF80  }
0xc2: {  	_ =	swait.ge [sflag:s11], $0x80  }
0xc3: {  	[sflag:s11] =	ssyncset.done $0x0  }
0xc4: {  	[sflag:s11] =	ssyncadd.s32 $0xFFFFFF80  }
0xc5: {  	_ =	swait.ge [sflag:s11], $0x80  }
0xc6: {  	[sflag:s11] =	ssyncset.done $0x0  }
0xc7: {  	[sflag:s11] =	ssyncadd.s32 $0xFFFFFF80  }
0xc8: {  	_ =	swait.ge [sflag:s11], $0x80  }
0xc9: {  	[sflag:s11] =	ssyncset.done $0x0  }
0xca: {  	[sflag:s11] =	ssyncadd.s32 $0xFFFFFF80  }
0xcb: {  	_ =	swait.ge [sflag:s11], $0x80  }
0xcc: {  	[sflag:s11] =	ssyncset.done $0x0  }
0xcd: {  	[sflag:s11] =	ssyncadd.s32 $0xFFFFFF80  }
0xce: {  	_ =	swait.ge [sflag:s11], $0x80  }
0xcf: {  	[sflag:s11] =	ssyncset.done $0x0  }
0xd0: {  	[sflag:s11] =	ssyncadd.s32 $0xFFFFFF80  }
0xd1: {  	_ =	swait.ge [sflag:s11], $0x80  }
0xd2: {  	[sflag:s11] =	ssyncset.done $0x0  }
0xd3: {  	[sflag:s11] =	ssyncadd.s32 $0xFFFFFF80  }
0xd4: {  	_ =	swait.ge [sflag:s11], $0x80  }
0xd5: {  	[sflag:s11] =	ssyncset.done $0x0  }
0xd6: {  	[sflag:s11] =	ssyncadd.s32 $0xFFFFFF80  }
0xd7: {  	_ =	swait.ge [sflag:s11], $0x80  }
0xd8: {  	[sflag:s11] =	ssyncset.done $0x0  }
0xd9: {  	[sflag:s11] =	ssyncadd.s32 $0xFFFFFF80  }
0xda: {  	_ =	swait.ge [sflag:s11], $0x80  }
0xdb: {  	[sflag:s11] =	ssyncset.done $0x0  }
0xdc: {  	[sflag:s11] =	ssyncadd.s32 $0xFFFFFF80  }
0xdd: {  	_ =	swait.ge [sflag:s11], $0x80  }
0xde: {  	[sflag:s11] =	ssyncset.done $0x0  }
0xdf: {  	[sflag:s11] =	ssyncadd.s32 $0xFFFFFF80  }
0xe0: {  	_ =	swait.ge [sflag:s11], $0x80  }
0xe1: {  	[sflag:s11] =	ssyncset.done $0x0  }
0xe2: {  	[sflag:s11] =	ssyncadd.s32 $0xFFFFFF80  }
0xe3: {  	_ =	swait.ge [sflag:s11], $0x80  }
0xe4: {  	[sflag:s11] =	ssyncset.done $0x0  }
0xe5: {  	[sflag:s11] =	ssyncadd.s32 $0xFFFFFF80  }
0xe6: {  	_ =	swait.ge [sflag:s11], $0x80  }
0xe7: {  	[sflag:s11] =	ssyncset.done $0x0  }
0xe8: {  	[sflag:s11] =	ssyncadd.s32 $0xFFFFFF80  }
0xe9: {  	_ =	swait.ge [sflag:s11], $0x80  }
0xea: {  	[sflag:s11] =	ssyncset.done $0x0  }
0xeb: {  	[sflag:s11] =	ssyncadd.s32 $0xFFFFFF80  }
0xec: {  	_ =	swait.ge [sflag:s11], $0x80  }
0xed: {  	[sflag:s11] =	ssyncset.done $0x0  }
0xee: {  	[sflag:s11] =	ssyncadd.s32 $0xFFFFFF80  }
0xef: {  	_ =	swait.ge [sflag:s11], $0x80  }
0xf0: {  	[sflag:s11] =	ssyncset.done $0x0  }
0xf1: {  	[sflag:s11] =	ssyncadd.s32 $0xFFFFFF80  }
0xf2: {  	_ =	swait.ge [sflag:s11], $0x80  }
0xf3: {  	[sflag:s11] =	ssyncset.done $0x0  }
0xf4: {  	[sflag:s11] =	ssyncadd.s32 $0xFFFFFF80  }
0xf5: {  	_ =	swait.ge [sflag:s11], $0x80  }
0xf6: {  	[sflag:s11] =	ssyncset.done $0x0  }
0xf7: {  	[sflag:s11] =	ssyncadd.s32 $0xFFFFFF80  }
0xf8: {  	_ =	swait.ge [sflag:s11], $0x80  }
0xf9: {  	[sflag:s11] =	ssyncset.done $0x0  }
0xfa: {  	[sflag:s11] =	ssyncadd.s32 $0xFFFFFF80  }
0xfb: {  	_ =	swait.ge [sflag:s11], $0x80  }
0xfc: {  	[sflag:s11] =	ssyncset.done $0x0  }
0xfd: {  	[sflag:s11] =	ssyncadd.s32 $0xFFFFFF80  }
0xfe: {  	_ =	swait.ge [sflag:s11], $0x80  }
0xff: {  	[sflag:s11] =	ssyncset.done $0x0  }
0x100: {  	[sflag:s11] =	ssyncadd.s32 $0xFFFFFF80  }
0x101: {  	_ =	swait.ge [sflag:s11], $0x80  }
0x102: {  	[sflag:s11] =	ssyncset.done $0x0  }
0x103: {  	[sflag:s11] =	ssyncadd.s32 $0xFFFFFF80  }
0x104: {  	_ =	swait.ge [sflag:s11], $0x80  }
0x105: {  	[sflag:s11] =	ssyncset.done $0x0  }
0x106: {  	[sflag:s11] =	ssyncadd.s32 $0xFFFFFF80  }
0x107: {  	_ =	swait.ge [sflag:s11], $0x80  }
0x108: {  	[sflag:s11] =	ssyncset.done $0x0  }
0x109: {  	[sflag:s11] =	ssyncadd.s32 $0xFFFFFF80  }
0x10a: {  	_ =	swait.ge [sflag:s11], $0x80  }
0x10b: {  	[sflag:s11] =	ssyncset.done $0x0  }
0x10c: {  	[sflag:s11] =	ssyncadd.s32 $0xFFFFFF80  }
0x10d: {  	_ =	swait.ge [sflag:s11], $0x80  }
0x10e: {  	[sflag:s11] =	ssyncset.done $0x0  }
0x10f: {  	[sflag:s11] =	ssyncadd.s32 $0xFFFFFF80  }
0x110: {  	_ =	swait.ge [sflag:s11], $0x80  }
0x111: {  	[sflag:s11] =	ssyncset.done $0x0  }
0x112: {  	s25 =	sadd.s32 $0x1, s25;
	[sflag:s11] =	ssyncadd.s32 $0xFFFFFF80  }
0x113: {  	p0 =	sne.s32 s25, s7;
	_ =	swait.ge [sflag:s11], $0x80  }
.Ltmp2:
0x114: {  	[sflag:s11] =	ssyncset.done $0x0;
	(pc) =	sbr.rel @p0 .LBB2_1-.Ltmp2, $4  }
0x115: {  	[sflag:s11] =	ssyncadd.s32 $0xFFFFFF80  }
0x116: {  	_ =	swait.ge [sflag:s11], $0x80  }
0x117: {  	[sflag:s11] =	ssyncset.done $0x0  }
0x118: {  	[sflag:s11] =	ssyncadd.s32 $0xFFFFFF80  }
0x119: {  	_ =	sfence.sel $0x180000  }
0x11a: {  	[bflag:$0x0] =	sbarrier.arrive $0xFFFF  }
0x11b: {  	_ =	strace $0x9000004A  }
0x11c: {  	s0 =	stileid.u32;
	[bflag:$0x2] =	sbarrier.arrive $0xFFFF  }
0x11d: {  	p0 =	sne.s32 s0, $0x0;
	s0 =	rddreg [dreg:$0x2]  }
0x11e: {  	s0 =	sadd.s32 @!p0 $0x100000, s0  }
0x11f: {  	[sflag:s0] =	ssyncadd.tile.s32 @!p0 $0x1;
	_ =	shalt  }
.Lfunc_end2:
_tile_overlayer_lowered:
.L_overlay_start_2:
0x120: {  	(tag) =	ssettag $0x2  }
0x121: {  	s0 =	rddreg [dreg:$0x0];
	s2 =	stileid.u32  }
0x122: {  	s1 =	rddreg [dreg:$0x1];
	p0 =	sne.s32 s2, $0x0  }
0x123: {  	s3 =	rddreg [dreg:$0x2];
	[bflag:$0x3] =	sbarrier.arrive $0xFFFF;
	s2 =	simm.s32 @!p0 $0x1C02  }
0x124: {  	[timem:s3], [sflag:s2] =	dma.local @!p0 [hbm:s0], s1  }
0x125: {  	s0 =	simm.s32 @!p0 $0x2  }
0x126: {  	_ =	swait.ge @!p0 [sflag:s0], s1  }
0x127: {  	s1 =	ssub.s32 @!p0 $0x0, s1;
	[sflag:s0] =	ssyncset.done @!p0 $0x0  }
0x128: {  	[sflag:s0] =	ssyncadd.s32 @!p0 s1  }
0x129: {  	[bflag:$0x3] =	sbarrier.arrive $0xFFFF  }
0x12a: {  	_ =	shalt  }

// kernel: kernel.13.cloned.1.call-start
scs
__scs_entry_jumppad:
0x0: {  	(pc) =	sbr.rel $0x88, $3  }
0x1: {  	(tag) =	ssettag $0x0;
	lr =	simm.s32 $0x1  }
0x2: {  	[smem:$0x3FA0] =	sst lr;
	_ =	strace $0xD0000000  }
0x3: {  	_ = 	snop  }
0x4: {  	_ = 	snop  }
0x5: {  	_ = 	snop  }
0x6: {  	_ = 	snop  }
0x7: {  	_ = 	snop  }
__scs_overlays_trampoline_lowered:
0x8: {  	[smem:$0x3FAF] =	sst s0  }
0x9: {  	[smem:$0x3FB0] =	sst s1  }
0xa: {  	[smem:$0x3FB1] =	sst s2  }
0xb: {  	[smem:$0x3FB2] =	sst s3  }
0xc: {  	[smem:$0x3FB3] =	sst s4  }
0xd: {  	[smem:$0x3FB4] =	sst s5  }
0xe: {  	[smem:$0x3FB5] =	sst s6  }
0xf: {  	[smem:$0x3FB6] =	sst s7  }
0x10: {  	[smem:$0x3FB7] =	sst s8  }
0x11: {  	[smem:$0x3FB8] =	sst s9;
	s0 =	simm.s32 @!p0 $0x0  }
0x12: {  	s1 =	sld [smem:$0x3F9E];
	s0 =	simm.s32 @p0 $0x1  }
0x13: {  	[smem:$0x3FB9] =	sst s0;
	s0 =	simm.s32 @!p1 $0x0  }
0x14: {  	s2 =	sld [smem:$0x3F9D];
	s0 =	simm.s32 @p1 $0x1  }
0x15: {  	[smem:$0x3FBA] =	sst s0;
	s0 =	simm.s32 @!p2 $0x0  }
0x16: {  	s3 =	sld [smem:$0x3FDB];
	s0 =	simm.s32 @p2 $0x1  }
0x17: {  	s4 =	simm.s32 $0x1BF5;
	[smem:$0x3FBC] =	sst s0  }
0x18: {  	s0 =	sld [smem:$0x3F9F];
	_ =	swait.ge [sflag:s4], $0x0  }
0x19: {  	s7 =	sld [smem:$0x3FA0]  }
0x1a: {  	s8 =	sadd.s32 $0xFFFFE003, lr  }
0x1b: {  	s9 =	sadd.s32 $0xFFFFFEF7, lr;
	s5 =	simm.s32 $0xFFFFFFFF;
	p2 =	slt.u32 s8, $0xFFFFF086  }
0x1c: {  	p1 =	slt.u32 s9, $0xF7A;
	s5 =	simm.s32 @!p2 $0x0  }
0x1d: {  	s5 =	simm.s32 @p1 $0x1;
	p0 =	seq.s32 s7, s2  }
0x1e: {  	s7 =	smul.u32 @!p0 $0xF7A, s2;
	p2 =	seq.s32 @!p0 s5, $0x0  }
0x1f: {  	s9 =	smul.u32 $0xF7A, s1;
	s8 =	simm.s32 @!p0 $0x1BF5;
	p2 =	por !p2, p0  }
0x20: {  	[sflag:s8] =	ssyncset.s32 @!p0 $0xFFFFF086;
	s6 =	sadd.s32 @!p0 s3, s7;
	s7 =	simm.s32 @!p0 $0x108  }
0x21: {  	s3 =	sadd.s32 s3, s9;
	s6 =	sadd.s32 @!p0 $0x88, s6;
	s7 =	simm.s32 @p2 $0x1082  }
0x22: {  	[simem:s7], [sflag:s8] =	dma.local @!p0 [hbm:s6], $0xF7A  }
0x23: {  	s9 =	sor.u32 $0xD0000000, s2;
	s6 =	simm.s32 $0x108;
	_ =	swait.ge @!p0 [sflag:s8], $0x0  }
0x24: {  	s3 =	sadd.s32 $0x88, s3;
	s6 =	simm.s32 @!p1 $0x1082;
	[sflag:s4] =	ssyncset.s32 $0xFFFFF086  }
0x25: {  	[simem:s6], [sflag:s4] =	dma.local [hbm:s3], $0xF7A  }
0x26: {  	[smem:$0x3FA0] =	sst s1;
	(tag) =	ssettag s2;
	_ =	strace s9  }
0x27: {  	s1 =	sld [smem:$0x3FB0]  }
0x28: {  	s2 =	sld [smem:$0x3FB1]  }
0x29: {  	s4 =	sld [smem:$0x3FB3]  }
0x2a: {  	p0 =	seq.s32 s5, $0x0;
	s5 =	sld [smem:$0x3FB4]  }
0x2b: {  	s6 =	sld [smem:$0x3FB5]  }
0x2c: {  	s7 =	sld [smem:$0x3FB6]  }
0x2d: {  	s3 =	simm.s32 $0x108;
	s8 =	sld [smem:$0x3FB7]  }
0x2e: {  	s3 =	simm.s32 @!p0 $0x1082;
	s9 =	sld [smem:$0x3FB8]  }
0x2f: {  	lr =	sadd.s32 s0, s3;
	s0 =	sld [smem:$0x3FAF]  }
0x30: {  	s3 =	sld [smem:$0x3FB2]  }
0x31: {  	[smem:$0x3FBB] =	sst s10  }
0x32: {  	s10 =	sld [smem:$0x3FB9];
	_ =	sdelay $0x3  }
0x33: {  	p0 =	seq.s32 s10, $0x1;
	s10 =	sld [smem:$0x3FBB];
	_ =	sdelay $0x3  }
0x34: {  	[smem:$0x3FBB] =	sst s10  }
0x35: {  	s10 =	sld [smem:$0x3FBA];
	_ =	sdelay $0x3  }
0x36: {  	p1 =	seq.s32 s10, $0x1;
	s10 =	sld [smem:$0x3FBB];
	_ =	sdelay $0x3  }
0x37: {  	[smem:$0x3FBB] =	sst s10  }
0x38: {  	s10 =	sld [smem:$0x3FBC]  }
0x39: {  	_ = 	snop;
	(pc) =	sbr.ind lr, $3  }
0x3a: {  	_ = 	snop  }
0x3b: {  	_ = 	snop  }
0x3c: {  	p2 =	seq.s32 s10, $0x1;
	s10 =	sld [smem:$0x3FBB]  }
0x3d: {  	_ =	shalt  }
0x3e: {  	_ =	shalt  }
0x3f: {  	_ =	shalt  }
0x40: {  	_ =	shalt  }
0x41: {  	_ =	shalt  }
0x42: {  	_ =	shalt  }
0x43: {  	_ =	shalt  }
0x44: {  	_ =	shalt  }
0x45: {  	_ =	shalt  }
0x46: {  	_ =	shalt  }
0x47: {  	_ =	shalt  }
0x48: {  	_ =	shalt  }
0x49: {  	_ =	shalt  }
0x4a: {  	_ =	shalt  }
0x4b: {  	_ =	shalt  }
0x4c: {  	_ =	shalt  }
0x4d: {  	_ =	shalt  }
0x4e: {  	_ =	shalt  }
0x4f: {  	_ =	shalt  }
0x50: {  	_ =	shalt  }
0x51: {  	_ =	shalt  }
0x52: {  	_ =	shalt  }
0x53: {  	_ =	shalt  }
0x54: {  	_ =	shalt  }
0x55: {  	_ =	shalt  }
0x56: {  	_ =	shalt  }
0x57: {  	_ =	shalt  }
0x58: {  	_ =	shalt  }
0x59: {  	_ =	shalt  }
0x5a: {  	_ =	shalt  }
0x5b: {  	_ =	shalt  }
0x5c: {  	_ =	shalt  }
0x5d: {  	_ =	shalt  }
0x5e: {  	_ =	shalt  }
0x5f: {  	_ =	shalt  }
0x60: {  	_ =	shalt  }
0x61: {  	_ =	shalt  }
0x62: {  	_ =	shalt  }
0x63: {  	_ =	shalt  }
0x64: {  	_ =	shalt  }
0x65: {  	_ =	shalt  }
0x66: {  	_ =	shalt  }
0x67: {  	_ =	shalt  }
0x68: {  	_ =	shalt  }
0x69: {  	_ =	shalt  }
0x6a: {  	_ =	shalt  }
0x6b: {  	_ =	shalt  }
0x6c: {  	_ =	shalt  }
0x6d: {  	_ =	shalt  }
0x6e: {  	_ =	shalt  }
0x6f: {  	_ =	shalt  }
0x70: {  	_ =	shalt  }
0x71: {  	_ =	shalt  }
0x72: {  	_ =	shalt  }
0x73: {  	_ =	shalt  }
0x74: {  	_ =	shalt  }
0x75: {  	_ =	shalt  }
0x76: {  	_ =	shalt  }
0x77: {  	_ =	shalt  }
0x78: {  	_ =	shalt  }
0x79: {  	_ =	shalt  }
0x7a: {  	_ =	shalt  }
0x7b: {  	_ =	shalt  }
0x7c: {  	_ =	shalt  }
0x7d: {  	_ =	shalt  }
0x7e: {  	_ =	shalt  }
0x7f: {  	_ =	shalt  }
0x80: {  	_ =	shalt  }
0x81: {  	_ =	shalt  }
0x82: {  	_ =	shalt  }
0x83: {  	_ =	shalt  }
0x84: {  	_ =	shalt  }
0x85: {  	_ =	shalt  }
0x86: {  	_ =	shalt  }
0x87: {  	_ =	shalt  }
.Lfunc_end0:
.L_simem_size_0:
called_computation.2_lowered:
.L_overlay_start_0:
0x88: {  	s2 =	sld [smem:$0x3FD9]  }
0x89: {  	s3 =	sld [smem:$0x3FFE];
	_ =	sdelay $0x1  }
0x8a: {  	s1 =	srdreg.scid  }
0x8b: {  	s0 =	sand.u32 $0x1, s1  }
0x8c: {  	s14 =	sshll.u32 s0, $0xA;
	s2 =	sadd.s32 s3, s2  }
0x8d: {  	s2 =	sadd.s32 s2, s14  }
0x8e: {  	[smem:$0x3FC7] =	sst s2  }
0x8f: {  	_ = 	snop  }
0x90: {  	s2 =	sld [smem:$0x3FD0];
	_ =	sdelay $0x2  }
0x91: {  	s15 =	simm.s32 $0xA;
	s4 =	simm.s32 $0x10  }
0x92: {  	[smem:s4], [sflag:s15] =	dma.local [hbm:s2], $0x1  }
0x93: {  	_ =	swait.eq [sflag:s15], $0x1  }
0x94: {  	[sflag:s15] =	ssyncset.done $0x0  }
0x95: {  	s16 =	sld [smem:$0x10];
	[sflag:s15] =	ssyncadd.s32 $0xFFFFFFFF  }
0x96: {  	s17 =	sld [smem:$0x12];
	(tm) =	ssettm $0x1  }
0x97: {  	s18 =	sld [smem:$0x3FFB];
	_ =	sdelay $0x3  }
0x98: {  	_ =	strace s18  }
0x99: {  	s4 =	sld [smem:$0x3FFC];
	_ =	sdelay $0x3  }
0x9a: {  	_ =	strace s4  }
0x9b: {  	s4 =	sld [smem:$0x3FFD];
	_ =	sdelay $0x3  }
0x9c: {  	_ =	strace s4  }
0x9d: {  	_ =	strace $0x8FFFFFFF  }
0x9e: {  	s19 =	sld [smem:$0x3FDB];
	_ =	sdelay $0x1  }
0x9f: {  	s5 =	simm.s32 $_scs_section_size  }
0xa0: {  	s6 =	simm.s32 $_size__tile_overlayer_lowered;
	s7 =	simm.s32 $_tile_overlayer_lowered  }
0xa1: {  	s22 =	simm.s32 $0x1BFF;
	s21 =	sshll.u32 s7, $0x1;
	s4 =	sadd.s32 s5, s19  }
0xa2: {  	s8 =	simm.s32 $0x0;
	s20 =	sshll.u32 s6, $0x1;
	s6 =	sadd.s32 s21, s4  }
0xa3: {  	[timem:s8], [sflag:s22] =	dma.local [hbm:s6], s20  }
0xa4: {  	_ =	swait.ge [sflag:s22], s20  }
0xa5: {  	s5 =	ssub.s32 $0x0, s20;
	[sflag:s22] =	ssyncset.done $0x0  }
0xa6: {  	[sflag:s22] =	ssyncadd.s32 s5;
	_ =	sdelay $0x1  }
0xa7: {  	s23 =	simm.s32 $0x1B8B  }
0xa8: {  	_ =	swait.ge [sflag:s23], $0x1  }
0xa9: {  	[sflag:s23] =	ssyncset.done $0x0  }
0xaa: {  	s25 =	simm.s32 $0x1B8E;
	s24 =	sld [smem:$0x3FFE];
	[sflag:s23] =	ssyncadd.s32 $0xFFFFFFFF  }
0xab: {  	s26 =	simm.s32 $execute0_lowered;
	[smem:$0x3FD2] =	sst s25  }
0xac: {  	s6 =	sshll.u32 s26, $0x1;
	_ =	strace $0x8000004C;
	[dreg:$0x1] =	wrdreg $0xFFFFFFFF  }
0xad: {  	s28 =	simm.s32 $_size_execute0_lowered;
	s4 =	sadd.s32 s4, s6;
	[dreg:$0x0] =	wrdreg $0x0  }
0xae: {  	s6 =	sshll.u32 s28, $0x1;
	[dreg:$0x2] =	wrdreg s4  }
0xaf: {  	[dreg:$0x3] =	wrdreg s6  }
0xb0: {  	[dreg:$0x4] =	wrdreg $0xC0  }
0xb1: {  	_ =	task [dreg:s8], $0x5FFFF  }
0xb2: {  	[dreg:$0x1] =	wrdreg $0xFFFFFFFF  }
0xb3: {  	[dreg:$0x0] =	wrdreg $0x60  }
0xb4: {  	[dreg:$0x2] =	wrdreg s17  }
0xb5: {  	[dreg:$0x3] =	wrdreg s24  }
0xb6: {  	[dreg:$0x4] =	wrdreg s16  }
0xb7: {  	[dreg:$0x5] =	wrdreg $0x9  }
0xb8: {  	_ =	task.clear_ibuf [dreg:s8], $0x6FFFF;
	_ =	strace $0x9000004C  }
0xb9: {  	s29 =	simm.s32 $0x9;
	_ =	strace $0x8000004E  }
0xba: {  	_ =	swait.ge [sflag:s29], $0x1  }
0xbb: {  	[sflag:s29] =	ssyncadd.s32 $0xFFFFFFFF  }
0xbc: {  	_ =	strace $0x9000004E  }
0xbd: {  	_ =	sfence  }
0xbe: {  	s30 =	sld [smem:$0x0];
	_ =	sdelay $0x2  }
0xbf: {  	s31 =	sshll.u32 s1, $0xD;
	s1 =	sshrl.u32 s1, $0x2  }
0xc0: {  	s3 =	sand.u32 $0x4000, s31;
	s1 =	sadd.s32 s1, s30  }
0xc1: {  	s0 =	sor.u32 s3, s0;
	s1 =	sshll.u32 s1, $0x11  }
0xc2: {  	s0 =	sor.u32 s1, s0  }
0xc3: {  	s0 =	sadd.s32 $0x8F2B, s0  }
0xc4: {  	[sflag:s0] =	ssyncadd.remote.s32 $0x1  }
0xc5: {  	_ =	sfence.sel $0xFFFF  }
0xc6: {  	[dreg:$0x0] =	wrdreg $0xFFFFFFFF;
	(pc) =	sbr.abs _section_cstart, $3  }
0xc7: {  	[dreg:$0x1] =	wrdreg $0xFFFFFFFF  }
0xc8: {  	_ =	task.clear_ibuf [dreg:s8], $0x2FFFF;
	_ =	strace $0x9FFFFFFF  }
0xc9: {  	(tm) =	ssettm $0x7FFFFFFF  }
tec
execute0_lowered:
.L_overlay_start_1:
0x0: {  	(tag) =	ssettag $0x1  }
0x1: {  	s1 =	rddreg [dreg:$0x0]  }
0x2: {  	s5 =	rddreg [dreg:$0x1]  }
0x3: {  	s6 =	rddreg [dreg:$0x2]  }
0x4: {  	s0 =	rddreg [dreg:$0x3]  }
0x5: {  	s4 =	srdreg.scid;
	s2 =	stileid.u32;
	s3 =	simm.s32 $0x0  }
0x6: {  	s7 =	sand.u32 $0x1, s4;
	s30 =	sshll.u32 s2, $0x1;
	[smem:$0x7FF] =	sst s3  }
0x7: {  	s4 =	sadd.s32 $0x7400, s5;
	s10 =	smul.u32 $0x6916, s2;
	s12 =	sor.u32 s7, s30  }
0x8: {  	_ =	strace $0x8000004D;
	s9 =	ssub.s32 $0x2, s7;
	s14 =	smul.u32 $0x348B, s7  }
0x9: {  	s8 =	smul.u32 $0x6A0, s12;
	s11 =	sshll.u32 s12, $0x1;
	s13 =	sshrl.u32 s9, $0x1  }
0xa: {  	v0 =	vlaneseq.u32;
	v1 =	vmov s12;
	s12 =	simm.s32 $0x400;
	s31 =	sadd.s32 s11, s5;
	s9 =	ssub.s32 s9, s13  }
0xb: {  	v3 =	vmul.u32 $0xFFFFFFFF, v0;
	s11 =	simm.s32 $0x3900;
	s13 =	simm.s32 $0x4120;
	s5 =	sadd.s32 s6, s8  }
0xc: {  	s6 =	sadd.s32 $0x2A00, s31;
	s7 =	smax.u32 s9, $0x1;
	s8 =	sadd.s32 s14, s10  }
0xd: {  	v2 =	vimm.s32 $0x0;
	v3 =	vadd.s32 $0x69143, v3;
	s9 =	simm.s32 $0x1;
	s10 =	simm.s32 $0x4100;
	s14 =	simm.s32 $0x0  }
.LBB2_1:
0xe: {  	[tilespmem:s3], [sflag:$0x1] =	stream.linear.gather [hbm4b:s1+s3], $0x400, $0x38;
	[tilespmem:$0x4130] =	vst v63  }
0xf: {  	_ =	swait.ge [sflag:s9], $0x400  }
0x10: {  	[sflag:s9] =	ssyncset.done $0x0  }
0x11: {  	s16 =	simm.s32 $0x0;
	[sflag:s9] =	ssyncadd.s32 $0xFFFFFC00  }
0x12: {  	v4 =	vld [tilespmem:s16+$0x10]  }
0x13: {  	s15 =	simm.s32 $0x80;
	v5 =	vimm.s32 $0x0;
	v7 =	vimm.s32 $0x0;
	v6 =	vld [tilespmem:s16+$0x0]  }
.LBB2_2:
0x14: {  	p0 =	sne.s32 s15, $0xF80  }
.Ltmp0:
0x15: {  	_ = 	snop;
	(pc) =	sbr.rel @p0 .LBB2_2-.Ltmp0, $4  }
0x16: {  	_ = 	snop  }
0x17: {  	s16 =	sshra.s32 s15, $0x2;
	s15 =	sadd.s32 $0x80, s15;
	v5 =	vadd.s32 v5, v4  }
0x18: {  	v4 =	vld [tilespmem:s16+$0x10];
	v7 =	vadd.s32 v7, v6  }
0x19: {  	v6 =	vld [tilespmem:s16+$0x0]  }
0x1a: {  	_ =	sdelay $0x3  }
0x1b: {  	v6 =	vadd.s32 v7, v6  }
0x1c: {  	v4 =	vadd.s32 v5, v4;
	v5 =	vadd.s32 $0xF, v6  }
0x1d: {  	v7 =	vadd.s32 $0xF, v4;
	v5 =	vand.u32 $0xFFFFFFF0, v5  }
0x1e: {  	v7 =	vand.u32 $0xFFFFFFF0, v7;
	(xrf0) =	vadd.scan.msk.s32 $0xffff, v5  }
0x1f: {  	(xrf0) =	vadd.scan.msk.s32 $0xffff, v7;
	_ =	sdelay $0x4  }
0x20: {  	v8, _, _ =	vpop (xrf0)  }
0x21: {  	[tilespmem:$0x4100] =	vst v6;
	v6, _, _ =	vpop (xrf0);
	v9 =	vbroadcast v8, $0xF  }
0x22: {  	[tilespmem:$0x4110] =	vst v4;
	v5 =	vsub.s32 v8, v5;
	v6 =	vsub.s32 v6, v7  }
0x23: {  	v4 =	vld.idx.msk [tilespmem:v1+s10+$0x0], $0xffff;
	[tilespmem:$0x4100] =	vst v5;
	v6 =	vadd.s32 v9, v6  }
0x24: {  	[tilespmem:$0x4110] =	vst v6  }
0x25: {  	v5 =	vld.idx.msk [tilespmem:v1+s10+$0x0], $0xffff;
	_ =	sdelay $0x4  }
0x26: {  	v5 =	vxor.u32 $0x80000000, v5  }
0x27: {  	(xrf0) =	vmax.scan.msk.u32 $0xffff, v5;
	_ =	sdelay $0x5  }
0x28: {  	v5, _, _ =	vpop (xrf0)  }
0x29: {  	(v2sf) =	vpush v5, $0xF;
	_ =	sdelay $0xe  }
0x2a: {  	s15 =	simm.s32 $0x40;
	s17 =	simm.s32 $0x0;
	s16 =	spop (v2sf)  }
.LBB2_4:
0x2b: {  	p0 =	sne.s32 s15, $0xD3C0;
	[tilespmem:s17+$0x400] =	vst v2;
	s17 =	smov.u32 s15;
	s15 =	sadd.s32 $0x40, s15  }
.Ltmp1:
0x2c: {  	(pc) =	sbr.rel @p0 .LBB2_4-.Ltmp1, $2  }
0x2d: {  	_ =	sdelay $0x2  }
0x2e: {  	s17 =	sshra.s32 s17, $0x2  }
0x2f: {  	v4 =	vxor.u32 $0x80000000, v4  }
0x30: {  	(xrf0) =	vmax.scan.msk.u32 $0xffff, v4;
	_ =	sdelay $0x5  }
0x31: {  	v4, _, _ =	vpop (xrf0)  }
0x32: {  	(v2sf) =	vpush v4, $0xF;
	_ =	sdelay $0xe  }
0x33: {  	s18 =	spop (v2sf)  }
0x34: {  	s15 =	sadd.s32 $0x800007FF, s18  }
0x35: {  	s15 =	sshra.s32 s15, $0xB  }
0x36: {  	p0 =	slt.s32 s15, $0x1  }
.Ltmp2:
0x37: {  	_ = 	snop;
	(pc) =	sbr.rel @p0 .LBB2_10-.Ltmp2, $2  }
0x38: {  	_ =	sdelay $0x2  }
0x39: {  	[tilespmem:s17+$0x400] =	vst v2  }
0x3a: {  	s16 =	sxor.u32 $0x80000000, s16;
	s17 =	sxor.u32 $0x80000000, s18  }
0x3b: {  	s18 =	simm.s32 $0x0;
	s19 =	simm.s32 $0x0;
	v4 =	vmov s17;
	s17 =	simm.s32 $0x0  }
.LBB2_7:
0x3c: {  	s20 =	sshll.u32 s19, $0xB  }
0x3d: {  	s20 =	sadd.s32 s16, s20  }
0x3e: {  	s20 =	sshrl.u32 s20, $0x3  }
0x3f: {  	s20 =	sadd.s32 s4, s20  }
0x40: {  	[tilespmem:s11], [sflag:$0x1] =	stream.linear.gather [hbm4b:s20+s17], $0x800, $0x38;
	[tilespmem:$0x4130] =	vst v63  }
0x41: {  	_ =	swait.ge [sflag:s9], $0x800  }
0x42: {  	[sflag:s9] =	ssyncset.done $0x0  }
0x43: {  	s31 =	simm.s32 $0x0;
	[sflag:s9] =	ssyncadd.s32 $0xFFFFF800  }
0x44: {  	v5 =	vld [tilespmem:s31+$0x3900];
	_ =	sdelay $0x4  }
0x45: {  	v6 =	vor.u32 s18, v0;
	v5 =	vshrl.u32 v5, $0x12  }
0x46: {  	vm0 =	vlt.s32 v6, v4;
	v5 =	vmin.u32 v5, $0x34FF  }
0x47: {  	(xrf1) =	vunique.msk.u32 vm0, v5;
	_ =	sdelay $0xd  }
0x48: {  	_, v6, vm1 =	vpop (xrf1)  }
0x49: {  	vm0 =	vmand vm0, vm1;
	_ =	sdelay $0x5  }
0x4a: {  	v7 =	vld.idx.msk [tilespmem:v5+s12+$0x0], vm0;
	_ =	sdelay $0x4  }
0x4b: {  	v6 =	vadd.s32 v7, v6  }
0x4c: {  	s22 =	simm.s32 $0x10;
	s21 =	simm.s32 $0x80;
	s20 =	smov.u32 s18;
	[tilespmem:v5+s12+$0x0] =	vst.idx.msk vm0, v6  }
.LBB2_8:
0x4d: {  	p0 =	sne.s32 s21, $0x1FC0;
	v5 =	vld [tilespmem:s22+$0x3900];
	_ =	sdelay $0x3  }
0x4e: {  	s20 =	sadd.s32 $0x10, s20  }
0x4f: {  	v6 =	vor.u32 s20, v0;
	v5 =	vshrl.u32 v5, $0x12  }
0x50: {  	vm0 =	vlt.s32 v6, v4;
	v5 =	vmin.u32 v5, $0x34FF  }
0x51: {  	(xrf1) =	vunique.msk.u32 vm0, v5;
	_ =	sdelay $0xd  }
0x52: {  	_, v6, vm1 =	vpop (xrf1)  }
0x53: {  	vm0 =	vmand vm0, vm1;
	_ =	sdelay $0x5  }
0x54: {  	v7 =	vld.idx.msk [tilespmem:v5+s12+$0x0], vm0;
	_ =	sdelay $0x2  }
.Ltmp3:
0x55: {  	(pc) =	sbr.rel @p0 .LBB2_8-.Ltmp3, $3  }
0x56: {  	_ =	sdelay $0x1  }
0x57: {  	v6 =	vadd.s32 v7, v6  }
0x58: {  	s22 =	sshra.s32 s21, $0x2;
	s21 =	sadd.s32 $0x40, s21;
	[tilespmem:v5+s12+$0x0] =	vst.idx.msk vm0, v6  }
0x59: {  	v5 =	vld [tilespmem:s22+$0x3900];
	_ =	sdelay $0x3  }
0x5a: {  	s20 =	sadd.s32 $0x10, s20  }
0x5b: {  	v6 =	vor.u32 s20, v0;
	v5 =	vshrl.u32 v5, $0x12  }
0x5c: {  	vm0 =	vlt.s32 v6, v4;
	v5 =	vmin.u32 v5, $0x34FF  }
0x5d: {  	(xrf1) =	vunique.msk.u32 vm0, v5;
	_ =	sdelay $0xd  }
0x5e: {  	_, v6, vm1 =	vpop (xrf1)  }
0x5f: {  	vm0 =	vmand vm0, vm1;
	_ =	sdelay $0x5  }
0x60: {  	s19 =	sadd.s32 $0x1, s19;
	v7 =	vld.idx.msk [tilespmem:v5+s12+$0x0], vm0  }
0x61: {  	p0 =	sne.s32 s19, s15  }
.Ltmp4:
0x62: {  	_ = 	snop;
	(pc) =	sbr.rel @p0 .LBB2_7-.Ltmp4, $3  }
0x63: {  	_ =	sdelay $0x1  }
0x64: {  	v6 =	vadd.s32 v7, v6  }
0x65: {  	s18 =	sadd.s32 $0x800, s18;
	[tilespmem:v5+s12+$0x0] =	vst.idx.msk vm0, v6  }
.LBB2_10:
0x66: {  	s15 =	simm.s32 $0x0  }
0x67: {  	[hbm4b:s5+s15] =	stream.linear.scatter [tilespmem:s12], [sflag:$0x1], $0x3500, $0x38;
	[tilespmem:$0x4130] =	vst v63  }
0x68: {  	_ =	swait.ge [sflag:s9], $0x3500  }
0x69: {  	[sflag:s9] =	ssyncset.done $0x0  }
0x6a: {  	s16 =	simm.s32 $0x0;
	[sflag:s9] =	ssyncadd.s32 $0xFFFFCB00  }
0x6b: {  	v5 =	vld [tilespmem:s16+$0x400];
	_ =	sdelay $0x3  }
0x6c: {  	v4 =	vimm.s32 $0x0;
	v6 =	vmov s8;
	s15 =	simm.s32 $0x40;
	s16 =	smov.u32 s8  }
.LBB2_11:
0x6d: {  	s17 =	sshra.s32 s15, $0x2;
	p0 =	sne.s32 s15, $0xD3C0;
	s15 =	sadd.s32 $0x40, s15;
	vm0 =	vgt.s32 v5, $0x0;
	vm1 =	vlt.u32 v6, v3  }
.Ltmp5:
0x6e: {  	v5 =	vld [tilespmem:s17+$0x400];
	vm0 =	vmand vm1, vm0;
	(pc) =	sbr.rel @p0 .LBB2_11-.Ltmp5, $3  }
0x6f: {  	v6 =	vmpcnt.ones.xlane vm0;
	_ =	sdelay $0x1  }
0x70: {  	s16 =	sadd.s32 $0x10, s16;
	v4 =	vadd.s32 v4, v6  }
0x71: {  	v6 =	vmov s16  }
0x72: {  	vm0 =	vgt.s32 v5, $0x0;
	vm1 =	vlt.u32 v6, v3  }
0x73: {  	vm0 =	vmand vm1, vm0  }
0x74: {  	v5 =	vmpcnt.ones.xlane vm0  }
0x75: {  	s14 =	sadd.s32 $0x1, s14  }
0x76: {  	p0 =	sne.s32 s14, s7;
	v4 =	vadd.s32 v4, v5  }
.Ltmp6:
0x77: {  	[tilespmem:$0x4120] =	vst v4;
	(pc) =	sbr.rel @p0 .LBB2_1-.Ltmp6, $4  }
0x78: {  	[hbm4b:s6+s3] =	stream.linear.scatter [tilespmem:s13], [sflag:$0x1], $0x10, $0x38;
	[tilespmem:$0x4130] =	vst v63  }
0x79: {  	_ =	swait.ge [sflag:s9], $0x10  }
0x7a: {  	[sflag:s9] =	ssyncset.done $0x0  }
0x7b: {  	[sflag:s9] =	ssyncadd.s32 $0xFFFFFFF0  }
0x7c: {  	_ =	sfence.sel $0x180000  }
0x7d: {  	[bflag:$0x0] =	sbarrier.arrive $0xFFFF  }
0x7e: {  	p0 =	sne.s32 s2, $0x0;
	_ =	strace $0x9000004D  }
0x7f: {  	s0 =	sadd.s32 @!p0 $0x100000, s0;
	[bflag:$0x2] =	sbarrier.arrive $0xFFFF  }
0x80: {  	[sflag:s0] =	ssyncadd.tile.s32 @!p0 $0x1;
	_ =	shalt  }
.Lfunc_end2:
_tile_overlayer_lowered:
.L_overlay_start_2:
0x81: {  	(tag) =	ssettag $0x2  }
0x82: {  	s0 =	rddreg [dreg:$0x0];
	s2 =	stileid.u32  }
0x83: {  	s1 =	rddreg [dreg:$0x1];
	p0 =	sne.s32 s2, $0x0  }
0x84: {  	s3 =	rddreg [dreg:$0x2];
	[bflag:$0x3] =	sbarrier.arrive $0xFFFF;
	s2 =	simm.s32 @!p0 $0x1C01  }
0x85: {  	[timem:s3], [sflag:s2] =	dma.local @!p0 [hbm:s0], s1  }
0x86: {  	s0 =	simm.s32 @!p0 $0x1  }
0x87: {  	_ =	swait.ge @!p0 [sflag:s0], s1  }
0x88: {  	s1 =	ssub.s32 @!p0 $0x0, s1;
	[sflag:s0] =	ssyncset.done @!p0 $0x0  }
0x89: {  	[sflag:s0] =	ssyncadd.s32 @!p0 s1  }
0x8a: {  	[bflag:$0x3] =	sbarrier.arrive $0xFFFF  }
0x8b: {  	_ =	shalt  }

// kernel: kernel.16.cloned.1.call-start
scs
__scs_entry_jumppad:
0x0: {  	(pc) =	sbr.rel $0x88, $3  }
0x1: {  	(tag) =	ssettag $0x0;
	lr =	simm.s32 $0x1  }
0x2: {  	[smem:$0x3FA0] =	sst lr;
	_ =	strace $0xD0000000  }
0x3: {  	_ = 	snop  }
0x4: {  	_ = 	snop  }
0x5: {  	_ = 	snop  }
0x6: {  	_ = 	snop  }
0x7: {  	_ = 	snop  }
__scs_overlays_trampoline_lowered:
0x8: {  	[smem:$0x3FAF] =	sst s0  }
0x9: {  	[smem:$0x3FB0] =	sst s1  }
0xa: {  	[smem:$0x3FB1] =	sst s2  }
0xb: {  	[smem:$0x3FB2] =	sst s3  }
0xc: {  	[smem:$0x3FB3] =	sst s4  }
0xd: {  	[smem:$0x3FB4] =	sst s5  }
0xe: {  	[smem:$0x3FB5] =	sst s6  }
0xf: {  	[smem:$0x3FB6] =	sst s7  }
0x10: {  	[smem:$0x3FB7] =	sst s8  }
0x11: {  	[smem:$0x3FB8] =	sst s9;
	s0 =	simm.s32 @!p0 $0x0  }
0x12: {  	s1 =	sld [smem:$0x3F9E];
	s0 =	simm.s32 @p0 $0x1  }
0x13: {  	[smem:$0x3FB9] =	sst s0;
	s0 =	simm.s32 @!p1 $0x0  }
0x14: {  	s2 =	sld [smem:$0x3F9D];
	s0 =	simm.s32 @p1 $0x1  }
0x15: {  	[smem:$0x3FBA] =	sst s0;
	s0 =	simm.s32 @!p2 $0x0  }
0x16: {  	s3 =	sld [smem:$0x3FDB];
	s0 =	simm.s32 @p2 $0x1  }
0x17: {  	s4 =	simm.s32 $0x1BF5;
	[smem:$0x3FBC] =	sst s0  }
0x18: {  	s0 =	sld [smem:$0x3F9F];
	_ =	swait.ge [sflag:s4], $0x0  }
0x19: {  	s7 =	sld [smem:$0x3FA0]  }
0x1a: {  	s8 =	sadd.s32 $0xFFFFE003, lr  }
0x1b: {  	s9 =	sadd.s32 $0xFFFFFEF7, lr;
	s5 =	simm.s32 $0xFFFFFFFF;
	p2 =	slt.u32 s8, $0xFFFFF086  }
0x1c: {  	p1 =	slt.u32 s9, $0xF7A;
	s5 =	simm.s32 @!p2 $0x0  }
0x1d: {  	s5 =	simm.s32 @p1 $0x1;
	p0 =	seq.s32 s7, s2  }
0x1e: {  	s7 =	smul.u32 @!p0 $0xF7A, s2;
	p2 =	seq.s32 @!p0 s5, $0x0  }
0x1f: {  	s9 =	smul.u32 $0xF7A, s1;
	s8 =	simm.s32 @!p0 $0x1BF5;
	p2 =	por !p2, p0  }
0x20: {  	[sflag:s8] =	ssyncset.s32 @!p0 $0xFFFFF086;
	s6 =	sadd.s32 @!p0 s3, s7;
	s7 =	simm.s32 @!p0 $0x108  }
0x21: {  	s3 =	sadd.s32 s3, s9;
	s6 =	sadd.s32 @!p0 $0x88, s6;
	s7 =	simm.s32 @p2 $0x1082  }
0x22: {  	[simem:s7], [sflag:s8] =	dma.local @!p0 [hbm:s6], $0xF7A  }
0x23: {  	s9 =	sor.u32 $0xD0000000, s2;
	s6 =	simm.s32 $0x108;
	_ =	swait.ge @!p0 [sflag:s8], $0x0  }
0x24: {  	s3 =	sadd.s32 $0x88, s3;
	s6 =	simm.s32 @!p1 $0x1082;
	[sflag:s4] =	ssyncset.s32 $0xFFFFF086  }
0x25: {  	[simem:s6], [sflag:s4] =	dma.local [hbm:s3], $0xF7A  }
0x26: {  	[smem:$0x3FA0] =	sst s1;
	(tag) =	ssettag s2;
	_ =	strace s9  }
0x27: {  	s1 =	sld [smem:$0x3FB0]  }
0x28: {  	s2 =	sld [smem:$0x3FB1]  }
0x29: {  	s4 =	sld [smem:$0x3FB3]  }
0x2a: {  	p0 =	seq.s32 s5, $0x0;
	s5 =	sld [smem:$0x3FB4]  }
0x2b: {  	s6 =	sld [smem:$0x3FB5]  }
0x2c: {  	s7 =	sld [smem:$0x3FB6]  }
0x2d: {  	s3 =	simm.s32 $0x108;
	s8 =	sld [smem:$0x3FB7]  }
0x2e: {  	s3 =	simm.s32 @!p0 $0x1082;
	s9 =	sld [smem:$0x3FB8]  }
0x2f: {  	lr =	sadd.s32 s0, s3;
	s0 =	sld [smem:$0x3FAF]  }
0x30: {  	s3 =	sld [smem:$0x3FB2]  }
0x31: {  	[smem:$0x3FBB] =	sst s10  }
0x32: {  	s10 =	sld [smem:$0x3FB9];
	_ =	sdelay $0x3  }
0x33: {  	p0 =	seq.s32 s10, $0x1;
	s10 =	sld [smem:$0x3FBB];
	_ =	sdelay $0x3  }
0x34: {  	[smem:$0x3FBB] =	sst s10  }
0x35: {  	s10 =	sld [smem:$0x3FBA];
	_ =	sdelay $0x3  }
0x36: {  	p1 =	seq.s32 s10, $0x1;
	s10 =	sld [smem:$0x3FBB];
	_ =	sdelay $0x3  }
0x37: {  	[smem:$0x3FBB] =	sst s10  }
0x38: {  	s10 =	sld [smem:$0x3FBC]  }
0x39: {  	_ = 	snop;
	(pc) =	sbr.ind lr, $3  }
0x3a: {  	_ = 	snop  }
0x3b: {  	_ = 	snop  }
0x3c: {  	p2 =	seq.s32 s10, $0x1;
	s10 =	sld [smem:$0x3FBB]  }
0x3d: {  	_ =	shalt  }
0x3e: {  	_ =	shalt  }
0x3f: {  	_ =	shalt  }
0x40: {  	_ =	shalt  }
0x41: {  	_ =	shalt  }
0x42: {  	_ =	shalt  }
0x43: {  	_ =	shalt  }
0x44: {  	_ =	shalt  }
0x45: {  	_ =	shalt  }
0x46: {  	_ =	shalt  }
0x47: {  	_ =	shalt  }
0x48: {  	_ =	shalt  }
0x49: {  	_ =	shalt  }
0x4a: {  	_ =	shalt  }
0x4b: {  	_ =	shalt  }
0x4c: {  	_ =	shalt  }
0x4d: {  	_ =	shalt  }
0x4e: {  	_ =	shalt  }
0x4f: {  	_ =	shalt  }
0x50: {  	_ =	shalt  }
0x51: {  	_ =	shalt  }
0x52: {  	_ =	shalt  }
0x53: {  	_ =	shalt  }
0x54: {  	_ =	shalt  }
0x55: {  	_ =	shalt  }
0x56: {  	_ =	shalt  }
0x57: {  	_ =	shalt  }
0x58: {  	_ =	shalt  }
0x59: {  	_ =	shalt  }
0x5a: {  	_ =	shalt  }
0x5b: {  	_ =	shalt  }
0x5c: {  	_ =	shalt  }
0x5d: {  	_ =	shalt  }
0x5e: {  	_ =	shalt  }
0x5f: {  	_ =	shalt  }
0x60: {  	_ =	shalt  }
0x61: {  	_ =	shalt  }
0x62: {  	_ =	shalt  }
0x63: {  	_ =	shalt  }
0x64: {  	_ =	shalt  }
0x65: {  	_ =	shalt  }
0x66: {  	_ =	shalt  }
0x67: {  	_ =	shalt  }
0x68: {  	_ =	shalt  }
0x69: {  	_ =	shalt  }
0x6a: {  	_ =	shalt  }
0x6b: {  	_ =	shalt  }
0x6c: {  	_ =	shalt  }
0x6d: {  	_ =	shalt  }
0x6e: {  	_ =	shalt  }
0x6f: {  	_ =	shalt  }
0x70: {  	_ =	shalt  }
0x71: {  	_ =	shalt  }
0x72: {  	_ =	shalt  }
0x73: {  	_ =	shalt  }
0x74: {  	_ =	shalt  }
0x75: {  	_ =	shalt  }
0x76: {  	_ =	shalt  }
0x77: {  	_ =	shalt  }
0x78: {  	_ =	shalt  }
0x79: {  	_ =	shalt  }
0x7a: {  	_ =	shalt  }
0x7b: {  	_ =	shalt  }
0x7c: {  	_ =	shalt  }
0x7d: {  	_ =	shalt  }
0x7e: {  	_ =	shalt  }
0x7f: {  	_ =	shalt  }
0x80: {  	_ =	shalt  }
0x81: {  	_ =	shalt  }
0x82: {  	_ =	shalt  }
0x83: {  	_ =	shalt  }
0x84: {  	_ =	shalt  }
0x85: {  	_ =	shalt  }
0x86: {  	_ =	shalt  }
0x87: {  	_ =	shalt  }
.Lfunc_end0:
.L_simem_size_0:
called_computation.3_lowered:
.L_overlay_start_0:
0x88: {  	s2 =	sld [smem:$0x3FD9]  }
0x89: {  	s3 =	sld [smem:$0x3FFE];
	_ =	sdelay $0x1  }
0x8a: {  	s1 =	srdreg.scid  }
0x8b: {  	s0 =	sand.u32 $0x1, s1  }
0x8c: {  	s14 =	sshll.u32 s0, $0xA;
	s2 =	sadd.s32 s3, s2  }
0x8d: {  	s2 =	sadd.s32 s2, s14  }
0x8e: {  	[smem:$0x3FC7] =	sst s2  }
0x8f: {  	_ = 	snop  }
0x90: {  	s2 =	sld [smem:$0x3FD0];
	_ =	sdelay $0x2  }
0x91: {  	s15 =	simm.s32 $0xA;
	s4 =	simm.s32 $0x10  }
0x92: {  	[smem:s4], [sflag:s15] =	dma.local [hbm:s2], $0x1  }
0x93: {  	_ =	swait.eq [sflag:s15], $0x1  }
0x94: {  	s16 =	sld [smem:$0x10];
	[sflag:s15] =	ssyncset.done $0x0  }
0x95: {  	s17 =	sld [smem:$0x11];
	[sflag:s15] =	ssyncadd.s32 $0xFFFFFFFF  }
0x96: {  	s18 =	sld [smem:$0x12];
	(tm) =	ssettm $0x1  }
0x97: {  	s5 =	sld [smem:$0x3FFB];
	_ =	sdelay $0x3  }
0x98: {  	_ =	strace s5  }
0x99: {  	s5 =	sld [smem:$0x3FFC];
	_ =	sdelay $0x3  }
0x9a: {  	_ =	strace s5  }
0x9b: {  	s5 =	sld [smem:$0x3FFD];
	_ =	sdelay $0x3  }
0x9c: {  	_ =	strace s5  }
0x9d: {  	_ =	strace $0x8FFFFFFF  }
0x9e: {  	s19 =	sld [smem:$0x3FDB];
	_ =	sdelay $0x1  }
0x9f: {  	s6 =	simm.s32 $_scs_section_size  }
0xa0: {  	s7 =	simm.s32 $_size__tile_overlayer_lowered;
	s8 =	simm.s32 $_tile_overlayer_lowered  }
0xa1: {  	s22 =	simm.s32 $0x1BFF;
	s21 =	sshll.u32 s8, $0x1;
	s5 =	sadd.s32 s6, s19  }
0xa2: {  	s9 =	simm.s32 $0x0;
	s20 =	sshll.u32 s7, $0x1;
	s7 =	sadd.s32 s21, s5  }
0xa3: {  	[timem:s9], [sflag:s22] =	dma.local [hbm:s7], s20  }
0xa4: {  	_ =	swait.ge [sflag:s22], s20  }
0xa5: {  	s6 =	ssub.s32 $0x0, s20;
	[sflag:s22] =	ssyncset.done $0x0  }
0xa6: {  	[sflag:s22] =	ssyncadd.s32 s6;
	_ =	sdelay $0x1  }
0xa7: {  	s23 =	simm.s32 $0x1B8B  }
0xa8: {  	_ =	swait.ge [sflag:s23], $0x1  }
0xa9: {  	[sflag:s23] =	ssyncset.done $0x0  }
0xaa: {  	s25 =	simm.s32 $0x1B8E;
	s24 =	sld [smem:$0x3FFE];
	[sflag:s23] =	ssyncadd.s32 $0xFFFFFFFF  }
0xab: {  	s26 =	simm.s32 $execute0_lowered;
	[smem:$0x3FD2] =	sst s25  }
0xac: {  	s7 =	sshll.u32 s26, $0x1;
	_ =	strace $0x8000004F;
	[dreg:$0x1] =	wrdreg $0xFFFFFFFF  }
0xad: {  	s28 =	simm.s32 $_size_execute0_lowered;
	s5 =	sadd.s32 s5, s7;
	[dreg:$0x0] =	wrdreg $0x0  }
0xae: {  	s7 =	sshll.u32 s28, $0x1;
	[dreg:$0x2] =	wrdreg s5  }
0xaf: {  	[dreg:$0x3] =	wrdreg s7  }
0xb0: {  	[dreg:$0x4] =	wrdreg $0xC0  }
0xb1: {  	_ =	task [dreg:s9], $0x5FFFF  }
0xb2: {  	[dreg:$0x1] =	wrdreg $0xFFFFFFFF  }
0xb3: {  	[dreg:$0x0] =	wrdreg $0x60  }
0xb4: {  	[dreg:$0x2] =	wrdreg s24  }
0xb5: {  	[dreg:$0x3] =	wrdreg s18  }
0xb6: {  	[dreg:$0x4] =	wrdreg s16  }
0xb7: {  	[dreg:$0x5] =	wrdreg s17  }
0xb8: {  	[dreg:$0x6] =	wrdreg $0x9  }
0xb9: {  	_ =	task.clear_ibuf [dreg:s9], $0x7FFFF;
	_ =	strace $0x9000004F  }
0xba: {  	s29 =	simm.s32 $0x9;
	_ =	strace $0x80000051  }
0xbb: {  	_ =	swait.ge [sflag:s29], $0x1  }
0xbc: {  	[sflag:s29] =	ssyncadd.s32 $0xFFFFFFFF  }
0xbd: {  	_ =	strace $0x90000051  }
0xbe: {  	_ =	sfence  }
0xbf: {  	s30 =	sld [smem:$0x0];
	_ =	sdelay $0x2  }
0xc0: {  	s31 =	sshll.u32 s1, $0xD;
	s1 =	sshrl.u32 s1, $0x2  }
0xc1: {  	s3 =	sand.u32 $0x4000, s31;
	s1 =	sadd.s32 s1, s30  }
0xc2: {  	s0 =	sor.u32 s3, s0;
	s1 =	sshll.u32 s1, $0x11  }
0xc3: {  	s0 =	sor.u32 s1, s0  }
0xc4: {  	s0 =	sadd.s32 $0x8F2B, s0  }
0xc5: {  	[sflag:s0] =	ssyncadd.remote.s32 $0x1  }
0xc6: {  	_ =	sfence.sel $0xFFFF  }
0xc7: {  	[dreg:$0x0] =	wrdreg $0xFFFFFFFF;
	(pc) =	sbr.abs _section_cstart, $3  }
0xc8: {  	[dreg:$0x1] =	wrdreg $0xFFFFFFFF  }
0xc9: {  	_ =	task.clear_ibuf [dreg:s9], $0x2FFFF;
	_ =	strace $0x9FFFFFFF  }
0xca: {  	(tm) =	ssettm $0x7FFFFFFF  }
0xcb: {  	_ =	shalt  }
tec
execute0_lowered:
.L_overlay_start_1:
0x0: {  	(tag) =	ssettag $0x1  }
0x1: {  	s0 =	rddreg [dreg:$0x0]  }
0x2: {  	s1 =	rddreg [dreg:$0x2]  }
0x3: {  	s2 =	rddreg [dreg:$0x3];
	s3 =	simm.s32 $0x0  }
0x4: {  	s4 =	srdreg.scid;
	s16 =	stileid.u32;
	s18 =	simm.s32 $0x7000  }
0x5: {  	s19 =	simm.s32 $0xA580;
	s20 =	simm.s32 $0xDB00;
	s28 =	simm.s32 $0x2  }
0x6: {  	s29 =	simm.s32 $0x0;
	[smem:$0x7FF] =	sst s3;
	s5 =	sadd.s32 $0xC000, s0  }
0x7: {  	s6 =	sadd.s32 $0x7400, s0;
	s4 =	sand.u32 $0x1, s4;
	s7 =	sshll.u32 s16, $0x1  }
0x8: {  	s8 =	sadd.s32 $0x2A00, s0;
	s9 =	sadd.s32 $0x2C00, s0;
	s16 =	smul.u32 $0x6916, s16  }
0x9: {  	_ =	strace $0x80000050;
	[dreg:$0x5] =	wrdreg s8;
	s8 =	sadd.s32 $0x55400, s0  }
0xa: {  	s7 =	sor.u32 s4, s7;
	s10 =	ssub.s32 $0x2, s4;
	s4 =	smul.u32 $0x348B, s4  }
0xb: {  	s11 =	smul.u32 $0x6A0, s7;
	s12 =	sshll.u32 s7, $0x7;
	s21 =	sshrl.u32 s10, $0x1  }
0xc: {  	s13 =	smul.u32 $0xFFFFCB75, s7;
	v0 =	vmov s7;
	s7 =	sshll.u32 s7, $0x6;
	s12 =	sand.u32 $0x780, s12  }
0xd: {  	s0 =	ssub.s32 s10, s21;
	s31 =	sadd.s32 s4, s16;
	s21 =	simm.s32 $0x80  }
0xe: {  	v1 =	vlaneseq.u32;
	s1 =	sadd.s32 s1, s11;
	s22 =	sor.u32 $0x4000, s12;
	s23 =	sor.u32 $0x4010, s12  }
0xf: {  	v14 =	vimm.s32 $0x0;
	v9 =	vor.u32 $0x10, v1;
	v10 =	vmul.u32 $0x10, v1;
	s24 =	sor.u32 $0x4020, s12;
	s14 =	sor.u32 $0x4030, s12;
	s15 =	sor.u32 $0x4040, s12  }
0x10: {  	v15 =	vor.u32 $0x20, v1;
	v16 =	vor.u32 $0x30, v1;
	v17 =	vor.u32 $0x40, v1;
	s17 =	sor.u32 $0x4050, s12;
	s25 =	sor.u32 $0x4060, s12;
	s26 =	sor.u32 $0x4070, s12  }
.Ltmp0:
0x11: {  	v18 =	vor.u32 $0x50, v1;
	v19 =	vor.u32 $0x60, v1;
	v20 =	vor.u32 $0x70, v1;
	s11 =	sor.u32 $0x7D000, s7;
	[dreg:$0x8] =	wrdreg s31;
	(pc) =	sbr.rel .LBB2_1-.Ltmp0, $4  }
0x12: {  	v13 =	vor.u32 $0x100, v10;
	vm0 =	vgt.u32 v0, v9;
	vm1 =	vgt.u32 v0, v1;
	s30 =	sadd.s32 $0x69143, s13;
	s0 =	smax.u32 s0, $0x1;
	[dreg:$0x6] =	wrdreg s1  }
0x13: {  	v2 =	vor.u32 s22, v1;
	v5 =	vor.u32 s14, v1;
	v6 =	vor.u32 s15, v1;
	[dreg:$0x7] =	wrdreg s0;
	s14 =	simm.s32 $0x3;
	s15 =	simm.s32 $0x400  }
0x14: {  	v3 =	vor.u32 s23, v1;
	v4 =	vor.u32 s24, v1;
	v7 =	vor.u32 s17, v1;
	s17 =	simm.s32 $0x600;
	s22 =	simm.s32 $0x1;
	s23 =	simm.s32 $0x11080  }
0x15: {  	v8 =	vor.u32 s25, v1;
	v11 =	vor.u32 s26, v1;
	v12 =	vmov s30;
	s24 =	simm.s32 $0x3B00;
	s25 =	simm.s32 $0x12080;
	s26 =	simm.s32 $0x11880  }
.LBB2_28:
0x16: {  	s29 =	sadd.s32 $0x1, s29;
	s0 =	rddreg [dreg:$0x7]  }
0x17: {  	p0 =	sne.s32 s29, s0  }
.Ltmp1:
0x18: {  	_ = 	snop;
	(pc) =	sbr.rel @!p0 .LBB2_29-.Ltmp1, $2  }
0x19: {  	_ =	sdelay $0x2  }
0x1a: {  	s3 =	simm.s32 $0x0  }
.LBB2_1:
0x1b: {  	s0 =	rddreg [dreg:$0x1]  }
0x1c: {  	[tilespmem:s3], [sflag:$0x3] =	stream.linear.gather [hbm4b:s0+s3], $0x400, $0x38;
	[tilespmem:$0x1A8A0] =	vst v63  }
0x1d: {  	_ =	swait.ge [sflag:s14], $0x400  }
0x1e: {  	[sflag:s14] =	ssyncset.done $0x0  }
0x1f: {  	s31 =	rddreg [dreg:$0x5];
	[sflag:s14] =	ssyncadd.s32 $0xFFFFFC00  }
0x20: {  	[tilespmem:s15], [sflag:$0x3] =	stream.linear.gather [hbm4b:s31+s3], $0x200, $0x38;
	[tilespmem:$0x1A8A0] =	vst v63  }
0x21: {  	_ =	swait.ge [sflag:s14], $0x200  }
0x22: {  	[sflag:s14] =	ssyncset.done $0x0  }
0x23: {  	s1 =	simm.s32 $0x0;
	[sflag:s14] =	ssyncadd.s32 $0xFFFFFE00  }
0x24: {  	v21 =	vld [tilespmem:s1+$0x10]  }
0x25: {  	v22 =	vimm.s32 $0x0;
	v24 =	vimm.s32 $0x0;
	s0 =	simm.s32 $0x80;
	v23 =	vld [tilespmem:s1+$0x0]  }
.LBB2_2:
0x26: {  	p0 =	sne.s32 s0, $0xF80  }
.Ltmp2:
0x27: {  	_ = 	snop;
	(pc) =	sbr.rel @p0 .LBB2_2-.Ltmp2, $4  }
0x28: {  	_ = 	snop  }
0x29: {  	s1 =	sshra.s32 s0, $0x2;
	s0 =	sadd.s32 $0x80, s0;
	v22 =	vadd.s32 v22, v21  }
0x2a: {  	v21 =	vld [tilespmem:s1+$0x10];
	v24 =	vadd.s32 v24, v23  }
0x2b: {  	v23 =	vld [tilespmem:s1+$0x0]  }
0x2c: {  	_ =	sdelay $0x3  }
0x2d: {  	v23 =	vadd.s32 v24, v23  }
0x2e: {  	v21 =	vadd.s32 v22, v21;
	v22 =	vadd.s32 $0xF, v23  }
0x2f: {  	v63 =	vadd.s32 $0xF, v21;
	v22 =	vand.u32 $0xFFFFFFF0, v22  }
0x30: {  	v24 =	vand.u32 $0xFFFFFFF0, v63;
	(xrf0) =	vadd.scan.msk.s32 $0xffff, v22  }
0x31: {  	(xrf0) =	vadd.scan.msk.s32 $0xffff, v24;
	_ =	sdelay $0x4  }
0x32: {  	v25, _, _ =	vpop (xrf0)  }
0x33: {  	[tilespmem:$0x1A880] =	vst v23;
	v23, _, _ =	vpop (xrf0);
	v26 =	vbroadcast v25, $0xF  }
0x34: {  	s0 =	simm.s32 $0x1A880;
	[tilespmem:$0x1A890] =	vst v21;
	v21 =	vsub.s32 v25, v22;
	v22 =	vsub.s32 v23, v24  }
0x35: {  	v23 =	vld.idx.msk [tilespmem:v0+s0+$0x0], $0xffff;
	[tilespmem:$0x1A880] =	vst v21;
	v22 =	vadd.s32 v26, v22  }
0x36: {  	[tilespmem:$0x1A890] =	vst v22  }
0x37: {  	v21 =	vld.idx.msk [tilespmem:v0+s0+$0x0], $0xffff;
	_ =	sdelay $0x3  }
0x38: {  	v22 =	vxor.u32 $0x80000000, v23  }
0x39: {  	(xrf0) =	vmax.scan.msk.u32 $0xffff, v22;
	v21 =	vxor.u32 $0x80000000, v21  }
0x3a: {  	(xrf0) =	vmax.scan.msk.u32 $0xffff, v21;
	_ =	sdelay $0x4  }
0x3b: {  	v21, _, _ =	vpop (xrf0)  }
0x3c: {  	(v2sf) =	vpush v21, $0xF;
	v21, _, _ =	vpop (xrf0)  }
0x3d: {  	(v2sf) =	vpush v21, $0xF;
	_ =	sdelay $0xb  }
0x3e: {  	s16 =	rddreg [dreg:$0x6]  }
0x3f: {  	[tilespmem:s17], [sflag:$0x3] =	stream.linear.gather [hbm4b:s16+s3], $0x3500, $0x38;
	[tilespmem:$0x1A8A0] =	vst v63  }
0x40: {  	s31 =	spop (v2sf)  }
0x41: {  	s1 =	spop (v2sf)  }
0x42: {  	_ =	swait.ge [sflag:s14], $0x3500  }
0x43: {  	[sflag:s14] =	ssyncset.done $0x0  }
0x44: {  	[sflag:s14] =	ssyncadd.s32 $0xFFFFCB00  }
0x45: {  	v21 =	vld.idx.msk [tilespmem:v10+s15+$0x0], $0xffff  }
0x46: {  	v22 =	vld.idx.msk [tilespmem:v13+s15+$0x0], $0xffff;
	_ =	sdelay $0x3  }
0x47: {  	v21 =	vnsel vm1, $0x0, v21  }
0x48: {  	(xrf0) =	vadd.scan.msk.s32 $0xffff, v21;
	v21 =	vnsel vm0, $0x0, v22  }
0x49: {  	(xrf0) =	vadd.scan.msk.s32 $0xffff, v21;
	_ =	sdelay $0x4  }
0x4a: {  	v21, _, _ =	vpop (xrf0)  }
0x4b: {  	(v2sf) =	vpush v21, $0xF;
	v21, _, _ =	vpop (xrf0)  }
0x4c: {  	(v2sf) =	vpush v21, $0xF;
	_ =	sdelay $0xd  }
0x4d: {  	s30 =	spop (v2sf)  }
0x4e: {  	s4 =	spop (v2sf)  }
0x4f: {  	s0 =	sadd.s32 s30, s4  }
0x50: {  	p0 =	sgt.s32 s0, $0x3E7F  }
.Ltmp3:
0x51: {  	_ = 	snop;
	(pc) =	sbr.rel @p0 .LBB2_28-.Ltmp3, $1  }
0x52: {  	_ =	sdelay $0x3  }
0x53: {  	s4 =	simm.s32 $0x0  }
0x54: {  	v21 =	vld [tilespmem:s4+$0x600];
	_ =	sdelay $0x2  }
0x55: {  	s3 =	rddreg [dreg:$0x8]  }
0x56: {  	v22 =	vadd.s32 s3, v1  }
0x57: {  	vm3 =	vlt.u32 v22, $0x69143;
	vm2 =	vgt.s32 v21, $0x0  }
0x58: {  	vm3 =	vmand vm3, vm2  }
0x59: {  	v23 =	vsel vm3, $0x1, v14  }
0x5a: {  	(xrf0) =	vadd.scan.msk.s32 $0xffff, v23;
	_ =	sdelay $0x5  }
0x5b: {  	v24, _, _ =	vpop (xrf0)  }
0x5c: {  	v25 =	vmov s0;
	v23 =	vsub.s32 v24, v23  }
0x5d: {  	v23 =	vadd.s32 v25, v23  }
0x5e: {  	vm2 =	vlt.s32 v23, $0x3E80  }
0x5f: {  	vm2 =	vmand vm3, vm2  }
0x60: {  	v24 =	vsel vm2, $0x1, v14  }
0x61: {  	(xrf0) =	vadd.scan.msk.s32 $0xffff, v24;
	_ =	sdelay $0x4  }
0x62: {  	v26 =	vsel vm2, $0xFFFFFFFF, v14;
	v24 =	vimm.s32 $0x0  }
0x63: {  	v26 =	vadd.s32 v26, v24;
	v27, _, _ =	vpop (xrf0)  }
0x64: {  	v26 =	vadd.s32 v27, v26;
	_ =	sdelay $0x2  }
0x65: {  	v28 =	vmpcnt.ones.xlane vm2;
	v27 =	vmpcnt.ones.xlane vm3  }
0x66: {  	[tilespmem:s4+$0x3B00] =	vst v23;
	vm3 =	vlt.s32 v21, $0x20  }
0x67: {  	s13 =	sxor.u32 $0x80000000, s31;
	s30 =	sxor.u32 $0x80000000, s1;
	v29 =	vnsel vm3, $0x20, v21;
	v21 =	vadd.s32 v24, v28;
	v25 =	vadd.s32 v25, v27;
	[tilespmem:v26+s18+$0x0] =	vst.idx.msk vm2, v23  }
0x68: {  	s12 =	simm.s32 $0x80;
	s1 =	smov.u32 s3;
	s4 =	simm.s32 $0x40;
	v24 =	vmov v25;
	v23 =	vmov v21;
	[tilespmem:v26+s19+$0x0] =	vst.idx.msk vm2, v29  }
.LBB2_5:
0x69: {  	s10 =	sshra.s32 s4, $0x2  }
0x6a: {  	[tilespmem:v26+s20+$0x0] =	vst.idx.msk vm2, v22;
	s1 =	sadd.s32 $0x10, s1;
	s4 =	smov.u32 s12;
	s7 =	sadd.s32 $0x40, s12  }
0x6b: {  	p0 =	sne.s32 s12, $0xD3C0;
	v26 =	vld [tilespmem:s10+$0x600];
	_ =	sdelay $0x3  }
0x6c: {  	v22 =	vadd.s32 s1, v1  }
0x6d: {  	vm3 =	vlt.u32 v22, $0x69143;
	vm2 =	vgt.s32 v26, $0x0;
	vm4 =	vlt.s32 v26, $0x20  }
0x6e: {  	vm2 =	vmand vm3, vm2;
	v27 =	vnsel vm4, $0x20, v26  }
0x6f: {  	v26 =	vsel vm2, $0x1, v14;
	v28 =	vmpcnt.ones.xlane vm2  }
0x70: {  	(xrf0) =	vadd.scan.msk.s32 $0xffff, v26  }
0x71: {  	v25 =	vadd.s32 v25, v28;
	_ =	sdelay $0x4  }
0x72: {  	v28, _, _ =	vpop (xrf0)  }
0x73: {  	v26 =	vsub.s32 v28, v26  }
0x74: {  	v28 =	vadd.s32 v24, v26;
	v24 =	vmov v25  }
0x75: {  	vm3 =	vlt.s32 v28, $0x3E80  }
0x76: {  	vm2 =	vmand vm2, vm3  }
0x77: {  	v26 =	vsel vm2, $0xFFFFFFFF, v14;
	v29 =	vsel vm2, $0x1, v14;
	v30 =	vmpcnt.ones.xlane vm2  }
0x78: {  	(xrf0) =	vadd.scan.msk.s32 $0xffff, v29  }
0x79: {  	v21 =	vadd.s32 v21, v30;
	_ =	sdelay $0x4  }
0x7a: {  	v26 =	vadd.s32 v26, v23;
	v23 =	vmov v21;
	v29, _, _ =	vpop (xrf0)  }
0x7b: {  	v26 =	vadd.s32 v29, v26;
	_ =	sdelay $0x1  }
.Ltmp4:
0x7c: {  	(pc) =	sbr.rel @p0 .LBB2_5-.Ltmp4, $4  }
0x7d: {  	_ = 	snop  }
0x7e: {  	[tilespmem:s10+$0x3B00] =	vst v28  }
0x7f: {  	[tilespmem:v26+s18+$0x0] =	vst.idx.msk vm2, v28  }
0x80: {  	s12 =	smov.u32 s7;
	[tilespmem:v26+s19+$0x0] =	vst.idx.msk vm2, v27  }
0x81: {  	_ =	sdelay $0x4  }
0x82: {  	s4 =	sshra.s32 s4, $0x2;
	[tilespmem:v26+s20+$0x0] =	vst.idx.msk vm2, v22  }
0x83: {  	v22 =	vld [tilespmem:s4+$0x600];
	_ =	sdelay $0x2  }
0x84: {  	s1 =	sadd.s32 $0x10, s1  }
0x85: {  	v25 =	vadd.s32 s1, v1  }
0x86: {  	vm3 =	vlt.u32 v25, $0x69143;
	vm2 =	vgt.s32 v22, $0x0  }
0x87: {  	vm2 =	vmand vm3, vm2  }
0x88: {  	v53 =	vsel vm2, $0x1, v14  }
0x89: {  	(xrf0) =	vadd.scan.msk.s32 $0xffff, v53;
	_ =	sdelay $0x5  }
0x8a: {  	v27, _, _ =	vpop (xrf0)  }
0x8b: {  	v26 =	vsub.s32 v27, v53  }
0x8c: {  	v24 =	vadd.s32 v24, v26  }
0x8d: {  	vm3 =	vlt.s32 v24, $0x3E80  }
0x8e: {  	vm2 =	vmand vm2, vm3  }
0x8f: {  	v54 =	vmpcnt.ones.xlane vm2;
	_ =	sdelay $0x1  }
0x90: {  	v55 =	vsel vm2, $0x1, v14;
	v21 =	vadd.s32 v21, v54  }
0x91: {  	(xrf0) =	vadd.scan.msk.s32 $0xffff, v55;
	v26 =	vxor.u32 $0x80000000, v21  }
0x92: {  	(xrf0) =	vmax.scan.msk.u32 $0xffff, v26;
	_ =	sdelay $0x4  }
0x93: {  	v56, _, _ =	vpop (xrf0)  }
0x94: {  	v57, _, _ =	vpop (xrf0)  }
0x95: {  	(v2sf) =	vpush v57, $0xF;
	_ =	sdelay $0x7  }
0x96: {  	v58 =	vsel vm2, $0xFFFFFFFF, v14  }
0x97: {  	v23 =	vadd.s32 v58, v23  }
0x98: {  	v23 =	vadd.s32 v56, v23;
	_ =	sdelay $0x2  }
0x99: {  	v59 =	vadd.s32 v1, v21  }
0x9a: {  	[tilespmem:s4+$0x3B00] =	vst v24;
	vm3 =	vlt.s32 v22, $0x20;
	v60 =	vadd.s32 v9, v21  }
0x9b: {  	v22 =	vnsel vm3, $0x20, v22;
	v61 =	vadd.s32 v15, v21;
	[tilespmem:v23+s18+$0x0] =	vst.idx.msk vm2, v24;
	s12 =	spop (v2sf)  }
0x9c: {  	[tilespmem:v23+s19+$0x0] =	vst.idx.msk vm2, v22;
	v22 =	vadd.s32 v16, v21;
	s1 =	sadd.s32 $0x8000007F, s12  }
0x9d: {  	[tilespmem:v23+s20+$0x0] =	vst.idx.msk vm2, v25;
	v23 =	vadd.s32 v17, v21;
	s1 =	sshra.s32 s1, $0x7  }
0x9e: {  	v62 =	vadd.s32 v18, v21;
	[tilespmem:v59+s18+$0x0] =	vst.idx.msk $0xffff, v2;
	s16 =	sadd.s32 $0x3, s1  }
0x9f: {  	v63 =	vadd.s32 v19, v21;
	[tilespmem:v60+s18+$0x0] =	vst.idx.msk $0xffff, v3;
	s7 =	sshra.s32 s16, $0x2  }
0xa0: {  	v21 =	vadd.s32 v20, v21;
	[tilespmem:v61+s18+$0x0] =	vst.idx.msk $0xffff, v4;
	p0 =	slt.s32 s7, $0x1  }
.Ltmp5:
0xa1: {  	[tilespmem:v22+s18+$0x0] =	vst.idx.msk $0xffff, v5;
	(pc) =	sbr.rel @p0 .LBB2_13-.Ltmp5, $4  }
0xa2: {  	[tilespmem:v23+s18+$0x0] =	vst.idx.msk $0xffff, v6  }
0xa3: {  	[tilespmem:v62+s18+$0x0] =	vst.idx.msk $0xffff, v7  }
0xa4: {  	[tilespmem:v63+s18+$0x0] =	vst.idx.msk $0xffff, v8  }
0xa5: {  	[tilespmem:v21+s18+$0x0] =	vst.idx.msk $0xffff, v11  }
0xa6: {  	p1 =	sne.s32 s7, $0x1  }
.Ltmp6:
0xa7: {  	_ = 	snop;
	(pc) =	sbr.rel @!p1 .LBB2_12-.Ltmp6, $4  }
0xa8: {  	_ = 	snop  }
0xa9: {  	s3 =	sadd.s32 $0xFFFFFFFF, s1;
	s1 =	simm.s32 $0x3  }
0xaa: {  	s12 =	simm.s32 $0x0;
	p0 =	sgt.s32 s3, $0x0;
	s10 =	smov.u32 s3  }
0xab: {  	s7 =	sadd.s32 $0xFFFFFFFF, s7;
	s10 =	smov.u32 @p0 s12;
	p0 =	por $0x0, $0x0  }
0xac: {  	s15 =	smov.u32 s13;
	s12 =	simm.s32 $0x1  }
0xad: {  	p0 =	sgt.s32 s3, $0x1;
	s13 =	smov.u32 s3;
	s10 =	sshll.u32 s10, $0x7  }
0xae: {  	s0 =	smov.u32 s3;
	s13 =	smov.u32 @p0 s12;
	s4 =	sadd.s32 $0xA580, s10  }
0xaf: {  	s16 =	sadd.s32 $0x7000, s10;
	s12 =	simm.s32 $0x2;
	p0 =	sgt.s32 s3, $0x2  }
0xb0: {  	[hbm4b:s2+s21] =	stream.indirect.scatter [tilespmem:s4], [sflag:$0x1], $0x1, s16, s21, $0xb8;
	[tilespmem:$0x1A8A0] =	vst v63  }
0xb1: {  	s10 =	sadd.s32 $0xDB00, s10;
	s13 =	sshll.u32 s13, $0x7;
	s0 =	smov.u32 @p0 s12  }
0xb2: {  	[hbm4b:s9+s21] =	stream.indirect.scatter [tilespmem:s10], [sflag:$0x1], $0x1, s16, s21, $0xb8;
	[tilespmem:$0x1A8A0] =	vst v63  }
0xb3: {  	p0 =	sgt.s32 s3, $0x3;
	s4 =	sadd.s32 $0x7000, s13;
	s16 =	sadd.s32 $0xA580, s13  }
0xb4: {  	[hbm4b:s2+s21] =	stream.indirect.scatter [tilespmem:s16], [sflag:$0x1], $0x1, s4, s21, $0xb8;
	[tilespmem:$0x1A8A0] =	vst v63  }
0xb5: {  	s0 =	sshll.u32 s0, $0x7;
	s13 =	sadd.s32 $0xDB00, s13;
	s10 =	smov.u32 s3  }
0xb6: {  	[hbm4b:s9+s21] =	stream.indirect.scatter [tilespmem:s13], [sflag:$0x1], $0x1, s4, s21, $0xb8;
	[tilespmem:$0x1A8A0] =	vst v63  }
0xb7: {  	s10 =	smov.u32 @p0 s1;
	s16 =	sadd.s32 $0xA580, s0;
	s4 =	sadd.s32 $0x7000, s0  }
0xb8: {  	[hbm4b:s2+s21] =	stream.indirect.scatter [tilespmem:s16], [sflag:$0x1], $0x1, s4, s21, $0xb8;
	[tilespmem:$0x1A8A0] =	vst v63  }
0xb9: {  	s1 =	sshll.u32 s10, $0x7;
	s0 =	sadd.s32 $0xDB00, s0  }
0xba: {  	[hbm4b:s9+s21] =	stream.indirect.scatter [tilespmem:s0], [sflag:$0x1], $0x1, s4, s21, $0xb8;
	[tilespmem:$0x1A8A0] =	vst v63  }
0xbb: {  	s10 =	sadd.s32 $0x7000, s1;
	s13 =	sadd.s32 $0xA580, s1  }
0xbc: {  	[hbm4b:s2+s21] =	stream.indirect.scatter [tilespmem:s13], [sflag:$0x1], $0x1, s10, s21, $0xb8;
	[tilespmem:$0x1A8A0] =	vst v63  }
0xbd: {  	s16 =	sadd.s32 $0xDB00, s1  }
0xbe: {  	[hbm4b:s9+s21] =	stream.indirect.scatter [tilespmem:s16], [sflag:$0x1], $0x1, s10, s21, $0xb8;
	[tilespmem:$0x1A8A0] =	vst v63  }
0xbf: {  	_ =	swait.ge [sflag:s22], $0x80  }
0xc0: {  	[sflag:s22] =	ssyncset.done $0x0  }
0xc1: {  	[sflag:s22] =	ssyncadd.s32 $0xFFFFFF80  }
0xc2: {  	_ =	swait.ge [sflag:s22], $0x80  }
0xc3: {  	[sflag:s22] =	ssyncset.done $0x0  }
0xc4: {  	[sflag:s22] =	ssyncadd.s32 $0xFFFFFF80  }
0xc5: {  	_ =	swait.ge [sflag:s22], $0x80  }
0xc6: {  	[sflag:s22] =	ssyncset.done $0x0  }
0xc7: {  	[sflag:s22] =	ssyncadd.s32 $0xFFFFFF80  }
0xc8: {  	_ =	swait.ge [sflag:s22], $0x80  }
0xc9: {  	[sflag:s22] =	ssyncset.done $0x0  }
0xca: {  	p1 =	sne.s32 s7, $0x1;
	[sflag:s22] =	ssyncadd.s32 $0xFFFFFF80  }
.Ltmp7:
0xcb: {  	_ =	swait.ge [sflag:s22], $0x80;
	(pc) =	sbr.rel @!p1 .LBB2_9-.Ltmp7, $4  }
0xcc: {  	s7 =	sadd.s32 $0xFFFFFFFF, s7;
	[sflag:s22] =	ssyncset.done $0x0  }
0xcd: {  	p0 =	sgt.s32 s3, $0x4;
	s1 =	simm.s32 $0x7;
	[sflag:s22] =	ssyncadd.s32 $0xFFFFFF80  }
0xce: {  	s0 =	simm.s32 $0x4;
	s10 =	smov.u32 s3;
	_ =	swait.ge [sflag:s22], $0x80  }
0xcf: {  	s10 =	smov.u32 @p0 s0;
	p0 =	por $0x1, $0x1;
	[sflag:s22] =	ssyncset.done $0x0  }
.LBB2_10:
0xd0: {  	p1 =	sne.s32 s7, $0x1;
	s0 =	sshll.u32 s10, $0x7;
	[sflag:s22] =	ssyncadd.s32 $0xFFFFFF80  }
0xd1: {  	s10 =	sadd.s32 $0xA580, s0;
	s12 =	sadd.s32 $0x7000, s0;
	_ =	swait.ge [sflag:s22], $0x80  }
0xd2: {  	s7 =	sadd.s32 $0xFFFFFFFF, s7;
	s13 =	sadd.s32 $0xFFFFFFFE, s1;
	[sflag:s22] =	ssyncset.done $0x0  }
0xd3: {  	s16 =	smov.u32 s3;
	p2 =	slt.s32 s13, s3;
	[sflag:s22] =	ssyncadd.s32 $0xFFFFFF80  }
0xd4: {  	s16 =	smov.u32 @p2 s13;
	_ =	swait.ge [sflag:s22], $0x80  }
0xd5: {  	s13 =	sshll.u32 s16, $0x7;
	[sflag:s22] =	ssyncset.done $0x0  }
0xd6: {  	s16 =	sadd.s32 $0xFFFFFFFF, s1;
	[sflag:s22] =	ssyncadd.s32 $0xFFFFFF80  }
0xd7: {  	[hbm4b:s2+s21] =	stream.indirect.scatter [tilespmem:s10], [sflag:$0x1], $0x1, s12, s21, $0xb8;
	[tilespmem:$0x1A8A0] =	vst v63  }
0xd8: {  	s4 =	smov.u32 s3;
	s0 =	sadd.s32 $0xDB00, s0;
	p2 =	slt.s32 s16, s3  }
0xd9: {  	s4 =	smov.u32 @p2 s16;
	s10 =	sadd.s32 $0xDB00, s13  }
0xda: {  	[hbm4b:s9+s21] =	stream.indirect.scatter [tilespmem:s0], [sflag:$0x1], $0x1, s12, s21, $0xb8;
	[tilespmem:$0x1A8A0] =	vst v63  }
0xdb: {  	s4 =	sshll.u32 s4, $0x7;
	s0 =	sadd.s32 $0xA580, s13;
	s12 =	sadd.s32 $0x7000, s13  }
0xdc: {  	[hbm4b:s2+s21] =	stream.indirect.scatter [tilespmem:s0], [sflag:$0x1], $0x1, s12, s21, $0xb8;
	[tilespmem:$0x1A8A0] =	vst v63  }
0xdd: {  	p2 =	slt.s32 s1, s3  }
0xde: {  	[hbm4b:s9+s21] =	stream.indirect.scatter [tilespmem:s10], [sflag:$0x1], $0x1, s12, s21, $0xb8;
	[tilespmem:$0x1A8A0] =	vst v63  }
0xdf: {  	s12 =	smov.u32 s3  }
0xe0: {  	s0 =	sadd.s32 $0xA580, s4;
	s10 =	sadd.s32 $0x7000, s4;
	s12 =	smov.u32 @p2 s1  }
0xe1: {  	[hbm4b:s2+s21] =	stream.indirect.scatter [tilespmem:s0], [sflag:$0x1], $0x1, s10, s21, $0xb8;
	[tilespmem:$0x1A8A0] =	vst v63  }
0xe2: {  	s0 =	sadd.s32 $0xDB00, s4;
	s4 =	sshll.u32 s12, $0x7  }
0xe3: {  	[hbm4b:s9+s21] =	stream.indirect.scatter [tilespmem:s0], [sflag:$0x1], $0x1, s10, s21, $0xb8;
	[tilespmem:$0x1A8A0] =	vst v63  }
0xe4: {  	s0 =	sadd.s32 $0xA580, s4;
	s10 =	sadd.s32 $0x7000, s4  }
0xe5: {  	[hbm4b:s2+s21] =	stream.indirect.scatter [tilespmem:s0], [sflag:$0x1], $0x1, s10, s21, $0xb8;
	[tilespmem:$0x1A8A0] =	vst v63  }
0xe6: {  	s0 =	sadd.s32 $0xDB00, s4  }
0xe7: {  	[hbm4b:s9+s21] =	stream.indirect.scatter [tilespmem:s0], [sflag:$0x1], $0x1, s10, s21, $0xb8;
	[tilespmem:$0x1A8A0] =	vst v63  }
0xe8: {  	_ =	swait.ge [sflag:s22], $0x80  }
0xe9: {  	[sflag:s22] =	ssyncset.done $0x0  }
0xea: {  	[sflag:s22] =	ssyncadd.s32 $0xFFFFFF80  }
0xeb: {  	_ =	swait.ge [sflag:s22], $0x80  }
0xec: {  	[sflag:s22] =	ssyncset.done $0x0  }
0xed: {  	[sflag:s22] =	ssyncadd.s32 $0xFFFFFF80  }
0xee: {  	_ =	swait.ge [sflag:s22], $0x80  }
0xef: {  	[sflag:s22] =	ssyncset.done $0x0  }
0xf0: {  	[sflag:s22] =	ssyncadd.s32 $0xFFFFFF80  }
0xf1: {  	_ =	swait.ge [sflag:s22], $0x80  }
0xf2: {  	[sflag:s22] =	ssyncset.done $0x0  }
0xf3: {  	[sflag:s22] =	ssyncadd.s32 $0xFFFFFF80  }
.Ltmp8:
0xf4: {  	_ =	swait.ge [sflag:s22], $0x80;
	(pc) =	sbr.rel @p1 .LBB2_10-.Ltmp8, $4  }
0xf5: {  	s1 =	sadd.s32 $0x4, s1;
	[sflag:s22] =	ssyncset.done $0x0  }
0xf6: {  	s0 =	sadd.s32 $0xFFFFFFFD, s1;
	[sflag:s22] =	ssyncadd.s32 $0xFFFFFF80  }
0xf7: {  	s10 =	smov.u32 s3;
	p2 =	slt.s32 s0, s3;
	_ =	swait.ge [sflag:s22], $0x80  }
0xf8: {  	s10 =	smov.u32 @p2 s0;
	[sflag:s22] =	ssyncset.done $0x0  }
0xf9: {  	s13 =	smov.u32 s15;
	s15 =	simm.s32 $0x400  }
.LBB2_12:
0xfa: {  	[sflag:s22] =	ssyncadd.s32 @p0 $0xFFFFFF80  }
0xfb: {  	_ =	swait.ge @p0 [sflag:s22], $0x80  }
0xfc: {  	s0 =	sshll.u32 s10, $0x7;
	[sflag:s22] =	ssyncset.done @p0 $0x0  }
0xfd: {  	s7 =	sadd.s32 $0xFFFFFFFE, s1;
	s12 =	smov.u32 s3;
	[sflag:s22] =	ssyncadd.s32 @p0 $0xFFFFFF80  }
0xfe: {  	s4 =	sadd.s32 $0xA580, s0;
	s10 =	sadd.s32 $0x7000, s0;
	_ =	swait.ge @p0 [sflag:s22], $0x80  }
0xff: {  	p1 =	slt.s32 s7, s3;
	s0 =	sadd.s32 $0xDB00, s0;
	[sflag:s22] =	ssyncset.done @p0 $0x0  }
0x100: {  	s12 =	smov.u32 @p1 s7;
	s7 =	sadd.s32 $0xFFFFFFFF, s1;
	[sflag:s22] =	ssyncadd.s32 @p0 $0xFFFFFF80  }
0x101: {  	[hbm4b:s2+s21] =	stream.indirect.scatter [tilespmem:s4], [sflag:$0x1], $0x1, s10, s21, $0xb8;
	[tilespmem:$0x1A8A0] =	vst v63  }
0x102: {  	p0 =	slt.s32 s7, s3;
	s4 =	sshll.u32 s12, $0x7;
	s12 =	smov.u32 s3  }
0x103: {  	[hbm4b:s9+s21] =	stream.indirect.scatter [tilespmem:s0], [sflag:$0x1], $0x1, s10, s21, $0xb8;
	[tilespmem:$0x1A8A0] =	vst v63  }
0x104: {  	s12 =	smov.u32 @p0 s7;
	s16 =	sadd.s32 $0x7000, s4;
	s10 =	sadd.s32 $0xA580, s4  }
0x105: {  	[hbm4b:s2+s21] =	stream.indirect.scatter [tilespmem:s10], [sflag:$0x1], $0x1, s16, s21, $0xb8;
	[tilespmem:$0x1A8A0] =	vst v63  }
0x106: {  	p0 =	slt.s32 s1, s3;
	s4 =	sadd.s32 $0xDB00, s4;
	s10 =	sshll.u32 s12, $0x7  }
0x107: {  	[hbm4b:s9+s21] =	stream.indirect.scatter [tilespmem:s4], [sflag:$0x1], $0x1, s16, s21, $0xb8;
	[tilespmem:$0x1A8A0] =	vst v63  }
0x108: {  	s3 =	smov.u32 @p0 s1;
	s12 =	sadd.s32 $0xA580, s10;
	s16 =	sadd.s32 $0x7000, s10  }
0x109: {  	[hbm4b:s2+s21] =	stream.indirect.scatter [tilespmem:s12], [sflag:$0x1], $0x1, s16, s21, $0xb8;
	[tilespmem:$0x1A8A0] =	vst v63  }
0x10a: {  	s1 =	sshll.u32 s3, $0x7;
	s10 =	sadd.s32 $0xDB00, s10  }
0x10b: {  	[hbm4b:s9+s21] =	stream.indirect.scatter [tilespmem:s10], [sflag:$0x1], $0x1, s16, s21, $0xb8;
	[tilespmem:$0x1A8A0] =	vst v63  }
0x10c: {  	s3 =	sadd.s32 $0x7000, s1;
	s12 =	sadd.s32 $0xA580, s1  }
0x10d: {  	[hbm4b:s2+s21] =	stream.indirect.scatter [tilespmem:s12], [sflag:$0x1], $0x1, s3, s21, $0xb8;
	[tilespmem:$0x1A8A0] =	vst v63  }
0x10e: {  	s16 =	sadd.s32 $0xDB00, s1  }
0x10f: {  	[hbm4b:s9+s21] =	stream.indirect.scatter [tilespmem:s16], [sflag:$0x1], $0x1, s3, s21, $0xb8;
	[tilespmem:$0x1A8A0] =	vst v63  }
0x110: {  	_ =	swait.ge [sflag:s22], $0x80  }
0x111: {  	[sflag:s22] =	ssyncset.done $0x0  }
0x112: {  	[sflag:s22] =	ssyncadd.s32 $0xFFFFFF80  }
0x113: {  	_ =	swait.ge [sflag:s22], $0x80  }
0x114: {  	[sflag:s22] =	ssyncset.done $0x0  }
0x115: {  	[sflag:s22] =	ssyncadd.s32 $0xFFFFFF80  }
0x116: {  	_ =	swait.ge [sflag:s22], $0x80  }
0x117: {  	[sflag:s22] =	ssyncset.done $0x0  }
0x118: {  	[sflag:s22] =	ssyncadd.s32 $0xFFFFFF80  }
0x119: {  	_ =	swait.ge [sflag:s22], $0x80  }
0x11a: {  	[sflag:s22] =	ssyncset.done $0x0  }
0x11b: {  	[sflag:s22] =	ssyncadd.s32 $0xFFFFFF80  }
0x11c: {  	_ =	swait.ge [sflag:s22], $0x80  }
0x11d: {  	[sflag:s22] =	ssyncset.done $0x0  }
0x11e: {  	[sflag:s22] =	ssyncadd.s32 $0xFFFFFF80  }
0x11f: {  	_ =	swait.ge [sflag:s22], $0x80  }
0x120: {  	[sflag:s22] =	ssyncset.done $0x0  }
0x121: {  	[sflag:s22] =	ssyncadd.s32 $0xFFFFFF80  }
0x122: {  	_ =	swait.ge [sflag:s22], $0x80  }
0x123: {  	[sflag:s22] =	ssyncset.done $0x0  }
0x124: {  	[sflag:s22] =	ssyncadd.s32 $0xFFFFFF80  }
0x125: {  	_ =	swait.ge [sflag:s22], $0x80  }
0x126: {  	[sflag:s22] =	ssyncset.done $0x0  }
0x127: {  	[sflag:s22] =	ssyncadd.s32 $0xFFFFFF80  }
.LBB2_13:
0x128: {  	s1 =	simm.s32 $0x0;
	s4 =	simm.s32 $0x0  }
.LBB2_14:
0x129: {  	p0 =	sne.s32 s4, $0xD3C0  }
.Ltmp9:
0x12a: {  	_ = 	snop;
	(pc) =	sbr.rel @p0 .LBB2_14-.Ltmp9, $3  }
0x12b: {  	_ =	sdelay $0x1  }
0x12c: {  	s0 =	sshra.s32 s4, $0x2  }
0x12d: {  	s4 =	sadd.s32 $0x40, s4;
	[tilespmem:s0+$0x600] =	vst v14  }
0x12e: {  	s0 =	sand.u32 $0x30, s1  }
0x12f: {  	s0 =	sor.u32 s11, s0  }
0x130: {  	s1 =	simm.s32 $0x12080;
	v21 =	vor.u32 s0, v1  }
0x131: {  	s4 =	simm.s32 $0x11880;
	[tilespmem:s1+$0x0] =	vst v21  }
0x132: {  	s7 =	simm.s32 $0x10;
	[tilespmem:s4+$0x0] =	vst v14  }
.LBB2_16:
0x133: {  	p0 =	sne.s32 s7, $0x7F0  }
.Ltmp10:
0x134: {  	s0 =	sand.u32 $0x30, s7;
	(pc) =	sbr.rel @p0 .LBB2_16-.Ltmp10, $4  }
0x135: {  	s7 =	sadd.s32 $0x10, s7;
	s0 =	sor.u32 s11, s0  }
0x136: {  	s1 =	sadd.s32 $0x10, s1;
	v21 =	vor.u32 s0, v1  }
0x137: {  	s4 =	sadd.s32 $0x10, s4;
	[tilespmem:s1+$0x0] =	vst v21  }
0x138: {  	[tilespmem:s4+$0x0] =	vst v14  }
0x139: {  	s0 =	sadd.s32 $0x800007FF, s31  }
0x13a: {  	s1 =	sshra.s32 s0, $0xB  }
0x13b: {  	p0 =	slt.s32 s1, $0x1  }
.Ltmp11:
0x13c: {  	_ = 	snop;
	(pc) =	sbr.rel @p0 .LBB2_28-.Ltmp11, $1  }
0x13d: {  	_ =	sdelay $0x3  }
.Ltmp12:
0x13e: {  	(pc) =	sbr.rel .LBB2_19-.Ltmp12, $2  }
0x13f: {  	_ =	sdelay $0x2  }
0x140: {  	v21 =	vmov s13;
	s0 =	simm.s32 $0x0;
	s4 =	simm.s32 $0x0;
	s31 =	simm.s32 $0x0  }
.LBB2_26:
0x141: {  	[sflag:s28] =	ssyncadd.s32 $0xFFFFF800  }
.LBB2_27:
0x142: {  	s31 =	sadd.s32 $0x1, s31  }
0x143: {  	p0 =	sne.s32 s31, s1  }
.Ltmp13:
0x144: {  	_ = 	snop;
	(pc) =	sbr.rel @!p0 .LBB2_28-.Ltmp13, $2  }
0x145: {  	_ =	sdelay $0x2  }
0x146: {  	s4 =	sadd.s32 $0x800, s4  }
.LBB2_19:
0x147: {  	s3 =	sshll.u32 s31, $0xB  }
0x148: {  	s3 =	sadd.s32 s30, s3  }
0x149: {  	s3 =	sshrl.u32 s3, $0x3  }
0x14a: {  	s3 =	sadd.s32 s6, s3  }
0x14b: {  	[tilespmem:s23], [sflag:$0x3] =	stream.linear.gather [hbm4b:s3+s0], $0x800, $0x38;
	[tilespmem:$0x1A8A0] =	vst v63  }
0x14c: {  	_ =	swait.ge [sflag:s14], $0x800  }
0x14d: {  	[sflag:s14] =	ssyncset.done $0x0  }
0x14e: {  	v22 =	vimm.s32 $0x0;
	s7 =	smov.u32 s4;
	s10 =	simm.s32 $0x0;
	[sflag:s14] =	ssyncadd.s32 $0xFFFFF800  }
.LBB2_20:
0x14f: {  	s3 =	sshra.s32 s10, $0x2  }
0x150: {  	v23 =	vld [tilespmem:s3+$0x11080];
	_ =	sdelay $0x4  }
0x151: {  	v24 =	vor.u32 s7, v1;
	v25 =	vshrl.u32 v23, $0x12  }
0x152: {  	vm2 =	vlt.s32 v24, v21;
	v58 =	vmin.u32 v25, $0x34FF  }
0x153: {  	(xrf1) =	vunique.msk.u32 vm2, v58;
	_ =	sdelay $0xd  }
0x154: {  	_, v59, vm3 =	vpop (xrf1)  }
0x155: {  	v26 =	vld.idx.msk [tilespmem:v58+s17+$0x0], vm2;
	vm3 =	vmand vm2, vm3;
	_ =	sdelay $0x4  }
0x156: {  	v25 =	vadd.s32 v26, v59  }
0x157: {  	[tilespmem:v58+s17+$0x0] =	vst.idx.msk vm3, v25  }
0x158: {  	v60 =	vld.idx.msk [tilespmem:v58+s24+$0x0], vm2;
	_ =	sdelay $0x3  }
0x159: {  	v25 =	vadd.s32 $0xFFFFFFFF, v25  }
0x15a: {  	vm3 =	vlt.s32 v25, $0x20;
	vm4 =	vlt.s32 v60, $0x3E80  }
0x15b: {  	vm5 =	vne.s32 v58, v12;
	vm3 =	vmand vm3, vm4  }
0x15c: {  	vm3 =	vmand vm3, vm5  }
0x15d: {  	vm2 =	vmand vm2, vm3  }
0x15e: {  	v61 =	vsel vm2, $0x1, v14  }
0x15f: {  	(xrf0) =	vadd.scan.msk.s32 $0xffff, v61;
	_ =	sdelay $0x4  }
0x160: {  	v62 =	vsel vm2, $0xFFFFFFFF, v14  }
0x161: {  	v24 =	vadd.s32 v62, v22;
	v27, _, _ =	vpop (xrf0)  }
0x162: {  	v24 =	vadd.s32 v27, v24  }
0x163: {  	p0 =	sne.s32 s10, $0x1FC0  }
.Ltmp14:
0x164: {  	_ = 	snop;
	(pc) =	sbr.rel @p0 .LBB2_20-.Ltmp14, $4  }
0x165: {  	v26 =	vshll.u32 v60, $0x5  }
0x166: {  	v23 =	vand.u32 $0x3FFFF, v23;
	v25 =	vadd.s32 v26, v25;
	v63 =	vmpcnt.ones.xlane vm2  }
0x167: {  	v23 =	vmin.u32 v23, $0x249FF;
	[tilespmem:v24+s25+$0x0] =	vst.idx.msk vm2, v25  }
0x168: {  	s7 =	sadd.s32 $0x10, s7;
	s10 =	sadd.s32 $0x40, s10;
	v22 =	vadd.s32 v22, v63;
	[tilespmem:v24+s26+$0x0] =	vst.idx.msk vm2, v23  }
0x169: {  	v22 =	vxor.u32 $0x80000000, v22  }
0x16a: {  	(xrf0) =	vmax.scan.msk.u32 $0xffff, v22;
	_ =	sdelay $0x5  }
0x16b: {  	v22, _, _ =	vpop (xrf0)  }
0x16c: {  	(v2sf) =	vpush v22, $0xF;
	_ =	sdelay $0xe  }
0x16d: {  	s3 =	spop (v2sf)  }
0x16e: {  	s3 =	sadd.s32 $0x8000007F, s3  }
0x16f: {  	s7 =	sshra.s32 s3, $0x7  }
0x170: {  	p0 =	slt.s32 s7, $0x1  }
.Ltmp15:
0x171: {  	_ = 	snop;
	(pc) =	sbr.rel @p0 .LBB2_27-.Ltmp15, $1  }
0x172: {  	_ =	sdelay $0x3  }
0x173: {  	s3 =	simm.s32 $0x12880;
	s10 =	simm.s32 $0x11880;
	p0 =	sne.s32 s7, $0x1  }
0x174: {  	[tilespmem:s3], [sflag:$0x1] =	stream.indirect.gather [hbm4b:s5+s21], $0x10, s10, s21, $0xb8;
	[tilespmem:$0x1A8A0] =	vst v63  }
.Ltmp16:
0x175: {  	_ = 	snop;
	(pc) =	sbr.rel @!p0 .LBB2_24-.Ltmp16, $4  }
0x176: {  	_ =	swait.ge [sflag:s22], $0x800  }
0x177: {  	s16 =	sadd.s32 $0xFFFFFFFF, s7;
	s12 =	simm.s32 $0x13080;
	[sflag:s22] =	ssyncset.done $0x0  }
0x178: {  	s13 =	simm.s32 $0x11900;
	s10 =	simm.s32 $0x12080;
	[sflag:s22] =	ssyncadd.s32 $0xFFFFF800  }
0x179: {  	[hbm4b:s8+s21] =	stream.indirect.scatter [tilespmem:s3], [sflag:$0x2], $0x10, s10, s21, $0xb8;
	[tilespmem:$0x1A8A0] =	vst v63  }
.LBB2_23:
0x17a: {  	[tilespmem:s12], [sflag:$0x1] =	stream.indirect.gather [hbm4b:s5+s21], $0x10, s13, s21, $0xb8;
	[tilespmem:$0x1A8A0] =	vst v63  }
0x17b: {  	p1 =	sne.s32 s16, $0x1  }
.Ltmp17:
0x17c: {  	_ =	swait.ge [sflag:s22], $0x800;
	(pc) =	sbr.rel @p1 .LBB2_23-.Ltmp17, $4  }
0x17d: {  	s16 =	sadd.s32 $0xFFFFFFFF, s16;
	[sflag:s22] =	ssyncset.done $0x0  }
0x17e: {  	s10 =	sadd.s32 $0x80, s10;
	[sflag:s22] =	ssyncadd.s32 $0xFFFFF800  }
0x17f: {  	[hbm4b:s8+s21] =	stream.indirect.scatter [tilespmem:s12], [sflag:$0x2], $0x10, s10, s21, $0xb8;
	[tilespmem:$0x1A8A0] =	vst v63  }
0x180: {  	s13 =	sadd.s32 $0x80, s13;
	s12 =	sadd.s32 $0x800, s12  }
.LBB2_24:
.Ltmp18:
0x181: {  	(pc) =	sbr.rel @!p0 .LBB2_26-.Ltmp18, $3  }
0x182: {  	_ =	sdelay $0x1  }
0x183: {  	_ =	swait.ge [sflag:s28], $0x800  }
0x184: {  	s7 =	sadd.s32 $0xFFFFFFFF, s7;
	[sflag:s28] =	ssyncset.done $0x0  }
.LBB2_25:
0x185: {  	p0 =	sne.s32 s7, $0x1;
	s7 =	sadd.s32 $0xFFFFFFFF, s7;
	[sflag:s28] =	ssyncadd.s32 $0xFFFFF800  }
.Ltmp19:
0x186: {  	(pc) =	sbr.rel @p0 .LBB2_25-.Ltmp19, $3  }
0x187: {  	_ =	sdelay $0x1  }
0x188: {  	_ =	swait.ge [sflag:s28], $0x800  }
0x189: {  	[sflag:s28] =	ssyncset.done $0x0  }
.Ltmp20:
0x18a: {  	_ = 	snop;
	(pc) =	sbr.rel .LBB2_26-.Ltmp20, $1  }
0x18b: {  	_ =	sdelay $0x3  }
.LBB2_9:
.Ltmp21:
0x18c: {  	(pc) =	sbr.rel .LBB2_12-.Ltmp21, $2  }
0x18d: {  	_ =	sdelay $0x2  }
0x18e: {  	s13 =	smov.u32 s15;
	s15 =	simm.s32 $0x400  }
.LBB2_29:
0x18f: {  	_ =	sfence.sel $0x180000  }
0x190: {  	[bflag:$0x0] =	sbarrier.arrive $0xFFFF  }
0x191: {  	_ =	strace $0x90000050  }
0x192: {  	s0 =	stileid.u32;
	[bflag:$0x2] =	sbarrier.arrive $0xFFFF  }
0x193: {  	p0 =	sne.s32 s0, $0x0;
	s0 =	rddreg [dreg:$0x4]  }
0x194: {  	s0 =	sadd.s32 @!p0 $0x100000, s0  }
0x195: {  	[sflag:s0] =	ssyncadd.tile.s32 @!p0 $0x1;
	_ =	shalt  }
.Lfunc_end2:
_tile_overlayer_lowered:
.L_overlay_start_2:
0x196: {  	(tag) =	ssettag $0x2  }
0x197: {  	s0 =	rddreg [dreg:$0x0];
	s2 =	stileid.u32  }
0x198: {  	s1 =	rddreg [dreg:$0x1];
	p0 =	sne.s32 s2, $0x0  }
0x199: {  	s3 =	rddreg [dreg:$0x2];
	[bflag:$0x3] =	sbarrier.arrive $0xFFFF;
	s2 =	simm.s32 @!p0 $0x1C03  }
0x19a: {  	[timem:s3], [sflag:s2] =	dma.local @!p0 [hbm:s0], s1  }
0x19b: {  	s0 =	simm.s32 @!p0 $0x3  }
0x19c: {  	_ =	swait.ge @!p0 [sflag:s0], s1  }
0x19d: {  	s1 =	ssub.s32 @!p0 $0x0, s1;
	[sflag:s0] =	ssyncset.done @!p0 $0x0  }
0x19e: {  	[sflag:s0] =	ssyncadd.s32 @!p0 s1  }
0x19f: {  	[bflag:$0x3] =	sbarrier.arrive $0xFFFF  }
0x1a0: {  	_ =	shalt  }

// kernel: kernel.19.cloned.1.call-start
scs
__scs_entry_jumppad:
0x0: {  	(pc) =	sbr.rel $0x88, $3  }
0x1: {  	(tag) =	ssettag $0x0;
	lr =	simm.s32 $0x1  }
0x2: {  	[smem:$0x3FA0] =	sst lr;
	_ =	strace $0xD0000000  }
0x3: {  	_ = 	snop  }
0x4: {  	_ = 	snop  }
0x5: {  	_ = 	snop  }
0x6: {  	_ = 	snop  }
0x7: {  	_ = 	snop  }
__scs_overlays_trampoline_lowered:
0x8: {  	[smem:$0x3FAF] =	sst s0  }
0x9: {  	[smem:$0x3FB0] =	sst s1  }
0xa: {  	[smem:$0x3FB1] =	sst s2  }
0xb: {  	[smem:$0x3FB2] =	sst s3  }
0xc: {  	[smem:$0x3FB3] =	sst s4  }
0xd: {  	[smem:$0x3FB4] =	sst s5  }
0xe: {  	[smem:$0x3FB5] =	sst s6  }
0xf: {  	[smem:$0x3FB6] =	sst s7  }
0x10: {  	[smem:$0x3FB7] =	sst s8  }
0x11: {  	[smem:$0x3FB8] =	sst s9;
	s0 =	simm.s32 @!p0 $0x0  }
0x12: {  	s1 =	sld [smem:$0x3F9E];
	s0 =	simm.s32 @p0 $0x1  }
0x13: {  	[smem:$0x3FB9] =	sst s0;
	s0 =	simm.s32 @!p1 $0x0  }
0x14: {  	s2 =	sld [smem:$0x3F9D];
	s0 =	simm.s32 @p1 $0x1  }
0x15: {  	[smem:$0x3FBA] =	sst s0;
	s0 =	simm.s32 @!p2 $0x0  }
0x16: {  	s3 =	sld [smem:$0x3FDB];
	s0 =	simm.s32 @p2 $0x1  }
0x17: {  	s4 =	simm.s32 $0x1BF5;
	[smem:$0x3FBC] =	sst s0  }
0x18: {  	s0 =	sld [smem:$0x3F9F];
	_ =	swait.ge [sflag:s4], $0x0  }
0x19: {  	s7 =	sld [smem:$0x3FA0]  }
0x1a: {  	s8 =	sadd.s32 $0xFFFFE003, lr  }
0x1b: {  	s9 =	sadd.s32 $0xFFFFFEF7, lr;
	s5 =	simm.s32 $0xFFFFFFFF;
	p2 =	slt.u32 s8, $0xFFFFF086  }
0x1c: {  	p1 =	slt.u32 s9, $0xF7A;
	s5 =	simm.s32 @!p2 $0x0  }
0x1d: {  	s5 =	simm.s32 @p1 $0x1;
	p0 =	seq.s32 s7, s2  }
0x1e: {  	s7 =	smul.u32 @!p0 $0xF7A, s2;
	p2 =	seq.s32 @!p0 s5, $0x0  }
0x1f: {  	s9 =	smul.u32 $0xF7A, s1;
	s8 =	simm.s32 @!p0 $0x1BF5;
	p2 =	por !p2, p0  }
0x20: {  	[sflag:s8] =	ssyncset.s32 @!p0 $0xFFFFF086;
	s6 =	sadd.s32 @!p0 s3, s7;
	s7 =	simm.s32 @!p0 $0x108  }
0x21: {  	s3 =	sadd.s32 s3, s9;
	s6 =	sadd.s32 @!p0 $0x88, s6;
	s7 =	simm.s32 @p2 $0x1082  }
0x22: {  	[simem:s7], [sflag:s8] =	dma.local @!p0 [hbm:s6], $0xF7A  }
0x23: {  	s9 =	sor.u32 $0xD0000000, s2;
	s6 =	simm.s32 $0x108;
	_ =	swait.ge @!p0 [sflag:s8], $0x0  }
0x24: {  	s3 =	sadd.s32 $0x88, s3;
	s6 =	simm.s32 @!p1 $0x1082;
	[sflag:s4] =	ssyncset.s32 $0xFFFFF086  }
0x25: {  	[simem:s6], [sflag:s4] =	dma.local [hbm:s3], $0xF7A  }
0x26: {  	[smem:$0x3FA0] =	sst s1;
	(tag) =	ssettag s2;
	_ =	strace s9  }
0x27: {  	s1 =	sld [smem:$0x3FB0]  }
0x28: {  	s2 =	sld [smem:$0x3FB1]  }
0x29: {  	s4 =	sld [smem:$0x3FB3]  }
0x2a: {  	p0 =	seq.s32 s5, $0x0;
	s5 =	sld [smem:$0x3FB4]  }
0x2b: {  	s6 =	sld [smem:$0x3FB5]  }
0x2c: {  	s7 =	sld [smem:$0x3FB6]  }
0x2d: {  	s3 =	simm.s32 $0x108;
	s8 =	sld [smem:$0x3FB7]  }
0x2e: {  	s3 =	simm.s32 @!p0 $0x1082;
	s9 =	sld [smem:$0x3FB8]  }
0x2f: {  	lr =	sadd.s32 s0, s3;
	s0 =	sld [smem:$0x3FAF]  }
0x30: {  	s3 =	sld [smem:$0x3FB2]  }
0x31: {  	[smem:$0x3FBB] =	sst s10  }
0x32: {  	s10 =	sld [smem:$0x3FB9];
	_ =	sdelay $0x3  }
0x33: {  	p0 =	seq.s32 s10, $0x1;
	s10 =	sld [smem:$0x3FBB];
	_ =	sdelay $0x3  }
0x34: {  	[smem:$0x3FBB] =	sst s10  }
0x35: {  	s10 =	sld [smem:$0x3FBA];
	_ =	sdelay $0x3  }
0x36: {  	p1 =	seq.s32 s10, $0x1;
	s10 =	sld [smem:$0x3FBB];
	_ =	sdelay $0x3  }
0x37: {  	[smem:$0x3FBB] =	sst s10  }
0x38: {  	s10 =	sld [smem:$0x3FBC]  }
0x39: {  	_ = 	snop;
	(pc) =	sbr.ind lr, $3  }
0x3a: {  	_ = 	snop  }
0x3b: {  	_ = 	snop  }
0x3c: {  	p2 =	seq.s32 s10, $0x1;
	s10 =	sld [smem:$0x3FBB]  }
0x3d: {  	_ =	shalt  }
0x3e: {  	_ =	shalt  }
0x3f: {  	_ =	shalt  }
0x40: {  	_ =	shalt  }
0x41: {  	_ =	shalt  }
0x42: {  	_ =	shalt  }
0x43: {  	_ =	shalt  }
0x44: {  	_ =	shalt  }
0x45: {  	_ =	shalt  }
0x46: {  	_ =	shalt  }
0x47: {  	_ =	shalt  }
0x48: {  	_ =	shalt  }
0x49: {  	_ =	shalt  }
0x4a: {  	_ =	shalt  }
0x4b: {  	_ =	shalt  }
0x4c: {  	_ =	shalt  }
0x4d: {  	_ =	shalt  }
0x4e: {  	_ =	shalt  }
0x4f: {  	_ =	shalt  }
0x50: {  	_ =	shalt  }
0x51: {  	_ =	shalt  }
0x52: {  	_ =	shalt  }
0x53: {  	_ =	shalt  }
0x54: {  	_ =	shalt  }
0x55: {  	_ =	shalt  }
0x56: {  	_ =	shalt  }
0x57: {  	_ =	shalt  }
0x58: {  	_ =	shalt  }
0x59: {  	_ =	shalt  }
0x5a: {  	_ =	shalt  }
0x5b: {  	_ =	shalt  }
0x5c: {  	_ =	shalt  }
0x5d: {  	_ =	shalt  }
0x5e: {  	_ =	shalt  }
0x5f: {  	_ =	shalt  }
0x60: {  	_ =	shalt  }
0x61: {  	_ =	shalt  }
0x62: {  	_ =	shalt  }
0x63: {  	_ =	shalt  }
0x64: {  	_ =	shalt  }
0x65: {  	_ =	shalt  }
0x66: {  	_ =	shalt  }
0x67: {  	_ =	shalt  }
0x68: {  	_ =	shalt  }
0x69: {  	_ =	shalt  }
0x6a: {  	_ =	shalt  }
0x6b: {  	_ =	shalt  }
0x6c: {  	_ =	shalt  }
0x6d: {  	_ =	shalt  }
0x6e: {  	_ =	shalt  }
0x6f: {  	_ =	shalt  }
0x70: {  	_ =	shalt  }
0x71: {  	_ =	shalt  }
0x72: {  	_ =	shalt  }
0x73: {  	_ =	shalt  }
0x74: {  	_ =	shalt  }
0x75: {  	_ =	shalt  }
0x76: {  	_ =	shalt  }
0x77: {  	_ =	shalt  }
0x78: {  	_ =	shalt  }
0x79: {  	_ =	shalt  }
0x7a: {  	_ =	shalt  }
0x7b: {  	_ =	shalt  }
0x7c: {  	_ =	shalt  }
0x7d: {  	_ =	shalt  }
0x7e: {  	_ =	shalt  }
0x7f: {  	_ =	shalt  }
0x80: {  	_ =	shalt  }
0x81: {  	_ =	shalt  }
0x82: {  	_ =	shalt  }
0x83: {  	_ =	shalt  }
0x84: {  	_ =	shalt  }
0x85: {  	_ =	shalt  }
0x86: {  	_ =	shalt  }
0x87: {  	_ =	shalt  }
.Lfunc_end0:
.L_simem_size_0:
called_computation.4_lowered:
.L_overlay_start_0:
0x88: {  	s2 =	sld [smem:$0x3FD9]  }
0x89: {  	s3 =	sld [smem:$0x3FFE];
	_ =	sdelay $0x1  }
0x8a: {  	s1 =	srdreg.scid  }
0x8b: {  	s0 =	sand.u32 $0x1, s1  }
0x8c: {  	s16 =	sshll.u32 s0, $0xA;
	s2 =	sadd.s32 s3, s2  }
0x8d: {  	s2 =	sadd.s32 s2, s16  }
0x8e: {  	[smem:$0x3FC7] =	sst s2  }
0x8f: {  	_ = 	snop  }
0x90: {  	(tm) =	ssettm $0x1  }
0x91: {  	s17 =	sld [smem:$0x3FFB];
	_ =	sdelay $0x3  }
0x92: {  	_ =	strace s17  }
0x93: {  	s2 =	sld [smem:$0x3FFC];
	_ =	sdelay $0x3  }
0x94: {  	_ =	strace s2  }
0x95: {  	s2 =	sld [smem:$0x3FFD];
	_ =	sdelay $0x3  }
0x96: {  	_ =	strace s2  }
0x97: {  	_ =	strace $0x8FFFFFFF  }
0x98: {  	s18 =	sld [smem:$0x3FDB];
	_ =	sdelay $0x1  }
0x99: {  	s19 =	simm.s32 $_scs_section_size  }
0x9a: {  	s4 =	simm.s32 $_size__tile_overlayer_lowered;
	s5 =	simm.s32 $_tile_overlayer_lowered  }
0x9b: {  	s22 =	simm.s32 $0x1BFF;
	s21 =	sshll.u32 s5, $0x1;
	s2 =	sadd.s32 s19, s18  }
0x9c: {  	s6 =	simm.s32 $0x0;
	s20 =	sshll.u32 s4, $0x1;
	s4 =	sadd.s32 s21, s2  }
0x9d: {  	[timem:s6], [sflag:s22] =	dma.local [hbm:s4], s20  }
0x9e: {  	_ =	swait.ge [sflag:s22], s20  }
0x9f: {  	s3 =	ssub.s32 $0x0, s20;
	[sflag:s22] =	ssyncset.done $0x0  }
0xa0: {  	[sflag:s22] =	ssyncadd.s32 s3;
	_ =	sdelay $0x1  }
0xa1: {  	s23 =	simm.s32 $0x1B8B  }
0xa2: {  	_ =	swait.ge [sflag:s23], $0x1  }
0xa3: {  	[sflag:s23] =	ssyncset.done $0x0  }
0xa4: {  	s25 =	simm.s32 $0x1B8E;
	s24 =	sld [smem:$0x3FFE];
	[sflag:s23] =	ssyncadd.s32 $0xFFFFFFFF  }
0xa5: {  	s26 =	simm.s32 $execute0_lowered;
	[smem:$0x3FD2] =	sst s25  }
0xa6: {  	s4 =	sshll.u32 s26, $0x1;
	_ =	strace $0x80000052;
	[dreg:$0x1] =	wrdreg $0xFFFFFFFF  }
0xa7: {  	s28 =	simm.s32 $_size_execute0_lowered;
	s2 =	sadd.s32 s2, s4;
	[dreg:$0x0] =	wrdreg $0x0  }
0xa8: {  	s4 =	sshll.u32 s28, $0x1;
	[dreg:$0x2] =	wrdreg s2  }
0xa9: {  	[dreg:$0x3] =	wrdreg s4  }
0xaa: {  	[dreg:$0x4] =	wrdreg $0xC0  }
0xab: {  	_ =	task [dreg:s6], $0x5FFFF  }
0xac: {  	[dreg:$0x1] =	wrdreg $0xFFFFFFFF  }
0xad: {  	[dreg:$0x0] =	wrdreg $0x60  }
0xae: {  	[dreg:$0x2] =	wrdreg s24  }
0xaf: {  	[dreg:$0x3] =	wrdreg $0x9  }
0xb0: {  	_ =	task.clear_ibuf [dreg:s6], $0x4FFFF;
	_ =	strace $0x90000052  }
0xb1: {  	s29 =	simm.s32 $0x9;
	_ =	strace $0x80000054  }
0xb2: {  	_ =	swait.ge [sflag:s29], $0x1  }
0xb3: {  	[sflag:s29] =	ssyncadd.s32 $0xFFFFFFFF  }
0xb4: {  	_ =	strace $0x90000054  }
0xb5: {  	_ =	sfence  }
0xb6: {  	s30 =	sld [smem:$0x0];
	_ =	sdelay $0x2  }
0xb7: {  	s31 =	sshll.u32 s1, $0xD;
	s1 =	sshrl.u32 s1, $0x2  }
0xb8: {  	s3 =	sand.u32 $0x4000, s31;
	s1 =	sadd.s32 s1, s30  }
0xb9: {  	s0 =	sor.u32 s3, s0;
	s1 =	sshll.u32 s1, $0x11  }
0xba: {  	s0 =	sor.u32 s1, s0  }
0xbb: {  	s0 =	sadd.s32 $0x8F2B, s0  }
0xbc: {  	[sflag:s0] =	ssyncadd.remote.s32 $0x1  }
0xbd: {  	_ =	sfence.sel $0xFFFF  }
0xbe: {  	[dreg:$0x0] =	wrdreg $0xFFFFFFFF;
	(pc) =	sbr.abs _section_cstart, $3  }
0xbf: {  	[dreg:$0x1] =	wrdreg $0xFFFFFFFF  }
0xc0: {  	_ =	task.clear_ibuf [dreg:s6], $0x2FFFF;
	_ =	strace $0x9FFFFFFF  }
0xc1: {  	(tm) =	ssettm $0x7FFFFFFF  }
tec
execute0_lowered:
.L_overlay_start_1:
0x0: {  	(tag) =	ssettag $0x1  }
0x1: {  	s3 =	rddreg [dreg:$0x0];
	s1 =	simm.s32 $0x0  }
0x2: {  	[smem:$0x7FF] =	sst s1  }
0x3: {  	s0 =	rddreg [dreg:$0x1];
	v0 =	vimm.f32 $4.330000000e+02;
	_ =	strace $0x80000053  }
0x4: {  	(erf) = vrcp.f32 v0;
	v0 =	vimm.f32 $4.970000000e+02  }
0x5: {  	(erf) = vrcp.f32 v0;
	_ =	sdelay $0x2  }
0x6: {  	s4 =	srdreg.scid  }
0x7: {  	s2 =	stileid.u32;
	s4 =	sand.u32 $0x1, s4  }
0x8: {  	s5 =	sshll.u32 s2, $0xA;
	s6 =	sshll.u32 s4, $0x9;
	s4 =	ssub.s32 $0x2, s4  }
0x9: {  	s8 =	simm.s32 $0x0;
	s5 =	sor.u32 s6, s5;
	s7 =	sshrl.u32 s4, $0x1  }
0xa: {  	s6 =	sshrl.u32 s5, $0x3;
	s5 =	sadd.s32 s5, s3;
	s7 =	ssub.s32 s4, s7  }
0xb: {  	v3 =	vlaneseq.u32;
	s6 =	sadd.s32 s6, s3;
	s4 =	sadd.s32 $0x3600, s5;
	s5 =	smax.u32 s7, $0x1;
	v0 =	vpop (erf)  }
0xc: {  	v2 =	vimm.s32 $0x0;
	v3 =	vmul.u32 $0x8, v3;
	s7 =	simm.s32 $0x200;
	s3 =	sadd.s32 $0x2C00, s6;
	s6 =	simm.s32 $0x1;
	v1 =	vpop (erf)  }
.LBB2_1:
0xd: {  	[tilespmem:s1], [sflag:$0x1] =	stream.linear.gather [hbm4b:s3+s1], $0x200, $0x38;
	[tilespmem:$0x1200] =	vst v63  }
0xe: {  	_ =	swait.ge [sflag:s6], $0x200  }
0xf: {  	[sflag:s6] =	ssyncset.done $0x0  }
0x10: {  	[sflag:s6] =	ssyncadd.s32 $0xFFFFFE00  }
0x11: {  	v4 =	vld [tilespmem:s1+$0x0];
	_ =	sdelay $0x4  }
0x12: {  	vm0 =	vgt.s32 v4, $0x0  }
0x13: {  	v5 =	vnsel vm0, $0x0, v4  }
0x14: {  	v6 =	vcvt.s32.f32 v5;
	_ =	sdelay $0x1  }
0x15: {  	v6 =	vmul.f32 v6, v0;
	_ =	sdelay $0x1  }
0x16: {  	v6 =	vtrunc.f32 v6  }
0x17: {  	v6 =	vcvt.f32.s32 v6;
	_ =	sdelay $0x1  }
0x18: {  	v7 =	vcvt.s32.f32 v6;
	_ =	sdelay $0x1  }
0x19: {  	v7 =	vmul.f32 v7, v1;
	_ =	sdelay $0x1  }
0x1a: {  	v8 =	vmov s1;
	v7 =	vtrunc.f32 v7  }
0x1b: {  	v8 =	vshll.u32 v8, $0x3;
	v7 =	vcvt.f32.s32 v7  }
0x1c: {  	v8 =	vor.u32 v3, v8  }
0x1d: {  	v11 =	vor.u32 $0x1, v8;
	v9 =	vmul.u32 $0xFFFFFE4F, v6;
	v10 =	vmul.u32 $0xFFFFFE0F, v7;
	_ =	sdelay $0x1  }
0x1e: {  	vm15 =	vgt.s32 v4, $0xFFFFFFFF;
	v4 =	vadd.s32 v5, v9;
	v5 =	vadd.s32 v10, v6  }
0x1f: {  	v12 =	vor.u32 $0x2, v8;
	v4 =	vnsel vm15, $0x0, v4;
	v5 =	vadd.s32 $0xFFFFFF08, v5  }
0x20: {  	[tilespmem:v8+s7+$0x0] =	vst.idx.msk $0xffff, v4;
	v4 =	vnsel vm15, $0x0, v5  }
0x21: {  	[tilespmem:v11+s7+$0x0] =	vst.idx.msk $0xffff, v4;
	v4 =	vor.u32 $0x3, v8  }
0x22: {  	v6 =	vadd.s32 $0xFFFFFFFF, v7  }
0x23: {  	v5 =	vnsel vm15, $0x0, v6  }
0x24: {  	s9 =	simm.s32 $0x10;
	s10 =	simm.s32 $0x0;
	[tilespmem:v12+s7+$0x0] =	vst.idx.msk $0xffff, v5  }
.LBB2_2:
0x25: {  	p0 =	sne.s32 s9, $0x1F0  }
0x26: {  	[tilespmem:v4+s7+$0x0] =	vst.idx.msk $0xffff, v2;
	s10 =	sadd.s32 $0x10, s10;
	s11 =	smov.u32 s9;
	s9 =	sadd.s32 $0x10, s9  }
0x27: {  	v4 =	vld [tilespmem:s10+$0x0];
	_ =	sdelay $0x4  }
0x28: {  	vm0 =	vgt.s32 v4, $0x0  }
0x29: {  	v5 =	vnsel vm0, $0x0, v4  }
0x2a: {  	v6 =	vcvt.s32.f32 v5;
	_ =	sdelay $0x1  }
0x2b: {  	v6 =	vmul.f32 v6, v0;
	_ =	sdelay $0x1  }
0x2c: {  	v6 =	vtrunc.f32 v6  }
0x2d: {  	v6 =	vcvt.f32.s32 v6;
	_ =	sdelay $0x1  }
0x2e: {  	v7 =	vmul.u32 $0xFFFFFE4F, v6;
	v8 =	vcvt.s32.f32 v6;
	_ =	sdelay $0x1  }
0x2f: {  	vm0 =	vgt.s32 v4, $0xFFFFFFFF;
	v4 =	vadd.s32 v5, v7;
	v5 =	vmul.f32 v8, v1  }
0x30: {  	v7 =	vnsel vm0, $0x0, v4  }
0x31: {  	v4 =	vmov s11;
	v5 =	vtrunc.f32 v5  }
0x32: {  	v4 =	vshll.u32 v4, $0x3;
	v5 =	vcvt.f32.s32 v5  }
0x33: {  	v8 =	vor.u32 v3, v4  }
0x34: {  	v9 =	vor.u32 $0x1, v8;
	v4 =	vmul.u32 $0xFFFFFE0F, v5;
	v5 =	vadd.s32 $0xFFFFFFFF, v5  }
0x35: {  	v10 =	vor.u32 $0x2, v8  }
.Ltmp0:
0x36: {  	v6 =	vadd.s32 v4, v6;
	v4 =	vor.u32 $0x3, v8;
	(pc) =	sbr.rel @p0 .LBB2_2-.Ltmp0, $4  }
0x37: {  	v6 =	vadd.s32 $0xFFFFFF08, v6  }
0x38: {  	[tilespmem:v8+s7+$0x0] =	vst.idx.msk $0xffff, v7;
	v6 =	vnsel vm0, $0x0, v6  }
0x39: {  	v5 =	vnsel vm0, $0x0, v5;
	[tilespmem:v9+s7+$0x0] =	vst.idx.msk $0xffff, v6  }
0x3a: {  	[tilespmem:v10+s7+$0x0] =	vst.idx.msk $0xffff, v5  }
0x3b: {  	_ =	sdelay $0x1  }
0x3c: {  	s8 =	sadd.s32 $0x1, s8  }
0x3d: {  	p0 =	sne.s32 s8, s5  }
.Ltmp1:
0x3e: {  	[tilespmem:v4+s7+$0x0] =	vst.idx.msk $0xffff, v2;
	(pc) =	sbr.rel @p0 .LBB2_1-.Ltmp1, $4  }
0x3f: {  	[hbm4b:s4+s1] =	stream.linear.scatter [tilespmem:s7], [sflag:$0x1], $0x1000, $0x38;
	[tilespmem:$0x1200] =	vst v63  }
0x40: {  	_ =	swait.ge [sflag:s6], $0x1000  }
0x41: {  	[sflag:s6] =	ssyncset.done $0x0  }
0x42: {  	[sflag:s6] =	ssyncadd.s32 $0xFFFFF000  }
0x43: {  	_ =	sfence.sel $0x180000  }
0x44: {  	[bflag:$0x0] =	sbarrier.arrive $0xFFFF  }
0x45: {  	p0 =	sne.s32 s2, $0x0;
	_ =	strace $0x90000053  }
0x46: {  	s0 =	sadd.s32 @!p0 $0x100000, s0;
	[bflag:$0x2] =	sbarrier.arrive $0xFFFF  }
0x47: {  	[sflag:s0] =	ssyncadd.tile.s32 @!p0 $0x1;
	_ =	shalt  }
.Lfunc_end2:
_tile_overlayer_lowered:
.L_overlay_start_2:
0x48: {  	(tag) =	ssettag $0x2  }
0x49: {  	s0 =	rddreg [dreg:$0x0];
	s2 =	stileid.u32  }
0x4a: {  	s1 =	rddreg [dreg:$0x1];
	p0 =	sne.s32 s2, $0x0  }
0x4b: {  	s3 =	rddreg [dreg:$0x2];
	[bflag:$0x3] =	sbarrier.arrive $0xFFFF;
	s2 =	simm.s32 @!p0 $0x1C01  }
0x4c: {  	[timem:s3], [sflag:s2] =	dma.local @!p0 [hbm:s0], s1  }
0x4d: {  	s0 =	simm.s32 @!p0 $0x1  }
0x4e: {  	_ =	swait.ge @!p0 [sflag:s0], s1  }
0x4f: {  	s1 =	ssub.s32 @!p0 $0x0, s1;
	[sflag:s0] =	ssyncset.done @!p0 $0x0  }
0x50: {  	[sflag:s0] =	ssyncadd.s32 @!p0 s1  }
0x51: {  	[bflag:$0x3] =	sbarrier.arrive $0xFFFF  }
0x52: {  	_ =	shalt  }

// kernel: kernel.7.cloned.1.call-start
scs
__scs_entry_jumppad:
0x0: {  	(pc) =	sbr.rel $0x88, $3  }
0x1: {  	(tag) =	ssettag $0x0;
	lr =	simm.s32 $0x1  }
0x2: {  	[smem:$0x3FA0] =	sst lr;
	_ =	strace $0xD0000000  }
0x3: {  	_ = 	snop  }
0x4: {  	_ = 	snop  }
0x5: {  	_ = 	snop  }
0x6: {  	_ = 	snop  }
0x7: {  	_ = 	snop  }
__scs_overlays_trampoline_lowered:
0x8: {  	[smem:$0x3FAF] =	sst s0  }
0x9: {  	[smem:$0x3FB0] =	sst s1  }
0xa: {  	[smem:$0x3FB1] =	sst s2  }
0xb: {  	[smem:$0x3FB2] =	sst s3  }
0xc: {  	[smem:$0x3FB3] =	sst s4  }
0xd: {  	[smem:$0x3FB4] =	sst s5  }
0xe: {  	[smem:$0x3FB5] =	sst s6  }
0xf: {  	[smem:$0x3FB6] =	sst s7  }
0x10: {  	[smem:$0x3FB7] =	sst s8  }
0x11: {  	[smem:$0x3FB8] =	sst s9;
	s0 =	simm.s32 @!p0 $0x0  }
0x12: {  	s1 =	sld [smem:$0x3F9E];
	s0 =	simm.s32 @p0 $0x1  }
0x13: {  	[smem:$0x3FB9] =	sst s0;
	s0 =	simm.s32 @!p1 $0x0  }
0x14: {  	s2 =	sld [smem:$0x3F9D];
	s0 =	simm.s32 @p1 $0x1  }
0x15: {  	[smem:$0x3FBA] =	sst s0;
	s0 =	simm.s32 @!p2 $0x0  }
0x16: {  	s3 =	sld [smem:$0x3FDB];
	s0 =	simm.s32 @p2 $0x1  }
0x17: {  	s4 =	simm.s32 $0x1BF5;
	[smem:$0x3FBC] =	sst s0  }
0x18: {  	s0 =	sld [smem:$0x3F9F];
	_ =	swait.ge [sflag:s4], $0x0  }
0x19: {  	s7 =	sld [smem:$0x3FA0]  }
0x1a: {  	s8 =	sadd.s32 $0xFFFFE003, lr  }
0x1b: {  	s9 =	sadd.s32 $0xFFFFFEF7, lr;
	s5 =	simm.s32 $0xFFFFFFFF;
	p2 =	slt.u32 s8, $0xFFFFF086  }
0x1c: {  	p1 =	slt.u32 s9, $0xF7A;
	s5 =	simm.s32 @!p2 $0x0  }
0x1d: {  	s5 =	simm.s32 @p1 $0x1;
	p0 =	seq.s32 s7, s2  }
0x1e: {  	s7 =	smul.u32 @!p0 $0xF7A, s2;
	p2 =	seq.s32 @!p0 s5, $0x0  }
0x1f: {  	s9 =	smul.u32 $0xF7A, s1;
	s8 =	simm.s32 @!p0 $0x1BF5;
	p2 =	por !p2, p0  }
0x20: {  	[sflag:s8] =	ssyncset.s32 @!p0 $0xFFFFF086;
	s6 =	sadd.s32 @!p0 s3, s7;
	s7 =	simm.s32 @!p0 $0x108  }
0x21: {  	s3 =	sadd.s32 s3, s9;
	s6 =	sadd.s32 @!p0 $0x88, s6;
	s7 =	simm.s32 @p2 $0x1082  }
0x22: {  	[simem:s7], [sflag:s8] =	dma.local @!p0 [hbm:s6], $0xF7A  }
0x23: {  	s9 =	sor.u32 $0xD0000000, s2;
	s6 =	simm.s32 $0x108;
	_ =	swait.ge @!p0 [sflag:s8], $0x0  }
0x24: {  	s3 =	sadd.s32 $0x88, s3;
	s6 =	simm.s32 @!p1 $0x1082;
	[sflag:s4] =	ssyncset.s32 $0xFFFFF086  }
0x25: {  	[simem:s6], [sflag:s4] =	dma.local [hbm:s3], $0xF7A  }
0x26: {  	[smem:$0x3FA0] =	sst s1;
	(tag) =	ssettag s2;
	_ =	strace s9  }
0x27: {  	s1 =	sld [smem:$0x3FB0]  }
0x28: {  	s2 =	sld [smem:$0x3FB1]  }
0x29: {  	s4 =	sld [smem:$0x3FB3]  }
0x2a: {  	p0 =	seq.s32 s5, $0x0;
	s5 =	sld [smem:$0x3FB4]  }
0x2b: {  	s6 =	sld [smem:$0x3FB5]  }
0x2c: {  	s7 =	sld [smem:$0x3FB6]  }
0x2d: {  	s3 =	simm.s32 $0x108;
	s8 =	sld [smem:$0x3FB7]  }
0x2e: {  	s3 =	simm.s32 @!p0 $0x1082;
	s9 =	sld [smem:$0x3FB8]  }
0x2f: {  	lr =	sadd.s32 s0, s3;
	s0 =	sld [smem:$0x3FAF]  }
0x30: {  	s3 =	sld [smem:$0x3FB2]  }
0x31: {  	[smem:$0x3FBB] =	sst s10  }
0x32: {  	s10 =	sld [smem:$0x3FB9];
	_ =	sdelay $0x3  }
0x33: {  	p0 =	seq.s32 s10, $0x1;
	s10 =	sld [smem:$0x3FBB];
	_ =	sdelay $0x3  }
0x34: {  	[smem:$0x3FBB] =	sst s10  }
0x35: {  	s10 =	sld [smem:$0x3FBA];
	_ =	sdelay $0x3  }
0x36: {  	p1 =	seq.s32 s10, $0x1;
	s10 =	sld [smem:$0x3FBB];
	_ =	sdelay $0x3  }
0x37: {  	[smem:$0x3FBB] =	sst s10  }
0x38: {  	s10 =	sld [smem:$0x3FBC]  }
0x39: {  	_ = 	snop;
	(pc) =	sbr.ind lr, $3  }
0x3a: {  	_ = 	snop  }
0x3b: {  	_ = 	snop  }
0x3c: {  	p2 =	seq.s32 s10, $0x1;
	s10 =	sld [smem:$0x3FBB]  }
0x3d: {  	_ =	shalt  }
0x3e: {  	_ =	shalt  }
0x3f: {  	_ =	shalt  }
0x40: {  	_ =	shalt  }
0x41: {  	_ =	shalt  }
0x42: {  	_ =	shalt  }
0x43: {  	_ =	shalt  }
0x44: {  	_ =	shalt  }
0x45: {  	_ =	shalt  }
0x46: {  	_ =	shalt  }
0x47: {  	_ =	shalt  }
0x48: {  	_ =	shalt  }
0x49: {  	_ =	shalt  }
0x4a: {  	_ =	shalt  }
0x4b: {  	_ =	shalt  }
0x4c: {  	_ =	shalt  }
0x4d: {  	_ =	shalt  }
0x4e: {  	_ =	shalt  }
0x4f: {  	_ =	shalt  }
0x50: {  	_ =	shalt  }
0x51: {  	_ =	shalt  }
0x52: {  	_ =	shalt  }
0x53: {  	_ =	shalt  }
0x54: {  	_ =	shalt  }
0x55: {  	_ =	shalt  }
0x56: {  	_ =	shalt  }
0x57: {  	_ =	shalt  }
0x58: {  	_ =	shalt  }
0x59: {  	_ =	shalt  }
0x5a: {  	_ =	shalt  }
0x5b: {  	_ =	shalt  }
0x5c: {  	_ =	shalt  }
0x5d: {  	_ =	shalt  }
0x5e: {  	_ =	shalt  }
0x5f: {  	_ =	shalt  }
0x60: {  	_ =	shalt  }
0x61: {  	_ =	shalt  }
0x62: {  	_ =	shalt  }
0x63: {  	_ =	shalt  }
0x64: {  	_ =	shalt  }
0x65: {  	_ =	shalt  }
0x66: {  	_ =	shalt  }
0x67: {  	_ =	shalt  }
0x68: {  	_ =	shalt  }
0x69: {  	_ =	shalt  }
0x6a: {  	_ =	shalt  }
0x6b: {  	_ =	shalt  }
0x6c: {  	_ =	shalt  }
0x6d: {  	_ =	shalt  }
0x6e: {  	_ =	shalt  }
0x6f: {  	_ =	shalt  }
0x70: {  	_ =	shalt  }
0x71: {  	_ =	shalt  }
0x72: {  	_ =	shalt  }
0x73: {  	_ =	shalt  }
0x74: {  	_ =	shalt  }
0x75: {  	_ =	shalt  }
0x76: {  	_ =	shalt  }
0x77: {  	_ =	shalt  }
0x78: {  	_ =	shalt  }
0x79: {  	_ =	shalt  }
0x7a: {  	_ =	shalt  }
0x7b: {  	_ =	shalt  }
0x7c: {  	_ =	shalt  }
0x7d: {  	_ =	shalt  }
0x7e: {  	_ =	shalt  }
0x7f: {  	_ =	shalt  }
0x80: {  	_ =	shalt  }
0x81: {  	_ =	shalt  }
0x82: {  	_ =	shalt  }
0x83: {  	_ =	shalt  }
0x84: {  	_ =	shalt  }
0x85: {  	_ =	shalt  }
0x86: {  	_ =	shalt  }
0x87: {  	_ =	shalt  }
.Lfunc_end0:
.L_simem_size_0:
called_computation_lowered:
.L_overlay_start_0:
0x88: {  	s2 =	sld [smem:$0x3FD9]  }
0x89: {  	s3 =	sld [smem:$0x3FFE];
	_ =	sdelay $0x1  }
0x8a: {  	s1 =	srdreg.scid  }
0x8b: {  	s0 =	sand.u32 $0x1, s1  }
0x8c: {  	s14 =	sshll.u32 s0, $0xA;
	s2 =	sadd.s32 s3, s2  }
0x8d: {  	s2 =	sadd.s32 s2, s14  }
0x8e: {  	[smem:$0x3FC7] =	sst s2  }
0x8f: {  	_ = 	snop  }
0x90: {  	s2 =	sld [smem:$0x3FD0];
	_ =	sdelay $0x2  }
0x91: {  	s15 =	simm.s32 $0xA;
	s4 =	simm.s32 $0x10  }
0x92: {  	[smem:s4], [sflag:s15] =	dma.local [hbm:s2], $0x1  }
0x93: {  	_ =	swait.eq [sflag:s15], $0x1  }
0x94: {  	[sflag:s15] =	ssyncset.done $0x0  }
0x95: {  	s16 =	sld [smem:$0x10];
	[sflag:s15] =	ssyncadd.s32 $0xFFFFFFFF  }
0x96: {  	s17 =	sld [smem:$0x12];
	(tm) =	ssettm $0x1  }
0x97: {  	s18 =	sld [smem:$0x3FFB];
	_ =	sdelay $0x3  }
0x98: {  	_ =	strace s18  }
0x99: {  	s4 =	sld [smem:$0x3FFC];
	_ =	sdelay $0x3  }
0x9a: {  	_ =	strace s4  }
0x9b: {  	s4 =	sld [smem:$0x3FFD];
	_ =	sdelay $0x3  }
0x9c: {  	_ =	strace s4  }
0x9d: {  	_ =	strace $0x8FFFFFFF  }
0x9e: {  	s19 =	sld [smem:$0x3FDB];
	_ =	sdelay $0x1  }
0x9f: {  	s5 =	simm.s32 $_scs_section_size  }
0xa0: {  	s6 =	simm.s32 $_size__tile_overlayer_lowered;
	s7 =	simm.s32 $_tile_overlayer_lowered  }
0xa1: {  	s22 =	simm.s32 $0x1BFF;
	s21 =	sshll.u32 s7, $0x1;
	s4 =	sadd.s32 s5, s19  }
0xa2: {  	s8 =	simm.s32 $0x0;
	s20 =	sshll.u32 s6, $0x1;
	s6 =	sadd.s32 s21, s4  }
0xa3: {  	[timem:s8], [sflag:s22] =	dma.local [hbm:s6], s20  }
0xa4: {  	_ =	swait.ge [sflag:s22], s20  }
0xa5: {  	s5 =	ssub.s32 $0x0, s20;
	[sflag:s22] =	ssyncset.done $0x0  }
0xa6: {  	[sflag:s22] =	ssyncadd.s32 s5;
	_ =	sdelay $0x1  }
0xa7: {  	s23 =	simm.s32 $0x1B8B  }
0xa8: {  	_ =	swait.ge [sflag:s23], $0x1  }
0xa9: {  	[sflag:s23] =	ssyncset.done $0x0  }
0xaa: {  	s25 =	simm.s32 $0x1B8E;
	s24 =	sld [smem:$0x3FFE];
	[sflag:s23] =	ssyncadd.s32 $0xFFFFFFFF  }
0xab: {  	s26 =	simm.s32 $execute0_lowered;
	[smem:$0x3FD2] =	sst s25  }
0xac: {  	s6 =	sshll.u32 s26, $0x1;
	_ =	strace $0x80000046;
	[dreg:$0x1] =	wrdreg $0xFFFFFFFF  }
0xad: {  	s28 =	simm.s32 $_size_execute0_lowered;
	s4 =	sadd.s32 s4, s6;
	[dreg:$0x0] =	wrdreg $0x0  }
0xae: {  	s6 =	sshll.u32 s28, $0x1;
	[dreg:$0x2] =	wrdreg s4  }
0xaf: {  	[dreg:$0x3] =	wrdreg s6  }
0xb0: {  	[dreg:$0x4] =	wrdreg $0xC0  }
0xb1: {  	_ =	task [dreg:s8], $0x5FFFF  }
0xb2: {  	[dreg:$0x1] =	wrdreg $0xFFFFFFFF  }
0xb3: {  	[dreg:$0x0] =	wrdreg $0x60  }
0xb4: {  	[dreg:$0x2] =	wrdreg s16  }
0xb5: {  	[dreg:$0x3] =	wrdreg s24  }
0xb6: {  	[dreg:$0x4] =	wrdreg s17  }
0xb7: {  	[dreg:$0x5] =	wrdreg $0x9  }
0xb8: {  	_ =	task.clear_ibuf [dreg:s8], $0x6FFFF;
	_ =	strace $0x90000046  }
0xb9: {  	s29 =	simm.s32 $0x9;
	_ =	strace $0x80000048  }
0xba: {  	_ =	swait.ge [sflag:s29], $0x1  }
0xbb: {  	[sflag:s29] =	ssyncadd.s32 $0xFFFFFFFF  }
0xbc: {  	_ =	strace $0x90000048  }
0xbd: {  	_ =	sfence  }
0xbe: {  	s30 =	sld [smem:$0x0];
	_ =	sdelay $0x2  }
0xbf: {  	s31 =	sshll.u32 s1, $0xD;
	s1 =	sshrl.u32 s1, $0x2  }
0xc0: {  	s3 =	sand.u32 $0x4000, s31;
	s1 =	sadd.s32 s1, s30  }
0xc1: {  	s0 =	sor.u32 s3, s0;
	s1 =	sshll.u32 s1, $0x11  }
0xc2: {  	s0 =	sor.u32 s1, s0  }
0xc3: {  	s0 =	sadd.s32 $0x8F2B, s0  }
0xc4: {  	[sflag:s0] =	ssyncadd.remote.s32 $0x1  }
0xc5: {  	_ =	sfence.sel $0xFFFF  }
0xc6: {  	[dreg:$0x0] =	wrdreg $0xFFFFFFFF;
	(pc) =	sbr.abs _section_cstart, $3  }
0xc7: {  	[dreg:$0x1] =	wrdreg $0xFFFFFFFF  }
0xc8: {  	_ =	task.clear_ibuf [dreg:s8], $0x2FFFF;
	_ =	strace $0x9FFFFFFF  }
0xc9: {  	(tm) =	ssettm $0x7FFFFFFF  }
tec
execute0_lowered:
.L_overlay_start_1:
0x0: {  	(tag) =	ssettag $0x1  }
0x1: {  	s3 =	rddreg [dreg:$0x0]  }
0x2: {  	s4 =	rddreg [dreg:$0x1]  }
0x3: {  	s5 =	rddreg [dreg:$0x2];
	s1 =	simm.s32 $0x0  }
0x4: {  	[smem:$0x7FF] =	sst s1  }
0x5: {  	s0 =	rddreg [dreg:$0x3];
	v0 =	vimm.f32 $1.599999960e-01;
	_ =	strace $0x80000047  }
0x6: {  	(erf) = vrcp.f32 v0;
	v0 =	vimm.f32 $4.000000000e+00  }
0x7: {  	(erf) = vrcp.f32 v0;
	v0 =	vimm.f32 $1.345100000e+04  }
0x8: {  	(erf) = vrcp.f32 v0;
	_ =	sdelay $0x1  }
0x9: {  	s6 =	srdreg.scid;
	s2 =	stileid.u32  }
0xa: {  	s6 =	sand.u32 $0x1, s6;
	s7 =	sshll.u32 s2, $0x1  }
0xb: {  	s7 =	sor.u32 s6, s7;
	s6 =	ssub.s32 $0x2, s6  }
0xc: {  	s8 =	smul.u32 $0x24A, s7;
	s9 =	sshrl.u32 s6, $0x1  }
0xd: {  	s10 =	smul.u32 $0x1250, s7;
	s7 =	sshll.u32 s7, $0x2;
	s6 =	ssub.s32 s6, s9  }
0xe: {  	s5 =	sadd.s32 s5, s7;
	s7 =	simm.s32 $0x1;
	s9 =	simm.s32 $0x9280;
	v0 =	vpop (erf)  }
0xf: {  	v4 =	vlaneseq.u32;
	s4 =	sadd.s32 s8, s4;
	s3 =	sadd.s32 s3, s10;
	s6 =	smax.u32 s6, $0x1;
	v1 =	vpop (erf)  }
0x10: {  	v3 =	vimm.s32 $0x0;
	v4 =	vmul.u32 $0x8, v4;
	s8 =	simm.s32 $0xA4D0;
	s10 =	simm.s32 $0x0;
	s4 =	sadd.s32 $0x2A00, s4;
	v2 =	vpop (erf)  }
.LBB2_1:
0x11: {  	v5 =	vmov s1  }
0x12: {  	v5 =	vshll.u32 v5, $0x3  }
0x13: {  	[tilespmem:s1], [sflag:$0x1] =	stream.linear.gather [hbm4b:s3+s1], $0x9280, $0x38;
	v5 =	vor.u32 v4, v5;
	[tilespmem:$0xA4F0] =	vst v63  }
0x14: {  	_ =	swait.ge [sflag:s7], $0x9280;
	v6 =	vor.u32 $0x2, v5  }
0x15: {  	[sflag:s7] =	ssyncset.done $0x0;
	v7 =	vor.u32 $0x1, v5  }
0x16: {  	[sflag:s7] =	ssyncadd.s32 $0xFFFF6D80  }
0x17: {  	[tilespmem:$0xA4D0] =	vst v3  }
0x18: {  	[tilespmem:$0xA4E0] =	vst v3  }
0x19: {  	v6 =	vld.idx.msk [tilespmem:v6+s1+$0x0], $0xffff  }
0x1a: {  	v7 =	vld.idx.msk [tilespmem:v7+s1+$0x0], $0xffff;
	_ =	sdelay $0x3  }
0x1b: {  	v5 =	vld.idx.msk [tilespmem:v5+s1+$0x0], $0xffff;
	v8 =	vmul.f32 v6, v1  }
0x1c: {  	v9 =	vmul.f32 v7, v0  }
0x1d: {  	v7 =	vand.u32 $0x7FFFFFFF, v7;
	v10 =	vtrunc.f32 v8  }
0x1e: {  	v11 =	vtrunc.f32 v9;
	vm0 =	vlt.f32 v8, v10;
	v8 =	vcvt.f32.s32 v10  }
0x1f: {  	vm1 =	vle.f32 v7, $3.968000030e+01;
	v7 =	vcvt.f32.s32 v11;
	v10 =	vsel vm0, $0xFFFFFFFF, v3  }
0x20: {  	vm0 =	vlt.f32 v9, v11;
	v9 =	vmul.f32 v5, v0;
	v8 =	vadd.s32 v8, v10  }
0x21: {  	vm2 =	vge.f32 v5, $0.0e+00;
	v10 =	vsel vm0, $0xFFFFFFFF, v3;
	v8 =	vmul.u32 $0x1F1, v8  }
0x22: {  	vm0 =	vle.f32 v5, $6.912000270e+01;
	v7 =	vadd.s32 v7, v10;
	v5 =	vtrunc.f32 v9  }
0x23: {  	v10 =	vcvt.f32.s32 v5;
	vm3 =	vlt.f32 v9, v5;
	v5 =	vadd.s32 v8, v7  }
0x24: {  	vm0 =	vmand vm0, vm1;
	v7 =	vsel vm3, $0xFFFFFFFF, v3;
	v5 =	vmul.u32 $0x1B1, v5  }
0x25: {  	vm1 =	vge.f32 v6, $-3.000000000e+00;
	vm0 =	vmand vm0, vm2;
	v7 =	vadd.s32 v7, v10  }
0x26: {  	vm0 =	vmand vm1, vm0;
	vm1 =	vle.f32 v6, $1.000000000e+00;
	v5 =	vadd.s32 v5, v7  }
0x27: {  	vm0 =	vmand vm1, vm0;
	v5 =	vadd.s32 $0x4EC19, v5  }
0x28: {  	v6 =	vnsel vm0, $0x69143, v5  }
0x29: {  	v5 =	vcvt.s32.f32 v6;
	_ =	sdelay $0x1  }
0x2a: {  	v5 =	vmul.f32 v5, v2;
	_ =	sdelay $0x1  }
0x2b: {  	v5 =	vtrunc.f32 v5  }
0x2c: {  	v5 =	vcvt.f32.s32 v5;
	_ =	sdelay $0x1  }
0x2d: {  	(xrf1) =	vunique.msk.u32 $0xffff, v5;
	_ =	sdelay $0xd  }
0x2e: {  	_, v7, vm0 =	vpop (xrf1);
	_ =	sdelay $0x3  }
0x2f: {  	s11 =	simm.s32 $0x10  }
0x30: {  	v8 =	vmov s11;
	[tilespmem:s9+$0x0] =	vst v6  }
0x31: {  	v8 =	vshll.u32 v8, $0x3;
	v10 =	vld.idx.msk [tilespmem:v5+s8+$0x0], vm0  }
0x32: {  	v6 =	vor.u32 v4, v8  }
0x33: {  	s12 =	simm.s32 $0x20;
	s11 =	simm.s32 $0x9280;
	v8 =	vor.u32 $0x1, v6;
	v9 =	vor.u32 $0x2, v6  }
.LBB2_2:
0x34: {  	_ = 	snop  }
0x35: {  	p0 =	sne.s32 s12, $0x1240  }
0x36: {  	s11 =	sadd.s32 $0x10, s11;
	s13 =	smov.u32 s12;
	s12 =	sadd.s32 $0x10, s12;
	v7 =	vadd.s32 v10, v7  }
0x37: {  	[tilespmem:v5+s8+$0x0] =	vst.idx.msk vm0, v7  }
0x38: {  	v5 =	vld.idx.msk [tilespmem:v9+s1+$0x0], $0xffff  }
0x39: {  	v7 =	vld.idx.msk [tilespmem:v8+s1+$0x0], $0xffff;
	_ =	sdelay $0x2  }
0x3a: {  	v6 =	vld.idx.msk [tilespmem:v6+s1+$0x0], $0xffff;
	_ =	sdelay $0x1  }
0x3b: {  	v8 =	vmul.f32 v5, v1  }
0x3c: {  	v9 =	vand.u32 $0x7FFFFFFF, v7;
	v7 =	vmul.f32 v7, v0  }
0x3d: {  	vm1 =	vge.f32 v5, $-3.000000000e+00;
	vm0 =	vle.f32 v9, $3.968000030e+01;
	v9 =	vtrunc.f32 v8  }
0x3e: {  	v10 =	vtrunc.f32 v7;
	v11 =	vcvt.f32.s32 v9;
	vm2 =	vlt.f32 v8, v9  }
0x3f: {  	v8 =	vcvt.f32.s32 v10;
	vm3 =	vlt.f32 v7, v10;
	v7 =	vsel vm2, $0xFFFFFFFF, v3  }
0x40: {  	v9 =	vmul.f32 v6, v0;
	v10 =	vsel vm3, $0xFFFFFFFF, v3;
	v7 =	vadd.s32 v11, v7  }
0x41: {  	vm2 =	vle.f32 v6, $6.912000270e+01;
	v8 =	vadd.s32 v8, v10;
	v7 =	vmul.u32 $0x1F1, v7  }
0x42: {  	vm3 =	vge.f32 v6, $0.0e+00;
	vm0 =	vmand vm2, vm0;
	v6 =	vtrunc.f32 v9  }
0x43: {  	v10 =	vcvt.f32.s32 v6;
	vm2 =	vlt.f32 v9, v6;
	v6 =	vadd.s32 v7, v8  }
0x44: {  	vm0 =	vmand vm0, vm3;
	v7 =	vsel vm2, $0xFFFFFFFF, v3;
	v6 =	vmul.u32 $0x1B1, v6  }
0x45: {  	vm0 =	vmand vm1, vm0;
	vm1 =	vle.f32 v5, $1.000000000e+00;
	v5 =	vadd.s32 v7, v10  }
0x46: {  	vm0 =	vmand vm1, vm0;
	v5 =	vadd.s32 v6, v5  }
0x47: {  	v5 =	vadd.s32 $0x4EC19, v5  }
0x48: {  	v5 =	vnsel vm0, $0x69143, v5  }
0x49: {  	[tilespmem:s11+$0x0] =	vst v5;
	v5 =	vcvt.s32.f32 v5;
	_ =	sdelay $0x1  }
0x4a: {  	v5 =	vmul.f32 v5, v2;
	_ =	sdelay $0x1  }
0x4b: {  	v5 =	vtrunc.f32 v5  }
0x4c: {  	v5 =	vcvt.f32.s32 v5;
	_ =	sdelay $0x1  }
0x4d: {  	(xrf1) =	vunique.msk.u32 $0xffff, v5;
	_ =	sdelay $0xd  }
0x4e: {  	_, v7, vm0 =	vpop (xrf1);
	_ =	sdelay $0x3  }
.Ltmp0:
0x4f: {  	(pc) =	sbr.rel @p0 .LBB2_2-.Ltmp0, $4  }
0x50: {  	v6 =	vmov s13  }
0x51: {  	v6 =	vshll.u32 v6, $0x3;
	v10 =	vld.idx.msk [tilespmem:v5+s8+$0x0], vm0  }
0x52: {  	v6 =	vor.u32 v4, v6  }
0x53: {  	v8 =	vor.u32 $0x1, v6;
	v9 =	vor.u32 $0x2, v6  }
0x54: {  	_ =	sdelay $0x3  }
0x55: {  	v7 =	vadd.s32 v10, v7  }
0x56: {  	[tilespmem:v5+s8+$0x0] =	vst.idx.msk vm0, v7  }
0x57: {  	v5 =	vld.idx.msk [tilespmem:v9+s1+$0x0], $0xffff;
	_ =	sdelay $0x1  }
0x58: {  	v7 =	vld.idx.msk [tilespmem:v8+s1+$0x0], $0xffff  }
0x59: {  	v6 =	vld.idx.msk [tilespmem:v6+s1+$0x0], $0xffff;
	_ =	sdelay $0x1  }
0x5a: {  	v56 =	vmul.f32 v5, v1;
	_ =	sdelay $0x1  }
0x5b: {  	v57 =	vmul.f32 v7, v0;
	v7 =	vand.u32 $0x7FFFFFFF, v7;
	v58 =	vtrunc.f32 v56  }
0x5c: {  	v61 =	vmul.f32 v6, v0;
	vm10 =	vlt.f32 v56, v58;
	v59 =	vcvt.f32.s32 v58  }
0x5d: {  	vm1 =	vle.f32 v7, $3.968000030e+01;
	v11 =	vtrunc.f32 v57;
	v60 =	vsel vm10, $0xFFFFFFFF, v3  }
0x5e: {  	v7 =	vcvt.f32.s32 v11;
	vm11 =	vlt.f32 v57, v11;
	v8 =	vadd.s32 v59, v60  }
0x5f: {  	vm12 =	vle.f32 v6, $6.912000270e+01;
	v62 =	vsel vm11, $0xFFFFFFFF, v3;
	v8 =	vmul.u32 $0x1F1, v8  }
0x60: {  	vm2 =	vge.f32 v6, $0.0e+00;
	v6 =	vtrunc.f32 v61;
	v7 =	vadd.s32 v7, v62  }
0x61: {  	v63 =	vcvt.f32.s32 v6;
	vm3 =	vlt.f32 v61, v6;
	v6 =	vadd.s32 v8, v7  }
0x62: {  	vm0 =	vmand vm12, vm1;
	v7 =	vsel vm3, $0xFFFFFFFF, v3;
	v6 =	vmul.u32 $0x1B1, v6  }
0x63: {  	vm13 =	vge.f32 v5, $-3.000000000e+00;
	vm0 =	vmand vm0, vm2;
	v7 =	vadd.s32 v7, v63  }
0x64: {  	vm14 =	vle.f32 v5, $1.000000000e+00;
	vm0 =	vmand vm13, vm0;
	v5 =	vadd.s32 v6, v7  }
0x65: {  	vm0 =	vmand vm14, vm0;
	v5 =	vadd.s32 $0x4EC19, v5  }
0x66: {  	v5 =	vnsel vm0, $0x69143, v5  }
0x67: {  	v6 =	vcvt.s32.f32 v5;
	_ =	sdelay $0x1  }
0x68: {  	v6 =	vmul.f32 v6, v2;
	_ =	sdelay $0x1  }
0x69: {  	v6 =	vtrunc.f32 v6  }
0x6a: {  	v6 =	vcvt.f32.s32 v6;
	_ =	sdelay $0x1  }
0x6b: {  	(xrf1) =	vunique.msk.u32 $0xffff, v6;
	_ =	sdelay $0xd  }
0x6c: {  	_, v7, vm15 =	vpop (xrf1);
	_ =	sdelay $0x3  }
0x6d: {  	s11 =	sadd.s32 $0x10, s11  }
0x6e: {  	[tilespmem:s11+$0x0] =	vst v5  }
0x6f: {  	v5 =	vld.idx.msk [tilespmem:v6+s8+$0x0], vm15;
	_ =	sdelay $0x4  }
0x70: {  	v5 =	vadd.s32 v5, v7  }
0x71: {  	[tilespmem:v6+s8+$0x0] =	vst.idx.msk vm15, v5  }
0x72: {  	[hbm4b:s4+s1] =	stream.linear.scatter [tilespmem:s9], [sflag:$0x1], $0x1250, $0x38;
	[tilespmem:$0xA4F0] =	vst v63  }
0x73: {  	s10 =	sadd.s32 $0x1, s10;
	_ =	swait.ge [sflag:s7], $0x1250  }
0x74: {  	p0 =	sne.s32 s10, s6;
	[sflag:s7] =	ssyncset.done $0x0  }
.Ltmp1:
0x75: {  	[sflag:s7] =	ssyncadd.s32 $0xFFFFEDB0;
	(pc) =	sbr.rel @p0 .LBB2_1-.Ltmp1, $4  }
0x76: {  	[hbm4b:s5+s1] =	stream.linear.scatter [tilespmem:s8], [sflag:$0x1], $0x20, $0x38;
	[tilespmem:$0xA4F0] =	vst v63  }
0x77: {  	_ =	swait.ge [sflag:s7], $0x20  }
0x78: {  	[sflag:s7] =	ssyncset.done $0x0  }
0x79: {  	[sflag:s7] =	ssyncadd.s32 $0xFFFFFFE0  }
0x7a: {  	_ =	sfence.sel $0x180000  }
0x7b: {  	[bflag:$0x0] =	sbarrier.arrive $0xFFFF  }
0x7c: {  	p0 =	sne.s32 s2, $0x0;
	_ =	strace $0x90000047  }
0x7d: {  	s0 =	sadd.s32 @!p0 $0x100000, s0;
	[bflag:$0x2] =	sbarrier.arrive $0xFFFF  }
0x7e: {  	[sflag:s0] =	ssyncadd.tile.s32 @!p0 $0x1;
	_ =	shalt  }
.Lfunc_end2:
_tile_overlayer_lowered:
.L_overlay_start_2:
0x7f: {  	(tag) =	ssettag $0x2  }
0x80: {  	s0 =	rddreg [dreg:$0x0];
	s2 =	stileid.u32  }
0x81: {  	s1 =	rddreg [dreg:$0x1];
	p0 =	sne.s32 s2, $0x0  }
0x82: {  	s3 =	rddreg [dreg:$0x2];
	[bflag:$0x3] =	sbarrier.arrive $0xFFFF;
	s2 =	simm.s32 @!p0 $0x1C01  }
0x83: {  	[timem:s3], [sflag:s2] =	dma.local @!p0 [hbm:s0], s1  }
0x84: {  	s0 =	simm.s32 @!p0 $0x1  }
0x85: {  	_ =	swait.ge @!p0 [sflag:s0], s1  }
0x86: {  	s1 =	ssub.s32 @!p0 $0x0, s1;
	[sflag:s0] =	ssyncset.done @!p0 $0x0  }
0x87: {  	[sflag:s0] =	ssyncadd.s32 @!p0 s1  }
0x88: {  	[bflag:$0x3] =	sbarrier.arrive $0xFFFF  }
0x89: {  	_ =	shalt  }

</sc_bundles>
